<compile_context>
chip_gen: v7x
topology: tpu7x:2x2x1
jax: 0.10.2.dev20260603
libtpu: 0.0.44.dev20260713+nightly
codegen_flags: <defaults>
</compile_context>

<pallas_src>
import functools

import jax
import jax.numpy as jnp
from jax import lax
from jax.experimental import pallas as pl
from jax.experimental.pallas import tpu as pltpu
from jax.experimental.pallas import tpu_sc as plsc

BATCH = 16384
HIST = 50
D = 32
NC = 2
NS = 16
NW = NC * NS
IPR = 128
BT_PER_W = (BATCH // IPR) // NW
GROUP = BT_PER_W * IPR
DHI = D // 8
NBUF = 2


def _embed_call(idx_t, table):
    mesh = plsc.VectorSubcoreMesh(core_axis_name="c", subcore_axis_name="s")

    @functools.partial(
        pl.kernel,
        mesh=mesh,
        out_type=jax.ShapeDtypeStruct((HIST, DHI, BATCH // IPR, 8, IPR),
                                      jnp.float32),
        compiler_params=pltpu.CompilerParams(
            use_tc_tiling_on_sc=False, needs_layout_passes=False
        ),
        scratch_types=[
            pltpu.VMEM((HIST, GROUP), jnp.int32),
            pltpu.VMEM((NBUF, GROUP, D), jnp.float32),
            pltpu.VMEM((NBUF, DHI, BT_PER_W, 8, IPR), jnp.float32),
            [pltpu.SemaphoreType.DMA] * NBUF,
            [pltpu.SemaphoreType.DMA] * NBUF,
        ],
    )
    def k(idx_hbm, table_hbm, out_hbm, idx_v, rows_v, tsp_v, gsems, ssems):
        wid = lax.axis_index("s") * NC + lax.axis_index("c")
        bt_base = wid * BT_PER_W
        pltpu.sync_copy(idx_hbm.at[:, pl.ds(bt_base * IPR, GROUP)], idx_v)

        lane = lax.iota(jnp.int32, 16)
        row_bases = [lane + 16 * kk for kk in range(8)]

        def issue_gathers(g, b):
            for t in range(BT_PER_W):
                pltpu.async_copy(
                    table_hbm.at[idx_v.at[g, pl.ds(t * IPR, IPR)]],
                    rows_v.at[b, pl.ds(t * IPR, IPR)],
                    gsems[b],
                )

        def drain_gathers(b):
            pltpu.make_async_copy(
                table_hbm.at[pl.ds(0, GROUP)], rows_v.at[b], gsems[b]
            ).wait()

        def transpose(b):
            @plsc.parallel_loop(0, D, 1, unroll=4)
            def _(d):
                col = jnp.full((16,), 0, jnp.int32) + d
                dhi = d // 8
                dlo = d % 8
                for t in range(BT_PER_W):
                    for kk in range(8):
                        v = plsc.load_gather(
                            rows_v.at[b],
                            [row_bases[kk] + t * IPR, col],
                        )
                        tsp_v[b, dhi, t, dlo, pl.ds(16 * kk, 16)] = v

        def issue_stores(g, b):
            for kk in range(DHI):
                pltpu.async_copy(
                    tsp_v.at[b, kk],
                    out_hbm.at[g, kk, pl.ds(bt_base, BT_PER_W)],
                    ssems[b],
                )

        def drain_stores(b):
            for kk in range(DHI):
                pltpu.make_async_copy(
                    tsp_v.at[b, kk],
                    out_hbm.at[0, kk, pl.ds(bt_base, BT_PER_W)],
                    ssems[b],
                ).wait()

        for b in range(NBUF):
            issue_gathers(b, b)

        def ring(s, carry):
            for b in range(NBUF):
                g = s * NBUF + b
                drain_gathers(b)

                @pl.when(s >= 1)
                def _():
                    drain_stores(b)

                transpose(b)
                issue_stores(g, b)

                @pl.when(s < HIST // NBUF - 1)
                def _():
                    issue_gathers(g + NBUF, b)

            return carry

        lax.fori_loop(0, HIST // NBUF, ring, 0)
        for b in range(NBUF):
            drain_stores(b)

    return k(idx_t, table)


def kernel(inputs, table):
    idx_t = inputs.T
    o6 = _embed_call(idx_t, table)
    return o6.transpose(2, 4, 0, 1, 3).reshape(BATCH, HIST, D)

# --- scband reference (transcript-rebuilt; emitter-appended) ---
"""Pipeline reference for scband-static-embed-7086696038880 (READ-ONLY COPY).

The authoritative reference and input builder live on the scoring server;
editing this copy changes nothing except your own understanding.
"""

import jax, jax.numpy as jnp
import numpy as np

VOCAB = 1000000
EMBED_DIM = 32
BATCH = 16384
HIST_LEN = 50

def setup_inputs(seed: int = 0) -> dict:
    key = jax.random.key(seed)
    k1, k2 = jax.random.split(key)
    indices = jax.random.randint(k1, (BATCH, HIST_LEN), 0, VOCAB, dtype=jnp.int64) if jax.config.jax_enable_x64 else jax.random.randint(k1, (BATCH, HIST_LEN), 0, VOCAB, dtype=jnp.int32)
    table = jax.random.normal(k2, (VOCAB, EMBED_DIM), dtype=jnp.float32) * 0.05
    return {"inputs": indices, "table": table}

def reference(inputs, table):
    # StaticEmbed.call: embedding lookup into a frozen (constant-initialized) table.
    # mask_zero=True only attaches a Keras mask attribute; output values are the plain gather.
    static_embed = jnp.take(table, inputs, axis=0)
    return static_embed

if __name__ == "__main__":
    import jax
    _d = setup_inputs()
    print(jax.jit(kernel)(*tuple(_d.values())))

</pallas_src>

<mosaic_0001>
#map = affine_map<(d0, d1) -> (0, 0)>
#map1 = affine_map<(d0, d1) -> (0, 0, 0, 0, 0)>
module attributes {stable_mosaic.version = 14 : i64} {
  func.func @k(%arg0: i32, %arg1: i32, %arg2: memref<50x16384xi32, #tpu.memory_space<hbm>>, %arg3: memref<1000000x32xf32, #tpu.memory_space<hbm>>, %arg4: memref<50x4x128x8x128xf32, #tpu.memory_space<hbm>>, %arg5: memref<50x512xi32, #tpu.memory_space<vmem>>, %arg6: memref<2x512x32xf32, #tpu.memory_space<vmem>>, %arg7: memref<2x4x4x8x128xf32, #tpu.memory_space<vmem>>, %arg8: memref<!tpu.dma_semaphore, #tpu.memory_space<semaphore_mem>>, %arg9: memref<!tpu.dma_semaphore, #tpu.memory_space<semaphore_mem>>, %arg10: memref<!tpu.dma_semaphore, #tpu.memory_space<semaphore_mem>>, %arg11: memref<!tpu.dma_semaphore, #tpu.memory_space<semaphore_mem>>) attributes {dimension_semantics = [#tpu.dimension_semantics<core_parallel>, #tpu.dimension_semantics<subcore_parallel>], iteration_bounds = array<i64: 2, 16>, scalar_prefetch = 0 : i64, scratch_operands = 7 : i64, tpu.core_type = #tpu.core_type<sc_vector_subcore>, window_params = [{transform_indices = #map}, {transform_indices = #map}, {transform_indices = #map1}]} {
    %mul3A = arith.constant 2 : i32
    %mul3A_0 = arith.muli %arg1, %mul3A : i32
    %add3A = arith.addi %mul3A_0, %arg0 : i32
    %mul3A_1 = arith.constant 4 : i32
    %mul3A_2 = arith.muli %add3A, %mul3A_1 : i32
    %mul3A_3 = arith.constant 128 : i32
    %mul3A_4 = arith.muli %mul3A_2, %mul3A_3 : i32
    "tpu.region"() ({
      %run_scoped3A = tpu.sem_alloc : memref<!tpu.dma_semaphore, #tpu.memory_space<semaphore_mem>>
      %dma_start3A_304 = arith.constant 0 : i32
      %dma_start3A_305 = tpu.memref_slice %arg2[%dma_start3A_304, %mul3A_4] : memref<50x16384xi32, #tpu.memory_space<hbm>> -> memref<50x512xi32, #tpu.memory_space<hbm>>
      %dma_start3A_306 = arith.constant 0 : i32
      %dma_start3A_307 = tpu.memref_slice %arg2[%dma_start3A_306, %mul3A_4] : memref<50x16384xi32, #tpu.memory_space<hbm>> -> memref<50x512xi32, #tpu.memory_space<hbm>>
      tpu.enqueue_dma source(%dma_start3A_307 : memref<50x512xi32, #tpu.memory_space<hbm>>) target(%arg5 : memref<50x512xi32, #tpu.memory_space<vmem>>) target_semaphore(%run_scoped3A : memref<!tpu.dma_semaphore, #tpu.memory_space<semaphore_mem>>)
      %dma_wait3A_308 = arith.constant 0 : i32
      %dma_wait3A_309 = tpu.memref_slice %arg2[%dma_wait3A_308, %mul3A_4] : memref<50x16384xi32, #tpu.memory_space<hbm>> -> memref<50x512xi32, #tpu.memory_space<hbm>>
      %dma_wait3A_310 = arith.constant 0 : i32
      %dma_wait3A_311 = tpu.memref_slice %arg2[%dma_wait3A_310, %mul3A_4] : memref<50x16384xi32, #tpu.memory_space<hbm>> -> memref<50x512xi32, #tpu.memory_space<hbm>>
      tpu.wait_dma2 semaphore(%run_scoped3A : memref<!tpu.dma_semaphore, #tpu.memory_space<semaphore_mem>>) src(%dma_wait3A_311 : memref<50x512xi32, #tpu.memory_space<hbm>>) dst(%arg5 : memref<50x512xi32, #tpu.memory_space<vmem>>)
      tpu.yield
    }) : () -> ()
    %iota3A = tpu.iota {dimensions = array<i32: 0>} : vector<16xi32>
    %add3A_5 = arith.constant 0 : i32
    %add3A_6 = vector.broadcast %add3A_5 : i32 to vector<16xi32>
    %add3A_7 = arith.addi %iota3A, %add3A_6 : vector<16xi32>
    %add3A_8 = arith.constant 16 : i32
    %add3A_9 = vector.broadcast %add3A_8 : i32 to vector<16xi32>
    %add3A_10 = arith.addi %iota3A, %add3A_9 : vector<16xi32>
    %add3A_11 = arith.constant 32 : i32
    %add3A_12 = vector.broadcast %add3A_11 : i32 to vector<16xi32>
    %add3A_13 = arith.addi %iota3A, %add3A_12 : vector<16xi32>
    %add3A_14 = arith.constant 48 : i32
    %add3A_15 = vector.broadcast %add3A_14 : i32 to vector<16xi32>
    %add3A_16 = arith.addi %iota3A, %add3A_15 : vector<16xi32>
    %add3A_17 = arith.constant 64 : i32
    %add3A_18 = vector.broadcast %add3A_17 : i32 to vector<16xi32>
    %add3A_19 = arith.addi %iota3A, %add3A_18 : vector<16xi32>
    %add3A_20 = arith.constant 80 : i32
    %add3A_21 = vector.broadcast %add3A_20 : i32 to vector<16xi32>
    %add3A_22 = arith.addi %iota3A, %add3A_21 : vector<16xi32>
    %add3A_23 = arith.constant 96 : i32
    %add3A_24 = vector.broadcast %add3A_23 : i32 to vector<16xi32>
    %add3A_25 = arith.addi %iota3A, %add3A_24 : vector<16xi32>
    %add3A_26 = arith.constant 112 : i32
    %add3A_27 = vector.broadcast %add3A_26 : i32 to vector<16xi32>
    %add3A_28 = arith.addi %iota3A, %add3A_27 : vector<16xi32>
    %dma_start3A = arith.constant 0 : i32
    %dma_start3A_29 = arith.constant 0 : i32
    %dma_start3A_30 = arith.constant 0 : i32
    %dma_start3A_31 = arith.constant 0 : i32
    %dma_start3A_32 = tpu.memref_slice %arg6[%dma_start3A_29, %dma_start3A_30, %dma_start3A_31] : memref<2x512x32xf32, #tpu.memory_space<vmem>> -> memref<1x128x32xf32, #tpu.memory_space<vmem>>
    %dma_start3A_33 = tpu.memref_squeeze %dma_start3A_32 : memref<1x128x32xf32, #tpu.memory_space<vmem>> -> memref<128x32xf32, #tpu.memory_space<vmem>>
    %dma_start3A_34 = arith.constant 0 : i32
    %dma_start3A_35 = tpu.memref_slice %arg5[%dma_start3A, %dma_start3A_34] : memref<50x512xi32, #tpu.memory_space<vmem>> -> memref<1x128xi32, #tpu.memory_space<vmem>>
    %dma_start3A_36 = tpu.memref_squeeze %dma_start3A_35 : memref<1x128xi32, #tpu.memory_space<vmem>> -> memref<128xi32, #tpu.memory_space<vmem>>
    %dma_start3A_37 = arith.constant 0 : i32
    %dma_start3A_38 = arith.constant 0 : i32
    %dma_start3A_39 = tpu.memref_slice %arg3[%dma_start3A_37, %dma_start3A_38] : memref<1000000x32xf32, #tpu.memory_space<hbm>> -> memref<1000000x32xf32, #tpu.memory_space<hbm>>
    tpu.enqueue_indirect_dma source(%dma_start3A_39 : memref<1000000x32xf32, #tpu.memory_space<hbm>>) target(%dma_start3A_33 : memref<128x32xf32, #tpu.memory_space<vmem>>) offsets(%dma_start3A_36 : memref<128xi32, #tpu.memory_space<vmem>>) semaphore(%arg8 : memref<!tpu.dma_semaphore, #tpu.memory_space<semaphore_mem>>)
    %dma_start3A_40 = arith.constant 0 : i32
    %dma_start3A_41 = arith.constant 0 : i32
    %dma_start3A_42 = arith.constant 128 : i32
    %dma_start3A_43 = arith.constant 0 : i32
    %dma_start3A_44 = tpu.memref_slice %arg6[%dma_start3A_41, %dma_start3A_42, %dma_start3A_43] : memref<2x512x32xf32, #tpu.memory_space<vmem>> -> memref<1x128x32xf32, #tpu.memory_space<vmem>>
    %dma_start3A_45 = tpu.memref_squeeze %dma_start3A_44 : memref<1x128x32xf32, #tpu.memory_space<vmem>> -> memref<128x32xf32, #tpu.memory_space<vmem>>
    %dma_start3A_46 = arith.constant 128 : i32
    %dma_start3A_47 = tpu.memref_slice %arg5[%dma_start3A_40, %dma_start3A_46] : memref<50x512xi32, #tpu.memory_space<vmem>> -> memref<1x128xi32, #tpu.memory_space<vmem>>
    %dma_start3A_48 = tpu.memref_squeeze %dma_start3A_47 : memref<1x128xi32, #tpu.memory_space<vmem>> -> memref<128xi32, #tpu.memory_space<vmem>>
    %dma_start3A_49 = arith.constant 0 : i32
    %dma_start3A_50 = arith.constant 0 : i32
    %dma_start3A_51 = tpu.memref_slice %arg3[%dma_start3A_49, %dma_start3A_50] : memref<1000000x32xf32, #tpu.memory_space<hbm>> -> memref<1000000x32xf32, #tpu.memory_space<hbm>>
    tpu.enqueue_indirect_dma source(%dma_start3A_51 : memref<1000000x32xf32, #tpu.memory_space<hbm>>) target(%dma_start3A_45 : memref<128x32xf32, #tpu.memory_space<vmem>>) offsets(%dma_start3A_48 : memref<128xi32, #tpu.memory_space<vmem>>) semaphore(%arg8 : memref<!tpu.dma_semaphore, #tpu.memory_space<semaphore_mem>>)
    %dma_start3A_52 = arith.constant 0 : i32
    %dma_start3A_53 = arith.constant 0 : i32
    %dma_start3A_54 = arith.constant 256 : i32
    %dma_start3A_55 = arith.constant 0 : i32
    %dma_start3A_56 = tpu.memref_slice %arg6[%dma_start3A_53, %dma_start3A_54, %dma_start3A_55] : memref<2x512x32xf32, #tpu.memory_space<vmem>> -> memref<1x128x32xf32, #tpu.memory_space<vmem>>
    %dma_start3A_57 = tpu.memref_squeeze %dma_start3A_56 : memref<1x128x32xf32, #tpu.memory_space<vmem>> -> memref<128x32xf32, #tpu.memory_space<vmem>>
    %dma_start3A_58 = arith.constant 256 : i32
    %dma_start3A_59 = tpu.memref_slice %arg5[%dma_start3A_52, %dma_start3A_58] : memref<50x512xi32, #tpu.memory_space<vmem>> -> memref<1x128xi32, #tpu.memory_space<vmem>>
    %dma_start3A_60 = tpu.memref_squeeze %dma_start3A_59 : memref<1x128xi32, #tpu.memory_space<vmem>> -> memref<128xi32, #tpu.memory_space<vmem>>
    %dma_start3A_61 = arith.constant 0 : i32
    %dma_start3A_62 = arith.constant 0 : i32
    %dma_start3A_63 = tpu.memref_slice %arg3[%dma_start3A_61, %dma_start3A_62] : memref<1000000x32xf32, #tpu.memory_space<hbm>> -> memref<1000000x32xf32, #tpu.memory_space<hbm>>
    tpu.enqueue_indirect_dma source(%dma_start3A_63 : memref<1000000x32xf32, #tpu.memory_space<hbm>>) target(%dma_start3A_57 : memref<128x32xf32, #tpu.memory_space<vmem>>) offsets(%dma_start3A_60 : memref<128xi32, #tpu.memory_space<vmem>>) semaphore(%arg8 : memref<!tpu.dma_semaphore, #tpu.memory_space<semaphore_mem>>)
    %dma_start3A_64 = arith.constant 0 : i32
    %dma_start3A_65 = arith.constant 0 : i32
    %dma_start3A_66 = arith.constant 384 : i32
    %dma_start3A_67 = arith.constant 0 : i32
    %dma_start3A_68 = tpu.memref_slice %arg6[%dma_start3A_65, %dma_start3A_66, %dma_start3A_67] : memref<2x512x32xf32, #tpu.memory_space<vmem>> -> memref<1x128x32xf32, #tpu.memory_space<vmem>>
    %dma_start3A_69 = tpu.memref_squeeze %dma_start3A_68 : memref<1x128x32xf32, #tpu.memory_space<vmem>> -> memref<128x32xf32, #tpu.memory_space<vmem>>
    %dma_start3A_70 = arith.constant 384 : i32
    %dma_start3A_71 = tpu.memref_slice %arg5[%dma_start3A_64, %dma_start3A_70] : memref<50x512xi32, #tpu.memory_space<vmem>> -> memref<1x128xi32, #tpu.memory_space<vmem>>
    %dma_start3A_72 = tpu.memref_squeeze %dma_start3A_71 : memref<1x128xi32, #tpu.memory_space<vmem>> -> memref<128xi32, #tpu.memory_space<vmem>>
    %dma_start3A_73 = arith.constant 0 : i32
    %dma_start3A_74 = arith.constant 0 : i32
    %dma_start3A_75 = tpu.memref_slice %arg3[%dma_start3A_73, %dma_start3A_74] : memref<1000000x32xf32, #tpu.memory_space<hbm>> -> memref<1000000x32xf32, #tpu.memory_space<hbm>>
    tpu.enqueue_indirect_dma source(%dma_start3A_75 : memref<1000000x32xf32, #tpu.memory_space<hbm>>) target(%dma_start3A_69 : memref<128x32xf32, #tpu.memory_space<vmem>>) offsets(%dma_start3A_72 : memref<128xi32, #tpu.memory_space<vmem>>) semaphore(%arg8 : memref<!tpu.dma_semaphore, #tpu.memory_space<semaphore_mem>>)
    %dma_start3A_76 = arith.constant 1 : i32
    %dma_start3A_77 = arith.constant 1 : i32
    %dma_start3A_78 = arith.constant 0 : i32
    %dma_start3A_79 = arith.constant 0 : i32
    %dma_start3A_80 = tpu.memref_slice %arg6[%dma_start3A_77, %dma_start3A_78, %dma_start3A_79] : memref<2x512x32xf32, #tpu.memory_space<vmem>> -> memref<1x128x32xf32, #tpu.memory_space<vmem>>
    %dma_start3A_81 = tpu.memref_squeeze %dma_start3A_80 : memref<1x128x32xf32, #tpu.memory_space<vmem>> -> memref<128x32xf32, #tpu.memory_space<vmem>>
    %dma_start3A_82 = arith.constant 0 : i32
    %dma_start3A_83 = tpu.memref_slice %arg5[%dma_start3A_76, %dma_start3A_82] : memref<50x512xi32, #tpu.memory_space<vmem>> -> memref<1x128xi32, #tpu.memory_space<vmem>>
    %dma_start3A_84 = tpu.memref_squeeze %dma_start3A_83 : memref<1x128xi32, #tpu.memory_space<vmem>> -> memref<128xi32, #tpu.memory_space<vmem>>
    %dma_start3A_85 = arith.constant 0 : i32
    %dma_start3A_86 = arith.constant 0 : i32
    %dma_start3A_87 = tpu.memref_slice %arg3[%dma_start3A_85, %dma_start3A_86] : memref<1000000x32xf32, #tpu.memory_space<hbm>> -> memref<1000000x32xf32, #tpu.memory_space<hbm>>
    tpu.enqueue_indirect_dma source(%dma_start3A_87 : memref<1000000x32xf32, #tpu.memory_space<hbm>>) target(%dma_start3A_81 : memref<128x32xf32, #tpu.memory_space<vmem>>) offsets(%dma_start3A_84 : memref<128xi32, #tpu.memory_space<vmem>>) semaphore(%arg9 : memref<!tpu.dma_semaphore, #tpu.memory_space<semaphore_mem>>)
    %dma_start3A_88 = arith.constant 1 : i32
    %dma_start3A_89 = arith.constant 1 : i32
    %dma_start3A_90 = arith.constant 128 : i32
    %dma_start3A_91 = arith.constant 0 : i32
    %dma_start3A_92 = tpu.memref_slice %arg6[%dma_start3A_89, %dma_start3A_90, %dma_start3A_91] : memref<2x512x32xf32, #tpu.memory_space<vmem>> -> memref<1x128x32xf32, #tpu.memory_space<vmem>>
    %dma_start3A_93 = tpu.memref_squeeze %dma_start3A_92 : memref<1x128x32xf32, #tpu.memory_space<vmem>> -> memref<128x32xf32, #tpu.memory_space<vmem>>
    %dma_start3A_94 = arith.constant 128 : i32
    %dma_start3A_95 = tpu.memref_slice %arg5[%dma_start3A_88, %dma_start3A_94] : memref<50x512xi32, #tpu.memory_space<vmem>> -> memref<1x128xi32, #tpu.memory_space<vmem>>
    %dma_start3A_96 = tpu.memref_squeeze %dma_start3A_95 : memref<1x128xi32, #tpu.memory_space<vmem>> -> memref<128xi32, #tpu.memory_space<vmem>>
    %dma_start3A_97 = arith.constant 0 : i32
    %dma_start3A_98 = arith.constant 0 : i32
    %dma_start3A_99 = tpu.memref_slice %arg3[%dma_start3A_97, %dma_start3A_98] : memref<1000000x32xf32, #tpu.memory_space<hbm>> -> memref<1000000x32xf32, #tpu.memory_space<hbm>>
    tpu.enqueue_indirect_dma source(%dma_start3A_99 : memref<1000000x32xf32, #tpu.memory_space<hbm>>) target(%dma_start3A_93 : memref<128x32xf32, #tpu.memory_space<vmem>>) offsets(%dma_start3A_96 : memref<128xi32, #tpu.memory_space<vmem>>) semaphore(%arg9 : memref<!tpu.dma_semaphore, #tpu.memory_space<semaphore_mem>>)
    %dma_start3A_100 = arith.constant 1 : i32
    %dma_start3A_101 = arith.constant 1 : i32
    %dma_start3A_102 = arith.constant 256 : i32
    %dma_start3A_103 = arith.constant 0 : i32
    %dma_start3A_104 = tpu.memref_slice %arg6[%dma_start3A_101, %dma_start3A_102, %dma_start3A_103] : memref<2x512x32xf32, #tpu.memory_space<vmem>> -> memref<1x128x32xf32, #tpu.memory_space<vmem>>
    %dma_start3A_105 = tpu.memref_squeeze %dma_start3A_104 : memref<1x128x32xf32, #tpu.memory_space<vmem>> -> memref<128x32xf32, #tpu.memory_space<vmem>>
    %dma_start3A_106 = arith.constant 256 : i32
    %dma_start3A_107 = tpu.memref_slice %arg5[%dma_start3A_100, %dma_start3A_106] : memref<50x512xi32, #tpu.memory_space<vmem>> -> memref<1x128xi32, #tpu.memory_space<vmem>>
    %dma_start3A_108 = tpu.memref_squeeze %dma_start3A_107 : memref<1x128xi32, #tpu.memory_space<vmem>> -> memref<128xi32, #tpu.memory_space<vmem>>
    %dma_start3A_109 = arith.constant 0 : i32
    %dma_start3A_110 = arith.constant 0 : i32
    %dma_start3A_111 = tpu.memref_slice %arg3[%dma_start3A_109, %dma_start3A_110] : memref<1000000x32xf32, #tpu.memory_space<hbm>> -> memref<1000000x32xf32, #tpu.memory_space<hbm>>
    tpu.enqueue_indirect_dma source(%dma_start3A_111 : memref<1000000x32xf32, #tpu.memory_space<hbm>>) target(%dma_start3A_105 : memref<128x32xf32, #tpu.memory_space<vmem>>) offsets(%dma_start3A_108 : memref<128xi32, #tpu.memory_space<vmem>>) semaphore(%arg9 : memref<!tpu.dma_semaphore, #tpu.memory_space<semaphore_mem>>)
    %dma_start3A_112 = arith.constant 1 : i32
    %dma_start3A_113 = arith.constant 1 : i32
    %dma_start3A_114 = arith.constant 384 : i32
    %dma_start3A_115 = arith.constant 0 : i32
    %dma_start3A_116 = tpu.memref_slice %arg6[%dma_start3A_113, %dma_start3A_114, %dma_start3A_115] : memref<2x512x32xf32, #tpu.memory_space<vmem>> -> memref<1x128x32xf32, #tpu.memory_space<vmem>>
    %dma_start3A_117 = tpu.memref_squeeze %dma_start3A_116 : memref<1x128x32xf32, #tpu.memory_space<vmem>> -> memref<128x32xf32, #tpu.memory_space<vmem>>
    %dma_start3A_118 = arith.constant 384 : i32
    %dma_start3A_119 = tpu.memref_slice %arg5[%dma_start3A_112, %dma_start3A_118] : memref<50x512xi32, #tpu.memory_space<vmem>> -> memref<1x128xi32, #tpu.memory_space<vmem>>
    %dma_start3A_120 = tpu.memref_squeeze %dma_start3A_119 : memref<1x128xi32, #tpu.memory_space<vmem>> -> memref<128xi32, #tpu.memory_space<vmem>>
    %dma_start3A_121 = arith.constant 0 : i32
    %dma_start3A_122 = arith.constant 0 : i32
    %dma_start3A_123 = tpu.memref_slice %arg3[%dma_start3A_121, %dma_start3A_122] : memref<1000000x32xf32, #tpu.memory_space<hbm>> -> memref<1000000x32xf32, #tpu.memory_space<hbm>>
    tpu.enqueue_indirect_dma source(%dma_start3A_123 : memref<1000000x32xf32, #tpu.memory_space<hbm>>) target(%dma_start3A_117 : memref<128x32xf32, #tpu.memory_space<vmem>>) offsets(%dma_start3A_120 : memref<128xi32, #tpu.memory_space<vmem>>) semaphore(%arg9 : memref<!tpu.dma_semaphore, #tpu.memory_space<semaphore_mem>>)
    %scan3A = arith.constant 0 : i32
    %scan3A_124 = arith.constant 0 : i32
    %scan3A_125 = arith.constant 25 : i32
    %scan3A_126 = arith.addi %scan3A_124, %scan3A_125 : i32
    %scan3A_127 = arith.constant 1 : i32
    scf.for %scan3A_304 = %scan3A_124 to %scan3A_126 step %scan3A_127  : i32 {
      %mul3A_305 = arith.constant 2 : i32
      %mul3A_306 = arith.muli %scan3A_304, %mul3A_305 : i32
      %add3A_307 = arith.constant 0 : i32
      %add3A_308 = arith.addi %mul3A_306, %add3A_307 : i32
      %dma_wait3A_309 = arith.constant 0 : i32
      %dma_wait3A_310 = arith.constant 0 : i32
      %dma_wait3A_311 = arith.constant 0 : i32
      %dma_wait3A_312 = tpu.memref_slice %arg6[%dma_wait3A_309, %dma_wait3A_310, %dma_wait3A_311] : memref<2x512x32xf32, #tpu.memory_space<vmem>> -> memref<1x512x32xf32, #tpu.memory_space<vmem>>
      %dma_wait3A_313 = tpu.memref_squeeze %dma_wait3A_312 : memref<1x512x32xf32, #tpu.memory_space<vmem>> -> memref<512x32xf32, #tpu.memory_space<vmem>>
      %dma_wait3A_314 = arith.constant 0 : i32
      %dma_wait3A_315 = arith.constant 0 : i32
      %dma_wait3A_316 = tpu.memref_slice %arg3[%dma_wait3A_314, %dma_wait3A_315] : memref<1000000x32xf32, #tpu.memory_space<hbm>> -> memref<512x32xf32, #tpu.memory_space<hbm>>
      %dma_wait3A_317 = arith.constant 0 : i32
      %dma_wait3A_318 = arith.constant 0 : i32
      %dma_wait3A_319 = tpu.memref_slice %arg6[%dma_wait3A_309, %dma_wait3A_317, %dma_wait3A_318] : memref<2x512x32xf32, #tpu.memory_space<vmem>> -> memref<1x512x32xf32, #tpu.memory_space<vmem>>
      %dma_wait3A_320 = tpu.memref_squeeze %dma_wait3A_319 : memref<1x512x32xf32, #tpu.memory_space<vmem>> -> memref<512x32xf32, #tpu.memory_space<vmem>>
      %dma_wait3A_321 = arith.constant 0 : i32
      %dma_wait3A_322 = arith.constant 0 : i32
      %dma_wait3A_323 = tpu.memref_slice %arg3[%dma_wait3A_321, %dma_wait3A_322] : memref<1000000x32xf32, #tpu.memory_space<hbm>> -> memref<512x32xf32, #tpu.memory_space<hbm>>
      tpu.wait_dma2 semaphore(%arg8 : memref<!tpu.dma_semaphore, #tpu.memory_space<semaphore_mem>>) src(%dma_wait3A_323 : memref<512x32xf32, #tpu.memory_space<hbm>>) dst(%dma_wait3A_320 : memref<512x32xf32, #tpu.memory_space<vmem>>)
      %ge3A = arith.constant 1 : i32
      %ge3A_324 = arith.cmpi sge, %scan3A_304, %ge3A : i32
      %convert_element_type3A = arith.extui %ge3A_324 : i1 to i32
      %cond3A = arith.constant 0 : i32
      %cond3A_325 = arith.cmpi ne, %convert_element_type3A, %cond3A : i32
      scf.if %cond3A_325 {
        %dma_wait3A_532 = arith.constant 0 : i32
        %dma_wait3A_533 = arith.constant 0 : i32
        %dma_wait3A_534 = arith.constant 0 : i32
        %dma_wait3A_535 = arith.constant 0 : i32
        %dma_wait3A_536 = arith.constant 0 : i32
        %dma_wait3A_537 = arith.constant 0 : i32
        %dma_wait3A_538 = arith.constant 0 : i32
        %dma_wait3A_539 = tpu.memref_slice %arg7[%dma_wait3A_532, %dma_wait3A_533, %dma_wait3A_536, %dma_wait3A_537, %dma_wait3A_538] : memref<2x4x4x8x128xf32, #tpu.memory_space<vmem>> -> memref<1x1x4x8x128xf32, #tpu.memory_space<vmem>>
        %dma_wait3A_540 = tpu.memref_squeeze %dma_wait3A_539 : memref<1x1x4x8x128xf32, #tpu.memory_space<vmem>> -> memref<4x8x128xf32, #tpu.memory_space<vmem>>
        %dma_wait3A_541 = arith.constant 0 : i32
        %dma_wait3A_542 = arith.constant 0 : i32
        %dma_wait3A_543 = tpu.memref_slice %arg4[%dma_wait3A_534, %dma_wait3A_535, %mul3A_2, %dma_wait3A_541, %dma_wait3A_542] : memref<50x4x128x8x128xf32, #tpu.memory_space<hbm>> -> memref<1x1x4x8x128xf32, #tpu.memory_space<hbm>>
        %dma_wait3A_544 = tpu.memref_squeeze %dma_wait3A_543 : memref<1x1x4x8x128xf32, #tpu.memory_space<hbm>> -> memref<4x8x128xf32, #tpu.memory_space<hbm>>
        %dma_wait3A_545 = arith.constant 0 : i32
        %dma_wait3A_546 = arith.constant 0 : i32
        %dma_wait3A_547 = tpu.memref_slice %arg4[%dma_wait3A_534, %dma_wait3A_535, %mul3A_2, %dma_wait3A_545, %dma_wait3A_546] : memref<50x4x128x8x128xf32, #tpu.memory_space<hbm>> -> memref<1x1x4x8x128xf32, #tpu.memory_space<hbm>>
        %dma_wait3A_548 = tpu.memref_squeeze %dma_wait3A_547 : memref<1x1x4x8x128xf32, #tpu.memory_space<hbm>> -> memref<4x8x128xf32, #tpu.memory_space<hbm>>
        %dma_wait3A_549 = arith.constant 0 : i32
        %dma_wait3A_550 = arith.constant 0 : i32
        %dma_wait3A_551 = arith.constant 0 : i32
        %dma_wait3A_552 = tpu.memref_slice %arg7[%dma_wait3A_532, %dma_wait3A_533, %dma_wait3A_549, %dma_wait3A_550, %dma_wait3A_551] : memref<2x4x4x8x128xf32, #tpu.memory_space<vmem>> -> memref<1x1x4x8x128xf32, #tpu.memory_space<vmem>>
        %dma_wait3A_553 = tpu.memref_squeeze %dma_wait3A_552 : memref<1x1x4x8x128xf32, #tpu.memory_space<vmem>> -> memref<4x8x128xf32, #tpu.memory_space<vmem>>
        tpu.wait_dma2 semaphore(%arg10 : memref<!tpu.dma_semaphore, #tpu.memory_space<semaphore_mem>>) src(%dma_wait3A_553 : memref<4x8x128xf32, #tpu.memory_space<vmem>>) dst(%dma_wait3A_548 : memref<4x8x128xf32, #tpu.memory_space<hbm>>)
        %dma_wait3A_554 = arith.constant 0 : i32
        %dma_wait3A_555 = arith.constant 1 : i32
        %dma_wait3A_556 = arith.constant 0 : i32
        %dma_wait3A_557 = arith.constant 1 : i32
        %dma_wait3A_558 = arith.constant 0 : i32
        %dma_wait3A_559 = arith.constant 0 : i32
        %dma_wait3A_560 = arith.constant 0 : i32
        %dma_wait3A_561 = tpu.memref_slice %arg7[%dma_wait3A_554, %dma_wait3A_555, %dma_wait3A_558, %dma_wait3A_559, %dma_wait3A_560] : memref<2x4x4x8x128xf32, #tpu.memory_space<vmem>> -> memref<1x1x4x8x128xf32, #tpu.memory_space<vmem>>
        %dma_wait3A_562 = tpu.memref_squeeze %dma_wait3A_561 : memref<1x1x4x8x128xf32, #tpu.memory_space<vmem>> -> memref<4x8x128xf32, #tpu.memory_space<vmem>>
        %dma_wait3A_563 = arith.constant 0 : i32
        %dma_wait3A_564 = arith.constant 0 : i32
        %dma_wait3A_565 = tpu.memref_slice %arg4[%dma_wait3A_556, %dma_wait3A_557, %mul3A_2, %dma_wait3A_563, %dma_wait3A_564] : memref<50x4x128x8x128xf32, #tpu.memory_space<hbm>> -> memref<1x1x4x8x128xf32, #tpu.memory_space<hbm>>
        %dma_wait3A_566 = tpu.memref_squeeze %dma_wait3A_565 : memref<1x1x4x8x128xf32, #tpu.memory_space<hbm>> -> memref<4x8x128xf32, #tpu.memory_space<hbm>>
        %dma_wait3A_567 = arith.constant 0 : i32
        %dma_wait3A_568 = arith.constant 0 : i32
        %dma_wait3A_569 = tpu.memref_slice %arg4[%dma_wait3A_556, %dma_wait3A_557, %mul3A_2, %dma_wait3A_567, %dma_wait3A_568] : memref<50x4x128x8x128xf32, #tpu.memory_space<hbm>> -> memref<1x1x4x8x128xf32, #tpu.memory_space<hbm>>
        %dma_wait3A_570 = tpu.memref_squeeze %dma_wait3A_569 : memref<1x1x4x8x128xf32, #tpu.memory_space<hbm>> -> memref<4x8x128xf32, #tpu.memory_space<hbm>>
        %dma_wait3A_571 = arith.constant 0 : i32
        %dma_wait3A_572 = arith.constant 0 : i32
        %dma_wait3A_573 = arith.constant 0 : i32
        %dma_wait3A_574 = tpu.memref_slice %arg7[%dma_wait3A_554, %dma_wait3A_555, %dma_wait3A_571, %dma_wait3A_572, %dma_wait3A_573] : memref<2x4x4x8x128xf32, #tpu.memory_space<vmem>> -> memref<1x1x4x8x128xf32, #tpu.memory_space<vmem>>
        %dma_wait3A_575 = tpu.memref_squeeze %dma_wait3A_574 : memref<1x1x4x8x128xf32, #tpu.memory_space<vmem>> -> memref<4x8x128xf32, #tpu.memory_space<vmem>>
        tpu.wait_dma2 semaphore(%arg10 : memref<!tpu.dma_semaphore, #tpu.memory_space<semaphore_mem>>) src(%dma_wait3A_575 : memref<4x8x128xf32, #tpu.memory_space<vmem>>) dst(%dma_wait3A_570 : memref<4x8x128xf32, #tpu.memory_space<hbm>>)
        %dma_wait3A_576 = arith.constant 0 : i32
        %dma_wait3A_577 = arith.constant 2 : i32
        %dma_wait3A_578 = arith.constant 0 : i32
        %dma_wait3A_579 = arith.constant 2 : i32
        %dma_wait3A_580 = arith.constant 0 : i32
        %dma_wait3A_581 = arith.constant 0 : i32
        %dma_wait3A_582 = arith.constant 0 : i32
        %dma_wait3A_583 = tpu.memref_slice %arg7[%dma_wait3A_576, %dma_wait3A_577, %dma_wait3A_580, %dma_wait3A_581, %dma_wait3A_582] : memref<2x4x4x8x128xf32, #tpu.memory_space<vmem>> -> memref<1x1x4x8x128xf32, #tpu.memory_space<vmem>>
        %dma_wait3A_584 = tpu.memref_squeeze %dma_wait3A_583 : memref<1x1x4x8x128xf32, #tpu.memory_space<vmem>> -> memref<4x8x128xf32, #tpu.memory_space<vmem>>
        %dma_wait3A_585 = arith.constant 0 : i32
        %dma_wait3A_586 = arith.constant 0 : i32
        %dma_wait3A_587 = tpu.memref_slice %arg4[%dma_wait3A_578, %dma_wait3A_579, %mul3A_2, %dma_wait3A_585, %dma_wait3A_586] : memref<50x4x128x8x128xf32, #tpu.memory_space<hbm>> -> memref<1x1x4x8x128xf32, #tpu.memory_space<hbm>>
        %dma_wait3A_588 = tpu.memref_squeeze %dma_wait3A_587 : memref<1x1x4x8x128xf32, #tpu.memory_space<hbm>> -> memref<4x8x128xf32, #tpu.memory_space<hbm>>
        %dma_wait3A_589 = arith.constant 0 : i32
        %dma_wait3A_590 = arith.constant 0 : i32
        %dma_wait3A_591 = tpu.memref_slice %arg4[%dma_wait3A_578, %dma_wait3A_579, %mul3A_2, %dma_wait3A_589, %dma_wait3A_590] : memref<50x4x128x8x128xf32, #tpu.memory_space<hbm>> -> memref<1x1x4x8x128xf32, #tpu.memory_space<hbm>>
        %dma_wait3A_592 = tpu.memref_squeeze %dma_wait3A_591 : memref<1x1x4x8x128xf32, #tpu.memory_space<hbm>> -> memref<4x8x128xf32, #tpu.memory_space<hbm>>
        %dma_wait3A_593 = arith.constant 0 : i32
        %dma_wait3A_594 = arith.constant 0 : i32
        %dma_wait3A_595 = arith.constant 0 : i32
        %dma_wait3A_596 = tpu.memref_slice %arg7[%dma_wait3A_576, %dma_wait3A_577, %dma_wait3A_593, %dma_wait3A_594, %dma_wait3A_595] : memref<2x4x4x8x128xf32, #tpu.memory_space<vmem>> -> memref<1x1x4x8x128xf32, #tpu.memory_space<vmem>>
        %dma_wait3A_597 = tpu.memref_squeeze %dma_wait3A_596 : memref<1x1x4x8x128xf32, #tpu.memory_space<vmem>> -> memref<4x8x128xf32, #tpu.memory_space<vmem>>
        tpu.wait_dma2 semaphore(%arg10 : memref<!tpu.dma_semaphore, #tpu.memory_space<semaphore_mem>>) src(%dma_wait3A_597 : memref<4x8x128xf32, #tpu.memory_space<vmem>>) dst(%dma_wait3A_592 : memref<4x8x128xf32, #tpu.memory_space<hbm>>)
        %dma_wait3A_598 = arith.constant 0 : i32
        %dma_wait3A_599 = arith.constant 3 : i32
        %dma_wait3A_600 = arith.constant 0 : i32
        %dma_wait3A_601 = arith.constant 3 : i32
        %dma_wait3A_602 = arith.constant 0 : i32
        %dma_wait3A_603 = arith.constant 0 : i32
        %dma_wait3A_604 = arith.constant 0 : i32
        %dma_wait3A_605 = tpu.memref_slice %arg7[%dma_wait3A_598, %dma_wait3A_599, %dma_wait3A_602, %dma_wait3A_603, %dma_wait3A_604] : memref<2x4x4x8x128xf32, #tpu.memory_space<vmem>> -> memref<1x1x4x8x128xf32, #tpu.memory_space<vmem>>
        %dma_wait3A_606 = tpu.memref_squeeze %dma_wait3A_605 : memref<1x1x4x8x128xf32, #tpu.memory_space<vmem>> -> memref<4x8x128xf32, #tpu.memory_space<vmem>>
        %dma_wait3A_607 = arith.constant 0 : i32
        %dma_wait3A_608 = arith.constant 0 : i32
        %dma_wait3A_609 = tpu.memref_slice %arg4[%dma_wait3A_600, %dma_wait3A_601, %mul3A_2, %dma_wait3A_607, %dma_wait3A_608] : memref<50x4x128x8x128xf32, #tpu.memory_space<hbm>> -> memref<1x1x4x8x128xf32, #tpu.memory_space<hbm>>
        %dma_wait3A_610 = tpu.memref_squeeze %dma_wait3A_609 : memref<1x1x4x8x128xf32, #tpu.memory_space<hbm>> -> memref<4x8x128xf32, #tpu.memory_space<hbm>>
        %dma_wait3A_611 = arith.constant 0 : i32
        %dma_wait3A_612 = arith.constant 0 : i32
        %dma_wait3A_613 = tpu.memref_slice %arg4[%dma_wait3A_600, %dma_wait3A_601, %mul3A_2, %dma_wait3A_611, %dma_wait3A_612] : memref<50x4x128x8x128xf32, #tpu.memory_space<hbm>> -> memref<1x1x4x8x128xf32, #tpu.memory_space<hbm>>
        %dma_wait3A_614 = tpu.memref_squeeze %dma_wait3A_613 : memref<1x1x4x8x128xf32, #tpu.memory_space<hbm>> -> memref<4x8x128xf32, #tpu.memory_space<hbm>>
        %dma_wait3A_615 = arith.constant 0 : i32
        %dma_wait3A_616 = arith.constant 0 : i32
        %dma_wait3A_617 = arith.constant 0 : i32
        %dma_wait3A_618 = tpu.memref_slice %arg7[%dma_wait3A_598, %dma_wait3A_599, %dma_wait3A_615, %dma_wait3A_616, %dma_wait3A_617] : memref<2x4x4x8x128xf32, #tpu.memory_space<vmem>> -> memref<1x1x4x8x128xf32, #tpu.memory_space<vmem>>
        %dma_wait3A_619 = tpu.memref_squeeze %dma_wait3A_618 : memref<1x1x4x8x128xf32, #tpu.memory_space<vmem>> -> memref<4x8x128xf32, #tpu.memory_space<vmem>>
        tpu.wait_dma2 semaphore(%arg10 : memref<!tpu.dma_semaphore, #tpu.memory_space<semaphore_mem>>) src(%dma_wait3A_619 : memref<4x8x128xf32, #tpu.memory_space<vmem>>) dst(%dma_wait3A_614 : memref<4x8x128xf32, #tpu.memory_space<hbm>>)
      } else {
      }
      %parallel_loop3A = arith.constant 0 : i32
      %parallel_loop3A_326 = arith.constant 32 : i32
      %parallel_loop3A_327 = arith.constant 1 : i32
      scf.for %parallel_loop3A_532 = %parallel_loop3A to %parallel_loop3A_326 step %parallel_loop3A_327  : i32 {
        %parallel_loop3A_533 = arith.constant 0 : i32
        %parallel_loop3A_534 = vector.broadcast %parallel_loop3A_533 : i32 to vector<16xi32>
        %parallel_loop3A_535 = vector.broadcast %parallel_loop3A_532 : i32 to vector<16xi32>
        %parallel_loop3A_536 = arith.addi %parallel_loop3A_534, %parallel_loop3A_535 : vector<16xi32>
        %parallel_loop3A_537 = arith.constant 8 : i32
        %parallel_loop3A_538 = arith.divsi %parallel_loop3A_532, %parallel_loop3A_537 : i32
        %parallel_loop3A_539 = arith.constant 0 : i32
        %parallel_loop3A_540 = arith.cmpi sgt, %parallel_loop3A_532, %parallel_loop3A_539 : i32
        %parallel_loop3A_541 = arith.extui %parallel_loop3A_540 : i1 to i32
        %parallel_loop3A_542 = arith.constant 0 : i32
        %parallel_loop3A_543 = arith.cmpi slt, %parallel_loop3A_532, %parallel_loop3A_542 : i32
        %parallel_loop3A_544 = arith.extui %parallel_loop3A_543 : i1 to i32
        %parallel_loop3A_545 = arith.subi %parallel_loop3A_541, %parallel_loop3A_544 : i32
        %parallel_loop3A_546 = arith.constant 0 : i32
        %parallel_loop3A_547 = arith.cmpi sgt, %parallel_loop3A_537, %parallel_loop3A_546 : i32
        %parallel_loop3A_548 = arith.extui %parallel_loop3A_547 : i1 to i32
        %parallel_loop3A_549 = arith.constant 0 : i32
        %parallel_loop3A_550 = arith.cmpi slt, %parallel_loop3A_537, %parallel_loop3A_549 : i32
        %parallel_loop3A_551 = arith.extui %parallel_loop3A_550 : i1 to i32
        %parallel_loop3A_552 = arith.subi %parallel_loop3A_548, %parallel_loop3A_551 : i32
        %parallel_loop3A_553 = arith.cmpi ne, %parallel_loop3A_545, %parallel_loop3A_552 : i32
        %parallel_loop3A_554 = arith.remsi %parallel_loop3A_532, %parallel_loop3A_537 : i32
        %parallel_loop3A_555 = arith.constant 0 : i32
        %parallel_loop3A_556 = arith.cmpi ne, %parallel_loop3A_554, %parallel_loop3A_555 : i32
        %parallel_loop3A_557 = arith.andi %parallel_loop3A_553, %parallel_loop3A_556 : i1
        %parallel_loop3A_558 = arith.constant 1 : i32
        %parallel_loop3A_559 = arith.subi %parallel_loop3A_538, %parallel_loop3A_558 : i32
        %parallel_loop3A_560 = arith.select %parallel_loop3A_557, %parallel_loop3A_559, %parallel_loop3A_538 : i32
        %parallel_loop3A_561 = arith.constant 8 : i32
        %parallel_loop3A_562 = arith.constant 0 : i32
        %parallel_loop3A_563 = arith.cmpi eq, %parallel_loop3A_561, %parallel_loop3A_562 : i32
        %parallel_loop3A_564 = arith.constant 1 : i32
        %parallel_loop3A_565 = arith.select %parallel_loop3A_563, %parallel_loop3A_564, %parallel_loop3A_561 : i32
        %parallel_loop3A_566 = arith.remsi %parallel_loop3A_532, %parallel_loop3A_565 : i32
        %parallel_loop3A_567 = arith.constant 0 : i32
        %parallel_loop3A_568 = arith.cmpi ne, %parallel_loop3A_566, %parallel_loop3A_567 : i32
        %parallel_loop3A_569 = arith.constant 0 : i32
        %parallel_loop3A_570 = arith.cmpi slt, %parallel_loop3A_566, %parallel_loop3A_569 : i32
        %parallel_loop3A_571 = arith.constant 0 : i32
        %parallel_loop3A_572 = arith.cmpi slt, %parallel_loop3A_565, %parallel_loop3A_571 : i32
        %parallel_loop3A_573 = arith.xori %parallel_loop3A_570, %parallel_loop3A_572 : i1
        %parallel_loop3A_574 = arith.andi %parallel_loop3A_573, %parallel_loop3A_568 : i1
        %parallel_loop3A_575 = arith.addi %parallel_loop3A_566, %parallel_loop3A_565 : i32
        %parallel_loop3A_576 = arith.select %parallel_loop3A_574, %parallel_loop3A_575, %parallel_loop3A_566 : i32
        %parallel_loop3A_577 = arith.constant 0 : i32
        %parallel_loop3A_578 = vector.broadcast %parallel_loop3A_577 : i32 to vector<16xi32>
        %parallel_loop3A_579 = arith.addi %add3A_7, %parallel_loop3A_578 : vector<16xi32>
        %parallel_loop3A_580 = arith.constant 0 : i32
        %parallel_loop3A_581 = arith.constant 0 : i32
        %parallel_loop3A_582 = arith.constant 0 : i32
        %parallel_loop3A_583 = tpu.memref_slice %arg6[%parallel_loop3A_580, %parallel_loop3A_581, %parallel_loop3A_582] : memref<2x512x32xf32, #tpu.memory_space<vmem>> -> memref<1x512x32xf32, #tpu.memory_space<vmem>>
        %parallel_loop3A_584 = tpu.memref_squeeze %parallel_loop3A_583 : memref<1x512x32xf32, #tpu.memory_space<vmem>> -> memref<512x32xf32, #tpu.memory_space<vmem>>
        %parallel_loop3A_585 = tpu.vector_load_idx %parallel_loop3A_584[%parallel_loop3A_579, %parallel_loop3A_536] : memref<512x32xf32, #tpu.memory_space<vmem>>[vector<16xi32>, vector<16xi32>], vector<16xf32>,
        %parallel_loop3A_586 = arith.constant 0 : i32
        %parallel_loop3A_587 = arith.constant 0 : i32
        %parallel_loop3A_588 = arith.index_cast %parallel_loop3A_586 : i32 to index
        %parallel_loop3A_589 = arith.index_cast %parallel_loop3A_560 : i32 to index
        %parallel_loop3A_590 = arith.index_cast %parallel_loop3A_587 : i32 to index
        %parallel_loop3A_591 = arith.index_cast %parallel_loop3A_576 : i32 to index
        %parallel_loop3A_592 = arith.constant 0 : index
        %parallel_loop3A_593 = tpu.vector_load %arg7[%parallel_loop3A_588, %parallel_loop3A_589, %parallel_loop3A_590, %parallel_loop3A_591, %parallel_loop3A_592] {strides = array<i32>} : memref<2x4x4x8x128xf32, #tpu.memory_space<vmem>>, vector<16xf32>,
        tpu.vector_store %arg7[%parallel_loop3A_588, %parallel_loop3A_589, %parallel_loop3A_590, %parallel_loop3A_591, %parallel_loop3A_592], %parallel_loop3A_585 {strides = array<i32>} : memref<2x4x4x8x128xf32, #tpu.memory_space<vmem>>, vector<16xf32>,
        %parallel_loop3A_594 = arith.constant 0 : i32
        %parallel_loop3A_595 = vector.broadcast %parallel_loop3A_594 : i32 to vector<16xi32>
        %parallel_loop3A_596 = arith.addi %add3A_10, %parallel_loop3A_595 : vector<16xi32>
        %parallel_loop3A_597 = arith.constant 0 : i32
        %parallel_loop3A_598 = arith.constant 0 : i32
        %parallel_loop3A_599 = arith.constant 0 : i32
        %parallel_loop3A_600 = tpu.memref_slice %arg6[%parallel_loop3A_597, %parallel_loop3A_598, %parallel_loop3A_599] : memref<2x512x32xf32, #tpu.memory_space<vmem>> -> memref<1x512x32xf32, #tpu.memory_space<vmem>>
        %parallel_loop3A_601 = tpu.memref_squeeze %parallel_loop3A_600 : memref<1x512x32xf32, #tpu.memory_space<vmem>> -> memref<512x32xf32, #tpu.memory_space<vmem>>
        %parallel_loop3A_602 = tpu.vector_load_idx %parallel_loop3A_601[%parallel_loop3A_596, %parallel_loop3A_536] : memref<512x32xf32, #tpu.memory_space<vmem>>[vector<16xi32>, vector<16xi32>], vector<16xf32>,
        %parallel_loop3A_603 = arith.constant 0 : i32
        %parallel_loop3A_604 = arith.constant 0 : i32
        %parallel_loop3A_605 = arith.index_cast %parallel_loop3A_603 : i32 to index
        %parallel_loop3A_606 = arith.index_cast %parallel_loop3A_560 : i32 to index
        %parallel_loop3A_607 = arith.index_cast %parallel_loop3A_604 : i32 to index
        %parallel_loop3A_608 = arith.index_cast %parallel_loop3A_576 : i32 to index
        %parallel_loop3A_609 = arith.constant 16 : index
        %parallel_loop3A_610 = tpu.vector_load %arg7[%parallel_loop3A_605, %parallel_loop3A_606, %parallel_loop3A_607, %parallel_loop3A_608, %parallel_loop3A_609] {strides = array<i32>} : memref<2x4x4x8x128xf32, #tpu.memory_space<vmem>>, vector<16xf32>,
        tpu.vector_store %arg7[%parallel_loop3A_605, %parallel_loop3A_606, %parallel_loop3A_607, %parallel_loop3A_608, %parallel_loop3A_609], %parallel_loop3A_602 {strides = array<i32>} : memref<2x4x4x8x128xf32, #tpu.memory_space<vmem>>, vector<16xf32>,
        %parallel_loop3A_611 = arith.constant 0 : i32
        %parallel_loop3A_612 = vector.broadcast %parallel_loop3A_611 : i32 to vector<16xi32>
        %parallel_loop3A_613 = arith.addi %add3A_13, %parallel_loop3A_612 : vector<16xi32>
        %parallel_loop3A_614 = arith.constant 0 : i32
        %parallel_loop3A_615 = arith.constant 0 : i32
        %parallel_loop3A_616 = arith.constant 0 : i32
        %parallel_loop3A_617 = tpu.memref_slice %arg6[%parallel_loop3A_614, %parallel_loop3A_615, %parallel_loop3A_616] : memref<2x512x32xf32, #tpu.memory_space<vmem>> -> memref<1x512x32xf32, #tpu.memory_space<vmem>>
        %parallel_loop3A_618 = tpu.memref_squeeze %parallel_loop3A_617 : memref<1x512x32xf32, #tpu.memory_space<vmem>> -> memref<512x32xf32, #tpu.memory_space<vmem>>
        %parallel_loop3A_619 = tpu.vector_load_idx %parallel_loop3A_618[%parallel_loop3A_613, %parallel_loop3A_536] : memref<512x32xf32, #tpu.memory_space<vmem>>[vector<16xi32>, vector<16xi32>], vector<16xf32>,
        %parallel_loop3A_620 = arith.constant 0 : i32
        %parallel_loop3A_621 = arith.constant 0 : i32
        %parallel_loop3A_622 = arith.index_cast %parallel_loop3A_620 : i32 to index
        %parallel_loop3A_623 = arith.index_cast %parallel_loop3A_560 : i32 to index
        %parallel_loop3A_624 = arith.index_cast %parallel_loop3A_621 : i32 to index
        %parallel_loop3A_625 = arith.index_cast %parallel_loop3A_576 : i32 to index
        %parallel_loop3A_626 = arith.constant 32 : index
        %parallel_loop3A_627 = tpu.vector_load %arg7[%parallel_loop3A_622, %parallel_loop3A_623, %parallel_loop3A_624, %parallel_loop3A_625, %parallel_loop3A_626] {strides = array<i32>} : memref<2x4x4x8x128xf32, #tpu.memory_space<vmem>>, vector<16xf32>,
        tpu.vector_store %arg7[%parallel_loop3A_622, %parallel_loop3A_623, %parallel_loop3A_624, %parallel_loop3A_625, %parallel_loop3A_626], %parallel_loop3A_619 {strides = array<i32>} : memref<2x4x4x8x128xf32, #tpu.memory_space<vmem>>, vector<16xf32>,
        %parallel_loop3A_628 = arith.constant 0 : i32
        %parallel_loop3A_629 = vector.broadcast %parallel_loop3A_628 : i32 to vector<16xi32>
        %parallel_loop3A_630 = arith.addi %add3A_16, %parallel_loop3A_629 : vector<16xi32>
        %parallel_loop3A_631 = arith.constant 0 : i32
        %parallel_loop3A_632 = arith.constant 0 : i32
        %parallel_loop3A_633 = arith.constant 0 : i32
        %parallel_loop3A_634 = tpu.memref_slice %arg6[%parallel_loop3A_631, %parallel_loop3A_632, %parallel_loop3A_633] : memref<2x512x32xf32, #tpu.memory_space<vmem>> -> memref<1x512x32xf32, #tpu.memory_space<vmem>>
        %parallel_loop3A_635 = tpu.memref_squeeze %parallel_loop3A_634 : memref<1x512x32xf32, #tpu.memory_space<vmem>> -> memref<512x32xf32, #tpu.memory_space<vmem>>
        %parallel_loop3A_636 = tpu.vector_load_idx %parallel_loop3A_635[%parallel_loop3A_630, %parallel_loop3A_536] : memref<512x32xf32, #tpu.memory_space<vmem>>[vector<16xi32>, vector<16xi32>], vector<16xf32>,
        %parallel_loop3A_637 = arith.constant 0 : i32
        %parallel_loop3A_638 = arith.constant 0 : i32
        %parallel_loop3A_639 = arith.index_cast %parallel_loop3A_637 : i32 to index
        %parallel_loop3A_640 = arith.index_cast %parallel_loop3A_560 : i32 to index
        %parallel_loop3A_641 = arith.index_cast %parallel_loop3A_638 : i32 to index
        %parallel_loop3A_642 = arith.index_cast %parallel_loop3A_576 : i32 to index
        %parallel_loop3A_643 = arith.constant 48 : index
        %parallel_loop3A_644 = tpu.vector_load %arg7[%parallel_loop3A_639, %parallel_loop3A_640, %parallel_loop3A_641, %parallel_loop3A_642, %parallel_loop3A_643] {strides = array<i32>} : memref<2x4x4x8x128xf32, #tpu.memory_space<vmem>>, vector<16xf32>,
        tpu.vector_store %arg7[%parallel_loop3A_639, %parallel_loop3A_640, %parallel_loop3A_641, %parallel_loop3A_642, %parallel_loop3A_643], %parallel_loop3A_636 {strides = array<i32>} : memref<2x4x4x8x128xf32, #tpu.memory_space<vmem>>, vector<16xf32>,
        %parallel_loop3A_645 = arith.constant 0 : i32
        %parallel_loop3A_646 = vector.broadcast %parallel_loop3A_645 : i32 to vector<16xi32>
        %parallel_loop3A_647 = arith.addi %add3A_19, %parallel_loop3A_646 : vector<16xi32>
        %parallel_loop3A_648 = arith.constant 0 : i32
        %parallel_loop3A_649 = arith.constant 0 : i32
        %parallel_loop3A_650 = arith.constant 0 : i32
        %parallel_loop3A_651 = tpu.memref_slice %arg6[%parallel_loop3A_648, %parallel_loop3A_649, %parallel_loop3A_650] : memref<2x512x32xf32, #tpu.memory_space<vmem>> -> memref<1x512x32xf32, #tpu.memory_space<vmem>>
        %parallel_loop3A_652 = tpu.memref_squeeze %parallel_loop3A_651 : memref<1x512x32xf32, #tpu.memory_space<vmem>> -> memref<512x32xf32, #tpu.memory_space<vmem>>
        %parallel_loop3A_653 = tpu.vector_load_idx %parallel_loop3A_652[%parallel_loop3A_647, %parallel_loop3A_536] : memref<512x32xf32, #tpu.memory_space<vmem>>[vector<16xi32>, vector<16xi32>], vector<16xf32>,
        %parallel_loop3A_654 = arith.constant 0 : i32
        %parallel_loop3A_655 = arith.constant 0 : i32
        %parallel_loop3A_656 = arith.index_cast %parallel_loop3A_654 : i32 to index
        %parallel_loop3A_657 = arith.index_cast %parallel_loop3A_560 : i32 to index
        %parallel_loop3A_658 = arith.index_cast %parallel_loop3A_655 : i32 to index
        %parallel_loop3A_659 = arith.index_cast %parallel_loop3A_576 : i32 to index
        %parallel_loop3A_660 = arith.constant 64 : index
        %parallel_loop3A_661 = tpu.vector_load %arg7[%parallel_loop3A_656, %parallel_loop3A_657, %parallel_loop3A_658, %parallel_loop3A_659, %parallel_loop3A_660] {strides = array<i32>} : memref<2x4x4x8x128xf32, #tpu.memory_space<vmem>>, vector<16xf32>,
        tpu.vector_store %arg7[%parallel_loop3A_656, %parallel_loop3A_657, %parallel_loop3A_658, %parallel_loop3A_659, %parallel_loop3A_660], %parallel_loop3A_653 {strides = array<i32>} : memref<2x4x4x8x128xf32, #tpu.memory_space<vmem>>, vector<16xf32>,
        %parallel_loop3A_662 = arith.constant 0 : i32
        %parallel_loop3A_663 = vector.broadcast %parallel_loop3A_662 : i32 to vector<16xi32>
        %parallel_loop3A_664 = arith.addi %add3A_22, %parallel_loop3A_663 : vector<16xi32>
        %parallel_loop3A_665 = arith.constant 0 : i32
        %parallel_loop3A_666 = arith.constant 0 : i32
        %parallel_loop3A_667 = arith.constant 0 : i32
        %parallel_loop3A_668 = tpu.memref_slice %arg6[%parallel_loop3A_665, %parallel_loop3A_666, %parallel_loop3A_667] : memref<2x512x32xf32, #tpu.memory_space<vmem>> -> memref<1x512x32xf32, #tpu.memory_space<vmem>>
        %parallel_loop3A_669 = tpu.memref_squeeze %parallel_loop3A_668 : memref<1x512x32xf32, #tpu.memory_space<vmem>> -> memref<512x32xf32, #tpu.memory_space<vmem>>
        %parallel_loop3A_670 = tpu.vector_load_idx %parallel_loop3A_669[%parallel_loop3A_664, %parallel_loop3A_536] : memref<512x32xf32, #tpu.memory_space<vmem>>[vector<16xi32>, vector<16xi32>], vector<16xf32>,
        %parallel_loop3A_671 = arith.constant 0 : i32
        %parallel_loop3A_672 = arith.constant 0 : i32
        %parallel_loop3A_673 = arith.index_cast %parallel_loop3A_671 : i32 to index
        %parallel_loop3A_674 = arith.index_cast %parallel_loop3A_560 : i32 to index
        %parallel_loop3A_675 = arith.index_cast %parallel_loop3A_672 : i32 to index
        %parallel_loop3A_676 = arith.index_cast %parallel_loop3A_576 : i32 to index
        %parallel_loop3A_677 = arith.constant 80 : index
        %parallel_loop3A_678 = tpu.vector_load %arg7[%parallel_loop3A_673, %parallel_loop3A_674, %parallel_loop3A_675, %parallel_loop3A_676, %parallel_loop3A_677] {strides = array<i32>} : memref<2x4x4x8x128xf32, #tpu.memory_space<vmem>>, vector<16xf32>,
        tpu.vector_store %arg7[%parallel_loop3A_673, %parallel_loop3A_674, %parallel_loop3A_675, %parallel_loop3A_676, %parallel_loop3A_677], %parallel_loop3A_670 {strides = array<i32>} : memref<2x4x4x8x128xf32, #tpu.memory_space<vmem>>, vector<16xf32>,
        %parallel_loop3A_679 = arith.constant 0 : i32
        %parallel_loop3A_680 = vector.broadcast %parallel_loop3A_679 : i32 to vector<16xi32>
        %parallel_loop3A_681 = arith.addi %add3A_25, %parallel_loop3A_680 : vector<16xi32>
        %parallel_loop3A_682 = arith.constant 0 : i32
        %parallel_loop3A_683 = arith.constant 0 : i32
        %parallel_loop3A_684 = arith.constant 0 : i32
        %parallel_loop3A_685 = tpu.memref_slice %arg6[%parallel_loop3A_682, %parallel_loop3A_683, %parallel_loop3A_684] : memref<2x512x32xf32, #tpu.memory_space<vmem>> -> memref<1x512x32xf32, #tpu.memory_space<vmem>>
        %parallel_loop3A_686 = tpu.memref_squeeze %parallel_loop3A_685 : memref<1x512x32xf32, #tpu.memory_space<vmem>> -> memref<512x32xf32, #tpu.memory_space<vmem>>
        %parallel_loop3A_687 = tpu.vector_load_idx %parallel_loop3A_686[%parallel_loop3A_681, %parallel_loop3A_536] : memref<512x32xf32, #tpu.memory_space<vmem>>[vector<16xi32>, vector<16xi32>], vector<16xf32>,
        %parallel_loop3A_688 = arith.constant 0 : i32
        %parallel_loop3A_689 = arith.constant 0 : i32
        %parallel_loop3A_690 = arith.index_cast %parallel_loop3A_688 : i32 to index
        %parallel_loop3A_691 = arith.index_cast %parallel_loop3A_560 : i32 to index
        %parallel_loop3A_692 = arith.index_cast %parallel_loop3A_689 : i32 to index
        %parallel_loop3A_693 = arith.index_cast %parallel_loop3A_576 : i32 to index
        %parallel_loop3A_694 = arith.constant 96 : index
        %parallel_loop3A_695 = tpu.vector_load %arg7[%parallel_loop3A_690, %parallel_loop3A_691, %parallel_loop3A_692, %parallel_loop3A_693, %parallel_loop3A_694] {strides = array<i32>} : memref<2x4x4x8x128xf32, #tpu.memory_space<vmem>>, vector<16xf32>,
        tpu.vector_store %arg7[%parallel_loop3A_690, %parallel_loop3A_691, %parallel_loop3A_692, %parallel_loop3A_693, %parallel_loop3A_694], %parallel_loop3A_687 {strides = array<i32>} : memref<2x4x4x8x128xf32, #tpu.memory_space<vmem>>, vector<16xf32>,
        %parallel_loop3A_696 = arith.constant 0 : i32
        %parallel_loop3A_697 = vector.broadcast %parallel_loop3A_696 : i32 to vector<16xi32>
        %parallel_loop3A_698 = arith.addi %add3A_28, %parallel_loop3A_697 : vector<16xi32>
        %parallel_loop3A_699 = arith.constant 0 : i32
        %parallel_loop3A_700 = arith.constant 0 : i32
        %parallel_loop3A_701 = arith.constant 0 : i32
        %parallel_loop3A_702 = tpu.memref_slice %arg6[%parallel_loop3A_699, %parallel_loop3A_700, %parallel_loop3A_701] : memref<2x512x32xf32, #tpu.memory_space<vmem>> -> memref<1x512x32xf32, #tpu.memory_space<vmem>>
        %parallel_loop3A_703 = tpu.memref_squeeze %parallel_loop3A_702 : memref<1x512x32xf32, #tpu.memory_space<vmem>> -> memref<512x32xf32, #tpu.memory_space<vmem>>
        %parallel_loop3A_704 = tpu.vector_load_idx %parallel_loop3A_703[%parallel_loop3A_698, %parallel_loop3A_536] : memref<512x32xf32, #tpu.memory_space<vmem>>[vector<16xi32>, vector<16xi32>], vector<16xf32>,
        %parallel_loop3A_705 = arith.constant 0 : i32
        %parallel_loop3A_706 = arith.constant 0 : i32
        %parallel_loop3A_707 = arith.index_cast %parallel_loop3A_705 : i32 to index
        %parallel_loop3A_708 = arith.index_cast %parallel_loop3A_560 : i32 to index
        %parallel_loop3A_709 = arith.index_cast %parallel_loop3A_706 : i32 to index
        %parallel_loop3A_710 = arith.index_cast %parallel_loop3A_576 : i32 to index
        %parallel_loop3A_711 = arith.constant 112 : index
        %parallel_loop3A_712 = tpu.vector_load %arg7[%parallel_loop3A_707, %parallel_loop3A_708, %parallel_loop3A_709, %parallel_loop3A_710, %parallel_loop3A_711] {strides = array<i32>} : memref<2x4x4x8x128xf32, #tpu.memory_space<vmem>>, vector<16xf32>,
        tpu.vector_store %arg7[%parallel_loop3A_707, %parallel_loop3A_708, %parallel_loop3A_709, %parallel_loop3A_710, %parallel_loop3A_711], %parallel_loop3A_704 {strides = array<i32>} : memref<2x4x4x8x128xf32, #tpu.memory_space<vmem>>, vector<16xf32>,
        %parallel_loop3A_713 = arith.constant 128 : i32
        %parallel_loop3A_714 = vector.broadcast %parallel_loop3A_713 : i32 to vector<16xi32>
        %parallel_loop3A_715 = arith.addi %add3A_7, %parallel_loop3A_714 : vector<16xi32>
        %parallel_loop3A_716 = arith.constant 0 : i32
        %parallel_loop3A_717 = arith.constant 0 : i32
        %parallel_loop3A_718 = arith.constant 0 : i32
        %parallel_loop3A_719 = tpu.memref_slice %arg6[%parallel_loop3A_716, %parallel_loop3A_717, %parallel_loop3A_718] : memref<2x512x32xf32, #tpu.memory_space<vmem>> -> memref<1x512x32xf32, #tpu.memory_space<vmem>>
        %parallel_loop3A_720 = tpu.memref_squeeze %parallel_loop3A_719 : memref<1x512x32xf32, #tpu.memory_space<vmem>> -> memref<512x32xf32, #tpu.memory_space<vmem>>
        %parallel_loop3A_721 = tpu.vector_load_idx %parallel_loop3A_720[%parallel_loop3A_715, %parallel_loop3A_536] : memref<512x32xf32, #tpu.memory_space<vmem>>[vector<16xi32>, vector<16xi32>], vector<16xf32>,
        %parallel_loop3A_722 = arith.constant 0 : i32
        %parallel_loop3A_723 = arith.constant 1 : i32
        %parallel_loop3A_724 = arith.index_cast %parallel_loop3A_722 : i32 to index
        %parallel_loop3A_725 = arith.index_cast %parallel_loop3A_560 : i32 to index
        %parallel_loop3A_726 = arith.index_cast %parallel_loop3A_723 : i32 to index
        %parallel_loop3A_727 = arith.index_cast %parallel_loop3A_576 : i32 to index
        %parallel_loop3A_728 = arith.constant 0 : index
        %parallel_loop3A_729 = tpu.vector_load %arg7[%parallel_loop3A_724, %parallel_loop3A_725, %parallel_loop3A_726, %parallel_loop3A_727, %parallel_loop3A_728] {strides = array<i32>} : memref<2x4x4x8x128xf32, #tpu.memory_space<vmem>>, vector<16xf32>,
        tpu.vector_store %arg7[%parallel_loop3A_724, %parallel_loop3A_725, %parallel_loop3A_726, %parallel_loop3A_727, %parallel_loop3A_728], %parallel_loop3A_721 {strides = array<i32>} : memref<2x4x4x8x128xf32, #tpu.memory_space<vmem>>, vector<16xf32>,
        %parallel_loop3A_730 = arith.constant 128 : i32
        %parallel_loop3A_731 = vector.broadcast %parallel_loop3A_730 : i32 to vector<16xi32>
        %parallel_loop3A_732 = arith.addi %add3A_10, %parallel_loop3A_731 : vector<16xi32>
        %parallel_loop3A_733 = arith.constant 0 : i32
        %parallel_loop3A_734 = arith.constant 0 : i32
        %parallel_loop3A_735 = arith.constant 0 : i32
        %parallel_loop3A_736 = tpu.memref_slice %arg6[%parallel_loop3A_733, %parallel_loop3A_734, %parallel_loop3A_735] : memref<2x512x32xf32, #tpu.memory_space<vmem>> -> memref<1x512x32xf32, #tpu.memory_space<vmem>>
        %parallel_loop3A_737 = tpu.memref_squeeze %parallel_loop3A_736 : memref<1x512x32xf32, #tpu.memory_space<vmem>> -> memref<512x32xf32, #tpu.memory_space<vmem>>
        %parallel_loop3A_738 = tpu.vector_load_idx %parallel_loop3A_737[%parallel_loop3A_732, %parallel_loop3A_536] : memref<512x32xf32, #tpu.memory_space<vmem>>[vector<16xi32>, vector<16xi32>], vector<16xf32>,
        %parallel_loop3A_739 = arith.constant 0 : i32
        %parallel_loop3A_740 = arith.constant 1 : i32
        %parallel_loop3A_741 = arith.index_cast %parallel_loop3A_739 : i32 to index
        %parallel_loop3A_742 = arith.index_cast %parallel_loop3A_560 : i32 to index
        %parallel_loop3A_743 = arith.index_cast %parallel_loop3A_740 : i32 to index
        %parallel_loop3A_744 = arith.index_cast %parallel_loop3A_576 : i32 to index
        %parallel_loop3A_745 = arith.constant 16 : index
        %parallel_loop3A_746 = tpu.vector_load %arg7[%parallel_loop3A_741, %parallel_loop3A_742, %parallel_loop3A_743, %parallel_loop3A_744, %parallel_loop3A_745] {strides = array<i32>} : memref<2x4x4x8x128xf32, #tpu.memory_space<vmem>>, vector<16xf32>,
        tpu.vector_store %arg7[%parallel_loop3A_741, %parallel_loop3A_742, %parallel_loop3A_743, %parallel_loop3A_744, %parallel_loop3A_745], %parallel_loop3A_738 {strides = array<i32>} : memref<2x4x4x8x128xf32, #tpu.memory_space<vmem>>, vector<16xf32>,
        %parallel_loop3A_747 = arith.constant 128 : i32
        %parallel_loop3A_748 = vector.broadcast %parallel_loop3A_747 : i32 to vector<16xi32>
        %parallel_loop3A_749 = arith.addi %add3A_13, %parallel_loop3A_748 : vector<16xi32>
        %parallel_loop3A_750 = arith.constant 0 : i32
        %parallel_loop3A_751 = arith.constant 0 : i32
        %parallel_loop3A_752 = arith.constant 0 : i32
        %parallel_loop3A_753 = tpu.memref_slice %arg6[%parallel_loop3A_750, %parallel_loop3A_751, %parallel_loop3A_752] : memref<2x512x32xf32, #tpu.memory_space<vmem>> -> memref<1x512x32xf32, #tpu.memory_space<vmem>>
        %parallel_loop3A_754 = tpu.memref_squeeze %parallel_loop3A_753 : memref<1x512x32xf32, #tpu.memory_space<vmem>> -> memref<512x32xf32, #tpu.memory_space<vmem>>
        %parallel_loop3A_755 = tpu.vector_load_idx %parallel_loop3A_754[%parallel_loop3A_749, %parallel_loop3A_536] : memref<512x32xf32, #tpu.memory_space<vmem>>[vector<16xi32>, vector<16xi32>], vector<16xf32>,
        %parallel_loop3A_756 = arith.constant 0 : i32
        %parallel_loop3A_757 = arith.constant 1 : i32
        %parallel_loop3A_758 = arith.index_cast %parallel_loop3A_756 : i32 to index
        %parallel_loop3A_759 = arith.index_cast %parallel_loop3A_560 : i32 to index
        %parallel_loop3A_760 = arith.index_cast %parallel_loop3A_757 : i32 to index
        %parallel_loop3A_761 = arith.index_cast %parallel_loop3A_576 : i32 to index
        %parallel_loop3A_762 = arith.constant 32 : index
        %parallel_loop3A_763 = tpu.vector_load %arg7[%parallel_loop3A_758, %parallel_loop3A_759, %parallel_loop3A_760, %parallel_loop3A_761, %parallel_loop3A_762] {strides = array<i32>} : memref<2x4x4x8x128xf32, #tpu.memory_space<vmem>>, vector<16xf32>,
        tpu.vector_store %arg7[%parallel_loop3A_758, %parallel_loop3A_759, %parallel_loop3A_760, %parallel_loop3A_761, %parallel_loop3A_762], %parallel_loop3A_755 {strides = array<i32>} : memref<2x4x4x8x128xf32, #tpu.memory_space<vmem>>, vector<16xf32>,
        %parallel_loop3A_764 = arith.constant 128 : i32
        %parallel_loop3A_765 = vector.broadcast %parallel_loop3A_764 : i32 to vector<16xi32>
        %parallel_loop3A_766 = arith.addi %add3A_16, %parallel_loop3A_765 : vector<16xi32>
        %parallel_loop3A_767 = arith.constant 0 : i32
        %parallel_loop3A_768 = arith.constant 0 : i32
        %parallel_loop3A_769 = arith.constant 0 : i32
        %parallel_loop3A_770 = tpu.memref_slice %arg6[%parallel_loop3A_767, %parallel_loop3A_768, %parallel_loop3A_769] : memref<2x512x32xf32, #tpu.memory_space<vmem>> -> memref<1x512x32xf32, #tpu.memory_space<vmem>>
        %parallel_loop3A_771 = tpu.memref_squeeze %parallel_loop3A_770 : memref<1x512x32xf32, #tpu.memory_space<vmem>> -> memref<512x32xf32, #tpu.memory_space<vmem>>
        %parallel_loop3A_772 = tpu.vector_load_idx %parallel_loop3A_771[%parallel_loop3A_766, %parallel_loop3A_536] : memref<512x32xf32, #tpu.memory_space<vmem>>[vector<16xi32>, vector<16xi32>], vector<16xf32>,
        %parallel_loop3A_773 = arith.constant 0 : i32
        %parallel_loop3A_774 = arith.constant 1 : i32
        %parallel_loop3A_775 = arith.index_cast %parallel_loop3A_773 : i32 to index
        %parallel_loop3A_776 = arith.index_cast %parallel_loop3A_560 : i32 to index
        %parallel_loop3A_777 = arith.index_cast %parallel_loop3A_774 : i32 to index
        %parallel_loop3A_778 = arith.index_cast %parallel_loop3A_576 : i32 to index
        %parallel_loop3A_779 = arith.constant 48 : index
        %parallel_loop3A_780 = tpu.vector_load %arg7[%parallel_loop3A_775, %parallel_loop3A_776, %parallel_loop3A_777, %parallel_loop3A_778, %parallel_loop3A_779] {strides = array<i32>} : memref<2x4x4x8x128xf32, #tpu.memory_space<vmem>>, vector<16xf32>,
        tpu.vector_store %arg7[%parallel_loop3A_775, %parallel_loop3A_776, %parallel_loop3A_777, %parallel_loop3A_778, %parallel_loop3A_779], %parallel_loop3A_772 {strides = array<i32>} : memref<2x4x4x8x128xf32, #tpu.memory_space<vmem>>, vector<16xf32>,
        %parallel_loop3A_781 = arith.constant 128 : i32
        %parallel_loop3A_782 = vector.broadcast %parallel_loop3A_781 : i32 to vector<16xi32>
        %parallel_loop3A_783 = arith.addi %add3A_19, %parallel_loop3A_782 : vector<16xi32>
        %parallel_loop3A_784 = arith.constant 0 : i32
        %parallel_loop3A_785 = arith.constant 0 : i32
        %parallel_loop3A_786 = arith.constant 0 : i32
        %parallel_loop3A_787 = tpu.memref_slice %arg6[%parallel_loop3A_784, %parallel_loop3A_785, %parallel_loop3A_786] : memref<2x512x32xf32, #tpu.memory_space<vmem>> -> memref<1x512x32xf32, #tpu.memory_space<vmem>>
        %parallel_loop3A_788 = tpu.memref_squeeze %parallel_loop3A_787 : memref<1x512x32xf32, #tpu.memory_space<vmem>> -> memref<512x32xf32, #tpu.memory_space<vmem>>
        %parallel_loop3A_789 = tpu.vector_load_idx %parallel_loop3A_788[%parallel_loop3A_783, %parallel_loop3A_536] : memref<512x32xf32, #tpu.memory_space<vmem>>[vector<16xi32>, vector<16xi32>], vector<16xf32>,
        %parallel_loop3A_790 = arith.constant 0 : i32
        %parallel_loop3A_791 = arith.constant 1 : i32
        %parallel_loop3A_792 = arith.index_cast %parallel_loop3A_790 : i32 to index
        %parallel_loop3A_793 = arith.index_cast %parallel_loop3A_560 : i32 to index
        %parallel_loop3A_794 = arith.index_cast %parallel_loop3A_791 : i32 to index
        %parallel_loop3A_795 = arith.index_cast %parallel_loop3A_576 : i32 to index
        %parallel_loop3A_796 = arith.constant 64 : index
        %parallel_loop3A_797 = tpu.vector_load %arg7[%parallel_loop3A_792, %parallel_loop3A_793, %parallel_loop3A_794, %parallel_loop3A_795, %parallel_loop3A_796] {strides = array<i32>} : memref<2x4x4x8x128xf32, #tpu.memory_space<vmem>>, vector<16xf32>,
        tpu.vector_store %arg7[%parallel_loop3A_792, %parallel_loop3A_793, %parallel_loop3A_794, %parallel_loop3A_795, %parallel_loop3A_796], %parallel_loop3A_789 {strides = array<i32>} : memref<2x4x4x8x128xf32, #tpu.memory_space<vmem>>, vector<16xf32>,
        %parallel_loop3A_798 = arith.constant 128 : i32
        %parallel_loop3A_799 = vector.broadcast %parallel_loop3A_798 : i32 to vector<16xi32>
        %parallel_loop3A_800 = arith.addi %add3A_22, %parallel_loop3A_799 : vector<16xi32>
        %parallel_loop3A_801 = arith.constant 0 : i32
        %parallel_loop3A_802 = arith.constant 0 : i32
        %parallel_loop3A_803 = arith.constant 0 : i32
        %parallel_loop3A_804 = tpu.memref_slice %arg6[%parallel_loop3A_801, %parallel_loop3A_802, %parallel_loop3A_803] : memref<2x512x32xf32, #tpu.memory_space<vmem>> -> memref<1x512x32xf32, #tpu.memory_space<vmem>>
        %parallel_loop3A_805 = tpu.memref_squeeze %parallel_loop3A_804 : memref<1x512x32xf32, #tpu.memory_space<vmem>> -> memref<512x32xf32, #tpu.memory_space<vmem>>
        %parallel_loop3A_806 = tpu.vector_load_idx %parallel_loop3A_805[%parallel_loop3A_800, %parallel_loop3A_536] : memref<512x32xf32, #tpu.memory_space<vmem>>[vector<16xi32>, vector<16xi32>], vector<16xf32>,
        %parallel_loop3A_807 = arith.constant 0 : i32
        %parallel_loop3A_808 = arith.constant 1 : i32
        %parallel_loop3A_809 = arith.index_cast %parallel_loop3A_807 : i32 to index
        %parallel_loop3A_810 = arith.index_cast %parallel_loop3A_560 : i32 to index
        %parallel_loop3A_811 = arith.index_cast %parallel_loop3A_808 : i32 to index
        %parallel_loop3A_812 = arith.index_cast %parallel_loop3A_576 : i32 to index
        %parallel_loop3A_813 = arith.constant 80 : index
        %parallel_loop3A_814 = tpu.vector_load %arg7[%parallel_loop3A_809, %parallel_loop3A_810, %parallel_loop3A_811, %parallel_loop3A_812, %parallel_loop3A_813] {strides = array<i32>} : memref<2x4x4x8x128xf32, #tpu.memory_space<vmem>>, vector<16xf32>,
        tpu.vector_store %arg7[%parallel_loop3A_809, %parallel_loop3A_810, %parallel_loop3A_811, %parallel_loop3A_812, %parallel_loop3A_813], %parallel_loop3A_806 {strides = array<i32>} : memref<2x4x4x8x128xf32, #tpu.memory_space<vmem>>, vector<16xf32>,
        %parallel_loop3A_815 = arith.constant 128 : i32
        %parallel_loop3A_816 = vector.broadcast %parallel_loop3A_815 : i32 to vector<16xi32>
        %parallel_loop3A_817 = arith.addi %add3A_25, %parallel_loop3A_816 : vector<16xi32>
        %parallel_loop3A_818 = arith.constant 0 : i32
        %parallel_loop3A_819 = arith.constant 0 : i32
        %parallel_loop3A_820 = arith.constant 0 : i32
        %parallel_loop3A_821 = tpu.memref_slice %arg6[%parallel_loop3A_818, %parallel_loop3A_819, %parallel_loop3A_820] : memref<2x512x32xf32, #tpu.memory_space<vmem>> -> memref<1x512x32xf32, #tpu.memory_space<vmem>>
        %parallel_loop3A_822 = tpu.memref_squeeze %parallel_loop3A_821 : memref<1x512x32xf32, #tpu.memory_space<vmem>> -> memref<512x32xf32, #tpu.memory_space<vmem>>
        %parallel_loop3A_823 = tpu.vector_load_idx %parallel_loop3A_822[%parallel_loop3A_817, %parallel_loop3A_536] : memref<512x32xf32, #tpu.memory_space<vmem>>[vector<16xi32>, vector<16xi32>], vector<16xf32>,
        %parallel_loop3A_824 = arith.constant 0 : i32
        %parallel_loop3A_825 = arith.constant 1 : i32
        %parallel_loop3A_826 = arith.index_cast %parallel_loop3A_824 : i32 to index
        %parallel_loop3A_827 = arith.index_cast %parallel_loop3A_560 : i32 to index
        %parallel_loop3A_828 = arith.index_cast %parallel_loop3A_825 : i32 to index
        %parallel_loop3A_829 = arith.index_cast %parallel_loop3A_576 : i32 to index
        %parallel_loop3A_830 = arith.constant 96 : index
        %parallel_loop3A_831 = tpu.vector_load %arg7[%parallel_loop3A_826, %parallel_loop3A_827, %parallel_loop3A_828, %parallel_loop3A_829, %parallel_loop3A_830] {strides = array<i32>} : memref<2x4x4x8x128xf32, #tpu.memory_space<vmem>>, vector<16xf32>,
        tpu.vector_store %arg7[%parallel_loop3A_826, %parallel_loop3A_827, %parallel_loop3A_828, %parallel_loop3A_829, %parallel_loop3A_830], %parallel_loop3A_823 {strides = array<i32>} : memref<2x4x4x8x128xf32, #tpu.memory_space<vmem>>, vector<16xf32>,
        %parallel_loop3A_832 = arith.constant 128 : i32
        %parallel_loop3A_833 = vector.broadcast %parallel_loop3A_832 : i32 to vector<16xi32>
        %parallel_loop3A_834 = arith.addi %add3A_28, %parallel_loop3A_833 : vector<16xi32>
        %parallel_loop3A_835 = arith.constant 0 : i32
        %parallel_loop3A_836 = arith.constant 0 : i32
        %parallel_loop3A_837 = arith.constant 0 : i32
        %parallel_loop3A_838 = tpu.memref_slice %arg6[%parallel_loop3A_835, %parallel_loop3A_836, %parallel_loop3A_837] : memref<2x512x32xf32, #tpu.memory_space<vmem>> -> memref<1x512x32xf32, #tpu.memory_space<vmem>>
        %parallel_loop3A_839 = tpu.memref_squeeze %parallel_loop3A_838 : memref<1x512x32xf32, #tpu.memory_space<vmem>> -> memref<512x32xf32, #tpu.memory_space<vmem>>
        %parallel_loop3A_840 = tpu.vector_load_idx %parallel_loop3A_839[%parallel_loop3A_834, %parallel_loop3A_536] : memref<512x32xf32, #tpu.memory_space<vmem>>[vector<16xi32>, vector<16xi32>], vector<16xf32>,
        %parallel_loop3A_841 = arith.constant 0 : i32
        %parallel_loop3A_842 = arith.constant 1 : i32
        %parallel_loop3A_843 = arith.index_cast %parallel_loop3A_841 : i32 to index
        %parallel_loop3A_844 = arith.index_cast %parallel_loop3A_560 : i32 to index
        %parallel_loop3A_845 = arith.index_cast %parallel_loop3A_842 : i32 to index
        %parallel_loop3A_846 = arith.index_cast %parallel_loop3A_576 : i32 to index
        %parallel_loop3A_847 = arith.constant 112 : index
        %parallel_loop3A_848 = tpu.vector_load %arg7[%parallel_loop3A_843, %parallel_loop3A_844, %parallel_loop3A_845, %parallel_loop3A_846, %parallel_loop3A_847] {strides = array<i32>} : memref<2x4x4x8x128xf32, #tpu.memory_space<vmem>>, vector<16xf32>,
        tpu.vector_store %arg7[%parallel_loop3A_843, %parallel_loop3A_844, %parallel_loop3A_845, %parallel_loop3A_846, %parallel_loop3A_847], %parallel_loop3A_840 {strides = array<i32>} : memref<2x4x4x8x128xf32, #tpu.memory_space<vmem>>, vector<16xf32>,
        %parallel_loop3A_849 = arith.constant 256 : i32
        %parallel_loop3A_850 = vector.broadcast %parallel_loop3A_849 : i32 to vector<16xi32>
        %parallel_loop3A_851 = arith.addi %add3A_7, %parallel_loop3A_850 : vector<16xi32>
        %parallel_loop3A_852 = arith.constant 0 : i32
        %parallel_loop3A_853 = arith.constant 0 : i32
        %parallel_loop3A_854 = arith.constant 0 : i32
        %parallel_loop3A_855 = tpu.memref_slice %arg6[%parallel_loop3A_852, %parallel_loop3A_853, %parallel_loop3A_854] : memref<2x512x32xf32, #tpu.memory_space<vmem>> -> memref<1x512x32xf32, #tpu.memory_space<vmem>>
        %parallel_loop3A_856 = tpu.memref_squeeze %parallel_loop3A_855 : memref<1x512x32xf32, #tpu.memory_space<vmem>> -> memref<512x32xf32, #tpu.memory_space<vmem>>
        %parallel_loop3A_857 = tpu.vector_load_idx %parallel_loop3A_856[%parallel_loop3A_851, %parallel_loop3A_536] : memref<512x32xf32, #tpu.memory_space<vmem>>[vector<16xi32>, vector<16xi32>], vector<16xf32>,
        %parallel_loop3A_858 = arith.constant 0 : i32
        %parallel_loop3A_859 = arith.constant 2 : i32
        %parallel_loop3A_860 = arith.index_cast %parallel_loop3A_858 : i32 to index
        %parallel_loop3A_861 = arith.index_cast %parallel_loop3A_560 : i32 to index
        %parallel_loop3A_862 = arith.index_cast %parallel_loop3A_859 : i32 to index
        %parallel_loop3A_863 = arith.index_cast %parallel_loop3A_576 : i32 to index
        %parallel_loop3A_864 = arith.constant 0 : index
        %parallel_loop3A_865 = tpu.vector_load %arg7[%parallel_loop3A_860, %parallel_loop3A_861, %parallel_loop3A_862, %parallel_loop3A_863, %parallel_loop3A_864] {strides = array<i32>} : memref<2x4x4x8x128xf32, #tpu.memory_space<vmem>>, vector<16xf32>,
        tpu.vector_store %arg7[%parallel_loop3A_860, %parallel_loop3A_861, %parallel_loop3A_862, %parallel_loop3A_863, %parallel_loop3A_864], %parallel_loop3A_857 {strides = array<i32>} : memref<2x4x4x8x128xf32, #tpu.memory_space<vmem>>, vector<16xf32>,
        %parallel_loop3A_866 = arith.constant 256 : i32
        %parallel_loop3A_867 = vector.broadcast %parallel_loop3A_866 : i32 to vector<16xi32>
        %parallel_loop3A_868 = arith.addi %add3A_10, %parallel_loop3A_867 : vector<16xi32>
        %parallel_loop3A_869 = arith.constant 0 : i32
        %parallel_loop3A_870 = arith.constant 0 : i32
        %parallel_loop3A_871 = arith.constant 0 : i32
        %parallel_loop3A_872 = tpu.memref_slice %arg6[%parallel_loop3A_869, %parallel_loop3A_870, %parallel_loop3A_871] : memref<2x512x32xf32, #tpu.memory_space<vmem>> -> memref<1x512x32xf32, #tpu.memory_space<vmem>>
        %parallel_loop3A_873 = tpu.memref_squeeze %parallel_loop3A_872 : memref<1x512x32xf32, #tpu.memory_space<vmem>> -> memref<512x32xf32, #tpu.memory_space<vmem>>
        %parallel_loop3A_874 = tpu.vector_load_idx %parallel_loop3A_873[%parallel_loop3A_868, %parallel_loop3A_536] : memref<512x32xf32, #tpu.memory_space<vmem>>[vector<16xi32>, vector<16xi32>], vector<16xf32>,
        %parallel_loop3A_875 = arith.constant 0 : i32
        %parallel_loop3A_876 = arith.constant 2 : i32
        %parallel_loop3A_877 = arith.index_cast %parallel_loop3A_875 : i32 to index
        %parallel_loop3A_878 = arith.index_cast %parallel_loop3A_560 : i32 to index
        %parallel_loop3A_879 = arith.index_cast %parallel_loop3A_876 : i32 to index
        %parallel_loop3A_880 = arith.index_cast %parallel_loop3A_576 : i32 to index
        %parallel_loop3A_881 = arith.constant 16 : index
        %parallel_loop3A_882 = tpu.vector_load %arg7[%parallel_loop3A_877, %parallel_loop3A_878, %parallel_loop3A_879, %parallel_loop3A_880, %parallel_loop3A_881] {strides = array<i32>} : memref<2x4x4x8x128xf32, #tpu.memory_space<vmem>>, vector<16xf32>,
        tpu.vector_store %arg7[%parallel_loop3A_877, %parallel_loop3A_878, %parallel_loop3A_879, %parallel_loop3A_880, %parallel_loop3A_881], %parallel_loop3A_874 {strides = array<i32>} : memref<2x4x4x8x128xf32, #tpu.memory_space<vmem>>, vector<16xf32>,
        %parallel_loop3A_883 = arith.constant 256 : i32
        %parallel_loop3A_884 = vector.broadcast %parallel_loop3A_883 : i32 to vector<16xi32>
        %parallel_loop3A_885 = arith.addi %add3A_13, %parallel_loop3A_884 : vector<16xi32>
        %parallel_loop3A_886 = arith.constant 0 : i32
        %parallel_loop3A_887 = arith.constant 0 : i32
        %parallel_loop3A_888 = arith.constant 0 : i32
        %parallel_loop3A_889 = tpu.memref_slice %arg6[%parallel_loop3A_886, %parallel_loop3A_887, %parallel_loop3A_888] : memref<2x512x32xf32, #tpu.memory_space<vmem>> -> memref<1x512x32xf32, #tpu.memory_space<vmem>>
        %parallel_loop3A_890 = tpu.memref_squeeze %parallel_loop3A_889 : memref<1x512x32xf32, #tpu.memory_space<vmem>> -> memref<512x32xf32, #tpu.memory_space<vmem>>
        %parallel_loop3A_891 = tpu.vector_load_idx %parallel_loop3A_890[%parallel_loop3A_885, %parallel_loop3A_536] : memref<512x32xf32, #tpu.memory_space<vmem>>[vector<16xi32>, vector<16xi32>], vector<16xf32>,
        %parallel_loop3A_892 = arith.constant 0 : i32
        %parallel_loop3A_893 = arith.constant 2 : i32
        %parallel_loop3A_894 = arith.index_cast %parallel_loop3A_892 : i32 to index
        %parallel_loop3A_895 = arith.index_cast %parallel_loop3A_560 : i32 to index
        %parallel_loop3A_896 = arith.index_cast %parallel_loop3A_893 : i32 to index
        %parallel_loop3A_897 = arith.index_cast %parallel_loop3A_576 : i32 to index
        %parallel_loop3A_898 = arith.constant 32 : index
        %parallel_loop3A_899 = tpu.vector_load %arg7[%parallel_loop3A_894, %parallel_loop3A_895, %parallel_loop3A_896, %parallel_loop3A_897, %parallel_loop3A_898] {strides = array<i32>} : memref<2x4x4x8x128xf32, #tpu.memory_space<vmem>>, vector<16xf32>,
        tpu.vector_store %arg7[%parallel_loop3A_894, %parallel_loop3A_895, %parallel_loop3A_896, %parallel_loop3A_897, %parallel_loop3A_898], %parallel_loop3A_891 {strides = array<i32>} : memref<2x4x4x8x128xf32, #tpu.memory_space<vmem>>, vector<16xf32>,
        %parallel_loop3A_900 = arith.constant 256 : i32
        %parallel_loop3A_901 = vector.broadcast %parallel_loop3A_900 : i32 to vector<16xi32>
        %parallel_loop3A_902 = arith.addi %add3A_16, %parallel_loop3A_901 : vector<16xi32>
        %parallel_loop3A_903 = arith.constant 0 : i32
        %parallel_loop3A_904 = arith.constant 0 : i32
        %parallel_loop3A_905 = arith.constant 0 : i32
        %parallel_loop3A_906 = tpu.memref_slice %arg6[%parallel_loop3A_903, %parallel_loop3A_904, %parallel_loop3A_905] : memref<2x512x32xf32, #tpu.memory_space<vmem>> -> memref<1x512x32xf32, #tpu.memory_space<vmem>>
        %parallel_loop3A_907 = tpu.memref_squeeze %parallel_loop3A_906 : memref<1x512x32xf32, #tpu.memory_space<vmem>> -> memref<512x32xf32, #tpu.memory_space<vmem>>
        %parallel_loop3A_908 = tpu.vector_load_idx %parallel_loop3A_907[%parallel_loop3A_902, %parallel_loop3A_536] : memref<512x32xf32, #tpu.memory_space<vmem>>[vector<16xi32>, vector<16xi32>], vector<16xf32>,
        %parallel_loop3A_909 = arith.constant 0 : i32
        %parallel_loop3A_910 = arith.constant 2 : i32
        %parallel_loop3A_911 = arith.index_cast %parallel_loop3A_909 : i32 to index
        %parallel_loop3A_912 = arith.index_cast %parallel_loop3A_560 : i32 to index
        %parallel_loop3A_913 = arith.index_cast %parallel_loop3A_910 : i32 to index
        %parallel_loop3A_914 = arith.index_cast %parallel_loop3A_576 : i32 to index
        %parallel_loop3A_915 = arith.constant 48 : index
        %parallel_loop3A_916 = tpu.vector_load %arg7[%parallel_loop3A_911, %parallel_loop3A_912, %parallel_loop3A_913, %parallel_loop3A_914, %parallel_loop3A_915] {strides = array<i32>} : memref<2x4x4x8x128xf32, #tpu.memory_space<vmem>>, vector<16xf32>,
        tpu.vector_store %arg7[%parallel_loop3A_911, %parallel_loop3A_912, %parallel_loop3A_913, %parallel_loop3A_914, %parallel_loop3A_915], %parallel_loop3A_908 {strides = array<i32>} : memref<2x4x4x8x128xf32, #tpu.memory_space<vmem>>, vector<16xf32>,
        %parallel_loop3A_917 = arith.constant 256 : i32
        %parallel_loop3A_918 = vector.broadcast %parallel_loop3A_917 : i32 to vector<16xi32>
        %parallel_loop3A_919 = arith.addi %add3A_19, %parallel_loop3A_918 : vector<16xi32>
        %parallel_loop3A_920 = arith.constant 0 : i32
        %parallel_loop3A_921 = arith.constant 0 : i32
        %parallel_loop3A_922 = arith.constant 0 : i32
        %parallel_loop3A_923 = tpu.memref_slice %arg6[%parallel_loop3A_920, %parallel_loop3A_921, %parallel_loop3A_922] : memref<2x512x32xf32, #tpu.memory_space<vmem>> -> memref<1x512x32xf32, #tpu.memory_space<vmem>>
        %parallel_loop3A_924 = tpu.memref_squeeze %parallel_loop3A_923 : memref<1x512x32xf32, #tpu.memory_space<vmem>> -> memref<512x32xf32, #tpu.memory_space<vmem>>
        %parallel_loop3A_925 = tpu.vector_load_idx %parallel_loop3A_924[%parallel_loop3A_919, %parallel_loop3A_536] : memref<512x32xf32, #tpu.memory_space<vmem>>[vector<16xi32>, vector<16xi32>], vector<16xf32>,
        %parallel_loop3A_926 = arith.constant 0 : i32
        %parallel_loop3A_927 = arith.constant 2 : i32
        %parallel_loop3A_928 = arith.index_cast %parallel_loop3A_926 : i32 to index
        %parallel_loop3A_929 = arith.index_cast %parallel_loop3A_560 : i32 to index
        %parallel_loop3A_930 = arith.index_cast %parallel_loop3A_927 : i32 to index
        %parallel_loop3A_931 = arith.index_cast %parallel_loop3A_576 : i32 to index
        %parallel_loop3A_932 = arith.constant 64 : index
        %parallel_loop3A_933 = tpu.vector_load %arg7[%parallel_loop3A_928, %parallel_loop3A_929, %parallel_loop3A_930, %parallel_loop3A_931, %parallel_loop3A_932] {strides = array<i32>} : memref<2x4x4x8x128xf32, #tpu.memory_space<vmem>>, vector<16xf32>,
        tpu.vector_store %arg7[%parallel_loop3A_928, %parallel_loop3A_929, %parallel_loop3A_930, %parallel_loop3A_931, %parallel_loop3A_932], %parallel_loop3A_925 {strides = array<i32>} : memref<2x4x4x8x128xf32, #tpu.memory_space<vmem>>, vector<16xf32>,
        %parallel_loop3A_934 = arith.constant 256 : i32
        %parallel_loop3A_935 = vector.broadcast %parallel_loop3A_934 : i32 to vector<16xi32>
        %parallel_loop3A_936 = arith.addi %add3A_22, %parallel_loop3A_935 : vector<16xi32>
        %parallel_loop3A_937 = arith.constant 0 : i32
        %parallel_loop3A_938 = arith.constant 0 : i32
        %parallel_loop3A_939 = arith.constant 0 : i32
        %parallel_loop3A_940 = tpu.memref_slice %arg6[%parallel_loop3A_937, %parallel_loop3A_938, %parallel_loop3A_939] : memref<2x512x32xf32, #tpu.memory_space<vmem>> -> memref<1x512x32xf32, #tpu.memory_space<vmem>>
        %parallel_loop3A_941 = tpu.memref_squeeze %parallel_loop3A_940 : memref<1x512x32xf32, #tpu.memory_space<vmem>> -> memref<512x32xf32, #tpu.memory_space<vmem>>
        %parallel_loop3A_942 = tpu.vector_load_idx %parallel_loop3A_941[%parallel_loop3A_936, %parallel_loop3A_536] : memref<512x32xf32, #tpu.memory_space<vmem>>[vector<16xi32>, vector<16xi32>], vector<16xf32>,
        %parallel_loop3A_943 = arith.constant 0 : i32
        %parallel_loop3A_944 = arith.constant 2 : i32
        %parallel_loop3A_945 = arith.index_cast %parallel_loop3A_943 : i32 to index
        %parallel_loop3A_946 = arith.index_cast %parallel_loop3A_560 : i32 to index
        %parallel_loop3A_947 = arith.index_cast %parallel_loop3A_944 : i32 to index
        %parallel_loop3A_948 = arith.index_cast %parallel_loop3A_576 : i32 to index
        %parallel_loop3A_949 = arith.constant 80 : index
        %parallel_loop3A_950 = tpu.vector_load %arg7[%parallel_loop3A_945, %parallel_loop3A_946, %parallel_loop3A_947, %parallel_loop3A_948, %parallel_loop3A_949] {strides = array<i32>} : memref<2x4x4x8x128xf32, #tpu.memory_space<vmem>>, vector<16xf32>,
        tpu.vector_store %arg7[%parallel_loop3A_945, %parallel_loop3A_946, %parallel_loop3A_947, %parallel_loop3A_948, %parallel_loop3A_949], %parallel_loop3A_942 {strides = array<i32>} : memref<2x4x4x8x128xf32, #tpu.memory_space<vmem>>, vector<16xf32>,
        %parallel_loop3A_951 = arith.constant 256 : i32
        %parallel_loop3A_952 = vector.broadcast %parallel_loop3A_951 : i32 to vector<16xi32>
        %parallel_loop3A_953 = arith.addi %add3A_25, %parallel_loop3A_952 : vector<16xi32>
        %parallel_loop3A_954 = arith.constant 0 : i32
        %parallel_loop3A_955 = arith.constant 0 : i32
        %parallel_loop3A_956 = arith.constant 0 : i32
        %parallel_loop3A_957 = tpu.memref_slice %arg6[%parallel_loop3A_954, %parallel_loop3A_955, %parallel_loop3A_956] : memref<2x512x32xf32, #tpu.memory_space<vmem>> -> memref<1x512x32xf32, #tpu.memory_space<vmem>>
        %parallel_loop3A_958 = tpu.memref_squeeze %parallel_loop3A_957 : memref<1x512x32xf32, #tpu.memory_space<vmem>> -> memref<512x32xf32, #tpu.memory_space<vmem>>
        %parallel_loop3A_959 = tpu.vector_load_idx %parallel_loop3A_958[%parallel_loop3A_953, %parallel_loop3A_536] : memref<512x32xf32, #tpu.memory_space<vmem>>[vector<16xi32>, vector<16xi32>], vector<16xf32>,
        %parallel_loop3A_960 = arith.constant 0 : i32
        %parallel_loop3A_961 = arith.constant 2 : i32
        %parallel_loop3A_962 = arith.index_cast %parallel_loop3A_960 : i32 to index
        %parallel_loop3A_963 = arith.index_cast %parallel_loop3A_560 : i32 to index
        %parallel_loop3A_964 = arith.index_cast %parallel_loop3A_961 : i32 to index
        %parallel_loop3A_965 = arith.index_cast %parallel_loop3A_576 : i32 to index
        %parallel_loop3A_966 = arith.constant 96 : index
        %parallel_loop3A_967 = tpu.vector_load %arg7[%parallel_loop3A_962, %parallel_loop3A_963, %parallel_loop3A_964, %parallel_loop3A_965, %parallel_loop3A_966] {strides = array<i32>} : memref<2x4x4x8x128xf32, #tpu.memory_space<vmem>>, vector<16xf32>,
        tpu.vector_store %arg7[%parallel_loop3A_962, %parallel_loop3A_963, %parallel_loop3A_964, %parallel_loop3A_965, %parallel_loop3A_966], %parallel_loop3A_959 {strides = array<i32>} : memref<2x4x4x8x128xf32, #tpu.memory_space<vmem>>, vector<16xf32>,
        %parallel_loop3A_968 = arith.constant 256 : i32
        %parallel_loop3A_969 = vector.broadcast %parallel_loop3A_968 : i32 to vector<16xi32>
        %parallel_loop3A_970 = arith.addi %add3A_28, %parallel_loop3A_969 : vector<16xi32>
        %parallel_loop3A_971 = arith.constant 0 : i32
        %parallel_loop3A_972 = arith.constant 0 : i32
        %parallel_loop3A_973 = arith.constant 0 : i32
        %parallel_loop3A_974 = tpu.memref_slice %arg6[%parallel_loop3A_971, %parallel_loop3A_972, %parallel_loop3A_973] : memref<2x512x32xf32, #tpu.memory_space<vmem>> -> memref<1x512x32xf32, #tpu.memory_space<vmem>>
        %parallel_loop3A_975 = tpu.memref_squeeze %parallel_loop3A_974 : memref<1x512x32xf32, #tpu.memory_space<vmem>> -> memref<512x32xf32, #tpu.memory_space<vmem>>
        %parallel_loop3A_976 = tpu.vector_load_idx %parallel_loop3A_975[%parallel_loop3A_970, %parallel_loop3A_536] : memref<512x32xf32, #tpu.memory_space<vmem>>[vector<16xi32>, vector<16xi32>], vector<16xf32>,
        %parallel_loop3A_977 = arith.constant 0 : i32
        %parallel_loop3A_978 = arith.constant 2 : i32
        %parallel_loop3A_979 = arith.index_cast %parallel_loop3A_977 : i32 to index
        %parallel_loop3A_980 = arith.index_cast %parallel_loop3A_560 : i32 to index
        %parallel_loop3A_981 = arith.index_cast %parallel_loop3A_978 : i32 to index
        %parallel_loop3A_982 = arith.index_cast %parallel_loop3A_576 : i32 to index
        %parallel_loop3A_983 = arith.constant 112 : index
        %parallel_loop3A_984 = tpu.vector_load %arg7[%parallel_loop3A_979, %parallel_loop3A_980, %parallel_loop3A_981, %parallel_loop3A_982, %parallel_loop3A_983] {strides = array<i32>} : memref<2x4x4x8x128xf32, #tpu.memory_space<vmem>>, vector<16xf32>,
        tpu.vector_store %arg7[%parallel_loop3A_979, %parallel_loop3A_980, %parallel_loop3A_981, %parallel_loop3A_982, %parallel_loop3A_983], %parallel_loop3A_976 {strides = array<i32>} : memref<2x4x4x8x128xf32, #tpu.memory_space<vmem>>, vector<16xf32>,
        %parallel_loop3A_985 = arith.constant 384 : i32
        %parallel_loop3A_986 = vector.broadcast %parallel_loop3A_985 : i32 to vector<16xi32>
        %parallel_loop3A_987 = arith.addi %add3A_7, %parallel_loop3A_986 : vector<16xi32>
        %parallel_loop3A_988 = arith.constant 0 : i32
        %parallel_loop3A_989 = arith.constant 0 : i32
        %parallel_loop3A_990 = arith.constant 0 : i32
        %parallel_loop3A_991 = tpu.memref_slice %arg6[%parallel_loop3A_988, %parallel_loop3A_989, %parallel_loop3A_990] : memref<2x512x32xf32, #tpu.memory_space<vmem>> -> memref<1x512x32xf32, #tpu.memory_space<vmem>>
        %parallel_loop3A_992 = tpu.memref_squeeze %parallel_loop3A_991 : memref<1x512x32xf32, #tpu.memory_space<vmem>> -> memref<512x32xf32, #tpu.memory_space<vmem>>
        %parallel_loop3A_993 = tpu.vector_load_idx %parallel_loop3A_992[%parallel_loop3A_987, %parallel_loop3A_536] : memref<512x32xf32, #tpu.memory_space<vmem>>[vector<16xi32>, vector<16xi32>], vector<16xf32>,
        %parallel_loop3A_994 = arith.constant 0 : i32
        %parallel_loop3A_995 = arith.constant 3 : i32
        %parallel_loop3A_996 = arith.index_cast %parallel_loop3A_994 : i32 to index
        %parallel_loop3A_997 = arith.index_cast %parallel_loop3A_560 : i32 to index
        %parallel_loop3A_998 = arith.index_cast %parallel_loop3A_995 : i32 to index
        %parallel_loop3A_999 = arith.index_cast %parallel_loop3A_576 : i32 to index
        %parallel_loop3A_1000 = arith.constant 0 : index
        %parallel_loop3A_1001 = tpu.vector_load %arg7[%parallel_loop3A_996, %parallel_loop3A_997, %parallel_loop3A_998, %parallel_loop3A_999, %parallel_loop3A_1000] {strides = array<i32>} : memref<2x4x4x8x128xf32, #tpu.memory_space<vmem>>, vector<16xf32>,
        tpu.vector_store %arg7[%parallel_loop3A_996, %parallel_loop3A_997, %parallel_loop3A_998, %parallel_loop3A_999, %parallel_loop3A_1000], %parallel_loop3A_993 {strides = array<i32>} : memref<2x4x4x8x128xf32, #tpu.memory_space<vmem>>, vector<16xf32>,
        %parallel_loop3A_1002 = arith.constant 384 : i32
        %parallel_loop3A_1003 = vector.broadcast %parallel_loop3A_1002 : i32 to vector<16xi32>
        %parallel_loop3A_1004 = arith.addi %add3A_10, %parallel_loop3A_1003 : vector<16xi32>
        %parallel_loop3A_1005 = arith.constant 0 : i32
        %parallel_loop3A_1006 = arith.constant 0 : i32
        %parallel_loop3A_1007 = arith.constant 0 : i32
        %parallel_loop3A_1008 = tpu.memref_slice %arg6[%parallel_loop3A_1005, %parallel_loop3A_1006, %parallel_loop3A_1007] : memref<2x512x32xf32, #tpu.memory_space<vmem>> -> memref<1x512x32xf32, #tpu.memory_space<vmem>>
        %parallel_loop3A_1009 = tpu.memref_squeeze %parallel_loop3A_1008 : memref<1x512x32xf32, #tpu.memory_space<vmem>> -> memref<512x32xf32, #tpu.memory_space<vmem>>
        %parallel_loop3A_1010 = tpu.vector_load_idx %parallel_loop3A_1009[%parallel_loop3A_1004, %parallel_loop3A_536] : memref<512x32xf32, #tpu.memory_space<vmem>>[vector<16xi32>, vector<16xi32>], vector<16xf32>,
        %parallel_loop3A_1011 = arith.constant 0 : i32
        %parallel_loop3A_1012 = arith.constant 3 : i32
        %parallel_loop3A_1013 = arith.index_cast %parallel_loop3A_1011 : i32 to index
        %parallel_loop3A_1014 = arith.index_cast %parallel_loop3A_560 : i32 to index
        %parallel_loop3A_1015 = arith.index_cast %parallel_loop3A_1012 : i32 to index
        %parallel_loop3A_1016 = arith.index_cast %parallel_loop3A_576 : i32 to index
        %parallel_loop3A_1017 = arith.constant 16 : index
        %parallel_loop3A_1018 = tpu.vector_load %arg7[%parallel_loop3A_1013, %parallel_loop3A_1014, %parallel_loop3A_1015, %parallel_loop3A_1016, %parallel_loop3A_1017] {strides = array<i32>} : memref<2x4x4x8x128xf32, #tpu.memory_space<vmem>>, vector<16xf32>,
        tpu.vector_store %arg7[%parallel_loop3A_1013, %parallel_loop3A_1014, %parallel_loop3A_1015, %parallel_loop3A_1016, %parallel_loop3A_1017], %parallel_loop3A_1010 {strides = array<i32>} : memref<2x4x4x8x128xf32, #tpu.memory_space<vmem>>, vector<16xf32>,
        %parallel_loop3A_1019 = arith.constant 384 : i32
        %parallel_loop3A_1020 = vector.broadcast %parallel_loop3A_1019 : i32 to vector<16xi32>
        %parallel_loop3A_1021 = arith.addi %add3A_13, %parallel_loop3A_1020 : vector<16xi32>
        %parallel_loop3A_1022 = arith.constant 0 : i32
        %parallel_loop3A_1023 = arith.constant 0 : i32
        %parallel_loop3A_1024 = arith.constant 0 : i32
        %parallel_loop3A_1025 = tpu.memref_slice %arg6[%parallel_loop3A_1022, %parallel_loop3A_1023, %parallel_loop3A_1024] : memref<2x512x32xf32, #tpu.memory_space<vmem>> -> memref<1x512x32xf32, #tpu.memory_space<vmem>>
        %parallel_loop3A_1026 = tpu.memref_squeeze %parallel_loop3A_1025 : memref<1x512x32xf32, #tpu.memory_space<vmem>> -> memref<512x32xf32, #tpu.memory_space<vmem>>
        %parallel_loop3A_1027 = tpu.vector_load_idx %parallel_loop3A_1026[%parallel_loop3A_1021, %parallel_loop3A_536] : memref<512x32xf32, #tpu.memory_space<vmem>>[vector<16xi32>, vector<16xi32>], vector<16xf32>,
        %parallel_loop3A_1028 = arith.constant 0 : i32
        %parallel_loop3A_1029 = arith.constant 3 : i32
        %parallel_loop3A_1030 = arith.index_cast %parallel_loop3A_1028 : i32 to index
        %parallel_loop3A_1031 = arith.index_cast %parallel_loop3A_560 : i32 to index
        %parallel_loop3A_1032 = arith.index_cast %parallel_loop3A_1029 : i32 to index
        %parallel_loop3A_1033 = arith.index_cast %parallel_loop3A_576 : i32 to index
        %parallel_loop3A_1034 = arith.constant 32 : index
        %parallel_loop3A_1035 = tpu.vector_load %arg7[%parallel_loop3A_1030, %parallel_loop3A_1031, %parallel_loop3A_1032, %parallel_loop3A_1033, %parallel_loop3A_1034] {strides = array<i32>} : memref<2x4x4x8x128xf32, #tpu.memory_space<vmem>>, vector<16xf32>,
        tpu.vector_store %arg7[%parallel_loop3A_1030, %parallel_loop3A_1031, %parallel_loop3A_1032, %parallel_loop3A_1033, %parallel_loop3A_1034], %parallel_loop3A_1027 {strides = array<i32>} : memref<2x4x4x8x128xf32, #tpu.memory_space<vmem>>, vector<16xf32>,
        %parallel_loop3A_1036 = arith.constant 384 : i32
        %parallel_loop3A_1037 = vector.broadcast %parallel_loop3A_1036 : i32 to vector<16xi32>
        %parallel_loop3A_1038 = arith.addi %add3A_16, %parallel_loop3A_1037 : vector<16xi32>
        %parallel_loop3A_1039 = arith.constant 0 : i32
        %parallel_loop3A_1040 = arith.constant 0 : i32
        %parallel_loop3A_1041 = arith.constant 0 : i32
        %parallel_loop3A_1042 = tpu.memref_slice %arg6[%parallel_loop3A_1039, %parallel_loop3A_1040, %parallel_loop3A_1041] : memref<2x512x32xf32, #tpu.memory_space<vmem>> -> memref<1x512x32xf32, #tpu.memory_space<vmem>>
        %parallel_loop3A_1043 = tpu.memref_squeeze %parallel_loop3A_1042 : memref<1x512x32xf32, #tpu.memory_space<vmem>> -> memref<512x32xf32, #tpu.memory_space<vmem>>
        %parallel_loop3A_1044 = tpu.vector_load_idx %parallel_loop3A_1043[%parallel_loop3A_1038, %parallel_loop3A_536] : memref<512x32xf32, #tpu.memory_space<vmem>>[vector<16xi32>, vector<16xi32>], vector<16xf32>,
        %parallel_loop3A_1045 = arith.constant 0 : i32
        %parallel_loop3A_1046 = arith.constant 3 : i32
        %parallel_loop3A_1047 = arith.index_cast %parallel_loop3A_1045 : i32 to index
        %parallel_loop3A_1048 = arith.index_cast %parallel_loop3A_560 : i32 to index
        %parallel_loop3A_1049 = arith.index_cast %parallel_loop3A_1046 : i32 to index
        %parallel_loop3A_1050 = arith.index_cast %parallel_loop3A_576 : i32 to index
        %parallel_loop3A_1051 = arith.constant 48 : index
        %parallel_loop3A_1052 = tpu.vector_load %arg7[%parallel_loop3A_1047, %parallel_loop3A_1048, %parallel_loop3A_1049, %parallel_loop3A_1050, %parallel_loop3A_1051] {strides = array<i32>} : memref<2x4x4x8x128xf32, #tpu.memory_space<vmem>>, vector<16xf32>,
        tpu.vector_store %arg7[%parallel_loop3A_1047, %parallel_loop3A_1048, %parallel_loop3A_1049, %parallel_loop3A_1050, %parallel_loop3A_1051], %parallel_loop3A_1044 {strides = array<i32>} : memref<2x4x4x8x128xf32, #tpu.memory_space<vmem>>, vector<16xf32>,
        %parallel_loop3A_1053 = arith.constant 384 : i32
        %parallel_loop3A_1054 = vector.broadcast %parallel_loop3A_1053 : i32 to vector<16xi32>
        %parallel_loop3A_1055 = arith.addi %add3A_19, %parallel_loop3A_1054 : vector<16xi32>
        %parallel_loop3A_1056 = arith.constant 0 : i32
        %parallel_loop3A_1057 = arith.constant 0 : i32
        %parallel_loop3A_1058 = arith.constant 0 : i32
        %parallel_loop3A_1059 = tpu.memref_slice %arg6[%parallel_loop3A_1056, %parallel_loop3A_1057, %parallel_loop3A_1058] : memref<2x512x32xf32, #tpu.memory_space<vmem>> -> memref<1x512x32xf32, #tpu.memory_space<vmem>>
        %parallel_loop3A_1060 = tpu.memref_squeeze %parallel_loop3A_1059 : memref<1x512x32xf32, #tpu.memory_space<vmem>> -> memref<512x32xf32, #tpu.memory_space<vmem>>
        %parallel_loop3A_1061 = tpu.vector_load_idx %parallel_loop3A_1060[%parallel_loop3A_1055, %parallel_loop3A_536] : memref<512x32xf32, #tpu.memory_space<vmem>>[vector<16xi32>, vector<16xi32>], vector<16xf32>,
        %parallel_loop3A_1062 = arith.constant 0 : i32
        %parallel_loop3A_1063 = arith.constant 3 : i32
        %parallel_loop3A_1064 = arith.index_cast %parallel_loop3A_1062 : i32 to index
        %parallel_loop3A_1065 = arith.index_cast %parallel_loop3A_560 : i32 to index
        %parallel_loop3A_1066 = arith.index_cast %parallel_loop3A_1063 : i32 to index
        %parallel_loop3A_1067 = arith.index_cast %parallel_loop3A_576 : i32 to index
        %parallel_loop3A_1068 = arith.constant 64 : index
        %parallel_loop3A_1069 = tpu.vector_load %arg7[%parallel_loop3A_1064, %parallel_loop3A_1065, %parallel_loop3A_1066, %parallel_loop3A_1067, %parallel_loop3A_1068] {strides = array<i32>} : memref<2x4x4x8x128xf32, #tpu.memory_space<vmem>>, vector<16xf32>,
        tpu.vector_store %arg7[%parallel_loop3A_1064, %parallel_loop3A_1065, %parallel_loop3A_1066, %parallel_loop3A_1067, %parallel_loop3A_1068], %parallel_loop3A_1061 {strides = array<i32>} : memref<2x4x4x8x128xf32, #tpu.memory_space<vmem>>, vector<16xf32>,
        %parallel_loop3A_1070 = arith.constant 384 : i32
        %parallel_loop3A_1071 = vector.broadcast %parallel_loop3A_1070 : i32 to vector<16xi32>
        %parallel_loop3A_1072 = arith.addi %add3A_22, %parallel_loop3A_1071 : vector<16xi32>
        %parallel_loop3A_1073 = arith.constant 0 : i32
        %parallel_loop3A_1074 = arith.constant 0 : i32
        %parallel_loop3A_1075 = arith.constant 0 : i32
        %parallel_loop3A_1076 = tpu.memref_slice %arg6[%parallel_loop3A_1073, %parallel_loop3A_1074, %parallel_loop3A_1075] : memref<2x512x32xf32, #tpu.memory_space<vmem>> -> memref<1x512x32xf32, #tpu.memory_space<vmem>>
        %parallel_loop3A_1077 = tpu.memref_squeeze %parallel_loop3A_1076 : memref<1x512x32xf32, #tpu.memory_space<vmem>> -> memref<512x32xf32, #tpu.memory_space<vmem>>
        %parallel_loop3A_1078 = tpu.vector_load_idx %parallel_loop3A_1077[%parallel_loop3A_1072, %parallel_loop3A_536] : memref<512x32xf32, #tpu.memory_space<vmem>>[vector<16xi32>, vector<16xi32>], vector<16xf32>,
        %parallel_loop3A_1079 = arith.constant 0 : i32
        %parallel_loop3A_1080 = arith.constant 3 : i32
        %parallel_loop3A_1081 = arith.index_cast %parallel_loop3A_1079 : i32 to index
        %parallel_loop3A_1082 = arith.index_cast %parallel_loop3A_560 : i32 to index
        %parallel_loop3A_1083 = arith.index_cast %parallel_loop3A_1080 : i32 to index
        %parallel_loop3A_1084 = arith.index_cast %parallel_loop3A_576 : i32 to index
        %parallel_loop3A_1085 = arith.constant 80 : index
        %parallel_loop3A_1086 = tpu.vector_load %arg7[%parallel_loop3A_1081, %parallel_loop3A_1082, %parallel_loop3A_1083, %parallel_loop3A_1084, %parallel_loop3A_1085] {strides = array<i32>} : memref<2x4x4x8x128xf32, #tpu.memory_space<vmem>>, vector<16xf32>,
        tpu.vector_store %arg7[%parallel_loop3A_1081, %parallel_loop3A_1082, %parallel_loop3A_1083, %parallel_loop3A_1084, %parallel_loop3A_1085], %parallel_loop3A_1078 {strides = array<i32>} : memref<2x4x4x8x128xf32, #tpu.memory_space<vmem>>, vector<16xf32>,
        %parallel_loop3A_1087 = arith.constant 384 : i32
        %parallel_loop3A_1088 = vector.broadcast %parallel_loop3A_1087 : i32 to vector<16xi32>
        %parallel_loop3A_1089 = arith.addi %add3A_25, %parallel_loop3A_1088 : vector<16xi32>
        %parallel_loop3A_1090 = arith.constant 0 : i32
        %parallel_loop3A_1091 = arith.constant 0 : i32
        %parallel_loop3A_1092 = arith.constant 0 : i32
        %parallel_loop3A_1093 = tpu.memref_slice %arg6[%parallel_loop3A_1090, %parallel_loop3A_1091, %parallel_loop3A_1092] : memref<2x512x32xf32, #tpu.memory_space<vmem>> -> memref<1x512x32xf32, #tpu.memory_space<vmem>>
        %parallel_loop3A_1094 = tpu.memref_squeeze %parallel_loop3A_1093 : memref<1x512x32xf32, #tpu.memory_space<vmem>> -> memref<512x32xf32, #tpu.memory_space<vmem>>
        %parallel_loop3A_1095 = tpu.vector_load_idx %parallel_loop3A_1094[%parallel_loop3A_1089, %parallel_loop3A_536] : memref<512x32xf32, #tpu.memory_space<vmem>>[vector<16xi32>, vector<16xi32>], vector<16xf32>,
        %parallel_loop3A_1096 = arith.constant 0 : i32
        %parallel_loop3A_1097 = arith.constant 3 : i32
        %parallel_loop3A_1098 = arith.index_cast %parallel_loop3A_1096 : i32 to index
        %parallel_loop3A_1099 = arith.index_cast %parallel_loop3A_560 : i32 to index
        %parallel_loop3A_1100 = arith.index_cast %parallel_loop3A_1097 : i32 to index
        %parallel_loop3A_1101 = arith.index_cast %parallel_loop3A_576 : i32 to index
        %parallel_loop3A_1102 = arith.constant 96 : index
        %parallel_loop3A_1103 = tpu.vector_load %arg7[%parallel_loop3A_1098, %parallel_loop3A_1099, %parallel_loop3A_1100, %parallel_loop3A_1101, %parallel_loop3A_1102] {strides = array<i32>} : memref<2x4x4x8x128xf32, #tpu.memory_space<vmem>>, vector<16xf32>,
        tpu.vector_store %arg7[%parallel_loop3A_1098, %parallel_loop3A_1099, %parallel_loop3A_1100, %parallel_loop3A_1101, %parallel_loop3A_1102], %parallel_loop3A_1095 {strides = array<i32>} : memref<2x4x4x8x128xf32, #tpu.memory_space<vmem>>, vector<16xf32>,
        %parallel_loop3A_1104 = arith.constant 384 : i32
        %parallel_loop3A_1105 = vector.broadcast %parallel_loop3A_1104 : i32 to vector<16xi32>
        %parallel_loop3A_1106 = arith.addi %add3A_28, %parallel_loop3A_1105 : vector<16xi32>
        %parallel_loop3A_1107 = arith.constant 0 : i32
        %parallel_loop3A_1108 = arith.constant 0 : i32
        %parallel_loop3A_1109 = arith.constant 0 : i32
        %parallel_loop3A_1110 = tpu.memref_slice %arg6[%parallel_loop3A_1107, %parallel_loop3A_1108, %parallel_loop3A_1109] : memref<2x512x32xf32, #tpu.memory_space<vmem>> -> memref<1x512x32xf32, #tpu.memory_space<vmem>>
        %parallel_loop3A_1111 = tpu.memref_squeeze %parallel_loop3A_1110 : memref<1x512x32xf32, #tpu.memory_space<vmem>> -> memref<512x32xf32, #tpu.memory_space<vmem>>
        %parallel_loop3A_1112 = tpu.vector_load_idx %parallel_loop3A_1111[%parallel_loop3A_1106, %parallel_loop3A_536] : memref<512x32xf32, #tpu.memory_space<vmem>>[vector<16xi32>, vector<16xi32>], vector<16xf32>,
        %parallel_loop3A_1113 = arith.constant 0 : i32
        %parallel_loop3A_1114 = arith.constant 3 : i32
        %parallel_loop3A_1115 = arith.index_cast %parallel_loop3A_1113 : i32 to index
        %parallel_loop3A_1116 = arith.index_cast %parallel_loop3A_560 : i32 to index
        %parallel_loop3A_1117 = arith.index_cast %parallel_loop3A_1114 : i32 to index
        %parallel_loop3A_1118 = arith.index_cast %parallel_loop3A_576 : i32 to index
        %parallel_loop3A_1119 = arith.constant 112 : index
        %parallel_loop3A_1120 = tpu.vector_load %arg7[%parallel_loop3A_1115, %parallel_loop3A_1116, %parallel_loop3A_1117, %parallel_loop3A_1118, %parallel_loop3A_1119] {strides = array<i32>} : memref<2x4x4x8x128xf32, #tpu.memory_space<vmem>>, vector<16xf32>,
        tpu.vector_store %arg7[%parallel_loop3A_1115, %parallel_loop3A_1116, %parallel_loop3A_1117, %parallel_loop3A_1118, %parallel_loop3A_1119], %parallel_loop3A_1112 {strides = array<i32>} : memref<2x4x4x8x128xf32, #tpu.memory_space<vmem>>, vector<16xf32>,
      } {sc.loop_unroll_factor = 4 : i64, sc.parallel_access}
      %dma_start3A_328 = arith.constant 0 : i32
      %dma_start3A_329 = arith.constant 0 : i32
      %dma_start3A_330 = arith.constant 0 : i32
      %dma_start3A_331 = arith.constant 0 : i32
      %dma_start3A_332 = arith.constant 0 : i32
      %dma_start3A_333 = arith.constant 0 : i32
      %dma_start3A_334 = tpu.memref_slice %arg7[%dma_start3A_328, %dma_start3A_329, %dma_start3A_331, %dma_start3A_332, %dma_start3A_333] : memref<2x4x4x8x128xf32, #tpu.memory_space<vmem>> -> memref<1x1x4x8x128xf32, #tpu.memory_space<vmem>>
      %dma_start3A_335 = tpu.memref_squeeze %dma_start3A_334 : memref<1x1x4x8x128xf32, #tpu.memory_space<vmem>> -> memref<4x8x128xf32, #tpu.memory_space<vmem>>
      %dma_start3A_336 = arith.constant 0 : i32
      %dma_start3A_337 = arith.constant 0 : i32
      %dma_start3A_338 = tpu.memref_slice %arg4[%add3A_308, %dma_start3A_330, %mul3A_2, %dma_start3A_336, %dma_start3A_337] : memref<50x4x128x8x128xf32, #tpu.memory_space<hbm>> -> memref<1x1x4x8x128xf32, #tpu.memory_space<hbm>>
      %dma_start3A_339 = tpu.memref_squeeze %dma_start3A_338 : memref<1x1x4x8x128xf32, #tpu.memory_space<hbm>> -> memref<4x8x128xf32, #tpu.memory_space<hbm>>
      %dma_start3A_340 = arith.constant 0 : i32
      %dma_start3A_341 = arith.constant 0 : i32
      %dma_start3A_342 = tpu.memref_slice %arg4[%add3A_308, %dma_start3A_330, %mul3A_2, %dma_start3A_340, %dma_start3A_341] : memref<50x4x128x8x128xf32, #tpu.memory_space<hbm>> -> memref<1x1x4x8x128xf32, #tpu.memory_space<hbm>>
      %dma_start3A_343 = tpu.memref_squeeze %dma_start3A_342 : memref<1x1x4x8x128xf32, #tpu.memory_space<hbm>> -> memref<4x8x128xf32, #tpu.memory_space<hbm>>
      %dma_start3A_344 = arith.constant 0 : i32
      %dma_start3A_345 = arith.constant 0 : i32
      %dma_start3A_346 = arith.constant 0 : i32
      %dma_start3A_347 = tpu.memref_slice %arg7[%dma_start3A_328, %dma_start3A_329, %dma_start3A_344, %dma_start3A_345, %dma_start3A_346] : memref<2x4x4x8x128xf32, #tpu.memory_space<vmem>> -> memref<1x1x4x8x128xf32, #tpu.memory_space<vmem>>
      %dma_start3A_348 = tpu.memref_squeeze %dma_start3A_347 : memref<1x1x4x8x128xf32, #tpu.memory_space<vmem>> -> memref<4x8x128xf32, #tpu.memory_space<vmem>>
      tpu.enqueue_dma source(%dma_start3A_348 : memref<4x8x128xf32, #tpu.memory_space<vmem>>) target(%dma_start3A_343 : memref<4x8x128xf32, #tpu.memory_space<hbm>>) target_semaphore(%arg10 : memref<!tpu.dma_semaphore, #tpu.memory_space<semaphore_mem>>)
      %dma_start3A_349 = arith.constant 0 : i32
      %dma_start3A_350 = arith.constant 1 : i32
      %dma_start3A_351 = arith.constant 1 : i32
      %dma_start3A_352 = arith.constant 0 : i32
      %dma_start3A_353 = arith.constant 0 : i32
      %dma_start3A_354 = arith.constant 0 : i32
      %dma_start3A_355 = tpu.memref_slice %arg7[%dma_start3A_349, %dma_start3A_350, %dma_start3A_352, %dma_start3A_353, %dma_start3A_354] : memref<2x4x4x8x128xf32, #tpu.memory_space<vmem>> -> memref<1x1x4x8x128xf32, #tpu.memory_space<vmem>>
      %dma_start3A_356 = tpu.memref_squeeze %dma_start3A_355 : memref<1x1x4x8x128xf32, #tpu.memory_space<vmem>> -> memref<4x8x128xf32, #tpu.memory_space<vmem>>
      %dma_start3A_357 = arith.constant 0 : i32
      %dma_start3A_358 = arith.constant 0 : i32
      %dma_start3A_359 = tpu.memref_slice %arg4[%add3A_308, %dma_start3A_351, %mul3A_2, %dma_start3A_357, %dma_start3A_358] : memref<50x4x128x8x128xf32, #tpu.memory_space<hbm>> -> memref<1x1x4x8x128xf32, #tpu.memory_space<hbm>>
      %dma_start3A_360 = tpu.memref_squeeze %dma_start3A_359 : memref<1x1x4x8x128xf32, #tpu.memory_space<hbm>> -> memref<4x8x128xf32, #tpu.memory_space<hbm>>
      %dma_start3A_361 = arith.constant 0 : i32
      %dma_start3A_362 = arith.constant 0 : i32
      %dma_start3A_363 = tpu.memref_slice %arg4[%add3A_308, %dma_start3A_351, %mul3A_2, %dma_start3A_361, %dma_start3A_362] : memref<50x4x128x8x128xf32, #tpu.memory_space<hbm>> -> memref<1x1x4x8x128xf32, #tpu.memory_space<hbm>>
      %dma_start3A_364 = tpu.memref_squeeze %dma_start3A_363 : memref<1x1x4x8x128xf32, #tpu.memory_space<hbm>> -> memref<4x8x128xf32, #tpu.memory_space<hbm>>
      %dma_start3A_365 = arith.constant 0 : i32
      %dma_start3A_366 = arith.constant 0 : i32
      %dma_start3A_367 = arith.constant 0 : i32
      %dma_start3A_368 = tpu.memref_slice %arg7[%dma_start3A_349, %dma_start3A_350, %dma_start3A_365, %dma_start3A_366, %dma_start3A_367] : memref<2x4x4x8x128xf32, #tpu.memory_space<vmem>> -> memref<1x1x4x8x128xf32, #tpu.memory_space<vmem>>
      %dma_start3A_369 = tpu.memref_squeeze %dma_start3A_368 : memref<1x1x4x8x128xf32, #tpu.memory_space<vmem>> -> memref<4x8x128xf32, #tpu.memory_space<vmem>>
      tpu.enqueue_dma source(%dma_start3A_369 : memref<4x8x128xf32, #tpu.memory_space<vmem>>) target(%dma_start3A_364 : memref<4x8x128xf32, #tpu.memory_space<hbm>>) target_semaphore(%arg10 : memref<!tpu.dma_semaphore, #tpu.memory_space<semaphore_mem>>)
      %dma_start3A_370 = arith.constant 0 : i32
      %dma_start3A_371 = arith.constant 2 : i32
      %dma_start3A_372 = arith.constant 2 : i32
      %dma_start3A_373 = arith.constant 0 : i32
      %dma_start3A_374 = arith.constant 0 : i32
      %dma_start3A_375 = arith.constant 0 : i32
      %dma_start3A_376 = tpu.memref_slice %arg7[%dma_start3A_370, %dma_start3A_371, %dma_start3A_373, %dma_start3A_374, %dma_start3A_375] : memref<2x4x4x8x128xf32, #tpu.memory_space<vmem>> -> memref<1x1x4x8x128xf32, #tpu.memory_space<vmem>>
      %dma_start3A_377 = tpu.memref_squeeze %dma_start3A_376 : memref<1x1x4x8x128xf32, #tpu.memory_space<vmem>> -> memref<4x8x128xf32, #tpu.memory_space<vmem>>
      %dma_start3A_378 = arith.constant 0 : i32
      %dma_start3A_379 = arith.constant 0 : i32
      %dma_start3A_380 = tpu.memref_slice %arg4[%add3A_308, %dma_start3A_372, %mul3A_2, %dma_start3A_378, %dma_start3A_379] : memref<50x4x128x8x128xf32, #tpu.memory_space<hbm>> -> memref<1x1x4x8x128xf32, #tpu.memory_space<hbm>>
      %dma_start3A_381 = tpu.memref_squeeze %dma_start3A_380 : memref<1x1x4x8x128xf32, #tpu.memory_space<hbm>> -> memref<4x8x128xf32, #tpu.memory_space<hbm>>
      %dma_start3A_382 = arith.constant 0 : i32
      %dma_start3A_383 = arith.constant 0 : i32
      %dma_start3A_384 = tpu.memref_slice %arg4[%add3A_308, %dma_start3A_372, %mul3A_2, %dma_start3A_382, %dma_start3A_383] : memref<50x4x128x8x128xf32, #tpu.memory_space<hbm>> -> memref<1x1x4x8x128xf32, #tpu.memory_space<hbm>>
      %dma_start3A_385 = tpu.memref_squeeze %dma_start3A_384 : memref<1x1x4x8x128xf32, #tpu.memory_space<hbm>> -> memref<4x8x128xf32, #tpu.memory_space<hbm>>
      %dma_start3A_386 = arith.constant 0 : i32
      %dma_start3A_387 = arith.constant 0 : i32
      %dma_start3A_388 = arith.constant 0 : i32
      %dma_start3A_389 = tpu.memref_slice %arg7[%dma_start3A_370, %dma_start3A_371, %dma_start3A_386, %dma_start3A_387, %dma_start3A_388] : memref<2x4x4x8x128xf32, #tpu.memory_space<vmem>> -> memref<1x1x4x8x128xf32, #tpu.memory_space<vmem>>
      %dma_start3A_390 = tpu.memref_squeeze %dma_start3A_389 : memref<1x1x4x8x128xf32, #tpu.memory_space<vmem>> -> memref<4x8x128xf32, #tpu.memory_space<vmem>>
      tpu.enqueue_dma source(%dma_start3A_390 : memref<4x8x128xf32, #tpu.memory_space<vmem>>) target(%dma_start3A_385 : memref<4x8x128xf32, #tpu.memory_space<hbm>>) target_semaphore(%arg10 : memref<!tpu.dma_semaphore, #tpu.memory_space<semaphore_mem>>)
      %dma_start3A_391 = arith.constant 0 : i32
      %dma_start3A_392 = arith.constant 3 : i32
      %dma_start3A_393 = arith.constant 3 : i32
      %dma_start3A_394 = arith.constant 0 : i32
      %dma_start3A_395 = arith.constant 0 : i32
      %dma_start3A_396 = arith.constant 0 : i32
      %dma_start3A_397 = tpu.memref_slice %arg7[%dma_start3A_391, %dma_start3A_392, %dma_start3A_394, %dma_start3A_395, %dma_start3A_396] : memref<2x4x4x8x128xf32, #tpu.memory_space<vmem>> -> memref<1x1x4x8x128xf32, #tpu.memory_space<vmem>>
      %dma_start3A_398 = tpu.memref_squeeze %dma_start3A_397 : memref<1x1x4x8x128xf32, #tpu.memory_space<vmem>> -> memref<4x8x128xf32, #tpu.memory_space<vmem>>
      %dma_start3A_399 = arith.constant 0 : i32
      %dma_start3A_400 = arith.constant 0 : i32
      %dma_start3A_401 = tpu.memref_slice %arg4[%add3A_308, %dma_start3A_393, %mul3A_2, %dma_start3A_399, %dma_start3A_400] : memref<50x4x128x8x128xf32, #tpu.memory_space<hbm>> -> memref<1x1x4x8x128xf32, #tpu.memory_space<hbm>>
      %dma_start3A_402 = tpu.memref_squeeze %dma_start3A_401 : memref<1x1x4x8x128xf32, #tpu.memory_space<hbm>> -> memref<4x8x128xf32, #tpu.memory_space<hbm>>
      %dma_start3A_403 = arith.constant 0 : i32
      %dma_start3A_404 = arith.constant 0 : i32
      %dma_start3A_405 = tpu.memref_slice %arg4[%add3A_308, %dma_start3A_393, %mul3A_2, %dma_start3A_403, %dma_start3A_404] : memref<50x4x128x8x128xf32, #tpu.memory_space<hbm>> -> memref<1x1x4x8x128xf32, #tpu.memory_space<hbm>>
      %dma_start3A_406 = tpu.memref_squeeze %dma_start3A_405 : memref<1x1x4x8x128xf32, #tpu.memory_space<hbm>> -> memref<4x8x128xf32, #tpu.memory_space<hbm>>
      %dma_start3A_407 = arith.constant 0 : i32
      %dma_start3A_408 = arith.constant 0 : i32
      %dma_start3A_409 = arith.constant 0 : i32
      %dma_start3A_410 = tpu.memref_slice %arg7[%dma_start3A_391, %dma_start3A_392, %dma_start3A_407, %dma_start3A_408, %dma_start3A_409] : memref<2x4x4x8x128xf32, #tpu.memory_space<vmem>> -> memref<1x1x4x8x128xf32, #tpu.memory_space<vmem>>
      %dma_start3A_411 = tpu.memref_squeeze %dma_start3A_410 : memref<1x1x4x8x128xf32, #tpu.memory_space<vmem>> -> memref<4x8x128xf32, #tpu.memory_space<vmem>>
      tpu.enqueue_dma source(%dma_start3A_411 : memref<4x8x128xf32, #tpu.memory_space<vmem>>) target(%dma_start3A_406 : memref<4x8x128xf32, #tpu.memory_space<hbm>>) target_semaphore(%arg10 : memref<!tpu.dma_semaphore, #tpu.memory_space<semaphore_mem>>)
      %lt3A = arith.constant 24 : i32
      %lt3A_412 = arith.cmpi slt, %scan3A_304, %lt3A : i32
      %convert_element_type3A_413 = arith.extui %lt3A_412 : i1 to i32
      %cond3A_414 = arith.constant 0 : i32
      %cond3A_415 = arith.cmpi ne, %convert_element_type3A_413, %cond3A_414 : i32
      scf.if %cond3A_415 {
        %add3A_532 = arith.constant 2 : i32
        %add3A_533 = arith.addi %add3A_308, %add3A_532 : i32
        %dma_start3A_534 = arith.constant 0 : i32
        %dma_start3A_535 = arith.constant 0 : i32
        %dma_start3A_536 = arith.constant 0 : i32
        %dma_start3A_537 = tpu.memref_slice %arg6[%dma_start3A_534, %dma_start3A_535, %dma_start3A_536] : memref<2x512x32xf32, #tpu.memory_space<vmem>> -> memref<1x128x32xf32, #tpu.memory_space<vmem>>
        %dma_start3A_538 = tpu.memref_squeeze %dma_start3A_537 : memref<1x128x32xf32, #tpu.memory_space<vmem>> -> memref<128x32xf32, #tpu.memory_space<vmem>>
        %dma_start3A_539 = arith.constant 0 : i32
        %dma_start3A_540 = tpu.memref_slice %arg5[%add3A_533, %dma_start3A_539] : memref<50x512xi32, #tpu.memory_space<vmem>> -> memref<1x128xi32, #tpu.memory_space<vmem>>
        %dma_start3A_541 = tpu.memref_squeeze %dma_start3A_540 : memref<1x128xi32, #tpu.memory_space<vmem>> -> memref<128xi32, #tpu.memory_space<vmem>>
        %dma_start3A_542 = arith.constant 0 : i32
        %dma_start3A_543 = arith.constant 0 : i32
        %dma_start3A_544 = tpu.memref_slice %arg3[%dma_start3A_542, %dma_start3A_543] : memref<1000000x32xf32, #tpu.memory_space<hbm>> -> memref<1000000x32xf32, #tpu.memory_space<hbm>>
        tpu.enqueue_indirect_dma source(%dma_start3A_544 : memref<1000000x32xf32, #tpu.memory_space<hbm>>) target(%dma_start3A_538 : memref<128x32xf32, #tpu.memory_space<vmem>>) offsets(%dma_start3A_541 : memref<128xi32, #tpu.memory_space<vmem>>) semaphore(%arg8 : memref<!tpu.dma_semaphore, #tpu.memory_space<semaphore_mem>>)
        %dma_start3A_545 = arith.constant 0 : i32
        %dma_start3A_546 = arith.constant 128 : i32
        %dma_start3A_547 = arith.constant 0 : i32
        %dma_start3A_548 = tpu.memref_slice %arg6[%dma_start3A_545, %dma_start3A_546, %dma_start3A_547] : memref<2x512x32xf32, #tpu.memory_space<vmem>> -> memref<1x128x32xf32, #tpu.memory_space<vmem>>
        %dma_start3A_549 = tpu.memref_squeeze %dma_start3A_548 : memref<1x128x32xf32, #tpu.memory_space<vmem>> -> memref<128x32xf32, #tpu.memory_space<vmem>>
        %dma_start3A_550 = arith.constant 128 : i32
        %dma_start3A_551 = tpu.memref_slice %arg5[%add3A_533, %dma_start3A_550] : memref<50x512xi32, #tpu.memory_space<vmem>> -> memref<1x128xi32, #tpu.memory_space<vmem>>
        %dma_start3A_552 = tpu.memref_squeeze %dma_start3A_551 : memref<1x128xi32, #tpu.memory_space<vmem>> -> memref<128xi32, #tpu.memory_space<vmem>>
        %dma_start3A_553 = arith.constant 0 : i32
        %dma_start3A_554 = arith.constant 0 : i32
        %dma_start3A_555 = tpu.memref_slice %arg3[%dma_start3A_553, %dma_start3A_554] : memref<1000000x32xf32, #tpu.memory_space<hbm>> -> memref<1000000x32xf32, #tpu.memory_space<hbm>>
        tpu.enqueue_indirect_dma source(%dma_start3A_555 : memref<1000000x32xf32, #tpu.memory_space<hbm>>) target(%dma_start3A_549 : memref<128x32xf32, #tpu.memory_space<vmem>>) offsets(%dma_start3A_552 : memref<128xi32, #tpu.memory_space<vmem>>) semaphore(%arg8 : memref<!tpu.dma_semaphore, #tpu.memory_space<semaphore_mem>>)
        %dma_start3A_556 = arith.constant 0 : i32
        %dma_start3A_557 = arith.constant 256 : i32
        %dma_start3A_558 = arith.constant 0 : i32
        %dma_start3A_559 = tpu.memref_slice %arg6[%dma_start3A_556, %dma_start3A_557, %dma_start3A_558] : memref<2x512x32xf32, #tpu.memory_space<vmem>> -> memref<1x128x32xf32, #tpu.memory_space<vmem>>
        %dma_start3A_560 = tpu.memref_squeeze %dma_start3A_559 : memref<1x128x32xf32, #tpu.memory_space<vmem>> -> memref<128x32xf32, #tpu.memory_space<vmem>>
        %dma_start3A_561 = arith.constant 256 : i32
        %dma_start3A_562 = tpu.memref_slice %arg5[%add3A_533, %dma_start3A_561] : memref<50x512xi32, #tpu.memory_space<vmem>> -> memref<1x128xi32, #tpu.memory_space<vmem>>
        %dma_start3A_563 = tpu.memref_squeeze %dma_start3A_562 : memref<1x128xi32, #tpu.memory_space<vmem>> -> memref<128xi32, #tpu.memory_space<vmem>>
        %dma_start3A_564 = arith.constant 0 : i32
        %dma_start3A_565 = arith.constant 0 : i32
        %dma_start3A_566 = tpu.memref_slice %arg3[%dma_start3A_564, %dma_start3A_565] : memref<1000000x32xf32, #tpu.memory_space<hbm>> -> memref<1000000x32xf32, #tpu.memory_space<hbm>>
        tpu.enqueue_indirect_dma source(%dma_start3A_566 : memref<1000000x32xf32, #tpu.memory_space<hbm>>) target(%dma_start3A_560 : memref<128x32xf32, #tpu.memory_space<vmem>>) offsets(%dma_start3A_563 : memref<128xi32, #tpu.memory_space<vmem>>) semaphore(%arg8 : memref<!tpu.dma_semaphore, #tpu.memory_space<semaphore_mem>>)
        %dma_start3A_567 = arith.constant 0 : i32
        %dma_start3A_568 = arith.constant 384 : i32
        %dma_start3A_569 = arith.constant 0 : i32
        %dma_start3A_570 = tpu.memref_slice %arg6[%dma_start3A_567, %dma_start3A_568, %dma_start3A_569] : memref<2x512x32xf32, #tpu.memory_space<vmem>> -> memref<1x128x32xf32, #tpu.memory_space<vmem>>
        %dma_start3A_571 = tpu.memref_squeeze %dma_start3A_570 : memref<1x128x32xf32, #tpu.memory_space<vmem>> -> memref<128x32xf32, #tpu.memory_space<vmem>>
        %dma_start3A_572 = arith.constant 384 : i32
        %dma_start3A_573 = tpu.memref_slice %arg5[%add3A_533, %dma_start3A_572] : memref<50x512xi32, #tpu.memory_space<vmem>> -> memref<1x128xi32, #tpu.memory_space<vmem>>
        %dma_start3A_574 = tpu.memref_squeeze %dma_start3A_573 : memref<1x128xi32, #tpu.memory_space<vmem>> -> memref<128xi32, #tpu.memory_space<vmem>>
        %dma_start3A_575 = arith.constant 0 : i32
        %dma_start3A_576 = arith.constant 0 : i32
        %dma_start3A_577 = tpu.memref_slice %arg3[%dma_start3A_575, %dma_start3A_576] : memref<1000000x32xf32, #tpu.memory_space<hbm>> -> memref<1000000x32xf32, #tpu.memory_space<hbm>>
        tpu.enqueue_indirect_dma source(%dma_start3A_577 : memref<1000000x32xf32, #tpu.memory_space<hbm>>) target(%dma_start3A_571 : memref<128x32xf32, #tpu.memory_space<vmem>>) offsets(%dma_start3A_574 : memref<128xi32, #tpu.memory_space<vmem>>) semaphore(%arg8 : memref<!tpu.dma_semaphore, #tpu.memory_space<semaphore_mem>>)
      } else {
      }
      %mul3A_416 = arith.constant 2 : i32
      %mul3A_417 = arith.muli %scan3A_304, %mul3A_416 : i32
      %add3A_418 = arith.constant 1 : i32
      %add3A_419 = arith.addi %mul3A_417, %add3A_418 : i32
      %dma_wait3A_420 = arith.constant 1 : i32
      %dma_wait3A_421 = arith.constant 0 : i32
      %dma_wait3A_422 = arith.constant 0 : i32
      %dma_wait3A_423 = tpu.memref_slice %arg6[%dma_wait3A_420, %dma_wait3A_421, %dma_wait3A_422] : memref<2x512x32xf32, #tpu.memory_space<vmem>> -> memref<1x512x32xf32, #tpu.memory_space<vmem>>
      %dma_wait3A_424 = tpu.memref_squeeze %dma_wait3A_423 : memref<1x512x32xf32, #tpu.memory_space<vmem>> -> memref<512x32xf32, #tpu.memory_space<vmem>>
      %dma_wait3A_425 = arith.constant 0 : i32
      %dma_wait3A_426 = arith.constant 0 : i32
      %dma_wait3A_427 = tpu.memref_slice %arg3[%dma_wait3A_425, %dma_wait3A_426] : memref<1000000x32xf32, #tpu.memory_space<hbm>> -> memref<512x32xf32, #tpu.memory_space<hbm>>
      %dma_wait3A_428 = arith.constant 0 : i32
      %dma_wait3A_429 = arith.constant 0 : i32
      %dma_wait3A_430 = tpu.memref_slice %arg6[%dma_wait3A_420, %dma_wait3A_428, %dma_wait3A_429] : memref<2x512x32xf32, #tpu.memory_space<vmem>> -> memref<1x512x32xf32, #tpu.memory_space<vmem>>
      %dma_wait3A_431 = tpu.memref_squeeze %dma_wait3A_430 : memref<1x512x32xf32, #tpu.memory_space<vmem>> -> memref<512x32xf32, #tpu.memory_space<vmem>>
      %dma_wait3A_432 = arith.constant 0 : i32
      %dma_wait3A_433 = arith.constant 0 : i32
      %dma_wait3A_434 = tpu.memref_slice %arg3[%dma_wait3A_432, %dma_wait3A_433] : memref<1000000x32xf32, #tpu.memory_space<hbm>> -> memref<512x32xf32, #tpu.memory_space<hbm>>
      tpu.wait_dma2 semaphore(%arg9 : memref<!tpu.dma_semaphore, #tpu.memory_space<semaphore_mem>>) src(%dma_wait3A_434 : memref<512x32xf32, #tpu.memory_space<hbm>>) dst(%dma_wait3A_431 : memref<512x32xf32, #tpu.memory_space<vmem>>)
      %ge3A_435 = arith.constant 1 : i32
      %ge3A_436 = arith.cmpi sge, %scan3A_304, %ge3A_435 : i32
      %convert_element_type3A_437 = arith.extui %ge3A_436 : i1 to i32
      %cond3A_438 = arith.constant 0 : i32
      %cond3A_439 = arith.cmpi ne, %convert_element_type3A_437, %cond3A_438 : i32
      scf.if %cond3A_439 {
        %dma_wait3A_532 = arith.constant 1 : i32
        %dma_wait3A_533 = arith.constant 0 : i32
        %dma_wait3A_534 = arith.constant 0 : i32
        %dma_wait3A_535 = arith.constant 0 : i32
        %dma_wait3A_536 = arith.constant 0 : i32
        %dma_wait3A_537 = arith.constant 0 : i32
        %dma_wait3A_538 = arith.constant 0 : i32
        %dma_wait3A_539 = tpu.memref_slice %arg7[%dma_wait3A_532, %dma_wait3A_533, %dma_wait3A_536, %dma_wait3A_537, %dma_wait3A_538] : memref<2x4x4x8x128xf32, #tpu.memory_space<vmem>> -> memref<1x1x4x8x128xf32, #tpu.memory_space<vmem>>
        %dma_wait3A_540 = tpu.memref_squeeze %dma_wait3A_539 : memref<1x1x4x8x128xf32, #tpu.memory_space<vmem>> -> memref<4x8x128xf32, #tpu.memory_space<vmem>>
        %dma_wait3A_541 = arith.constant 0 : i32
        %dma_wait3A_542 = arith.constant 0 : i32
        %dma_wait3A_543 = tpu.memref_slice %arg4[%dma_wait3A_534, %dma_wait3A_535, %mul3A_2, %dma_wait3A_541, %dma_wait3A_542] : memref<50x4x128x8x128xf32, #tpu.memory_space<hbm>> -> memref<1x1x4x8x128xf32, #tpu.memory_space<hbm>>
        %dma_wait3A_544 = tpu.memref_squeeze %dma_wait3A_543 : memref<1x1x4x8x128xf32, #tpu.memory_space<hbm>> -> memref<4x8x128xf32, #tpu.memory_space<hbm>>
        %dma_wait3A_545 = arith.constant 0 : i32
        %dma_wait3A_546 = arith.constant 0 : i32
        %dma_wait3A_547 = tpu.memref_slice %arg4[%dma_wait3A_534, %dma_wait3A_535, %mul3A_2, %dma_wait3A_545, %dma_wait3A_546] : memref<50x4x128x8x128xf32, #tpu.memory_space<hbm>> -> memref<1x1x4x8x128xf32, #tpu.memory_space<hbm>>
        %dma_wait3A_548 = tpu.memref_squeeze %dma_wait3A_547 : memref<1x1x4x8x128xf32, #tpu.memory_space<hbm>> -> memref<4x8x128xf32, #tpu.memory_space<hbm>>
        %dma_wait3A_549 = arith.constant 0 : i32
        %dma_wait3A_550 = arith.constant 0 : i32
        %dma_wait3A_551 = arith.constant 0 : i32
        %dma_wait3A_552 = tpu.memref_slice %arg7[%dma_wait3A_532, %dma_wait3A_533, %dma_wait3A_549, %dma_wait3A_550, %dma_wait3A_551] : memref<2x4x4x8x128xf32, #tpu.memory_space<vmem>> -> memref<1x1x4x8x128xf32, #tpu.memory_space<vmem>>
        %dma_wait3A_553 = tpu.memref_squeeze %dma_wait3A_552 : memref<1x1x4x8x128xf32, #tpu.memory_space<vmem>> -> memref<4x8x128xf32, #tpu.memory_space<vmem>>
        tpu.wait_dma2 semaphore(%arg11 : memref<!tpu.dma_semaphore, #tpu.memory_space<semaphore_mem>>) src(%dma_wait3A_553 : memref<4x8x128xf32, #tpu.memory_space<vmem>>) dst(%dma_wait3A_548 : memref<4x8x128xf32, #tpu.memory_space<hbm>>)
        %dma_wait3A_554 = arith.constant 1 : i32
        %dma_wait3A_555 = arith.constant 1 : i32
        %dma_wait3A_556 = arith.constant 0 : i32
        %dma_wait3A_557 = arith.constant 1 : i32
        %dma_wait3A_558 = arith.constant 0 : i32
        %dma_wait3A_559 = arith.constant 0 : i32
        %dma_wait3A_560 = arith.constant 0 : i32
        %dma_wait3A_561 = tpu.memref_slice %arg7[%dma_wait3A_554, %dma_wait3A_555, %dma_wait3A_558, %dma_wait3A_559, %dma_wait3A_560] : memref<2x4x4x8x128xf32, #tpu.memory_space<vmem>> -> memref<1x1x4x8x128xf32, #tpu.memory_space<vmem>>
        %dma_wait3A_562 = tpu.memref_squeeze %dma_wait3A_561 : memref<1x1x4x8x128xf32, #tpu.memory_space<vmem>> -> memref<4x8x128xf32, #tpu.memory_space<vmem>>
        %dma_wait3A_563 = arith.constant 0 : i32
        %dma_wait3A_564 = arith.constant 0 : i32
        %dma_wait3A_565 = tpu.memref_slice %arg4[%dma_wait3A_556, %dma_wait3A_557, %mul3A_2, %dma_wait3A_563, %dma_wait3A_564] : memref<50x4x128x8x128xf32, #tpu.memory_space<hbm>> -> memref<1x1x4x8x128xf32, #tpu.memory_space<hbm>>
        %dma_wait3A_566 = tpu.memref_squeeze %dma_wait3A_565 : memref<1x1x4x8x128xf32, #tpu.memory_space<hbm>> -> memref<4x8x128xf32, #tpu.memory_space<hbm>>
        %dma_wait3A_567 = arith.constant 0 : i32
        %dma_wait3A_568 = arith.constant 0 : i32
        %dma_wait3A_569 = tpu.memref_slice %arg4[%dma_wait3A_556, %dma_wait3A_557, %mul3A_2, %dma_wait3A_567, %dma_wait3A_568] : memref<50x4x128x8x128xf32, #tpu.memory_space<hbm>> -> memref<1x1x4x8x128xf32, #tpu.memory_space<hbm>>
        %dma_wait3A_570 = tpu.memref_squeeze %dma_wait3A_569 : memref<1x1x4x8x128xf32, #tpu.memory_space<hbm>> -> memref<4x8x128xf32, #tpu.memory_space<hbm>>
        %dma_wait3A_571 = arith.constant 0 : i32
        %dma_wait3A_572 = arith.constant 0 : i32
        %dma_wait3A_573 = arith.constant 0 : i32
        %dma_wait3A_574 = tpu.memref_slice %arg7[%dma_wait3A_554, %dma_wait3A_555, %dma_wait3A_571, %dma_wait3A_572, %dma_wait3A_573] : memref<2x4x4x8x128xf32, #tpu.memory_space<vmem>> -> memref<1x1x4x8x128xf32, #tpu.memory_space<vmem>>
        %dma_wait3A_575 = tpu.memref_squeeze %dma_wait3A_574 : memref<1x1x4x8x128xf32, #tpu.memory_space<vmem>> -> memref<4x8x128xf32, #tpu.memory_space<vmem>>
        tpu.wait_dma2 semaphore(%arg11 : memref<!tpu.dma_semaphore, #tpu.memory_space<semaphore_mem>>) src(%dma_wait3A_575 : memref<4x8x128xf32, #tpu.memory_space<vmem>>) dst(%dma_wait3A_570 : memref<4x8x128xf32, #tpu.memory_space<hbm>>)
        %dma_wait3A_576 = arith.constant 1 : i32
        %dma_wait3A_577 = arith.constant 2 : i32
        %dma_wait3A_578 = arith.constant 0 : i32
        %dma_wait3A_579 = arith.constant 2 : i32
        %dma_wait3A_580 = arith.constant 0 : i32
        %dma_wait3A_581 = arith.constant 0 : i32
        %dma_wait3A_582 = arith.constant 0 : i32
        %dma_wait3A_583 = tpu.memref_slice %arg7[%dma_wait3A_576, %dma_wait3A_577, %dma_wait3A_580, %dma_wait3A_581, %dma_wait3A_582] : memref<2x4x4x8x128xf32, #tpu.memory_space<vmem>> -> memref<1x1x4x8x128xf32, #tpu.memory_space<vmem>>
        %dma_wait3A_584 = tpu.memref_squeeze %dma_wait3A_583 : memref<1x1x4x8x128xf32, #tpu.memory_space<vmem>> -> memref<4x8x128xf32, #tpu.memory_space<vmem>>
        %dma_wait3A_585 = arith.constant 0 : i32
        %dma_wait3A_586 = arith.constant 0 : i32
        %dma_wait3A_587 = tpu.memref_slice %arg4[%dma_wait3A_578, %dma_wait3A_579, %mul3A_2, %dma_wait3A_585, %dma_wait3A_586] : memref<50x4x128x8x128xf32, #tpu.memory_space<hbm>> -> memref<1x1x4x8x128xf32, #tpu.memory_space<hbm>>
        %dma_wait3A_588 = tpu.memref_squeeze %dma_wait3A_587 : memref<1x1x4x8x128xf32, #tpu.memory_space<hbm>> -> memref<4x8x128xf32, #tpu.memory_space<hbm>>
        %dma_wait3A_589 = arith.constant 0 : i32
        %dma_wait3A_590 = arith.constant 0 : i32
        %dma_wait3A_591 = tpu.memref_slice %arg4[%dma_wait3A_578, %dma_wait3A_579, %mul3A_2, %dma_wait3A_589, %dma_wait3A_590] : memref<50x4x128x8x128xf32, #tpu.memory_space<hbm>> -> memref<1x1x4x8x128xf32, #tpu.memory_space<hbm>>
        %dma_wait3A_592 = tpu.memref_squeeze %dma_wait3A_591 : memref<1x1x4x8x128xf32, #tpu.memory_space<hbm>> -> memref<4x8x128xf32, #tpu.memory_space<hbm>>
        %dma_wait3A_593 = arith.constant 0 : i32
        %dma_wait3A_594 = arith.constant 0 : i32
        %dma_wait3A_595 = arith.constant 0 : i32
        %dma_wait3A_596 = tpu.memref_slice %arg7[%dma_wait3A_576, %dma_wait3A_577, %dma_wait3A_593, %dma_wait3A_594, %dma_wait3A_595] : memref<2x4x4x8x128xf32, #tpu.memory_space<vmem>> -> memref<1x1x4x8x128xf32, #tpu.memory_space<vmem>>
        %dma_wait3A_597 = tpu.memref_squeeze %dma_wait3A_596 : memref<1x1x4x8x128xf32, #tpu.memory_space<vmem>> -> memref<4x8x128xf32, #tpu.memory_space<vmem>>
        tpu.wait_dma2 semaphore(%arg11 : memref<!tpu.dma_semaphore, #tpu.memory_space<semaphore_mem>>) src(%dma_wait3A_597 : memref<4x8x128xf32, #tpu.memory_space<vmem>>) dst(%dma_wait3A_592 : memref<4x8x128xf32, #tpu.memory_space<hbm>>)
        %dma_wait3A_598 = arith.constant 1 : i32
        %dma_wait3A_599 = arith.constant 3 : i32
        %dma_wait3A_600 = arith.constant 0 : i32
        %dma_wait3A_601 = arith.constant 3 : i32
        %dma_wait3A_602 = arith.constant 0 : i32
        %dma_wait3A_603 = arith.constant 0 : i32
        %dma_wait3A_604 = arith.constant 0 : i32
        %dma_wait3A_605 = tpu.memref_slice %arg7[%dma_wait3A_598, %dma_wait3A_599, %dma_wait3A_602, %dma_wait3A_603, %dma_wait3A_604] : memref<2x4x4x8x128xf32, #tpu.memory_space<vmem>> -> memref<1x1x4x8x128xf32, #tpu.memory_space<vmem>>
        %dma_wait3A_606 = tpu.memref_squeeze %dma_wait3A_605 : memref<1x1x4x8x128xf32, #tpu.memory_space<vmem>> -> memref<4x8x128xf32, #tpu.memory_space<vmem>>
        %dma_wait3A_607 = arith.constant 0 : i32
        %dma_wait3A_608 = arith.constant 0 : i32
        %dma_wait3A_609 = tpu.memref_slice %arg4[%dma_wait3A_600, %dma_wait3A_601, %mul3A_2, %dma_wait3A_607, %dma_wait3A_608] : memref<50x4x128x8x128xf32, #tpu.memory_space<hbm>> -> memref<1x1x4x8x128xf32, #tpu.memory_space<hbm>>
        %dma_wait3A_610 = tpu.memref_squeeze %dma_wait3A_609 : memref<1x1x4x8x128xf32, #tpu.memory_space<hbm>> -> memref<4x8x128xf32, #tpu.memory_space<hbm>>
        %dma_wait3A_611 = arith.constant 0 : i32
        %dma_wait3A_612 = arith.constant 0 : i32
        %dma_wait3A_613 = tpu.memref_slice %arg4[%dma_wait3A_600, %dma_wait3A_601, %mul3A_2, %dma_wait3A_611, %dma_wait3A_612] : memref<50x4x128x8x128xf32, #tpu.memory_space<hbm>> -> memref<1x1x4x8x128xf32, #tpu.memory_space<hbm>>
        %dma_wait3A_614 = tpu.memref_squeeze %dma_wait3A_613 : memref<1x1x4x8x128xf32, #tpu.memory_space<hbm>> -> memref<4x8x128xf32, #tpu.memory_space<hbm>>
        %dma_wait3A_615 = arith.constant 0 : i32
        %dma_wait3A_616 = arith.constant 0 : i32
        %dma_wait3A_617 = arith.constant 0 : i32
        %dma_wait3A_618 = tpu.memref_slice %arg7[%dma_wait3A_598, %dma_wait3A_599, %dma_wait3A_615, %dma_wait3A_616, %dma_wait3A_617] : memref<2x4x4x8x128xf32, #tpu.memory_space<vmem>> -> memref<1x1x4x8x128xf32, #tpu.memory_space<vmem>>
        %dma_wait3A_619 = tpu.memref_squeeze %dma_wait3A_618 : memref<1x1x4x8x128xf32, #tpu.memory_space<vmem>> -> memref<4x8x128xf32, #tpu.memory_space<vmem>>
        tpu.wait_dma2 semaphore(%arg11 : memref<!tpu.dma_semaphore, #tpu.memory_space<semaphore_mem>>) src(%dma_wait3A_619 : memref<4x8x128xf32, #tpu.memory_space<vmem>>) dst(%dma_wait3A_614 : memref<4x8x128xf32, #tpu.memory_space<hbm>>)
      } else {
      }
      %parallel_loop3A_440 = arith.constant 0 : i32
      %parallel_loop3A_441 = arith.constant 32 : i32
      %parallel_loop3A_442 = arith.constant 1 : i32
      scf.for %parallel_loop3A_532 = %parallel_loop3A_440 to %parallel_loop3A_441 step %parallel_loop3A_442  : i32 {
        %parallel_loop3A_533 = arith.constant 0 : i32
        %parallel_loop3A_534 = vector.broadcast %parallel_loop3A_533 : i32 to vector<16xi32>
        %parallel_loop3A_535 = vector.broadcast %parallel_loop3A_532 : i32 to vector<16xi32>
        %parallel_loop3A_536 = arith.addi %parallel_loop3A_534, %parallel_loop3A_535 : vector<16xi32>
        %parallel_loop3A_537 = arith.constant 8 : i32
        %parallel_loop3A_538 = arith.divsi %parallel_loop3A_532, %parallel_loop3A_537 : i32
        %parallel_loop3A_539 = arith.constant 0 : i32
        %parallel_loop3A_540 = arith.cmpi sgt, %parallel_loop3A_532, %parallel_loop3A_539 : i32
        %parallel_loop3A_541 = arith.extui %parallel_loop3A_540 : i1 to i32
        %parallel_loop3A_542 = arith.constant 0 : i32
        %parallel_loop3A_543 = arith.cmpi slt, %parallel_loop3A_532, %parallel_loop3A_542 : i32
        %parallel_loop3A_544 = arith.extui %parallel_loop3A_543 : i1 to i32
        %parallel_loop3A_545 = arith.subi %parallel_loop3A_541, %parallel_loop3A_544 : i32
        %parallel_loop3A_546 = arith.constant 0 : i32
        %parallel_loop3A_547 = arith.cmpi sgt, %parallel_loop3A_537, %parallel_loop3A_546 : i32
        %parallel_loop3A_548 = arith.extui %parallel_loop3A_547 : i1 to i32
        %parallel_loop3A_549 = arith.constant 0 : i32
        %parallel_loop3A_550 = arith.cmpi slt, %parallel_loop3A_537, %parallel_loop3A_549 : i32
        %parallel_loop3A_551 = arith.extui %parallel_loop3A_550 : i1 to i32
        %parallel_loop3A_552 = arith.subi %parallel_loop3A_548, %parallel_loop3A_551 : i32
        %parallel_loop3A_553 = arith.cmpi ne, %parallel_loop3A_545, %parallel_loop3A_552 : i32
        %parallel_loop3A_554 = arith.remsi %parallel_loop3A_532, %parallel_loop3A_537 : i32
        %parallel_loop3A_555 = arith.constant 0 : i32
        %parallel_loop3A_556 = arith.cmpi ne, %parallel_loop3A_554, %parallel_loop3A_555 : i32
        %parallel_loop3A_557 = arith.andi %parallel_loop3A_553, %parallel_loop3A_556 : i1
        %parallel_loop3A_558 = arith.constant 1 : i32
        %parallel_loop3A_559 = arith.subi %parallel_loop3A_538, %parallel_loop3A_558 : i32
        %parallel_loop3A_560 = arith.select %parallel_loop3A_557, %parallel_loop3A_559, %parallel_loop3A_538 : i32
        %parallel_loop3A_561 = arith.constant 8 : i32
        %parallel_loop3A_562 = arith.constant 0 : i32
        %parallel_loop3A_563 = arith.cmpi eq, %parallel_loop3A_561, %parallel_loop3A_562 : i32
        %parallel_loop3A_564 = arith.constant 1 : i32
        %parallel_loop3A_565 = arith.select %parallel_loop3A_563, %parallel_loop3A_564, %parallel_loop3A_561 : i32
        %parallel_loop3A_566 = arith.remsi %parallel_loop3A_532, %parallel_loop3A_565 : i32
        %parallel_loop3A_567 = arith.constant 0 : i32
        %parallel_loop3A_568 = arith.cmpi ne, %parallel_loop3A_566, %parallel_loop3A_567 : i32
        %parallel_loop3A_569 = arith.constant 0 : i32
        %parallel_loop3A_570 = arith.cmpi slt, %parallel_loop3A_566, %parallel_loop3A_569 : i32
        %parallel_loop3A_571 = arith.constant 0 : i32
        %parallel_loop3A_572 = arith.cmpi slt, %parallel_loop3A_565, %parallel_loop3A_571 : i32
        %parallel_loop3A_573 = arith.xori %parallel_loop3A_570, %parallel_loop3A_572 : i1
        %parallel_loop3A_574 = arith.andi %parallel_loop3A_573, %parallel_loop3A_568 : i1
        %parallel_loop3A_575 = arith.addi %parallel_loop3A_566, %parallel_loop3A_565 : i32
        %parallel_loop3A_576 = arith.select %parallel_loop3A_574, %parallel_loop3A_575, %parallel_loop3A_566 : i32
        %parallel_loop3A_577 = arith.constant 0 : i32
        %parallel_loop3A_578 = vector.broadcast %parallel_loop3A_577 : i32 to vector<16xi32>
        %parallel_loop3A_579 = arith.addi %add3A_7, %parallel_loop3A_578 : vector<16xi32>
        %parallel_loop3A_580 = arith.constant 1 : i32
        %parallel_loop3A_581 = arith.constant 0 : i32
        %parallel_loop3A_582 = arith.constant 0 : i32
        %parallel_loop3A_583 = tpu.memref_slice %arg6[%parallel_loop3A_580, %parallel_loop3A_581, %parallel_loop3A_582] : memref<2x512x32xf32, #tpu.memory_space<vmem>> -> memref<1x512x32xf32, #tpu.memory_space<vmem>>
        %parallel_loop3A_584 = tpu.memref_squeeze %parallel_loop3A_583 : memref<1x512x32xf32, #tpu.memory_space<vmem>> -> memref<512x32xf32, #tpu.memory_space<vmem>>
        %parallel_loop3A_585 = tpu.vector_load_idx %parallel_loop3A_584[%parallel_loop3A_579, %parallel_loop3A_536] : memref<512x32xf32, #tpu.memory_space<vmem>>[vector<16xi32>, vector<16xi32>], vector<16xf32>,
        %parallel_loop3A_586 = arith.constant 1 : i32
        %parallel_loop3A_587 = arith.constant 0 : i32
        %parallel_loop3A_588 = arith.index_cast %parallel_loop3A_586 : i32 to index
        %parallel_loop3A_589 = arith.index_cast %parallel_loop3A_560 : i32 to index
        %parallel_loop3A_590 = arith.index_cast %parallel_loop3A_587 : i32 to index
        %parallel_loop3A_591 = arith.index_cast %parallel_loop3A_576 : i32 to index
        %parallel_loop3A_592 = arith.constant 0 : index
        %parallel_loop3A_593 = tpu.vector_load %arg7[%parallel_loop3A_588, %parallel_loop3A_589, %parallel_loop3A_590, %parallel_loop3A_591, %parallel_loop3A_592] {strides = array<i32>} : memref<2x4x4x8x128xf32, #tpu.memory_space<vmem>>, vector<16xf32>,
        tpu.vector_store %arg7[%parallel_loop3A_588, %parallel_loop3A_589, %parallel_loop3A_590, %parallel_loop3A_591, %parallel_loop3A_592], %parallel_loop3A_585 {strides = array<i32>} : memref<2x4x4x8x128xf32, #tpu.memory_space<vmem>>, vector<16xf32>,
        %parallel_loop3A_594 = arith.constant 0 : i32
        %parallel_loop3A_595 = vector.broadcast %parallel_loop3A_594 : i32 to vector<16xi32>
        %parallel_loop3A_596 = arith.addi %add3A_10, %parallel_loop3A_595 : vector<16xi32>
        %parallel_loop3A_597 = arith.constant 1 : i32
        %parallel_loop3A_598 = arith.constant 0 : i32
        %parallel_loop3A_599 = arith.constant 0 : i32
        %parallel_loop3A_600 = tpu.memref_slice %arg6[%parallel_loop3A_597, %parallel_loop3A_598, %parallel_loop3A_599] : memref<2x512x32xf32, #tpu.memory_space<vmem>> -> memref<1x512x32xf32, #tpu.memory_space<vmem>>
        %parallel_loop3A_601 = tpu.memref_squeeze %parallel_loop3A_600 : memref<1x512x32xf32, #tpu.memory_space<vmem>> -> memref<512x32xf32, #tpu.memory_space<vmem>>
        %parallel_loop3A_602 = tpu.vector_load_idx %parallel_loop3A_601[%parallel_loop3A_596, %parallel_loop3A_536] : memref<512x32xf32, #tpu.memory_space<vmem>>[vector<16xi32>, vector<16xi32>], vector<16xf32>,
        %parallel_loop3A_603 = arith.constant 1 : i32
        %parallel_loop3A_604 = arith.constant 0 : i32
        %parallel_loop3A_605 = arith.index_cast %parallel_loop3A_603 : i32 to index
        %parallel_loop3A_606 = arith.index_cast %parallel_loop3A_560 : i32 to index
        %parallel_loop3A_607 = arith.index_cast %parallel_loop3A_604 : i32 to index
        %parallel_loop3A_608 = arith.index_cast %parallel_loop3A_576 : i32 to index
        %parallel_loop3A_609 = arith.constant 16 : index
        %parallel_loop3A_610 = tpu.vector_load %arg7[%parallel_loop3A_605, %parallel_loop3A_606, %parallel_loop3A_607, %parallel_loop3A_608, %parallel_loop3A_609] {strides = array<i32>} : memref<2x4x4x8x128xf32, #tpu.memory_space<vmem>>, vector<16xf32>,
        tpu.vector_store %arg7[%parallel_loop3A_605, %parallel_loop3A_606, %parallel_loop3A_607, %parallel_loop3A_608, %parallel_loop3A_609], %parallel_loop3A_602 {strides = array<i32>} : memref<2x4x4x8x128xf32, #tpu.memory_space<vmem>>, vector<16xf32>,
        %parallel_loop3A_611 = arith.constant 0 : i32
        %parallel_loop3A_612 = vector.broadcast %parallel_loop3A_611 : i32 to vector<16xi32>
        %parallel_loop3A_613 = arith.addi %add3A_13, %parallel_loop3A_612 : vector<16xi32>
        %parallel_loop3A_614 = arith.constant 1 : i32
        %parallel_loop3A_615 = arith.constant 0 : i32
        %parallel_loop3A_616 = arith.constant 0 : i32
        %parallel_loop3A_617 = tpu.memref_slice %arg6[%parallel_loop3A_614, %parallel_loop3A_615, %parallel_loop3A_616] : memref<2x512x32xf32, #tpu.memory_space<vmem>> -> memref<1x512x32xf32, #tpu.memory_space<vmem>>
        %parallel_loop3A_618 = tpu.memref_squeeze %parallel_loop3A_617 : memref<1x512x32xf32, #tpu.memory_space<vmem>> -> memref<512x32xf32, #tpu.memory_space<vmem>>
        %parallel_loop3A_619 = tpu.vector_load_idx %parallel_loop3A_618[%parallel_loop3A_613, %parallel_loop3A_536] : memref<512x32xf32, #tpu.memory_space<vmem>>[vector<16xi32>, vector<16xi32>], vector<16xf32>,
        %parallel_loop3A_620 = arith.constant 1 : i32
        %parallel_loop3A_621 = arith.constant 0 : i32
        %parallel_loop3A_622 = arith.index_cast %parallel_loop3A_620 : i32 to index
        %parallel_loop3A_623 = arith.index_cast %parallel_loop3A_560 : i32 to index
        %parallel_loop3A_624 = arith.index_cast %parallel_loop3A_621 : i32 to index
        %parallel_loop3A_625 = arith.index_cast %parallel_loop3A_576 : i32 to index
        %parallel_loop3A_626 = arith.constant 32 : index
        %parallel_loop3A_627 = tpu.vector_load %arg7[%parallel_loop3A_622, %parallel_loop3A_623, %parallel_loop3A_624, %parallel_loop3A_625, %parallel_loop3A_626] {strides = array<i32>} : memref<2x4x4x8x128xf32, #tpu.memory_space<vmem>>, vector<16xf32>,
        tpu.vector_store %arg7[%parallel_loop3A_622, %parallel_loop3A_623, %parallel_loop3A_624, %parallel_loop3A_625, %parallel_loop3A_626], %parallel_loop3A_619 {strides = array<i32>} : memref<2x4x4x8x128xf32, #tpu.memory_space<vmem>>, vector<16xf32>,
        %parallel_loop3A_628 = arith.constant 0 : i32
        %parallel_loop3A_629 = vector.broadcast %parallel_loop3A_628 : i32 to vector<16xi32>
        %parallel_loop3A_630 = arith.addi %add3A_16, %parallel_loop3A_629 : vector<16xi32>
        %parallel_loop3A_631 = arith.constant 1 : i32
        %parallel_loop3A_632 = arith.constant 0 : i32
        %parallel_loop3A_633 = arith.constant 0 : i32
        %parallel_loop3A_634 = tpu.memref_slice %arg6[%parallel_loop3A_631, %parallel_loop3A_632, %parallel_loop3A_633] : memref<2x512x32xf32, #tpu.memory_space<vmem>> -> memref<1x512x32xf32, #tpu.memory_space<vmem>>
        %parallel_loop3A_635 = tpu.memref_squeeze %parallel_loop3A_634 : memref<1x512x32xf32, #tpu.memory_space<vmem>> -> memref<512x32xf32, #tpu.memory_space<vmem>>
        %parallel_loop3A_636 = tpu.vector_load_idx %parallel_loop3A_635[%parallel_loop3A_630, %parallel_loop3A_536] : memref<512x32xf32, #tpu.memory_space<vmem>>[vector<16xi32>, vector<16xi32>], vector<16xf32>,
        %parallel_loop3A_637 = arith.constant 1 : i32
        %parallel_loop3A_638 = arith.constant 0 : i32
        %parallel_loop3A_639 = arith.index_cast %parallel_loop3A_637 : i32 to index
        %parallel_loop3A_640 = arith.index_cast %parallel_loop3A_560 : i32 to index
        %parallel_loop3A_641 = arith.index_cast %parallel_loop3A_638 : i32 to index
        %parallel_loop3A_642 = arith.index_cast %parallel_loop3A_576 : i32 to index
        %parallel_loop3A_643 = arith.constant 48 : index
        %parallel_loop3A_644 = tpu.vector_load %arg7[%parallel_loop3A_639, %parallel_loop3A_640, %parallel_loop3A_641, %parallel_loop3A_642, %parallel_loop3A_643] {strides = array<i32>} : memref<2x4x4x8x128xf32, #tpu.memory_space<vmem>>, vector<16xf32>,
        tpu.vector_store %arg7[%parallel_loop3A_639, %parallel_loop3A_640, %parallel_loop3A_641, %parallel_loop3A_642, %parallel_loop3A_643], %parallel_loop3A_636 {strides = array<i32>} : memref<2x4x4x8x128xf32, #tpu.memory_space<vmem>>, vector<16xf32>,
        %parallel_loop3A_645 = arith.constant 0 : i32
        %parallel_loop3A_646 = vector.broadcast %parallel_loop3A_645 : i32 to vector<16xi32>
        %parallel_loop3A_647 = arith.addi %add3A_19, %parallel_loop3A_646 : vector<16xi32>
        %parallel_loop3A_648 = arith.constant 1 : i32
        %parallel_loop3A_649 = arith.constant 0 : i32
        %parallel_loop3A_650 = arith.constant 0 : i32
        %parallel_loop3A_651 = tpu.memref_slice %arg6[%parallel_loop3A_648, %parallel_loop3A_649, %parallel_loop3A_650] : memref<2x512x32xf32, #tpu.memory_space<vmem>> -> memref<1x512x32xf32, #tpu.memory_space<vmem>>
        %parallel_loop3A_652 = tpu.memref_squeeze %parallel_loop3A_651 : memref<1x512x32xf32, #tpu.memory_space<vmem>> -> memref<512x32xf32, #tpu.memory_space<vmem>>
        %parallel_loop3A_653 = tpu.vector_load_idx %parallel_loop3A_652[%parallel_loop3A_647, %parallel_loop3A_536] : memref<512x32xf32, #tpu.memory_space<vmem>>[vector<16xi32>, vector<16xi32>], vector<16xf32>,
        %parallel_loop3A_654 = arith.constant 1 : i32
        %parallel_loop3A_655 = arith.constant 0 : i32
        %parallel_loop3A_656 = arith.index_cast %parallel_loop3A_654 : i32 to index
        %parallel_loop3A_657 = arith.index_cast %parallel_loop3A_560 : i32 to index
        %parallel_loop3A_658 = arith.index_cast %parallel_loop3A_655 : i32 to index
        %parallel_loop3A_659 = arith.index_cast %parallel_loop3A_576 : i32 to index
        %parallel_loop3A_660 = arith.constant 64 : index
        %parallel_loop3A_661 = tpu.vector_load %arg7[%parallel_loop3A_656, %parallel_loop3A_657, %parallel_loop3A_658, %parallel_loop3A_659, %parallel_loop3A_660] {strides = array<i32>} : memref<2x4x4x8x128xf32, #tpu.memory_space<vmem>>, vector<16xf32>,
        tpu.vector_store %arg7[%parallel_loop3A_656, %parallel_loop3A_657, %parallel_loop3A_658, %parallel_loop3A_659, %parallel_loop3A_660], %parallel_loop3A_653 {strides = array<i32>} : memref<2x4x4x8x128xf32, #tpu.memory_space<vmem>>, vector<16xf32>,
        %parallel_loop3A_662 = arith.constant 0 : i32
        %parallel_loop3A_663 = vector.broadcast %parallel_loop3A_662 : i32 to vector<16xi32>
        %parallel_loop3A_664 = arith.addi %add3A_22, %parallel_loop3A_663 : vector<16xi32>
        %parallel_loop3A_665 = arith.constant 1 : i32
        %parallel_loop3A_666 = arith.constant 0 : i32
        %parallel_loop3A_667 = arith.constant 0 : i32
        %parallel_loop3A_668 = tpu.memref_slice %arg6[%parallel_loop3A_665, %parallel_loop3A_666, %parallel_loop3A_667] : memref<2x512x32xf32, #tpu.memory_space<vmem>> -> memref<1x512x32xf32, #tpu.memory_space<vmem>>
        %parallel_loop3A_669 = tpu.memref_squeeze %parallel_loop3A_668 : memref<1x512x32xf32, #tpu.memory_space<vmem>> -> memref<512x32xf32, #tpu.memory_space<vmem>>
        %parallel_loop3A_670 = tpu.vector_load_idx %parallel_loop3A_669[%parallel_loop3A_664, %parallel_loop3A_536] : memref<512x32xf32, #tpu.memory_space<vmem>>[vector<16xi32>, vector<16xi32>], vector<16xf32>,
        %parallel_loop3A_671 = arith.constant 1 : i32
        %parallel_loop3A_672 = arith.constant 0 : i32
        %parallel_loop3A_673 = arith.index_cast %parallel_loop3A_671 : i32 to index
        %parallel_loop3A_674 = arith.index_cast %parallel_loop3A_560 : i32 to index
        %parallel_loop3A_675 = arith.index_cast %parallel_loop3A_672 : i32 to index
        %parallel_loop3A_676 = arith.index_cast %parallel_loop3A_576 : i32 to index
        %parallel_loop3A_677 = arith.constant 80 : index
        %parallel_loop3A_678 = tpu.vector_load %arg7[%parallel_loop3A_673, %parallel_loop3A_674, %parallel_loop3A_675, %parallel_loop3A_676, %parallel_loop3A_677] {strides = array<i32>} : memref<2x4x4x8x128xf32, #tpu.memory_space<vmem>>, vector<16xf32>,
        tpu.vector_store %arg7[%parallel_loop3A_673, %parallel_loop3A_674, %parallel_loop3A_675, %parallel_loop3A_676, %parallel_loop3A_677], %parallel_loop3A_670 {strides = array<i32>} : memref<2x4x4x8x128xf32, #tpu.memory_space<vmem>>, vector<16xf32>,
        %parallel_loop3A_679 = arith.constant 0 : i32
        %parallel_loop3A_680 = vector.broadcast %parallel_loop3A_679 : i32 to vector<16xi32>
        %parallel_loop3A_681 = arith.addi %add3A_25, %parallel_loop3A_680 : vector<16xi32>
        %parallel_loop3A_682 = arith.constant 1 : i32
        %parallel_loop3A_683 = arith.constant 0 : i32
        %parallel_loop3A_684 = arith.constant 0 : i32
        %parallel_loop3A_685 = tpu.memref_slice %arg6[%parallel_loop3A_682, %parallel_loop3A_683, %parallel_loop3A_684] : memref<2x512x32xf32, #tpu.memory_space<vmem>> -> memref<1x512x32xf32, #tpu.memory_space<vmem>>
        %parallel_loop3A_686 = tpu.memref_squeeze %parallel_loop3A_685 : memref<1x512x32xf32, #tpu.memory_space<vmem>> -> memref<512x32xf32, #tpu.memory_space<vmem>>
        %parallel_loop3A_687 = tpu.vector_load_idx %parallel_loop3A_686[%parallel_loop3A_681, %parallel_loop3A_536] : memref<512x32xf32, #tpu.memory_space<vmem>>[vector<16xi32>, vector<16xi32>], vector<16xf32>,
        %parallel_loop3A_688 = arith.constant 1 : i32
        %parallel_loop3A_689 = arith.constant 0 : i32
        %parallel_loop3A_690 = arith.index_cast %parallel_loop3A_688 : i32 to index
        %parallel_loop3A_691 = arith.index_cast %parallel_loop3A_560 : i32 to index
        %parallel_loop3A_692 = arith.index_cast %parallel_loop3A_689 : i32 to index
        %parallel_loop3A_693 = arith.index_cast %parallel_loop3A_576 : i32 to index
        %parallel_loop3A_694 = arith.constant 96 : index
        %parallel_loop3A_695 = tpu.vector_load %arg7[%parallel_loop3A_690, %parallel_loop3A_691, %parallel_loop3A_692, %parallel_loop3A_693, %parallel_loop3A_694] {strides = array<i32>} : memref<2x4x4x8x128xf32, #tpu.memory_space<vmem>>, vector<16xf32>,
        tpu.vector_store %arg7[%parallel_loop3A_690, %parallel_loop3A_691, %parallel_loop3A_692, %parallel_loop3A_693, %parallel_loop3A_694], %parallel_loop3A_687 {strides = array<i32>} : memref<2x4x4x8x128xf32, #tpu.memory_space<vmem>>, vector<16xf32>,
        %parallel_loop3A_696 = arith.constant 0 : i32
        %parallel_loop3A_697 = vector.broadcast %parallel_loop3A_696 : i32 to vector<16xi32>
        %parallel_loop3A_698 = arith.addi %add3A_28, %parallel_loop3A_697 : vector<16xi32>
        %parallel_loop3A_699 = arith.constant 1 : i32
        %parallel_loop3A_700 = arith.constant 0 : i32
        %parallel_loop3A_701 = arith.constant 0 : i32
        %parallel_loop3A_702 = tpu.memref_slice %arg6[%parallel_loop3A_699, %parallel_loop3A_700, %parallel_loop3A_701] : memref<2x512x32xf32, #tpu.memory_space<vmem>> -> memref<1x512x32xf32, #tpu.memory_space<vmem>>
        %parallel_loop3A_703 = tpu.memref_squeeze %parallel_loop3A_702 : memref<1x512x32xf32, #tpu.memory_space<vmem>> -> memref<512x32xf32, #tpu.memory_space<vmem>>
        %parallel_loop3A_704 = tpu.vector_load_idx %parallel_loop3A_703[%parallel_loop3A_698, %parallel_loop3A_536] : memref<512x32xf32, #tpu.memory_space<vmem>>[vector<16xi32>, vector<16xi32>], vector<16xf32>,
        %parallel_loop3A_705 = arith.constant 1 : i32
        %parallel_loop3A_706 = arith.constant 0 : i32
        %parallel_loop3A_707 = arith.index_cast %parallel_loop3A_705 : i32 to index
        %parallel_loop3A_708 = arith.index_cast %parallel_loop3A_560 : i32 to index
        %parallel_loop3A_709 = arith.index_cast %parallel_loop3A_706 : i32 to index
        %parallel_loop3A_710 = arith.index_cast %parallel_loop3A_576 : i32 to index
        %parallel_loop3A_711 = arith.constant 112 : index
        %parallel_loop3A_712 = tpu.vector_load %arg7[%parallel_loop3A_707, %parallel_loop3A_708, %parallel_loop3A_709, %parallel_loop3A_710, %parallel_loop3A_711] {strides = array<i32>} : memref<2x4x4x8x128xf32, #tpu.memory_space<vmem>>, vector<16xf32>,
        tpu.vector_store %arg7[%parallel_loop3A_707, %parallel_loop3A_708, %parallel_loop3A_709, %parallel_loop3A_710, %parallel_loop3A_711], %parallel_loop3A_704 {strides = array<i32>} : memref<2x4x4x8x128xf32, #tpu.memory_space<vmem>>, vector<16xf32>,
        %parallel_loop3A_713 = arith.constant 128 : i32
        %parallel_loop3A_714 = vector.broadcast %parallel_loop3A_713 : i32 to vector<16xi32>
        %parallel_loop3A_715 = arith.addi %add3A_7, %parallel_loop3A_714 : vector<16xi32>
        %parallel_loop3A_716 = arith.constant 1 : i32
        %parallel_loop3A_717 = arith.constant 0 : i32
        %parallel_loop3A_718 = arith.constant 0 : i32
        %parallel_loop3A_719 = tpu.memref_slice %arg6[%parallel_loop3A_716, %parallel_loop3A_717, %parallel_loop3A_718] : memref<2x512x32xf32, #tpu.memory_space<vmem>> -> memref<1x512x32xf32, #tpu.memory_space<vmem>>
        %parallel_loop3A_720 = tpu.memref_squeeze %parallel_loop3A_719 : memref<1x512x32xf32, #tpu.memory_space<vmem>> -> memref<512x32xf32, #tpu.memory_space<vmem>>
        %parallel_loop3A_721 = tpu.vector_load_idx %parallel_loop3A_720[%parallel_loop3A_715, %parallel_loop3A_536] : memref<512x32xf32, #tpu.memory_space<vmem>>[vector<16xi32>, vector<16xi32>], vector<16xf32>,
        %parallel_loop3A_722 = arith.constant 1 : i32
        %parallel_loop3A_723 = arith.constant 1 : i32
        %parallel_loop3A_724 = arith.index_cast %parallel_loop3A_722 : i32 to index
        %parallel_loop3A_725 = arith.index_cast %parallel_loop3A_560 : i32 to index
        %parallel_loop3A_726 = arith.index_cast %parallel_loop3A_723 : i32 to index
        %parallel_loop3A_727 = arith.index_cast %parallel_loop3A_576 : i32 to index
        %parallel_loop3A_728 = arith.constant 0 : index
        %parallel_loop3A_729 = tpu.vector_load %arg7[%parallel_loop3A_724, %parallel_loop3A_725, %parallel_loop3A_726, %parallel_loop3A_727, %parallel_loop3A_728] {strides = array<i32>} : memref<2x4x4x8x128xf32, #tpu.memory_space<vmem>>, vector<16xf32>,
        tpu.vector_store %arg7[%parallel_loop3A_724, %parallel_loop3A_725, %parallel_loop3A_726, %parallel_loop3A_727, %parallel_loop3A_728], %parallel_loop3A_721 {strides = array<i32>} : memref<2x4x4x8x128xf32, #tpu.memory_space<vmem>>, vector<16xf32>,
        %parallel_loop3A_730 = arith.constant 128 : i32
        %parallel_loop3A_731 = vector.broadcast %parallel_loop3A_730 : i32 to vector<16xi32>
        %parallel_loop3A_732 = arith.addi %add3A_10, %parallel_loop3A_731 : vector<16xi32>
        %parallel_loop3A_733 = arith.constant 1 : i32
        %parallel_loop3A_734 = arith.constant 0 : i32
        %parallel_loop3A_735 = arith.constant 0 : i32
        %parallel_loop3A_736 = tpu.memref_slice %arg6[%parallel_loop3A_733, %parallel_loop3A_734, %parallel_loop3A_735] : memref<2x512x32xf32, #tpu.memory_space<vmem>> -> memref<1x512x32xf32, #tpu.memory_space<vmem>>
        %parallel_loop3A_737 = tpu.memref_squeeze %parallel_loop3A_736 : memref<1x512x32xf32, #tpu.memory_space<vmem>> -> memref<512x32xf32, #tpu.memory_space<vmem>>
        %parallel_loop3A_738 = tpu.vector_load_idx %parallel_loop3A_737[%parallel_loop3A_732, %parallel_loop3A_536] : memref<512x32xf32, #tpu.memory_space<vmem>>[vector<16xi32>, vector<16xi32>], vector<16xf32>,
        %parallel_loop3A_739 = arith.constant 1 : i32
        %parallel_loop3A_740 = arith.constant 1 : i32
        %parallel_loop3A_741 = arith.index_cast %parallel_loop3A_739 : i32 to index
        %parallel_loop3A_742 = arith.index_cast %parallel_loop3A_560 : i32 to index
        %parallel_loop3A_743 = arith.index_cast %parallel_loop3A_740 : i32 to index
        %parallel_loop3A_744 = arith.index_cast %parallel_loop3A_576 : i32 to index
        %parallel_loop3A_745 = arith.constant 16 : index
        %parallel_loop3A_746 = tpu.vector_load %arg7[%parallel_loop3A_741, %parallel_loop3A_742, %parallel_loop3A_743, %parallel_loop3A_744, %parallel_loop3A_745] {strides = array<i32>} : memref<2x4x4x8x128xf32, #tpu.memory_space<vmem>>, vector<16xf32>,
        tpu.vector_store %arg7[%parallel_loop3A_741, %parallel_loop3A_742, %parallel_loop3A_743, %parallel_loop3A_744, %parallel_loop3A_745], %parallel_loop3A_738 {strides = array<i32>} : memref<2x4x4x8x128xf32, #tpu.memory_space<vmem>>, vector<16xf32>,
        %parallel_loop3A_747 = arith.constant 128 : i32
        %parallel_loop3A_748 = vector.broadcast %parallel_loop3A_747 : i32 to vector<16xi32>
        %parallel_loop3A_749 = arith.addi %add3A_13, %parallel_loop3A_748 : vector<16xi32>
        %parallel_loop3A_750 = arith.constant 1 : i32
        %parallel_loop3A_751 = arith.constant 0 : i32
        %parallel_loop3A_752 = arith.constant 0 : i32
        %parallel_loop3A_753 = tpu.memref_slice %arg6[%parallel_loop3A_750, %parallel_loop3A_751, %parallel_loop3A_752] : memref<2x512x32xf32, #tpu.memory_space<vmem>> -> memref<1x512x32xf32, #tpu.memory_space<vmem>>
        %parallel_loop3A_754 = tpu.memref_squeeze %parallel_loop3A_753 : memref<1x512x32xf32, #tpu.memory_space<vmem>> -> memref<512x32xf32, #tpu.memory_space<vmem>>
        %parallel_loop3A_755 = tpu.vector_load_idx %parallel_loop3A_754[%parallel_loop3A_749, %parallel_loop3A_536] : memref<512x32xf32, #tpu.memory_space<vmem>>[vector<16xi32>, vector<16xi32>], vector<16xf32>,
        %parallel_loop3A_756 = arith.constant 1 : i32
        %parallel_loop3A_757 = arith.constant 1 : i32
        %parallel_loop3A_758 = arith.index_cast %parallel_loop3A_756 : i32 to index
        %parallel_loop3A_759 = arith.index_cast %parallel_loop3A_560 : i32 to index
        %parallel_loop3A_760 = arith.index_cast %parallel_loop3A_757 : i32 to index
        %parallel_loop3A_761 = arith.index_cast %parallel_loop3A_576 : i32 to index
        %parallel_loop3A_762 = arith.constant 32 : index
        %parallel_loop3A_763 = tpu.vector_load %arg7[%parallel_loop3A_758, %parallel_loop3A_759, %parallel_loop3A_760, %parallel_loop3A_761, %parallel_loop3A_762] {strides = array<i32>} : memref<2x4x4x8x128xf32, #tpu.memory_space<vmem>>, vector<16xf32>,
        tpu.vector_store %arg7[%parallel_loop3A_758, %parallel_loop3A_759, %parallel_loop3A_760, %parallel_loop3A_761, %parallel_loop3A_762], %parallel_loop3A_755 {strides = array<i32>} : memref<2x4x4x8x128xf32, #tpu.memory_space<vmem>>, vector<16xf32>,
        %parallel_loop3A_764 = arith.constant 128 : i32
        %parallel_loop3A_765 = vector.broadcast %parallel_loop3A_764 : i32 to vector<16xi32>
        %parallel_loop3A_766 = arith.addi %add3A_16, %parallel_loop3A_765 : vector<16xi32>
        %parallel_loop3A_767 = arith.constant 1 : i32
        %parallel_loop3A_768 = arith.constant 0 : i32
        %parallel_loop3A_769 = arith.constant 0 : i32
        %parallel_loop3A_770 = tpu.memref_slice %arg6[%parallel_loop3A_767, %parallel_loop3A_768, %parallel_loop3A_769] : memref<2x512x32xf32, #tpu.memory_space<vmem>> -> memref<1x512x32xf32, #tpu.memory_space<vmem>>
        %parallel_loop3A_771 = tpu.memref_squeeze %parallel_loop3A_770 : memref<1x512x32xf32, #tpu.memory_space<vmem>> -> memref<512x32xf32, #tpu.memory_space<vmem>>
        %parallel_loop3A_772 = tpu.vector_load_idx %parallel_loop3A_771[%parallel_loop3A_766, %parallel_loop3A_536] : memref<512x32xf32, #tpu.memory_space<vmem>>[vector<16xi32>, vector<16xi32>], vector<16xf32>,
        %parallel_loop3A_773 = arith.constant 1 : i32
        %parallel_loop3A_774 = arith.constant 1 : i32
        %parallel_loop3A_775 = arith.index_cast %parallel_loop3A_773 : i32 to index
        %parallel_loop3A_776 = arith.index_cast %parallel_loop3A_560 : i32 to index
        %parallel_loop3A_777 = arith.index_cast %parallel_loop3A_774 : i32 to index
        %parallel_loop3A_778 = arith.index_cast %parallel_loop3A_576 : i32 to index
        %parallel_loop3A_779 = arith.constant 48 : index
        %parallel_loop3A_780 = tpu.vector_load %arg7[%parallel_loop3A_775, %parallel_loop3A_776, %parallel_loop3A_777, %parallel_loop3A_778, %parallel_loop3A_779] {strides = array<i32>} : memref<2x4x4x8x128xf32, #tpu.memory_space<vmem>>, vector<16xf32>,
        tpu.vector_store %arg7[%parallel_loop3A_775, %parallel_loop3A_776, %parallel_loop3A_777, %parallel_loop3A_778, %parallel_loop3A_779], %parallel_loop3A_772 {strides = array<i32>} : memref<2x4x4x8x128xf32, #tpu.memory_space<vmem>>, vector<16xf32>,
        %parallel_loop3A_781 = arith.constant 128 : i32
        %parallel_loop3A_782 = vector.broadcast %parallel_loop3A_781 : i32 to vector<16xi32>
        %parallel_loop3A_783 = arith.addi %add3A_19, %parallel_loop3A_782 : vector<16xi32>
        %parallel_loop3A_784 = arith.constant 1 : i32
        %parallel_loop3A_785 = arith.constant 0 : i32
        %parallel_loop3A_786 = arith.constant 0 : i32
        %parallel_loop3A_787 = tpu.memref_slice %arg6[%parallel_loop3A_784, %parallel_loop3A_785, %parallel_loop3A_786] : memref<2x512x32xf32, #tpu.memory_space<vmem>> -> memref<1x512x32xf32, #tpu.memory_space<vmem>>
        %parallel_loop3A_788 = tpu.memref_squeeze %parallel_loop3A_787 : memref<1x512x32xf32, #tpu.memory_space<vmem>> -> memref<512x32xf32, #tpu.memory_space<vmem>>
        %parallel_loop3A_789 = tpu.vector_load_idx %parallel_loop3A_788[%parallel_loop3A_783, %parallel_loop3A_536] : memref<512x32xf32, #tpu.memory_space<vmem>>[vector<16xi32>, vector<16xi32>], vector<16xf32>,
        %parallel_loop3A_790 = arith.constant 1 : i32
        %parallel_loop3A_791 = arith.constant 1 : i32
        %parallel_loop3A_792 = arith.index_cast %parallel_loop3A_790 : i32 to index
        %parallel_loop3A_793 = arith.index_cast %parallel_loop3A_560 : i32 to index
        %parallel_loop3A_794 = arith.index_cast %parallel_loop3A_791 : i32 to index
        %parallel_loop3A_795 = arith.index_cast %parallel_loop3A_576 : i32 to index
        %parallel_loop3A_796 = arith.constant 64 : index
        %parallel_loop3A_797 = tpu.vector_load %arg7[%parallel_loop3A_792, %parallel_loop3A_793, %parallel_loop3A_794, %parallel_loop3A_795, %parallel_loop3A_796] {strides = array<i32>} : memref<2x4x4x8x128xf32, #tpu.memory_space<vmem>>, vector<16xf32>,
        tpu.vector_store %arg7[%parallel_loop3A_792, %parallel_loop3A_793, %parallel_loop3A_794, %parallel_loop3A_795, %parallel_loop3A_796], %parallel_loop3A_789 {strides = array<i32>} : memref<2x4x4x8x128xf32, #tpu.memory_space<vmem>>, vector<16xf32>,
        %parallel_loop3A_798 = arith.constant 128 : i32
        %parallel_loop3A_799 = vector.broadcast %parallel_loop3A_798 : i32 to vector<16xi32>
        %parallel_loop3A_800 = arith.addi %add3A_22, %parallel_loop3A_799 : vector<16xi32>
        %parallel_loop3A_801 = arith.constant 1 : i32
        %parallel_loop3A_802 = arith.constant 0 : i32
        %parallel_loop3A_803 = arith.constant 0 : i32
        %parallel_loop3A_804 = tpu.memref_slice %arg6[%parallel_loop3A_801, %parallel_loop3A_802, %parallel_loop3A_803] : memref<2x512x32xf32, #tpu.memory_space<vmem>> -> memref<1x512x32xf32, #tpu.memory_space<vmem>>
        %parallel_loop3A_805 = tpu.memref_squeeze %parallel_loop3A_804 : memref<1x512x32xf32, #tpu.memory_space<vmem>> -> memref<512x32xf32, #tpu.memory_space<vmem>>
        %parallel_loop3A_806 = tpu.vector_load_idx %parallel_loop3A_805[%parallel_loop3A_800, %parallel_loop3A_536] : memref<512x32xf32, #tpu.memory_space<vmem>>[vector<16xi32>, vector<16xi32>], vector<16xf32>,
        %parallel_loop3A_807 = arith.constant 1 : i32
        %parallel_loop3A_808 = arith.constant 1 : i32
        %parallel_loop3A_809 = arith.index_cast %parallel_loop3A_807 : i32 to index
        %parallel_loop3A_810 = arith.index_cast %parallel_loop3A_560 : i32 to index
        %parallel_loop3A_811 = arith.index_cast %parallel_loop3A_808 : i32 to index
        %parallel_loop3A_812 = arith.index_cast %parallel_loop3A_576 : i32 to index
        %parallel_loop3A_813 = arith.constant 80 : index
        %parallel_loop3A_814 = tpu.vector_load %arg7[%parallel_loop3A_809, %parallel_loop3A_810, %parallel_loop3A_811, %parallel_loop3A_812, %parallel_loop3A_813] {strides = array<i32>} : memref<2x4x4x8x128xf32, #tpu.memory_space<vmem>>, vector<16xf32>,
        tpu.vector_store %arg7[%parallel_loop3A_809, %parallel_loop3A_810, %parallel_loop3A_811, %parallel_loop3A_812, %parallel_loop3A_813], %parallel_loop3A_806 {strides = array<i32>} : memref<2x4x4x8x128xf32, #tpu.memory_space<vmem>>, vector<16xf32>,
        %parallel_loop3A_815 = arith.constant 128 : i32
        %parallel_loop3A_816 = vector.broadcast %parallel_loop3A_815 : i32 to vector<16xi32>
        %parallel_loop3A_817 = arith.addi %add3A_25, %parallel_loop3A_816 : vector<16xi32>
        %parallel_loop3A_818 = arith.constant 1 : i32
        %parallel_loop3A_819 = arith.constant 0 : i32
        %parallel_loop3A_820 = arith.constant 0 : i32
        %parallel_loop3A_821 = tpu.memref_slice %arg6[%parallel_loop3A_818, %parallel_loop3A_819, %parallel_loop3A_820] : memref<2x512x32xf32, #tpu.memory_space<vmem>> -> memref<1x512x32xf32, #tpu.memory_space<vmem>>
        %parallel_loop3A_822 = tpu.memref_squeeze %parallel_loop3A_821 : memref<1x512x32xf32, #tpu.memory_space<vmem>> -> memref<512x32xf32, #tpu.memory_space<vmem>>
        %parallel_loop3A_823 = tpu.vector_load_idx %parallel_loop3A_822[%parallel_loop3A_817, %parallel_loop3A_536] : memref<512x32xf32, #tpu.memory_space<vmem>>[vector<16xi32>, vector<16xi32>], vector<16xf32>,
        %parallel_loop3A_824 = arith.constant 1 : i32
        %parallel_loop3A_825 = arith.constant 1 : i32
        %parallel_loop3A_826 = arith.index_cast %parallel_loop3A_824 : i32 to index
        %parallel_loop3A_827 = arith.index_cast %parallel_loop3A_560 : i32 to index
        %parallel_loop3A_828 = arith.index_cast %parallel_loop3A_825 : i32 to index
        %parallel_loop3A_829 = arith.index_cast %parallel_loop3A_576 : i32 to index
        %parallel_loop3A_830 = arith.constant 96 : index
        %parallel_loop3A_831 = tpu.vector_load %arg7[%parallel_loop3A_826, %parallel_loop3A_827, %parallel_loop3A_828, %parallel_loop3A_829, %parallel_loop3A_830] {strides = array<i32>} : memref<2x4x4x8x128xf32, #tpu.memory_space<vmem>>, vector<16xf32>,
        tpu.vector_store %arg7[%parallel_loop3A_826, %parallel_loop3A_827, %parallel_loop3A_828, %parallel_loop3A_829, %parallel_loop3A_830], %parallel_loop3A_823 {strides = array<i32>} : memref<2x4x4x8x128xf32, #tpu.memory_space<vmem>>, vector<16xf32>,
        %parallel_loop3A_832 = arith.constant 128 : i32
        %parallel_loop3A_833 = vector.broadcast %parallel_loop3A_832 : i32 to vector<16xi32>
        %parallel_loop3A_834 = arith.addi %add3A_28, %parallel_loop3A_833 : vector<16xi32>
        %parallel_loop3A_835 = arith.constant 1 : i32
        %parallel_loop3A_836 = arith.constant 0 : i32
        %parallel_loop3A_837 = arith.constant 0 : i32
        %parallel_loop3A_838 = tpu.memref_slice %arg6[%parallel_loop3A_835, %parallel_loop3A_836, %parallel_loop3A_837] : memref<2x512x32xf32, #tpu.memory_space<vmem>> -> memref<1x512x32xf32, #tpu.memory_space<vmem>>
        %parallel_loop3A_839 = tpu.memref_squeeze %parallel_loop3A_838 : memref<1x512x32xf32, #tpu.memory_space<vmem>> -> memref<512x32xf32, #tpu.memory_space<vmem>>
        %parallel_loop3A_840 = tpu.vector_load_idx %parallel_loop3A_839[%parallel_loop3A_834, %parallel_loop3A_536] : memref<512x32xf32, #tpu.memory_space<vmem>>[vector<16xi32>, vector<16xi32>], vector<16xf32>,
        %parallel_loop3A_841 = arith.constant 1 : i32
        %parallel_loop3A_842 = arith.constant 1 : i32
        %parallel_loop3A_843 = arith.index_cast %parallel_loop3A_841 : i32 to index
        %parallel_loop3A_844 = arith.index_cast %parallel_loop3A_560 : i32 to index
        %parallel_loop3A_845 = arith.index_cast %parallel_loop3A_842 : i32 to index
        %parallel_loop3A_846 = arith.index_cast %parallel_loop3A_576 : i32 to index
        %parallel_loop3A_847 = arith.constant 112 : index
        %parallel_loop3A_848 = tpu.vector_load %arg7[%parallel_loop3A_843, %parallel_loop3A_844, %parallel_loop3A_845, %parallel_loop3A_846, %parallel_loop3A_847] {strides = array<i32>} : memref<2x4x4x8x128xf32, #tpu.memory_space<vmem>>, vector<16xf32>,
        tpu.vector_store %arg7[%parallel_loop3A_843, %parallel_loop3A_844, %parallel_loop3A_845, %parallel_loop3A_846, %parallel_loop3A_847], %parallel_loop3A_840 {strides = array<i32>} : memref<2x4x4x8x128xf32, #tpu.memory_space<vmem>>, vector<16xf32>,
        %parallel_loop3A_849 = arith.constant 256 : i32
        %parallel_loop3A_850 = vector.broadcast %parallel_loop3A_849 : i32 to vector<16xi32>
        %parallel_loop3A_851 = arith.addi %add3A_7, %parallel_loop3A_850 : vector<16xi32>
        %parallel_loop3A_852 = arith.constant 1 : i32
        %parallel_loop3A_853 = arith.constant 0 : i32
        %parallel_loop3A_854 = arith.constant 0 : i32
        %parallel_loop3A_855 = tpu.memref_slice %arg6[%parallel_loop3A_852, %parallel_loop3A_853, %parallel_loop3A_854] : memref<2x512x32xf32, #tpu.memory_space<vmem>> -> memref<1x512x32xf32, #tpu.memory_space<vmem>>
        %parallel_loop3A_856 = tpu.memref_squeeze %parallel_loop3A_855 : memref<1x512x32xf32, #tpu.memory_space<vmem>> -> memref<512x32xf32, #tpu.memory_space<vmem>>
        %parallel_loop3A_857 = tpu.vector_load_idx %parallel_loop3A_856[%parallel_loop3A_851, %parallel_loop3A_536] : memref<512x32xf32, #tpu.memory_space<vmem>>[vector<16xi32>, vector<16xi32>], vector<16xf32>,
        %parallel_loop3A_858 = arith.constant 1 : i32
        %parallel_loop3A_859 = arith.constant 2 : i32
        %parallel_loop3A_860 = arith.index_cast %parallel_loop3A_858 : i32 to index
        %parallel_loop3A_861 = arith.index_cast %parallel_loop3A_560 : i32 to index
        %parallel_loop3A_862 = arith.index_cast %parallel_loop3A_859 : i32 to index
        %parallel_loop3A_863 = arith.index_cast %parallel_loop3A_576 : i32 to index
        %parallel_loop3A_864 = arith.constant 0 : index
        %parallel_loop3A_865 = tpu.vector_load %arg7[%parallel_loop3A_860, %parallel_loop3A_861, %parallel_loop3A_862, %parallel_loop3A_863, %parallel_loop3A_864] {strides = array<i32>} : memref<2x4x4x8x128xf32, #tpu.memory_space<vmem>>, vector<16xf32>,
        tpu.vector_store %arg7[%parallel_loop3A_860, %parallel_loop3A_861, %parallel_loop3A_862, %parallel_loop3A_863, %parallel_loop3A_864], %parallel_loop3A_857 {strides = array<i32>} : memref<2x4x4x8x128xf32, #tpu.memory_space<vmem>>, vector<16xf32>,
        %parallel_loop3A_866 = arith.constant 256 : i32
        %parallel_loop3A_867 = vector.broadcast %parallel_loop3A_866 : i32 to vector<16xi32>
        %parallel_loop3A_868 = arith.addi %add3A_10, %parallel_loop3A_867 : vector<16xi32>
        %parallel_loop3A_869 = arith.constant 1 : i32
        %parallel_loop3A_870 = arith.constant 0 : i32
        %parallel_loop3A_871 = arith.constant 0 : i32
        %parallel_loop3A_872 = tpu.memref_slice %arg6[%parallel_loop3A_869, %parallel_loop3A_870, %parallel_loop3A_871] : memref<2x512x32xf32, #tpu.memory_space<vmem>> -> memref<1x512x32xf32, #tpu.memory_space<vmem>>
        %parallel_loop3A_873 = tpu.memref_squeeze %parallel_loop3A_872 : memref<1x512x32xf32, #tpu.memory_space<vmem>> -> memref<512x32xf32, #tpu.memory_space<vmem>>
        %parallel_loop3A_874 = tpu.vector_load_idx %parallel_loop3A_873[%parallel_loop3A_868, %parallel_loop3A_536] : memref<512x32xf32, #tpu.memory_space<vmem>>[vector<16xi32>, vector<16xi32>], vector<16xf32>,
        %parallel_loop3A_875 = arith.constant 1 : i32
        %parallel_loop3A_876 = arith.constant 2 : i32
        %parallel_loop3A_877 = arith.index_cast %parallel_loop3A_875 : i32 to index
        %parallel_loop3A_878 = arith.index_cast %parallel_loop3A_560 : i32 to index
        %parallel_loop3A_879 = arith.index_cast %parallel_loop3A_876 : i32 to index
        %parallel_loop3A_880 = arith.index_cast %parallel_loop3A_576 : i32 to index
        %parallel_loop3A_881 = arith.constant 16 : index
        %parallel_loop3A_882 = tpu.vector_load %arg7[%parallel_loop3A_877, %parallel_loop3A_878, %parallel_loop3A_879, %parallel_loop3A_880, %parallel_loop3A_881] {strides = array<i32>} : memref<2x4x4x8x128xf32, #tpu.memory_space<vmem>>, vector<16xf32>,
        tpu.vector_store %arg7[%parallel_loop3A_877, %parallel_loop3A_878, %parallel_loop3A_879, %parallel_loop3A_880, %parallel_loop3A_881], %parallel_loop3A_874 {strides = array<i32>} : memref<2x4x4x8x128xf32, #tpu.memory_space<vmem>>, vector<16xf32>,
        %parallel_loop3A_883 = arith.constant 256 : i32
        %parallel_loop3A_884 = vector.broadcast %parallel_loop3A_883 : i32 to vector<16xi32>
        %parallel_loop3A_885 = arith.addi %add3A_13, %parallel_loop3A_884 : vector<16xi32>
        %parallel_loop3A_886 = arith.constant 1 : i32
        %parallel_loop3A_887 = arith.constant 0 : i32
        %parallel_loop3A_888 = arith.constant 0 : i32
        %parallel_loop3A_889 = tpu.memref_slice %arg6[%parallel_loop3A_886, %parallel_loop3A_887, %parallel_loop3A_888] : memref<2x512x32xf32, #tpu.memory_space<vmem>> -> memref<1x512x32xf32, #tpu.memory_space<vmem>>
        %parallel_loop3A_890 = tpu.memref_squeeze %parallel_loop3A_889 : memref<1x512x32xf32, #tpu.memory_space<vmem>> -> memref<512x32xf32, #tpu.memory_space<vmem>>
        %parallel_loop3A_891 = tpu.vector_load_idx %parallel_loop3A_890[%parallel_loop3A_885, %parallel_loop3A_536] : memref<512x32xf32, #tpu.memory_space<vmem>>[vector<16xi32>, vector<16xi32>], vector<16xf32>,
        %parallel_loop3A_892 = arith.constant 1 : i32
        %parallel_loop3A_893 = arith.constant 2 : i32
        %parallel_loop3A_894 = arith.index_cast %parallel_loop3A_892 : i32 to index
        %parallel_loop3A_895 = arith.index_cast %parallel_loop3A_560 : i32 to index
        %parallel_loop3A_896 = arith.index_cast %parallel_loop3A_893 : i32 to index
        %parallel_loop3A_897 = arith.index_cast %parallel_loop3A_576 : i32 to index
        %parallel_loop3A_898 = arith.constant 32 : index
        %parallel_loop3A_899 = tpu.vector_load %arg7[%parallel_loop3A_894, %parallel_loop3A_895, %parallel_loop3A_896, %parallel_loop3A_897, %parallel_loop3A_898] {strides = array<i32>} : memref<2x4x4x8x128xf32, #tpu.memory_space<vmem>>, vector<16xf32>,
        tpu.vector_store %arg7[%parallel_loop3A_894, %parallel_loop3A_895, %parallel_loop3A_896, %parallel_loop3A_897, %parallel_loop3A_898], %parallel_loop3A_891 {strides = array<i32>} : memref<2x4x4x8x128xf32, #tpu.memory_space<vmem>>, vector<16xf32>,
        %parallel_loop3A_900 = arith.constant 256 : i32
        %parallel_loop3A_901 = vector.broadcast %parallel_loop3A_900 : i32 to vector<16xi32>
        %parallel_loop3A_902 = arith.addi %add3A_16, %parallel_loop3A_901 : vector<16xi32>
        %parallel_loop3A_903 = arith.constant 1 : i32
        %parallel_loop3A_904 = arith.constant 0 : i32
        %parallel_loop3A_905 = arith.constant 0 : i32
        %parallel_loop3A_906 = tpu.memref_slice %arg6[%parallel_loop3A_903, %parallel_loop3A_904, %parallel_loop3A_905] : memref<2x512x32xf32, #tpu.memory_space<vmem>> -> memref<1x512x32xf32, #tpu.memory_space<vmem>>
        %parallel_loop3A_907 = tpu.memref_squeeze %parallel_loop3A_906 : memref<1x512x32xf32, #tpu.memory_space<vmem>> -> memref<512x32xf32, #tpu.memory_space<vmem>>
        %parallel_loop3A_908 = tpu.vector_load_idx %parallel_loop3A_907[%parallel_loop3A_902, %parallel_loop3A_536] : memref<512x32xf32, #tpu.memory_space<vmem>>[vector<16xi32>, vector<16xi32>], vector<16xf32>,
        %parallel_loop3A_909 = arith.constant 1 : i32
        %parallel_loop3A_910 = arith.constant 2 : i32
        %parallel_loop3A_911 = arith.index_cast %parallel_loop3A_909 : i32 to index
        %parallel_loop3A_912 = arith.index_cast %parallel_loop3A_560 : i32 to index
        %parallel_loop3A_913 = arith.index_cast %parallel_loop3A_910 : i32 to index
        %parallel_loop3A_914 = arith.index_cast %parallel_loop3A_576 : i32 to index
        %parallel_loop3A_915 = arith.constant 48 : index
        %parallel_loop3A_916 = tpu.vector_load %arg7[%parallel_loop3A_911, %parallel_loop3A_912, %parallel_loop3A_913, %parallel_loop3A_914, %parallel_loop3A_915] {strides = array<i32>} : memref<2x4x4x8x128xf32, #tpu.memory_space<vmem>>, vector<16xf32>,
        tpu.vector_store %arg7[%parallel_loop3A_911, %parallel_loop3A_912, %parallel_loop3A_913, %parallel_loop3A_914, %parallel_loop3A_915], %parallel_loop3A_908 {strides = array<i32>} : memref<2x4x4x8x128xf32, #tpu.memory_space<vmem>>, vector<16xf32>,
        %parallel_loop3A_917 = arith.constant 256 : i32
        %parallel_loop3A_918 = vector.broadcast %parallel_loop3A_917 : i32 to vector<16xi32>
        %parallel_loop3A_919 = arith.addi %add3A_19, %parallel_loop3A_918 : vector<16xi32>
        %parallel_loop3A_920 = arith.constant 1 : i32
        %parallel_loop3A_921 = arith.constant 0 : i32
        %parallel_loop3A_922 = arith.constant 0 : i32
        %parallel_loop3A_923 = tpu.memref_slice %arg6[%parallel_loop3A_920, %parallel_loop3A_921, %parallel_loop3A_922] : memref<2x512x32xf32, #tpu.memory_space<vmem>> -> memref<1x512x32xf32, #tpu.memory_space<vmem>>
        %parallel_loop3A_924 = tpu.memref_squeeze %parallel_loop3A_923 : memref<1x512x32xf32, #tpu.memory_space<vmem>> -> memref<512x32xf32, #tpu.memory_space<vmem>>
        %parallel_loop3A_925 = tpu.vector_load_idx %parallel_loop3A_924[%parallel_loop3A_919, %parallel_loop3A_536] : memref<512x32xf32, #tpu.memory_space<vmem>>[vector<16xi32>, vector<16xi32>], vector<16xf32>,
        %parallel_loop3A_926 = arith.constant 1 : i32
        %parallel_loop3A_927 = arith.constant 2 : i32
        %parallel_loop3A_928 = arith.index_cast %parallel_loop3A_926 : i32 to index
        %parallel_loop3A_929 = arith.index_cast %parallel_loop3A_560 : i32 to index
        %parallel_loop3A_930 = arith.index_cast %parallel_loop3A_927 : i32 to index
        %parallel_loop3A_931 = arith.index_cast %parallel_loop3A_576 : i32 to index
        %parallel_loop3A_932 = arith.constant 64 : index
        %parallel_loop3A_933 = tpu.vector_load %arg7[%parallel_loop3A_928, %parallel_loop3A_929, %parallel_loop3A_930, %parallel_loop3A_931, %parallel_loop3A_932] {strides = array<i32>} : memref<2x4x4x8x128xf32, #tpu.memory_space<vmem>>, vector<16xf32>,
        tpu.vector_store %arg7[%parallel_loop3A_928, %parallel_loop3A_929, %parallel_loop3A_930, %parallel_loop3A_931, %parallel_loop3A_932], %parallel_loop3A_925 {strides = array<i32>} : memref<2x4x4x8x128xf32, #tpu.memory_space<vmem>>, vector<16xf32>,
        %parallel_loop3A_934 = arith.constant 256 : i32
        %parallel_loop3A_935 = vector.broadcast %parallel_loop3A_934 : i32 to vector<16xi32>
        %parallel_loop3A_936 = arith.addi %add3A_22, %parallel_loop3A_935 : vector<16xi32>
        %parallel_loop3A_937 = arith.constant 1 : i32
        %parallel_loop3A_938 = arith.constant 0 : i32
        %parallel_loop3A_939 = arith.constant 0 : i32
        %parallel_loop3A_940 = tpu.memref_slice %arg6[%parallel_loop3A_937, %parallel_loop3A_938, %parallel_loop3A_939] : memref<2x512x32xf32, #tpu.memory_space<vmem>> -> memref<1x512x32xf32, #tpu.memory_space<vmem>>
        %parallel_loop3A_941 = tpu.memref_squeeze %parallel_loop3A_940 : memref<1x512x32xf32, #tpu.memory_space<vmem>> -> memref<512x32xf32, #tpu.memory_space<vmem>>
        %parallel_loop3A_942 = tpu.vector_load_idx %parallel_loop3A_941[%parallel_loop3A_936, %parallel_loop3A_536] : memref<512x32xf32, #tpu.memory_space<vmem>>[vector<16xi32>, vector<16xi32>], vector<16xf32>,
        %parallel_loop3A_943 = arith.constant 1 : i32
        %parallel_loop3A_944 = arith.constant 2 : i32
        %parallel_loop3A_945 = arith.index_cast %parallel_loop3A_943 : i32 to index
        %parallel_loop3A_946 = arith.index_cast %parallel_loop3A_560 : i32 to index
        %parallel_loop3A_947 = arith.index_cast %parallel_loop3A_944 : i32 to index
        %parallel_loop3A_948 = arith.index_cast %parallel_loop3A_576 : i32 to index
        %parallel_loop3A_949 = arith.constant 80 : index
        %parallel_loop3A_950 = tpu.vector_load %arg7[%parallel_loop3A_945, %parallel_loop3A_946, %parallel_loop3A_947, %parallel_loop3A_948, %parallel_loop3A_949] {strides = array<i32>} : memref<2x4x4x8x128xf32, #tpu.memory_space<vmem>>, vector<16xf32>,
        tpu.vector_store %arg7[%parallel_loop3A_945, %parallel_loop3A_946, %parallel_loop3A_947, %parallel_loop3A_948, %parallel_loop3A_949], %parallel_loop3A_942 {strides = array<i32>} : memref<2x4x4x8x128xf32, #tpu.memory_space<vmem>>, vector<16xf32>,
        %parallel_loop3A_951 = arith.constant 256 : i32
        %parallel_loop3A_952 = vector.broadcast %parallel_loop3A_951 : i32 to vector<16xi32>
        %parallel_loop3A_953 = arith.addi %add3A_25, %parallel_loop3A_952 : vector<16xi32>
        %parallel_loop3A_954 = arith.constant 1 : i32
        %parallel_loop3A_955 = arith.constant 0 : i32
        %parallel_loop3A_956 = arith.constant 0 : i32
        %parallel_loop3A_957 = tpu.memref_slice %arg6[%parallel_loop3A_954, %parallel_loop3A_955, %parallel_loop3A_956] : memref<2x512x32xf32, #tpu.memory_space<vmem>> -> memref<1x512x32xf32, #tpu.memory_space<vmem>>
        %parallel_loop3A_958 = tpu.memref_squeeze %parallel_loop3A_957 : memref<1x512x32xf32, #tpu.memory_space<vmem>> -> memref<512x32xf32, #tpu.memory_space<vmem>>
        %parallel_loop3A_959 = tpu.vector_load_idx %parallel_loop3A_958[%parallel_loop3A_953, %parallel_loop3A_536] : memref<512x32xf32, #tpu.memory_space<vmem>>[vector<16xi32>, vector<16xi32>], vector<16xf32>,
        %parallel_loop3A_960 = arith.constant 1 : i32
        %parallel_loop3A_961 = arith.constant 2 : i32
        %parallel_loop3A_962 = arith.index_cast %parallel_loop3A_960 : i32 to index
        %parallel_loop3A_963 = arith.index_cast %parallel_loop3A_560 : i32 to index
        %parallel_loop3A_964 = arith.index_cast %parallel_loop3A_961 : i32 to index
        %parallel_loop3A_965 = arith.index_cast %parallel_loop3A_576 : i32 to index
        %parallel_loop3A_966 = arith.constant 96 : index
        %parallel_loop3A_967 = tpu.vector_load %arg7[%parallel_loop3A_962, %parallel_loop3A_963, %parallel_loop3A_964, %parallel_loop3A_965, %parallel_loop3A_966] {strides = array<i32>} : memref<2x4x4x8x128xf32, #tpu.memory_space<vmem>>, vector<16xf32>,
        tpu.vector_store %arg7[%parallel_loop3A_962, %parallel_loop3A_963, %parallel_loop3A_964, %parallel_loop3A_965, %parallel_loop3A_966], %parallel_loop3A_959 {strides = array<i32>} : memref<2x4x4x8x128xf32, #tpu.memory_space<vmem>>, vector<16xf32>,
        %parallel_loop3A_968 = arith.constant 256 : i32
        %parallel_loop3A_969 = vector.broadcast %parallel_loop3A_968 : i32 to vector<16xi32>
        %parallel_loop3A_970 = arith.addi %add3A_28, %parallel_loop3A_969 : vector<16xi32>
        %parallel_loop3A_971 = arith.constant 1 : i32
        %parallel_loop3A_972 = arith.constant 0 : i32
        %parallel_loop3A_973 = arith.constant 0 : i32
        %parallel_loop3A_974 = tpu.memref_slice %arg6[%parallel_loop3A_971, %parallel_loop3A_972, %parallel_loop3A_973] : memref<2x512x32xf32, #tpu.memory_space<vmem>> -> memref<1x512x32xf32, #tpu.memory_space<vmem>>
        %parallel_loop3A_975 = tpu.memref_squeeze %parallel_loop3A_974 : memref<1x512x32xf32, #tpu.memory_space<vmem>> -> memref<512x32xf32, #tpu.memory_space<vmem>>
        %parallel_loop3A_976 = tpu.vector_load_idx %parallel_loop3A_975[%parallel_loop3A_970, %parallel_loop3A_536] : memref<512x32xf32, #tpu.memory_space<vmem>>[vector<16xi32>, vector<16xi32>], vector<16xf32>,
        %parallel_loop3A_977 = arith.constant 1 : i32
        %parallel_loop3A_978 = arith.constant 2 : i32
        %parallel_loop3A_979 = arith.index_cast %parallel_loop3A_977 : i32 to index
        %parallel_loop3A_980 = arith.index_cast %parallel_loop3A_560 : i32 to index
        %parallel_loop3A_981 = arith.index_cast %parallel_loop3A_978 : i32 to index
        %parallel_loop3A_982 = arith.index_cast %parallel_loop3A_576 : i32 to index
        %parallel_loop3A_983 = arith.constant 112 : index
        %parallel_loop3A_984 = tpu.vector_load %arg7[%parallel_loop3A_979, %parallel_loop3A_980, %parallel_loop3A_981, %parallel_loop3A_982, %parallel_loop3A_983] {strides = array<i32>} : memref<2x4x4x8x128xf32, #tpu.memory_space<vmem>>, vector<16xf32>,
        tpu.vector_store %arg7[%parallel_loop3A_979, %parallel_loop3A_980, %parallel_loop3A_981, %parallel_loop3A_982, %parallel_loop3A_983], %parallel_loop3A_976 {strides = array<i32>} : memref<2x4x4x8x128xf32, #tpu.memory_space<vmem>>, vector<16xf32>,
        %parallel_loop3A_985 = arith.constant 384 : i32
        %parallel_loop3A_986 = vector.broadcast %parallel_loop3A_985 : i32 to vector<16xi32>
        %parallel_loop3A_987 = arith.addi %add3A_7, %parallel_loop3A_986 : vector<16xi32>
        %parallel_loop3A_988 = arith.constant 1 : i32
        %parallel_loop3A_989 = arith.constant 0 : i32
        %parallel_loop3A_990 = arith.constant 0 : i32
        %parallel_loop3A_991 = tpu.memref_slice %arg6[%parallel_loop3A_988, %parallel_loop3A_989, %parallel_loop3A_990] : memref<2x512x32xf32, #tpu.memory_space<vmem>> -> memref<1x512x32xf32, #tpu.memory_space<vmem>>
        %parallel_loop3A_992 = tpu.memref_squeeze %parallel_loop3A_991 : memref<1x512x32xf32, #tpu.memory_space<vmem>> -> memref<512x32xf32, #tpu.memory_space<vmem>>
        %parallel_loop3A_993 = tpu.vector_load_idx %parallel_loop3A_992[%parallel_loop3A_987, %parallel_loop3A_536] : memref<512x32xf32, #tpu.memory_space<vmem>>[vector<16xi32>, vector<16xi32>], vector<16xf32>,
        %parallel_loop3A_994 = arith.constant 1 : i32
        %parallel_loop3A_995 = arith.constant 3 : i32
        %parallel_loop3A_996 = arith.index_cast %parallel_loop3A_994 : i32 to index
        %parallel_loop3A_997 = arith.index_cast %parallel_loop3A_560 : i32 to index
        %parallel_loop3A_998 = arith.index_cast %parallel_loop3A_995 : i32 to index
        %parallel_loop3A_999 = arith.index_cast %parallel_loop3A_576 : i32 to index
        %parallel_loop3A_1000 = arith.constant 0 : index
        %parallel_loop3A_1001 = tpu.vector_load %arg7[%parallel_loop3A_996, %parallel_loop3A_997, %parallel_loop3A_998, %parallel_loop3A_999, %parallel_loop3A_1000] {strides = array<i32>} : memref<2x4x4x8x128xf32, #tpu.memory_space<vmem>>, vector<16xf32>,
        tpu.vector_store %arg7[%parallel_loop3A_996, %parallel_loop3A_997, %parallel_loop3A_998, %parallel_loop3A_999, %parallel_loop3A_1000], %parallel_loop3A_993 {strides = array<i32>} : memref<2x4x4x8x128xf32, #tpu.memory_space<vmem>>, vector<16xf32>,
        %parallel_loop3A_1002 = arith.constant 384 : i32
        %parallel_loop3A_1003 = vector.broadcast %parallel_loop3A_1002 : i32 to vector<16xi32>
        %parallel_loop3A_1004 = arith.addi %add3A_10, %parallel_loop3A_1003 : vector<16xi32>
        %parallel_loop3A_1005 = arith.constant 1 : i32
        %parallel_loop3A_1006 = arith.constant 0 : i32
        %parallel_loop3A_1007 = arith.constant 0 : i32
        %parallel_loop3A_1008 = tpu.memref_slice %arg6[%parallel_loop3A_1005, %parallel_loop3A_1006, %parallel_loop3A_1007] : memref<2x512x32xf32, #tpu.memory_space<vmem>> -> memref<1x512x32xf32, #tpu.memory_space<vmem>>
        %parallel_loop3A_1009 = tpu.memref_squeeze %parallel_loop3A_1008 : memref<1x512x32xf32, #tpu.memory_space<vmem>> -> memref<512x32xf32, #tpu.memory_space<vmem>>
        %parallel_loop3A_1010 = tpu.vector_load_idx %parallel_loop3A_1009[%parallel_loop3A_1004, %parallel_loop3A_536] : memref<512x32xf32, #tpu.memory_space<vmem>>[vector<16xi32>, vector<16xi32>], vector<16xf32>,
        %parallel_loop3A_1011 = arith.constant 1 : i32
        %parallel_loop3A_1012 = arith.constant 3 : i32
        %parallel_loop3A_1013 = arith.index_cast %parallel_loop3A_1011 : i32 to index
        %parallel_loop3A_1014 = arith.index_cast %parallel_loop3A_560 : i32 to index
        %parallel_loop3A_1015 = arith.index_cast %parallel_loop3A_1012 : i32 to index
        %parallel_loop3A_1016 = arith.index_cast %parallel_loop3A_576 : i32 to index
        %parallel_loop3A_1017 = arith.constant 16 : index
        %parallel_loop3A_1018 = tpu.vector_load %arg7[%parallel_loop3A_1013, %parallel_loop3A_1014, %parallel_loop3A_1015, %parallel_loop3A_1016, %parallel_loop3A_1017] {strides = array<i32>} : memref<2x4x4x8x128xf32, #tpu.memory_space<vmem>>, vector<16xf32>,
        tpu.vector_store %arg7[%parallel_loop3A_1013, %parallel_loop3A_1014, %parallel_loop3A_1015, %parallel_loop3A_1016, %parallel_loop3A_1017], %parallel_loop3A_1010 {strides = array<i32>} : memref<2x4x4x8x128xf32, #tpu.memory_space<vmem>>, vector<16xf32>,
        %parallel_loop3A_1019 = arith.constant 384 : i32
        %parallel_loop3A_1020 = vector.broadcast %parallel_loop3A_1019 : i32 to vector<16xi32>
        %parallel_loop3A_1021 = arith.addi %add3A_13, %parallel_loop3A_1020 : vector<16xi32>
        %parallel_loop3A_1022 = arith.constant 1 : i32
        %parallel_loop3A_1023 = arith.constant 0 : i32
        %parallel_loop3A_1024 = arith.constant 0 : i32
        %parallel_loop3A_1025 = tpu.memref_slice %arg6[%parallel_loop3A_1022, %parallel_loop3A_1023, %parallel_loop3A_1024] : memref<2x512x32xf32, #tpu.memory_space<vmem>> -> memref<1x512x32xf32, #tpu.memory_space<vmem>>
        %parallel_loop3A_1026 = tpu.memref_squeeze %parallel_loop3A_1025 : memref<1x512x32xf32, #tpu.memory_space<vmem>> -> memref<512x32xf32, #tpu.memory_space<vmem>>
        %parallel_loop3A_1027 = tpu.vector_load_idx %parallel_loop3A_1026[%parallel_loop3A_1021, %parallel_loop3A_536] : memref<512x32xf32, #tpu.memory_space<vmem>>[vector<16xi32>, vector<16xi32>], vector<16xf32>,
        %parallel_loop3A_1028 = arith.constant 1 : i32
        %parallel_loop3A_1029 = arith.constant 3 : i32
        %parallel_loop3A_1030 = arith.index_cast %parallel_loop3A_1028 : i32 to index
        %parallel_loop3A_1031 = arith.index_cast %parallel_loop3A_560 : i32 to index
        %parallel_loop3A_1032 = arith.index_cast %parallel_loop3A_1029 : i32 to index
        %parallel_loop3A_1033 = arith.index_cast %parallel_loop3A_576 : i32 to index
        %parallel_loop3A_1034 = arith.constant 32 : index
        %parallel_loop3A_1035 = tpu.vector_load %arg7[%parallel_loop3A_1030, %parallel_loop3A_1031, %parallel_loop3A_1032, %parallel_loop3A_1033, %parallel_loop3A_1034] {strides = array<i32>} : memref<2x4x4x8x128xf32, #tpu.memory_space<vmem>>, vector<16xf32>,
        tpu.vector_store %arg7[%parallel_loop3A_1030, %parallel_loop3A_1031, %parallel_loop3A_1032, %parallel_loop3A_1033, %parallel_loop3A_1034], %parallel_loop3A_1027 {strides = array<i32>} : memref<2x4x4x8x128xf32, #tpu.memory_space<vmem>>, vector<16xf32>,
        %parallel_loop3A_1036 = arith.constant 384 : i32
        %parallel_loop3A_1037 = vector.broadcast %parallel_loop3A_1036 : i32 to vector<16xi32>
        %parallel_loop3A_1038 = arith.addi %add3A_16, %parallel_loop3A_1037 : vector<16xi32>
        %parallel_loop3A_1039 = arith.constant 1 : i32
        %parallel_loop3A_1040 = arith.constant 0 : i32
        %parallel_loop3A_1041 = arith.constant 0 : i32
        %parallel_loop3A_1042 = tpu.memref_slice %arg6[%parallel_loop3A_1039, %parallel_loop3A_1040, %parallel_loop3A_1041] : memref<2x512x32xf32, #tpu.memory_space<vmem>> -> memref<1x512x32xf32, #tpu.memory_space<vmem>>
        %parallel_loop3A_1043 = tpu.memref_squeeze %parallel_loop3A_1042 : memref<1x512x32xf32, #tpu.memory_space<vmem>> -> memref<512x32xf32, #tpu.memory_space<vmem>>
        %parallel_loop3A_1044 = tpu.vector_load_idx %parallel_loop3A_1043[%parallel_loop3A_1038, %parallel_loop3A_536] : memref<512x32xf32, #tpu.memory_space<vmem>>[vector<16xi32>, vector<16xi32>], vector<16xf32>,
        %parallel_loop3A_1045 = arith.constant 1 : i32
        %parallel_loop3A_1046 = arith.constant 3 : i32
        %parallel_loop3A_1047 = arith.index_cast %parallel_loop3A_1045 : i32 to index
        %parallel_loop3A_1048 = arith.index_cast %parallel_loop3A_560 : i32 to index
        %parallel_loop3A_1049 = arith.index_cast %parallel_loop3A_1046 : i32 to index
        %parallel_loop3A_1050 = arith.index_cast %parallel_loop3A_576 : i32 to index
        %parallel_loop3A_1051 = arith.constant 48 : index
        %parallel_loop3A_1052 = tpu.vector_load %arg7[%parallel_loop3A_1047, %parallel_loop3A_1048, %parallel_loop3A_1049, %parallel_loop3A_1050, %parallel_loop3A_1051] {strides = array<i32>} : memref<2x4x4x8x128xf32, #tpu.memory_space<vmem>>, vector<16xf32>,
        tpu.vector_store %arg7[%parallel_loop3A_1047, %parallel_loop3A_1048, %parallel_loop3A_1049, %parallel_loop3A_1050, %parallel_loop3A_1051], %parallel_loop3A_1044 {strides = array<i32>} : memref<2x4x4x8x128xf32, #tpu.memory_space<vmem>>, vector<16xf32>,
        %parallel_loop3A_1053 = arith.constant 384 : i32
        %parallel_loop3A_1054 = vector.broadcast %parallel_loop3A_1053 : i32 to vector<16xi32>
        %parallel_loop3A_1055 = arith.addi %add3A_19, %parallel_loop3A_1054 : vector<16xi32>
        %parallel_loop3A_1056 = arith.constant 1 : i32
        %parallel_loop3A_1057 = arith.constant 0 : i32
        %parallel_loop3A_1058 = arith.constant 0 : i32
        %parallel_loop3A_1059 = tpu.memref_slice %arg6[%parallel_loop3A_1056, %parallel_loop3A_1057, %parallel_loop3A_1058] : memref<2x512x32xf32, #tpu.memory_space<vmem>> -> memref<1x512x32xf32, #tpu.memory_space<vmem>>
        %parallel_loop3A_1060 = tpu.memref_squeeze %parallel_loop3A_1059 : memref<1x512x32xf32, #tpu.memory_space<vmem>> -> memref<512x32xf32, #tpu.memory_space<vmem>>
        %parallel_loop3A_1061 = tpu.vector_load_idx %parallel_loop3A_1060[%parallel_loop3A_1055, %parallel_loop3A_536] : memref<512x32xf32, #tpu.memory_space<vmem>>[vector<16xi32>, vector<16xi32>], vector<16xf32>,
        %parallel_loop3A_1062 = arith.constant 1 : i32
        %parallel_loop3A_1063 = arith.constant 3 : i32
        %parallel_loop3A_1064 = arith.index_cast %parallel_loop3A_1062 : i32 to index
        %parallel_loop3A_1065 = arith.index_cast %parallel_loop3A_560 : i32 to index
        %parallel_loop3A_1066 = arith.index_cast %parallel_loop3A_1063 : i32 to index
        %parallel_loop3A_1067 = arith.index_cast %parallel_loop3A_576 : i32 to index
        %parallel_loop3A_1068 = arith.constant 64 : index
        %parallel_loop3A_1069 = tpu.vector_load %arg7[%parallel_loop3A_1064, %parallel_loop3A_1065, %parallel_loop3A_1066, %parallel_loop3A_1067, %parallel_loop3A_1068] {strides = array<i32>} : memref<2x4x4x8x128xf32, #tpu.memory_space<vmem>>, vector<16xf32>,
        tpu.vector_store %arg7[%parallel_loop3A_1064, %parallel_loop3A_1065, %parallel_loop3A_1066, %parallel_loop3A_1067, %parallel_loop3A_1068], %parallel_loop3A_1061 {strides = array<i32>} : memref<2x4x4x8x128xf32, #tpu.memory_space<vmem>>, vector<16xf32>,
        %parallel_loop3A_1070 = arith.constant 384 : i32
        %parallel_loop3A_1071 = vector.broadcast %parallel_loop3A_1070 : i32 to vector<16xi32>
        %parallel_loop3A_1072 = arith.addi %add3A_22, %parallel_loop3A_1071 : vector<16xi32>
        %parallel_loop3A_1073 = arith.constant 1 : i32
        %parallel_loop3A_1074 = arith.constant 0 : i32
        %parallel_loop3A_1075 = arith.constant 0 : i32
        %parallel_loop3A_1076 = tpu.memref_slice %arg6[%parallel_loop3A_1073, %parallel_loop3A_1074, %parallel_loop3A_1075] : memref<2x512x32xf32, #tpu.memory_space<vmem>> -> memref<1x512x32xf32, #tpu.memory_space<vmem>>
        %parallel_loop3A_1077 = tpu.memref_squeeze %parallel_loop3A_1076 : memref<1x512x32xf32, #tpu.memory_space<vmem>> -> memref<512x32xf32, #tpu.memory_space<vmem>>
        %parallel_loop3A_1078 = tpu.vector_load_idx %parallel_loop3A_1077[%parallel_loop3A_1072, %parallel_loop3A_536] : memref<512x32xf32, #tpu.memory_space<vmem>>[vector<16xi32>, vector<16xi32>], vector<16xf32>,
        %parallel_loop3A_1079 = arith.constant 1 : i32
        %parallel_loop3A_1080 = arith.constant 3 : i32
        %parallel_loop3A_1081 = arith.index_cast %parallel_loop3A_1079 : i32 to index
        %parallel_loop3A_1082 = arith.index_cast %parallel_loop3A_560 : i32 to index
        %parallel_loop3A_1083 = arith.index_cast %parallel_loop3A_1080 : i32 to index
        %parallel_loop3A_1084 = arith.index_cast %parallel_loop3A_576 : i32 to index
        %parallel_loop3A_1085 = arith.constant 80 : index
        %parallel_loop3A_1086 = tpu.vector_load %arg7[%parallel_loop3A_1081, %parallel_loop3A_1082, %parallel_loop3A_1083, %parallel_loop3A_1084, %parallel_loop3A_1085] {strides = array<i32>} : memref<2x4x4x8x128xf32, #tpu.memory_space<vmem>>, vector<16xf32>,
        tpu.vector_store %arg7[%parallel_loop3A_1081, %parallel_loop3A_1082, %parallel_loop3A_1083, %parallel_loop3A_1084, %parallel_loop3A_1085], %parallel_loop3A_1078 {strides = array<i32>} : memref<2x4x4x8x128xf32, #tpu.memory_space<vmem>>, vector<16xf32>,
        %parallel_loop3A_1087 = arith.constant 384 : i32
        %parallel_loop3A_1088 = vector.broadcast %parallel_loop3A_1087 : i32 to vector<16xi32>
        %parallel_loop3A_1089 = arith.addi %add3A_25, %parallel_loop3A_1088 : vector<16xi32>
        %parallel_loop3A_1090 = arith.constant 1 : i32
        %parallel_loop3A_1091 = arith.constant 0 : i32
        %parallel_loop3A_1092 = arith.constant 0 : i32
        %parallel_loop3A_1093 = tpu.memref_slice %arg6[%parallel_loop3A_1090, %parallel_loop3A_1091, %parallel_loop3A_1092] : memref<2x512x32xf32, #tpu.memory_space<vmem>> -> memref<1x512x32xf32, #tpu.memory_space<vmem>>
        %parallel_loop3A_1094 = tpu.memref_squeeze %parallel_loop3A_1093 : memref<1x512x32xf32, #tpu.memory_space<vmem>> -> memref<512x32xf32, #tpu.memory_space<vmem>>
        %parallel_loop3A_1095 = tpu.vector_load_idx %parallel_loop3A_1094[%parallel_loop3A_1089, %parallel_loop3A_536] : memref<512x32xf32, #tpu.memory_space<vmem>>[vector<16xi32>, vector<16xi32>], vector<16xf32>,
        %parallel_loop3A_1096 = arith.constant 1 : i32
        %parallel_loop3A_1097 = arith.constant 3 : i32
        %parallel_loop3A_1098 = arith.index_cast %parallel_loop3A_1096 : i32 to index
        %parallel_loop3A_1099 = arith.index_cast %parallel_loop3A_560 : i32 to index
        %parallel_loop3A_1100 = arith.index_cast %parallel_loop3A_1097 : i32 to index
        %parallel_loop3A_1101 = arith.index_cast %parallel_loop3A_576 : i32 to index
        %parallel_loop3A_1102 = arith.constant 96 : index
        %parallel_loop3A_1103 = tpu.vector_load %arg7[%parallel_loop3A_1098, %parallel_loop3A_1099, %parallel_loop3A_1100, %parallel_loop3A_1101, %parallel_loop3A_1102] {strides = array<i32>} : memref<2x4x4x8x128xf32, #tpu.memory_space<vmem>>, vector<16xf32>,
        tpu.vector_store %arg7[%parallel_loop3A_1098, %parallel_loop3A_1099, %parallel_loop3A_1100, %parallel_loop3A_1101, %parallel_loop3A_1102], %parallel_loop3A_1095 {strides = array<i32>} : memref<2x4x4x8x128xf32, #tpu.memory_space<vmem>>, vector<16xf32>,
        %parallel_loop3A_1104 = arith.constant 384 : i32
        %parallel_loop3A_1105 = vector.broadcast %parallel_loop3A_1104 : i32 to vector<16xi32>
        %parallel_loop3A_1106 = arith.addi %add3A_28, %parallel_loop3A_1105 : vector<16xi32>
        %parallel_loop3A_1107 = arith.constant 1 : i32
        %parallel_loop3A_1108 = arith.constant 0 : i32
        %parallel_loop3A_1109 = arith.constant 0 : i32
        %parallel_loop3A_1110 = tpu.memref_slice %arg6[%parallel_loop3A_1107, %parallel_loop3A_1108, %parallel_loop3A_1109] : memref<2x512x32xf32, #tpu.memory_space<vmem>> -> memref<1x512x32xf32, #tpu.memory_space<vmem>>
        %parallel_loop3A_1111 = tpu.memref_squeeze %parallel_loop3A_1110 : memref<1x512x32xf32, #tpu.memory_space<vmem>> -> memref<512x32xf32, #tpu.memory_space<vmem>>
        %parallel_loop3A_1112 = tpu.vector_load_idx %parallel_loop3A_1111[%parallel_loop3A_1106, %parallel_loop3A_536] : memref<512x32xf32, #tpu.memory_space<vmem>>[vector<16xi32>, vector<16xi32>], vector<16xf32>,
        %parallel_loop3A_1113 = arith.constant 1 : i32
        %parallel_loop3A_1114 = arith.constant 3 : i32
        %parallel_loop3A_1115 = arith.index_cast %parallel_loop3A_1113 : i32 to index
        %parallel_loop3A_1116 = arith.index_cast %parallel_loop3A_560 : i32 to index
        %parallel_loop3A_1117 = arith.index_cast %parallel_loop3A_1114 : i32 to index
        %parallel_loop3A_1118 = arith.index_cast %parallel_loop3A_576 : i32 to index
        %parallel_loop3A_1119 = arith.constant 112 : index
        %parallel_loop3A_1120 = tpu.vector_load %arg7[%parallel_loop3A_1115, %parallel_loop3A_1116, %parallel_loop3A_1117, %parallel_loop3A_1118, %parallel_loop3A_1119] {strides = array<i32>} : memref<2x4x4x8x128xf32, #tpu.memory_space<vmem>>, vector<16xf32>,
        tpu.vector_store %arg7[%parallel_loop3A_1115, %parallel_loop3A_1116, %parallel_loop3A_1117, %parallel_loop3A_1118, %parallel_loop3A_1119], %parallel_loop3A_1112 {strides = array<i32>} : memref<2x4x4x8x128xf32, #tpu.memory_space<vmem>>, vector<16xf32>,
      } {sc.loop_unroll_factor = 4 : i64, sc.parallel_access}
      %dma_start3A_443 = arith.constant 1 : i32
      %dma_start3A_444 = arith.constant 0 : i32
      %dma_start3A_445 = arith.constant 0 : i32
      %dma_start3A_446 = arith.constant 0 : i32
      %dma_start3A_447 = arith.constant 0 : i32
      %dma_start3A_448 = arith.constant 0 : i32
      %dma_start3A_449 = tpu.memref_slice %arg7[%dma_start3A_443, %dma_start3A_444, %dma_start3A_446, %dma_start3A_447, %dma_start3A_448] : memref<2x4x4x8x128xf32, #tpu.memory_space<vmem>> -> memref<1x1x4x8x128xf32, #tpu.memory_space<vmem>>
      %dma_start3A_450 = tpu.memref_squeeze %dma_start3A_449 : memref<1x1x4x8x128xf32, #tpu.memory_space<vmem>> -> memref<4x8x128xf32, #tpu.memory_space<vmem>>
      %dma_start3A_451 = arith.constant 0 : i32
      %dma_start3A_452 = arith.constant 0 : i32
      %dma_start3A_453 = tpu.memref_slice %arg4[%add3A_419, %dma_start3A_445, %mul3A_2, %dma_start3A_451, %dma_start3A_452] : memref<50x4x128x8x128xf32, #tpu.memory_space<hbm>> -> memref<1x1x4x8x128xf32, #tpu.memory_space<hbm>>
      %dma_start3A_454 = tpu.memref_squeeze %dma_start3A_453 : memref<1x1x4x8x128xf32, #tpu.memory_space<hbm>> -> memref<4x8x128xf32, #tpu.memory_space<hbm>>
      %dma_start3A_455 = arith.constant 0 : i32
      %dma_start3A_456 = arith.constant 0 : i32
      %dma_start3A_457 = tpu.memref_slice %arg4[%add3A_419, %dma_start3A_445, %mul3A_2, %dma_start3A_455, %dma_start3A_456] : memref<50x4x128x8x128xf32, #tpu.memory_space<hbm>> -> memref<1x1x4x8x128xf32, #tpu.memory_space<hbm>>
      %dma_start3A_458 = tpu.memref_squeeze %dma_start3A_457 : memref<1x1x4x8x128xf32, #tpu.memory_space<hbm>> -> memref<4x8x128xf32, #tpu.memory_space<hbm>>
      %dma_start3A_459 = arith.constant 0 : i32
      %dma_start3A_460 = arith.constant 0 : i32
      %dma_start3A_461 = arith.constant 0 : i32
      %dma_start3A_462 = tpu.memref_slice %arg7[%dma_start3A_443, %dma_start3A_444, %dma_start3A_459, %dma_start3A_460, %dma_start3A_461] : memref<2x4x4x8x128xf32, #tpu.memory_space<vmem>> -> memref<1x1x4x8x128xf32, #tpu.memory_space<vmem>>
      %dma_start3A_463 = tpu.memref_squeeze %dma_start3A_462 : memref<1x1x4x8x128xf32, #tpu.memory_space<vmem>> -> memref<4x8x128xf32, #tpu.memory_space<vmem>>
      tpu.enqueue_dma source(%dma_start3A_463 : memref<4x8x128xf32, #tpu.memory_space<vmem>>) target(%dma_start3A_458 : memref<4x8x128xf32, #tpu.memory_space<hbm>>) target_semaphore(%arg11 : memref<!tpu.dma_semaphore, #tpu.memory_space<semaphore_mem>>)
      %dma_start3A_464 = arith.constant 1 : i32
      %dma_start3A_465 = arith.constant 1 : i32
      %dma_start3A_466 = arith.constant 1 : i32
      %dma_start3A_467 = arith.constant 0 : i32
      %dma_start3A_468 = arith.constant 0 : i32
      %dma_start3A_469 = arith.constant 0 : i32
      %dma_start3A_470 = tpu.memref_slice %arg7[%dma_start3A_464, %dma_start3A_465, %dma_start3A_467, %dma_start3A_468, %dma_start3A_469] : memref<2x4x4x8x128xf32, #tpu.memory_space<vmem>> -> memref<1x1x4x8x128xf32, #tpu.memory_space<vmem>>
      %dma_start3A_471 = tpu.memref_squeeze %dma_start3A_470 : memref<1x1x4x8x128xf32, #tpu.memory_space<vmem>> -> memref<4x8x128xf32, #tpu.memory_space<vmem>>
      %dma_start3A_472 = arith.constant 0 : i32
      %dma_start3A_473 = arith.constant 0 : i32
      %dma_start3A_474 = tpu.memref_slice %arg4[%add3A_419, %dma_start3A_466, %mul3A_2, %dma_start3A_472, %dma_start3A_473] : memref<50x4x128x8x128xf32, #tpu.memory_space<hbm>> -> memref<1x1x4x8x128xf32, #tpu.memory_space<hbm>>
      %dma_start3A_475 = tpu.memref_squeeze %dma_start3A_474 : memref<1x1x4x8x128xf32, #tpu.memory_space<hbm>> -> memref<4x8x128xf32, #tpu.memory_space<hbm>>
      %dma_start3A_476 = arith.constant 0 : i32
      %dma_start3A_477 = arith.constant 0 : i32
      %dma_start3A_478 = tpu.memref_slice %arg4[%add3A_419, %dma_start3A_466, %mul3A_2, %dma_start3A_476, %dma_start3A_477] : memref<50x4x128x8x128xf32, #tpu.memory_space<hbm>> -> memref<1x1x4x8x128xf32, #tpu.memory_space<hbm>>
      %dma_start3A_479 = tpu.memref_squeeze %dma_start3A_478 : memref<1x1x4x8x128xf32, #tpu.memory_space<hbm>> -> memref<4x8x128xf32, #tpu.memory_space<hbm>>
      %dma_start3A_480 = arith.constant 0 : i32
      %dma_start3A_481 = arith.constant 0 : i32
      %dma_start3A_482 = arith.constant 0 : i32
      %dma_start3A_483 = tpu.memref_slice %arg7[%dma_start3A_464, %dma_start3A_465, %dma_start3A_480, %dma_start3A_481, %dma_start3A_482] : memref<2x4x4x8x128xf32, #tpu.memory_space<vmem>> -> memref<1x1x4x8x128xf32, #tpu.memory_space<vmem>>
      %dma_start3A_484 = tpu.memref_squeeze %dma_start3A_483 : memref<1x1x4x8x128xf32, #tpu.memory_space<vmem>> -> memref<4x8x128xf32, #tpu.memory_space<vmem>>
      tpu.enqueue_dma source(%dma_start3A_484 : memref<4x8x128xf32, #tpu.memory_space<vmem>>) target(%dma_start3A_479 : memref<4x8x128xf32, #tpu.memory_space<hbm>>) target_semaphore(%arg11 : memref<!tpu.dma_semaphore, #tpu.memory_space<semaphore_mem>>)
      %dma_start3A_485 = arith.constant 1 : i32
      %dma_start3A_486 = arith.constant 2 : i32
      %dma_start3A_487 = arith.constant 2 : i32
      %dma_start3A_488 = arith.constant 0 : i32
      %dma_start3A_489 = arith.constant 0 : i32
      %dma_start3A_490 = arith.constant 0 : i32
      %dma_start3A_491 = tpu.memref_slice %arg7[%dma_start3A_485, %dma_start3A_486, %dma_start3A_488, %dma_start3A_489, %dma_start3A_490] : memref<2x4x4x8x128xf32, #tpu.memory_space<vmem>> -> memref<1x1x4x8x128xf32, #tpu.memory_space<vmem>>
      %dma_start3A_492 = tpu.memref_squeeze %dma_start3A_491 : memref<1x1x4x8x128xf32, #tpu.memory_space<vmem>> -> memref<4x8x128xf32, #tpu.memory_space<vmem>>
      %dma_start3A_493 = arith.constant 0 : i32
      %dma_start3A_494 = arith.constant 0 : i32
      %dma_start3A_495 = tpu.memref_slice %arg4[%add3A_419, %dma_start3A_487, %mul3A_2, %dma_start3A_493, %dma_start3A_494] : memref<50x4x128x8x128xf32, #tpu.memory_space<hbm>> -> memref<1x1x4x8x128xf32, #tpu.memory_space<hbm>>
      %dma_start3A_496 = tpu.memref_squeeze %dma_start3A_495 : memref<1x1x4x8x128xf32, #tpu.memory_space<hbm>> -> memref<4x8x128xf32, #tpu.memory_space<hbm>>
      %dma_start3A_497 = arith.constant 0 : i32
      %dma_start3A_498 = arith.constant 0 : i32
      %dma_start3A_499 = tpu.memref_slice %arg4[%add3A_419, %dma_start3A_487, %mul3A_2, %dma_start3A_497, %dma_start3A_498] : memref<50x4x128x8x128xf32, #tpu.memory_space<hbm>> -> memref<1x1x4x8x128xf32, #tpu.memory_space<hbm>>
      %dma_start3A_500 = tpu.memref_squeeze %dma_start3A_499 : memref<1x1x4x8x128xf32, #tpu.memory_space<hbm>> -> memref<4x8x128xf32, #tpu.memory_space<hbm>>
      %dma_start3A_501 = arith.constant 0 : i32
      %dma_start3A_502 = arith.constant 0 : i32
      %dma_start3A_503 = arith.constant 0 : i32
      %dma_start3A_504 = tpu.memref_slice %arg7[%dma_start3A_485, %dma_start3A_486, %dma_start3A_501, %dma_start3A_502, %dma_start3A_503] : memref<2x4x4x8x128xf32, #tpu.memory_space<vmem>> -> memref<1x1x4x8x128xf32, #tpu.memory_space<vmem>>
      %dma_start3A_505 = tpu.memref_squeeze %dma_start3A_504 : memref<1x1x4x8x128xf32, #tpu.memory_space<vmem>> -> memref<4x8x128xf32, #tpu.memory_space<vmem>>
      tpu.enqueue_dma source(%dma_start3A_505 : memref<4x8x128xf32, #tpu.memory_space<vmem>>) target(%dma_start3A_500 : memref<4x8x128xf32, #tpu.memory_space<hbm>>) target_semaphore(%arg11 : memref<!tpu.dma_semaphore, #tpu.memory_space<semaphore_mem>>)
      %dma_start3A_506 = arith.constant 1 : i32
      %dma_start3A_507 = arith.constant 3 : i32
      %dma_start3A_508 = arith.constant 3 : i32
      %dma_start3A_509 = arith.constant 0 : i32
      %dma_start3A_510 = arith.constant 0 : i32
      %dma_start3A_511 = arith.constant 0 : i32
      %dma_start3A_512 = tpu.memref_slice %arg7[%dma_start3A_506, %dma_start3A_507, %dma_start3A_509, %dma_start3A_510, %dma_start3A_511] : memref<2x4x4x8x128xf32, #tpu.memory_space<vmem>> -> memref<1x1x4x8x128xf32, #tpu.memory_space<vmem>>
      %dma_start3A_513 = tpu.memref_squeeze %dma_start3A_512 : memref<1x1x4x8x128xf32, #tpu.memory_space<vmem>> -> memref<4x8x128xf32, #tpu.memory_space<vmem>>
      %dma_start3A_514 = arith.constant 0 : i32
      %dma_start3A_515 = arith.constant 0 : i32
      %dma_start3A_516 = tpu.memref_slice %arg4[%add3A_419, %dma_start3A_508, %mul3A_2, %dma_start3A_514, %dma_start3A_515] : memref<50x4x128x8x128xf32, #tpu.memory_space<hbm>> -> memref<1x1x4x8x128xf32, #tpu.memory_space<hbm>>
      %dma_start3A_517 = tpu.memref_squeeze %dma_start3A_516 : memref<1x1x4x8x128xf32, #tpu.memory_space<hbm>> -> memref<4x8x128xf32, #tpu.memory_space<hbm>>
      %dma_start3A_518 = arith.constant 0 : i32
      %dma_start3A_519 = arith.constant 0 : i32
      %dma_start3A_520 = tpu.memref_slice %arg4[%add3A_419, %dma_start3A_508, %mul3A_2, %dma_start3A_518, %dma_start3A_519] : memref<50x4x128x8x128xf32, #tpu.memory_space<hbm>> -> memref<1x1x4x8x128xf32, #tpu.memory_space<hbm>>
      %dma_start3A_521 = tpu.memref_squeeze %dma_start3A_520 : memref<1x1x4x8x128xf32, #tpu.memory_space<hbm>> -> memref<4x8x128xf32, #tpu.memory_space<hbm>>
      %dma_start3A_522 = arith.constant 0 : i32
      %dma_start3A_523 = arith.constant 0 : i32
      %dma_start3A_524 = arith.constant 0 : i32
      %dma_start3A_525 = tpu.memref_slice %arg7[%dma_start3A_506, %dma_start3A_507, %dma_start3A_522, %dma_start3A_523, %dma_start3A_524] : memref<2x4x4x8x128xf32, #tpu.memory_space<vmem>> -> memref<1x1x4x8x128xf32, #tpu.memory_space<vmem>>
      %dma_start3A_526 = tpu.memref_squeeze %dma_start3A_525 : memref<1x1x4x8x128xf32, #tpu.memory_space<vmem>> -> memref<4x8x128xf32, #tpu.memory_space<vmem>>
      tpu.enqueue_dma source(%dma_start3A_526 : memref<4x8x128xf32, #tpu.memory_space<vmem>>) target(%dma_start3A_521 : memref<4x8x128xf32, #tpu.memory_space<hbm>>) target_semaphore(%arg11 : memref<!tpu.dma_semaphore, #tpu.memory_space<semaphore_mem>>)
      %lt3A_527 = arith.constant 24 : i32
      %lt3A_528 = arith.cmpi slt, %scan3A_304, %lt3A_527 : i32
      %convert_element_type3A_529 = arith.extui %lt3A_528 : i1 to i32
      %cond3A_530 = arith.constant 0 : i32
      %cond3A_531 = arith.cmpi ne, %convert_element_type3A_529, %cond3A_530 : i32
      scf.if %cond3A_531 {
        %add3A_532 = arith.constant 2 : i32
        %add3A_533 = arith.addi %add3A_419, %add3A_532 : i32
        %dma_start3A_534 = arith.constant 1 : i32
        %dma_start3A_535 = arith.constant 0 : i32
        %dma_start3A_536 = arith.constant 0 : i32
        %dma_start3A_537 = tpu.memref_slice %arg6[%dma_start3A_534, %dma_start3A_535, %dma_start3A_536] : memref<2x512x32xf32, #tpu.memory_space<vmem>> -> memref<1x128x32xf32, #tpu.memory_space<vmem>>
        %dma_start3A_538 = tpu.memref_squeeze %dma_start3A_537 : memref<1x128x32xf32, #tpu.memory_space<vmem>> -> memref<128x32xf32, #tpu.memory_space<vmem>>
        %dma_start3A_539 = arith.constant 0 : i32
        %dma_start3A_540 = tpu.memref_slice %arg5[%add3A_533, %dma_start3A_539] : memref<50x512xi32, #tpu.memory_space<vmem>> -> memref<1x128xi32, #tpu.memory_space<vmem>>
        %dma_start3A_541 = tpu.memref_squeeze %dma_start3A_540 : memref<1x128xi32, #tpu.memory_space<vmem>> -> memref<128xi32, #tpu.memory_space<vmem>>
        %dma_start3A_542 = arith.constant 0 : i32
        %dma_start3A_543 = arith.constant 0 : i32
        %dma_start3A_544 = tpu.memref_slice %arg3[%dma_start3A_542, %dma_start3A_543] : memref<1000000x32xf32, #tpu.memory_space<hbm>> -> memref<1000000x32xf32, #tpu.memory_space<hbm>>
        tpu.enqueue_indirect_dma source(%dma_start3A_544 : memref<1000000x32xf32, #tpu.memory_space<hbm>>) target(%dma_start3A_538 : memref<128x32xf32, #tpu.memory_space<vmem>>) offsets(%dma_start3A_541 : memref<128xi32, #tpu.memory_space<vmem>>) semaphore(%arg9 : memref<!tpu.dma_semaphore, #tpu.memory_space<semaphore_mem>>)
        %dma_start3A_545 = arith.constant 1 : i32
        %dma_start3A_546 = arith.constant 128 : i32
        %dma_start3A_547 = arith.constant 0 : i32
        %dma_start3A_548 = tpu.memref_slice %arg6[%dma_start3A_545, %dma_start3A_546, %dma_start3A_547] : memref<2x512x32xf32, #tpu.memory_space<vmem>> -> memref<1x128x32xf32, #tpu.memory_space<vmem>>
        %dma_start3A_549 = tpu.memref_squeeze %dma_start3A_548 : memref<1x128x32xf32, #tpu.memory_space<vmem>> -> memref<128x32xf32, #tpu.memory_space<vmem>>
        %dma_start3A_550 = arith.constant 128 : i32
        %dma_start3A_551 = tpu.memref_slice %arg5[%add3A_533, %dma_start3A_550] : memref<50x512xi32, #tpu.memory_space<vmem>> -> memref<1x128xi32, #tpu.memory_space<vmem>>
        %dma_start3A_552 = tpu.memref_squeeze %dma_start3A_551 : memref<1x128xi32, #tpu.memory_space<vmem>> -> memref<128xi32, #tpu.memory_space<vmem>>
        %dma_start3A_553 = arith.constant 0 : i32
        %dma_start3A_554 = arith.constant 0 : i32
        %dma_start3A_555 = tpu.memref_slice %arg3[%dma_start3A_553, %dma_start3A_554] : memref<1000000x32xf32, #tpu.memory_space<hbm>> -> memref<1000000x32xf32, #tpu.memory_space<hbm>>
        tpu.enqueue_indirect_dma source(%dma_start3A_555 : memref<1000000x32xf32, #tpu.memory_space<hbm>>) target(%dma_start3A_549 : memref<128x32xf32, #tpu.memory_space<vmem>>) offsets(%dma_start3A_552 : memref<128xi32, #tpu.memory_space<vmem>>) semaphore(%arg9 : memref<!tpu.dma_semaphore, #tpu.memory_space<semaphore_mem>>)
        %dma_start3A_556 = arith.constant 1 : i32
        %dma_start3A_557 = arith.constant 256 : i32
        %dma_start3A_558 = arith.constant 0 : i32
        %dma_start3A_559 = tpu.memref_slice %arg6[%dma_start3A_556, %dma_start3A_557, %dma_start3A_558] : memref<2x512x32xf32, #tpu.memory_space<vmem>> -> memref<1x128x32xf32, #tpu.memory_space<vmem>>
        %dma_start3A_560 = tpu.memref_squeeze %dma_start3A_559 : memref<1x128x32xf32, #tpu.memory_space<vmem>> -> memref<128x32xf32, #tpu.memory_space<vmem>>
        %dma_start3A_561 = arith.constant 256 : i32
        %dma_start3A_562 = tpu.memref_slice %arg5[%add3A_533, %dma_start3A_561] : memref<50x512xi32, #tpu.memory_space<vmem>> -> memref<1x128xi32, #tpu.memory_space<vmem>>
        %dma_start3A_563 = tpu.memref_squeeze %dma_start3A_562 : memref<1x128xi32, #tpu.memory_space<vmem>> -> memref<128xi32, #tpu.memory_space<vmem>>
        %dma_start3A_564 = arith.constant 0 : i32
        %dma_start3A_565 = arith.constant 0 : i32
        %dma_start3A_566 = tpu.memref_slice %arg3[%dma_start3A_564, %dma_start3A_565] : memref<1000000x32xf32, #tpu.memory_space<hbm>> -> memref<1000000x32xf32, #tpu.memory_space<hbm>>
        tpu.enqueue_indirect_dma source(%dma_start3A_566 : memref<1000000x32xf32, #tpu.memory_space<hbm>>) target(%dma_start3A_560 : memref<128x32xf32, #tpu.memory_space<vmem>>) offsets(%dma_start3A_563 : memref<128xi32, #tpu.memory_space<vmem>>) semaphore(%arg9 : memref<!tpu.dma_semaphore, #tpu.memory_space<semaphore_mem>>)
        %dma_start3A_567 = arith.constant 1 : i32
        %dma_start3A_568 = arith.constant 384 : i32
        %dma_start3A_569 = arith.constant 0 : i32
        %dma_start3A_570 = tpu.memref_slice %arg6[%dma_start3A_567, %dma_start3A_568, %dma_start3A_569] : memref<2x512x32xf32, #tpu.memory_space<vmem>> -> memref<1x128x32xf32, #tpu.memory_space<vmem>>
        %dma_start3A_571 = tpu.memref_squeeze %dma_start3A_570 : memref<1x128x32xf32, #tpu.memory_space<vmem>> -> memref<128x32xf32, #tpu.memory_space<vmem>>
        %dma_start3A_572 = arith.constant 384 : i32
        %dma_start3A_573 = tpu.memref_slice %arg5[%add3A_533, %dma_start3A_572] : memref<50x512xi32, #tpu.memory_space<vmem>> -> memref<1x128xi32, #tpu.memory_space<vmem>>
        %dma_start3A_574 = tpu.memref_squeeze %dma_start3A_573 : memref<1x128xi32, #tpu.memory_space<vmem>> -> memref<128xi32, #tpu.memory_space<vmem>>
        %dma_start3A_575 = arith.constant 0 : i32
        %dma_start3A_576 = arith.constant 0 : i32
        %dma_start3A_577 = tpu.memref_slice %arg3[%dma_start3A_575, %dma_start3A_576] : memref<1000000x32xf32, #tpu.memory_space<hbm>> -> memref<1000000x32xf32, #tpu.memory_space<hbm>>
        tpu.enqueue_indirect_dma source(%dma_start3A_577 : memref<1000000x32xf32, #tpu.memory_space<hbm>>) target(%dma_start3A_571 : memref<128x32xf32, #tpu.memory_space<vmem>>) offsets(%dma_start3A_574 : memref<128xi32, #tpu.memory_space<vmem>>) semaphore(%arg9 : memref<!tpu.dma_semaphore, #tpu.memory_space<semaphore_mem>>)
      } else {
      }
    }
    %scan3A_128 = arith.constant 25 : i32
    %dma_wait3A = arith.constant 0 : i32
    %dma_wait3A_129 = arith.constant 0 : i32
    %dma_wait3A_130 = arith.constant 0 : i32
    %dma_wait3A_131 = arith.constant 0 : i32
    %dma_wait3A_132 = arith.constant 0 : i32
    %dma_wait3A_133 = arith.constant 0 : i32
    %dma_wait3A_134 = arith.constant 0 : i32
    %dma_wait3A_135 = tpu.memref_slice %arg7[%dma_wait3A, %dma_wait3A_129, %dma_wait3A_132, %dma_wait3A_133, %dma_wait3A_134] : memref<2x4x4x8x128xf32, #tpu.memory_space<vmem>> -> memref<1x1x4x8x128xf32, #tpu.memory_space<vmem>>
    %dma_wait3A_136 = tpu.memref_squeeze %dma_wait3A_135 : memref<1x1x4x8x128xf32, #tpu.memory_space<vmem>> -> memref<4x8x128xf32, #tpu.memory_space<vmem>>
    %dma_wait3A_137 = arith.constant 0 : i32
    %dma_wait3A_138 = arith.constant 0 : i32
    %dma_wait3A_139 = tpu.memref_slice %arg4[%dma_wait3A_130, %dma_wait3A_131, %mul3A_2, %dma_wait3A_137, %dma_wait3A_138] : memref<50x4x128x8x128xf32, #tpu.memory_space<hbm>> -> memref<1x1x4x8x128xf32, #tpu.memory_space<hbm>>
    %dma_wait3A_140 = tpu.memref_squeeze %dma_wait3A_139 : memref<1x1x4x8x128xf32, #tpu.memory_space<hbm>> -> memref<4x8x128xf32, #tpu.memory_space<hbm>>
    %dma_wait3A_141 = arith.constant 0 : i32
    %dma_wait3A_142 = arith.constant 0 : i32
    %dma_wait3A_143 = tpu.memref_slice %arg4[%dma_wait3A_130, %dma_wait3A_131, %mul3A_2, %dma_wait3A_141, %dma_wait3A_142] : memref<50x4x128x8x128xf32, #tpu.memory_space<hbm>> -> memref<1x1x4x8x128xf32, #tpu.memory_space<hbm>>
    %dma_wait3A_144 = tpu.memref_squeeze %dma_wait3A_143 : memref<1x1x4x8x128xf32, #tpu.memory_space<hbm>> -> memref<4x8x128xf32, #tpu.memory_space<hbm>>
    %dma_wait3A_145 = arith.constant 0 : i32
    %dma_wait3A_146 = arith.constant 0 : i32
    %dma_wait3A_147 = arith.constant 0 : i32
    %dma_wait3A_148 = tpu.memref_slice %arg7[%dma_wait3A, %dma_wait3A_129, %dma_wait3A_145, %dma_wait3A_146, %dma_wait3A_147] : memref<2x4x4x8x128xf32, #tpu.memory_space<vmem>> -> memref<1x1x4x8x128xf32, #tpu.memory_space<vmem>>
    %dma_wait3A_149 = tpu.memref_squeeze %dma_wait3A_148 : memref<1x1x4x8x128xf32, #tpu.memory_space<vmem>> -> memref<4x8x128xf32, #tpu.memory_space<vmem>>
    tpu.wait_dma2 semaphore(%arg10 : memref<!tpu.dma_semaphore, #tpu.memory_space<semaphore_mem>>) src(%dma_wait3A_149 : memref<4x8x128xf32, #tpu.memory_space<vmem>>) dst(%dma_wait3A_144 : memref<4x8x128xf32, #tpu.memory_space<hbm>>)
    %dma_wait3A_150 = arith.constant 0 : i32
    %dma_wait3A_151 = arith.constant 1 : i32
    %dma_wait3A_152 = arith.constant 0 : i32
    %dma_wait3A_153 = arith.constant 1 : i32
    %dma_wait3A_154 = arith.constant 0 : i32
    %dma_wait3A_155 = arith.constant 0 : i32
    %dma_wait3A_156 = arith.constant 0 : i32
    %dma_wait3A_157 = tpu.memref_slice %arg7[%dma_wait3A_150, %dma_wait3A_151, %dma_wait3A_154, %dma_wait3A_155, %dma_wait3A_156] : memref<2x4x4x8x128xf32, #tpu.memory_space<vmem>> -> memref<1x1x4x8x128xf32, #tpu.memory_space<vmem>>
    %dma_wait3A_158 = tpu.memref_squeeze %dma_wait3A_157 : memref<1x1x4x8x128xf32, #tpu.memory_space<vmem>> -> memref<4x8x128xf32, #tpu.memory_space<vmem>>
    %dma_wait3A_159 = arith.constant 0 : i32
    %dma_wait3A_160 = arith.constant 0 : i32
    %dma_wait3A_161 = tpu.memref_slice %arg4[%dma_wait3A_152, %dma_wait3A_153, %mul3A_2, %dma_wait3A_159, %dma_wait3A_160] : memref<50x4x128x8x128xf32, #tpu.memory_space<hbm>> -> memref<1x1x4x8x128xf32, #tpu.memory_space<hbm>>
    %dma_wait3A_162 = tpu.memref_squeeze %dma_wait3A_161 : memref<1x1x4x8x128xf32, #tpu.memory_space<hbm>> -> memref<4x8x128xf32, #tpu.memory_space<hbm>>
    %dma_wait3A_163 = arith.constant 0 : i32
    %dma_wait3A_164 = arith.constant 0 : i32
    %dma_wait3A_165 = tpu.memref_slice %arg4[%dma_wait3A_152, %dma_wait3A_153, %mul3A_2, %dma_wait3A_163, %dma_wait3A_164] : memref<50x4x128x8x128xf32, #tpu.memory_space<hbm>> -> memref<1x1x4x8x128xf32, #tpu.memory_space<hbm>>
    %dma_wait3A_166 = tpu.memref_squeeze %dma_wait3A_165 : memref<1x1x4x8x128xf32, #tpu.memory_space<hbm>> -> memref<4x8x128xf32, #tpu.memory_space<hbm>>
    %dma_wait3A_167 = arith.constant 0 : i32
    %dma_wait3A_168 = arith.constant 0 : i32
    %dma_wait3A_169 = arith.constant 0 : i32
    %dma_wait3A_170 = tpu.memref_slice %arg7[%dma_wait3A_150, %dma_wait3A_151, %dma_wait3A_167, %dma_wait3A_168, %dma_wait3A_169] : memref<2x4x4x8x128xf32, #tpu.memory_space<vmem>> -> memref<1x1x4x8x128xf32, #tpu.memory_space<vmem>>
    %dma_wait3A_171 = tpu.memref_squeeze %dma_wait3A_170 : memref<1x1x4x8x128xf32, #tpu.memory_space<vmem>> -> memref<4x8x128xf32, #tpu.memory_space<vmem>>
    tpu.wait_dma2 semaphore(%arg10 : memref<!tpu.dma_semaphore, #tpu.memory_space<semaphore_mem>>) src(%dma_wait3A_171 : memref<4x8x128xf32, #tpu.memory_space<vmem>>) dst(%dma_wait3A_166 : memref<4x8x128xf32, #tpu.memory_space<hbm>>)
    %dma_wait3A_172 = arith.constant 0 : i32
    %dma_wait3A_173 = arith.constant 2 : i32
    %dma_wait3A_174 = arith.constant 0 : i32
    %dma_wait3A_175 = arith.constant 2 : i32
    %dma_wait3A_176 = arith.constant 0 : i32
    %dma_wait3A_177 = arith.constant 0 : i32
    %dma_wait3A_178 = arith.constant 0 : i32
    %dma_wait3A_179 = tpu.memref_slice %arg7[%dma_wait3A_172, %dma_wait3A_173, %dma_wait3A_176, %dma_wait3A_177, %dma_wait3A_178] : memref<2x4x4x8x128xf32, #tpu.memory_space<vmem>> -> memref<1x1x4x8x128xf32, #tpu.memory_space<vmem>>
    %dma_wait3A_180 = tpu.memref_squeeze %dma_wait3A_179 : memref<1x1x4x8x128xf32, #tpu.memory_space<vmem>> -> memref<4x8x128xf32, #tpu.memory_space<vmem>>
    %dma_wait3A_181 = arith.constant 0 : i32
    %dma_wait3A_182 = arith.constant 0 : i32
    %dma_wait3A_183 = tpu.memref_slice %arg4[%dma_wait3A_174, %dma_wait3A_175, %mul3A_2, %dma_wait3A_181, %dma_wait3A_182] : memref<50x4x128x8x128xf32, #tpu.memory_space<hbm>> -> memref<1x1x4x8x128xf32, #tpu.memory_space<hbm>>
    %dma_wait3A_184 = tpu.memref_squeeze %dma_wait3A_183 : memref<1x1x4x8x128xf32, #tpu.memory_space<hbm>> -> memref<4x8x128xf32, #tpu.memory_space<hbm>>
    %dma_wait3A_185 = arith.constant 0 : i32
    %dma_wait3A_186 = arith.constant 0 : i32
    %dma_wait3A_187 = tpu.memref_slice %arg4[%dma_wait3A_174, %dma_wait3A_175, %mul3A_2, %dma_wait3A_185, %dma_wait3A_186] : memref<50x4x128x8x128xf32, #tpu.memory_space<hbm>> -> memref<1x1x4x8x128xf32, #tpu.memory_space<hbm>>
    %dma_wait3A_188 = tpu.memref_squeeze %dma_wait3A_187 : memref<1x1x4x8x128xf32, #tpu.memory_space<hbm>> -> memref<4x8x128xf32, #tpu.memory_space<hbm>>
    %dma_wait3A_189 = arith.constant 0 : i32
    %dma_wait3A_190 = arith.constant 0 : i32
    %dma_wait3A_191 = arith.constant 0 : i32
    %dma_wait3A_192 = tpu.memref_slice %arg7[%dma_wait3A_172, %dma_wait3A_173, %dma_wait3A_189, %dma_wait3A_190, %dma_wait3A_191] : memref<2x4x4x8x128xf32, #tpu.memory_space<vmem>> -> memref<1x1x4x8x128xf32, #tpu.memory_space<vmem>>
    %dma_wait3A_193 = tpu.memref_squeeze %dma_wait3A_192 : memref<1x1x4x8x128xf32, #tpu.memory_space<vmem>> -> memref<4x8x128xf32, #tpu.memory_space<vmem>>
    tpu.wait_dma2 semaphore(%arg10 : memref<!tpu.dma_semaphore, #tpu.memory_space<semaphore_mem>>) src(%dma_wait3A_193 : memref<4x8x128xf32, #tpu.memory_space<vmem>>) dst(%dma_wait3A_188 : memref<4x8x128xf32, #tpu.memory_space<hbm>>)
    %dma_wait3A_194 = arith.constant 0 : i32
    %dma_wait3A_195 = arith.constant 3 : i32
    %dma_wait3A_196 = arith.constant 0 : i32
    %dma_wait3A_197 = arith.constant 3 : i32
    %dma_wait3A_198 = arith.constant 0 : i32
    %dma_wait3A_199 = arith.constant 0 : i32
    %dma_wait3A_200 = arith.constant 0 : i32
    %dma_wait3A_201 = tpu.memref_slice %arg7[%dma_wait3A_194, %dma_wait3A_195, %dma_wait3A_198, %dma_wait3A_199, %dma_wait3A_200] : memref<2x4x4x8x128xf32, #tpu.memory_space<vmem>> -> memref<1x1x4x8x128xf32, #tpu.memory_space<vmem>>
    %dma_wait3A_202 = tpu.memref_squeeze %dma_wait3A_201 : memref<1x1x4x8x128xf32, #tpu.memory_space<vmem>> -> memref<4x8x128xf32, #tpu.memory_space<vmem>>
    %dma_wait3A_203 = arith.constant 0 : i32
    %dma_wait3A_204 = arith.constant 0 : i32
    %dma_wait3A_205 = tpu.memref_slice %arg4[%dma_wait3A_196, %dma_wait3A_197, %mul3A_2, %dma_wait3A_203, %dma_wait3A_204] : memref<50x4x128x8x128xf32, #tpu.memory_space<hbm>> -> memref<1x1x4x8x128xf32, #tpu.memory_space<hbm>>
    %dma_wait3A_206 = tpu.memref_squeeze %dma_wait3A_205 : memref<1x1x4x8x128xf32, #tpu.memory_space<hbm>> -> memref<4x8x128xf32, #tpu.memory_space<hbm>>
    %dma_wait3A_207 = arith.constant 0 : i32
    %dma_wait3A_208 = arith.constant 0 : i32
    %dma_wait3A_209 = tpu.memref_slice %arg4[%dma_wait3A_196, %dma_wait3A_197, %mul3A_2, %dma_wait3A_207, %dma_wait3A_208] : memref<50x4x128x8x128xf32, #tpu.memory_space<hbm>> -> memref<1x1x4x8x128xf32, #tpu.memory_space<hbm>>
    %dma_wait3A_210 = tpu.memref_squeeze %dma_wait3A_209 : memref<1x1x4x8x128xf32, #tpu.memory_space<hbm>> -> memref<4x8x128xf32, #tpu.memory_space<hbm>>
    %dma_wait3A_211 = arith.constant 0 : i32
    %dma_wait3A_212 = arith.constant 0 : i32
    %dma_wait3A_213 = arith.constant 0 : i32
    %dma_wait3A_214 = tpu.memref_slice %arg7[%dma_wait3A_194, %dma_wait3A_195, %dma_wait3A_211, %dma_wait3A_212, %dma_wait3A_213] : memref<2x4x4x8x128xf32, #tpu.memory_space<vmem>> -> memref<1x1x4x8x128xf32, #tpu.memory_space<vmem>>
    %dma_wait3A_215 = tpu.memref_squeeze %dma_wait3A_214 : memref<1x1x4x8x128xf32, #tpu.memory_space<vmem>> -> memref<4x8x128xf32, #tpu.memory_space<vmem>>
    tpu.wait_dma2 semaphore(%arg10 : memref<!tpu.dma_semaphore, #tpu.memory_space<semaphore_mem>>) src(%dma_wait3A_215 : memref<4x8x128xf32, #tpu.memory_space<vmem>>) dst(%dma_wait3A_210 : memref<4x8x128xf32, #tpu.memory_space<hbm>>)
    %dma_wait3A_216 = arith.constant 1 : i32
    %dma_wait3A_217 = arith.constant 0 : i32
    %dma_wait3A_218 = arith.constant 0 : i32
    %dma_wait3A_219 = arith.constant 0 : i32
    %dma_wait3A_220 = arith.constant 0 : i32
    %dma_wait3A_221 = arith.constant 0 : i32
    %dma_wait3A_222 = arith.constant 0 : i32
    %dma_wait3A_223 = tpu.memref_slice %arg7[%dma_wait3A_216, %dma_wait3A_217, %dma_wait3A_220, %dma_wait3A_221, %dma_wait3A_222] : memref<2x4x4x8x128xf32, #tpu.memory_space<vmem>> -> memref<1x1x4x8x128xf32, #tpu.memory_space<vmem>>
    %dma_wait3A_224 = tpu.memref_squeeze %dma_wait3A_223 : memref<1x1x4x8x128xf32, #tpu.memory_space<vmem>> -> memref<4x8x128xf32, #tpu.memory_space<vmem>>
    %dma_wait3A_225 = arith.constant 0 : i32
    %dma_wait3A_226 = arith.constant 0 : i32
    %dma_wait3A_227 = tpu.memref_slice %arg4[%dma_wait3A_218, %dma_wait3A_219, %mul3A_2, %dma_wait3A_225, %dma_wait3A_226] : memref<50x4x128x8x128xf32, #tpu.memory_space<hbm>> -> memref<1x1x4x8x128xf32, #tpu.memory_space<hbm>>
    %dma_wait3A_228 = tpu.memref_squeeze %dma_wait3A_227 : memref<1x1x4x8x128xf32, #tpu.memory_space<hbm>> -> memref<4x8x128xf32, #tpu.memory_space<hbm>>
    %dma_wait3A_229 = arith.constant 0 : i32
    %dma_wait3A_230 = arith.constant 0 : i32
    %dma_wait3A_231 = tpu.memref_slice %arg4[%dma_wait3A_218, %dma_wait3A_219, %mul3A_2, %dma_wait3A_229, %dma_wait3A_230] : memref<50x4x128x8x128xf32, #tpu.memory_space<hbm>> -> memref<1x1x4x8x128xf32, #tpu.memory_space<hbm>>
    %dma_wait3A_232 = tpu.memref_squeeze %dma_wait3A_231 : memref<1x1x4x8x128xf32, #tpu.memory_space<hbm>> -> memref<4x8x128xf32, #tpu.memory_space<hbm>>
    %dma_wait3A_233 = arith.constant 0 : i32
    %dma_wait3A_234 = arith.constant 0 : i32
    %dma_wait3A_235 = arith.constant 0 : i32
    %dma_wait3A_236 = tpu.memref_slice %arg7[%dma_wait3A_216, %dma_wait3A_217, %dma_wait3A_233, %dma_wait3A_234, %dma_wait3A_235] : memref<2x4x4x8x128xf32, #tpu.memory_space<vmem>> -> memref<1x1x4x8x128xf32, #tpu.memory_space<vmem>>
    %dma_wait3A_237 = tpu.memref_squeeze %dma_wait3A_236 : memref<1x1x4x8x128xf32, #tpu.memory_space<vmem>> -> memref<4x8x128xf32, #tpu.memory_space<vmem>>
    tpu.wait_dma2 semaphore(%arg11 : memref<!tpu.dma_semaphore, #tpu.memory_space<semaphore_mem>>) src(%dma_wait3A_237 : memref<4x8x128xf32, #tpu.memory_space<vmem>>) dst(%dma_wait3A_232 : memref<4x8x128xf32, #tpu.memory_space<hbm>>)
    %dma_wait3A_238 = arith.constant 1 : i32
    %dma_wait3A_239 = arith.constant 1 : i32
    %dma_wait3A_240 = arith.constant 0 : i32
    %dma_wait3A_241 = arith.constant 1 : i32
    %dma_wait3A_242 = arith.constant 0 : i32
    %dma_wait3A_243 = arith.constant 0 : i32
    %dma_wait3A_244 = arith.constant 0 : i32
    %dma_wait3A_245 = tpu.memref_slice %arg7[%dma_wait3A_238, %dma_wait3A_239, %dma_wait3A_242, %dma_wait3A_243, %dma_wait3A_244] : memref<2x4x4x8x128xf32, #tpu.memory_space<vmem>> -> memref<1x1x4x8x128xf32, #tpu.memory_space<vmem>>
    %dma_wait3A_246 = tpu.memref_squeeze %dma_wait3A_245 : memref<1x1x4x8x128xf32, #tpu.memory_space<vmem>> -> memref<4x8x128xf32, #tpu.memory_space<vmem>>
    %dma_wait3A_247 = arith.constant 0 : i32
    %dma_wait3A_248 = arith.constant 0 : i32
    %dma_wait3A_249 = tpu.memref_slice %arg4[%dma_wait3A_240, %dma_wait3A_241, %mul3A_2, %dma_wait3A_247, %dma_wait3A_248] : memref<50x4x128x8x128xf32, #tpu.memory_space<hbm>> -> memref<1x1x4x8x128xf32, #tpu.memory_space<hbm>>
    %dma_wait3A_250 = tpu.memref_squeeze %dma_wait3A_249 : memref<1x1x4x8x128xf32, #tpu.memory_space<hbm>> -> memref<4x8x128xf32, #tpu.memory_space<hbm>>
    %dma_wait3A_251 = arith.constant 0 : i32
    %dma_wait3A_252 = arith.constant 0 : i32
    %dma_wait3A_253 = tpu.memref_slice %arg4[%dma_wait3A_240, %dma_wait3A_241, %mul3A_2, %dma_wait3A_251, %dma_wait3A_252] : memref<50x4x128x8x128xf32, #tpu.memory_space<hbm>> -> memref<1x1x4x8x128xf32, #tpu.memory_space<hbm>>
    %dma_wait3A_254 = tpu.memref_squeeze %dma_wait3A_253 : memref<1x1x4x8x128xf32, #tpu.memory_space<hbm>> -> memref<4x8x128xf32, #tpu.memory_space<hbm>>
    %dma_wait3A_255 = arith.constant 0 : i32
    %dma_wait3A_256 = arith.constant 0 : i32
    %dma_wait3A_257 = arith.constant 0 : i32
    %dma_wait3A_258 = tpu.memref_slice %arg7[%dma_wait3A_238, %dma_wait3A_239, %dma_wait3A_255, %dma_wait3A_256, %dma_wait3A_257] : memref<2x4x4x8x128xf32, #tpu.memory_space<vmem>> -> memref<1x1x4x8x128xf32, #tpu.memory_space<vmem>>
    %dma_wait3A_259 = tpu.memref_squeeze %dma_wait3A_258 : memref<1x1x4x8x128xf32, #tpu.memory_space<vmem>> -> memref<4x8x128xf32, #tpu.memory_space<vmem>>
    tpu.wait_dma2 semaphore(%arg11 : memref<!tpu.dma_semaphore, #tpu.memory_space<semaphore_mem>>) src(%dma_wait3A_259 : memref<4x8x128xf32, #tpu.memory_space<vmem>>) dst(%dma_wait3A_254 : memref<4x8x128xf32, #tpu.memory_space<hbm>>)
    %dma_wait3A_260 = arith.constant 1 : i32
    %dma_wait3A_261 = arith.constant 2 : i32
    %dma_wait3A_262 = arith.constant 0 : i32
    %dma_wait3A_263 = arith.constant 2 : i32
    %dma_wait3A_264 = arith.constant 0 : i32
    %dma_wait3A_265 = arith.constant 0 : i32
    %dma_wait3A_266 = arith.constant 0 : i32
    %dma_wait3A_267 = tpu.memref_slice %arg7[%dma_wait3A_260, %dma_wait3A_261, %dma_wait3A_264, %dma_wait3A_265, %dma_wait3A_266] : memref<2x4x4x8x128xf32, #tpu.memory_space<vmem>> -> memref<1x1x4x8x128xf32, #tpu.memory_space<vmem>>
    %dma_wait3A_268 = tpu.memref_squeeze %dma_wait3A_267 : memref<1x1x4x8x128xf32, #tpu.memory_space<vmem>> -> memref<4x8x128xf32, #tpu.memory_space<vmem>>
    %dma_wait3A_269 = arith.constant 0 : i32
    %dma_wait3A_270 = arith.constant 0 : i32
    %dma_wait3A_271 = tpu.memref_slice %arg4[%dma_wait3A_262, %dma_wait3A_263, %mul3A_2, %dma_wait3A_269, %dma_wait3A_270] : memref<50x4x128x8x128xf32, #tpu.memory_space<hbm>> -> memref<1x1x4x8x128xf32, #tpu.memory_space<hbm>>
    %dma_wait3A_272 = tpu.memref_squeeze %dma_wait3A_271 : memref<1x1x4x8x128xf32, #tpu.memory_space<hbm>> -> memref<4x8x128xf32, #tpu.memory_space<hbm>>
    %dma_wait3A_273 = arith.constant 0 : i32
    %dma_wait3A_274 = arith.constant 0 : i32
    %dma_wait3A_275 = tpu.memref_slice %arg4[%dma_wait3A_262, %dma_wait3A_263, %mul3A_2, %dma_wait3A_273, %dma_wait3A_274] : memref<50x4x128x8x128xf32, #tpu.memory_space<hbm>> -> memref<1x1x4x8x128xf32, #tpu.memory_space<hbm>>
    %dma_wait3A_276 = tpu.memref_squeeze %dma_wait3A_275 : memref<1x1x4x8x128xf32, #tpu.memory_space<hbm>> -> memref<4x8x128xf32, #tpu.memory_space<hbm>>
    %dma_wait3A_277 = arith.constant 0 : i32
    %dma_wait3A_278 = arith.constant 0 : i32
    %dma_wait3A_279 = arith.constant 0 : i32
    %dma_wait3A_280 = tpu.memref_slice %arg7[%dma_wait3A_260, %dma_wait3A_261, %dma_wait3A_277, %dma_wait3A_278, %dma_wait3A_279] : memref<2x4x4x8x128xf32, #tpu.memory_space<vmem>> -> memref<1x1x4x8x128xf32, #tpu.memory_space<vmem>>
    %dma_wait3A_281 = tpu.memref_squeeze %dma_wait3A_280 : memref<1x1x4x8x128xf32, #tpu.memory_space<vmem>> -> memref<4x8x128xf32, #tpu.memory_space<vmem>>
    tpu.wait_dma2 semaphore(%arg11 : memref<!tpu.dma_semaphore, #tpu.memory_space<semaphore_mem>>) src(%dma_wait3A_281 : memref<4x8x128xf32, #tpu.memory_space<vmem>>) dst(%dma_wait3A_276 : memref<4x8x128xf32, #tpu.memory_space<hbm>>)
    %dma_wait3A_282 = arith.constant 1 : i32
    %dma_wait3A_283 = arith.constant 3 : i32
    %dma_wait3A_284 = arith.constant 0 : i32
    %dma_wait3A_285 = arith.constant 3 : i32
    %dma_wait3A_286 = arith.constant 0 : i32
    %dma_wait3A_287 = arith.constant 0 : i32
    %dma_wait3A_288 = arith.constant 0 : i32
    %dma_wait3A_289 = tpu.memref_slice %arg7[%dma_wait3A_282, %dma_wait3A_283, %dma_wait3A_286, %dma_wait3A_287, %dma_wait3A_288] : memref<2x4x4x8x128xf32, #tpu.memory_space<vmem>> -> memref<1x1x4x8x128xf32, #tpu.memory_space<vmem>>
    %dma_wait3A_290 = tpu.memref_squeeze %dma_wait3A_289 : memref<1x1x4x8x128xf32, #tpu.memory_space<vmem>> -> memref<4x8x128xf32, #tpu.memory_space<vmem>>
    %dma_wait3A_291 = arith.constant 0 : i32
    %dma_wait3A_292 = arith.constant 0 : i32
    %dma_wait3A_293 = tpu.memref_slice %arg4[%dma_wait3A_284, %dma_wait3A_285, %mul3A_2, %dma_wait3A_291, %dma_wait3A_292] : memref<50x4x128x8x128xf32, #tpu.memory_space<hbm>> -> memref<1x1x4x8x128xf32, #tpu.memory_space<hbm>>
    %dma_wait3A_294 = tpu.memref_squeeze %dma_wait3A_293 : memref<1x1x4x8x128xf32, #tpu.memory_space<hbm>> -> memref<4x8x128xf32, #tpu.memory_space<hbm>>
    %dma_wait3A_295 = arith.constant 0 : i32
    %dma_wait3A_296 = arith.constant 0 : i32
    %dma_wait3A_297 = tpu.memref_slice %arg4[%dma_wait3A_284, %dma_wait3A_285, %mul3A_2, %dma_wait3A_295, %dma_wait3A_296] : memref<50x4x128x8x128xf32, #tpu.memory_space<hbm>> -> memref<1x1x4x8x128xf32, #tpu.memory_space<hbm>>
    %dma_wait3A_298 = tpu.memref_squeeze %dma_wait3A_297 : memref<1x1x4x8x128xf32, #tpu.memory_space<hbm>> -> memref<4x8x128xf32, #tpu.memory_space<hbm>>
    %dma_wait3A_299 = arith.constant 0 : i32
    %dma_wait3A_300 = arith.constant 0 : i32
    %dma_wait3A_301 = arith.constant 0 : i32
    %dma_wait3A_302 = tpu.memref_slice %arg7[%dma_wait3A_282, %dma_wait3A_283, %dma_wait3A_299, %dma_wait3A_300, %dma_wait3A_301] : memref<2x4x4x8x128xf32, #tpu.memory_space<vmem>> -> memref<1x1x4x8x128xf32, #tpu.memory_space<vmem>>
    %dma_wait3A_303 = tpu.memref_squeeze %dma_wait3A_302 : memref<1x1x4x8x128xf32, #tpu.memory_space<vmem>> -> memref<4x8x128xf32, #tpu.memory_space<vmem>>
    tpu.wait_dma2 semaphore(%arg11 : memref<!tpu.dma_semaphore, #tpu.memory_space<semaphore_mem>>) src(%dma_wait3A_303 : memref<4x8x128xf32, #tpu.memory_space<vmem>>) dst(%dma_wait3A_298 : memref<4x8x128xf32, #tpu.memory_space<hbm>>)
    return
  }
}

</mosaic_0001>

<sc_bundles>
// kernel: kernel.3.cloned.1.call-start
scs
__scs_entry_jumppad:
0x0: {  	(pc) =	sbr.rel $0x88, $3  }
0x1: {  	(tag) =	ssettag $0x0;
	lr =	simm.s32 $0x1  }
0x2: {  	[smem:$0x3F9F] =	sst lr;
	_ =	strace $0xD0000000  }
0x3: {  	_ = 	snop  }
0x4: {  	_ = 	snop  }
0x5: {  	_ = 	snop  }
0x6: {  	_ = 	snop  }
0x7: {  	_ = 	snop  }
__scs_overlays_trampoline_lowered:
0x8: {  	[smem:$0x3FAE] =	sst s0  }
0x9: {  	[smem:$0x3FAF] =	sst s1  }
0xa: {  	[smem:$0x3FB0] =	sst s2  }
0xb: {  	[smem:$0x3FB1] =	sst s3  }
0xc: {  	[smem:$0x3FB2] =	sst s4  }
0xd: {  	[smem:$0x3FB3] =	sst s5  }
0xe: {  	[smem:$0x3FB4] =	sst s6  }
0xf: {  	[smem:$0x3FB5] =	sst s7  }
0x10: {  	[smem:$0x3FB6] =	sst s8  }
0x11: {  	[smem:$0x3FB7] =	sst s9;
	s0 =	simm.s32 @!p0 $0x0  }
0x12: {  	s1 =	sld [smem:$0x3F9D];
	s0 =	simm.s32 @p0 $0x1  }
0x13: {  	[smem:$0x3FB8] =	sst s0;
	s0 =	simm.s32 @!p1 $0x0  }
0x14: {  	s2 =	sld [smem:$0x3F9C];
	s0 =	simm.s32 @p1 $0x1  }
0x15: {  	[smem:$0x3FB9] =	sst s0;
	s0 =	simm.s32 @!p2 $0x0  }
0x16: {  	s3 =	sld [smem:$0x3FDB];
	s0 =	simm.s32 @p2 $0x1  }
0x17: {  	s4 =	simm.s32 $0x1BF5;
	[smem:$0x3FBB] =	sst s0  }
0x18: {  	s0 =	sld [smem:$0x3F9E];
	_ =	swait.ge [sflag:s4], $0x0  }
0x19: {  	s7 =	sld [smem:$0x3F9F]  }
0x1a: {  	s8 =	sadd.s32 $0xFFFFE003, lr  }
0x1b: {  	s9 =	sadd.s32 $0xFFFFFEF7, lr;
	s5 =	simm.s32 $0xFFFFFFFF;
	p2 =	slt.u32 s8, $0xFFFFF086  }
0x1c: {  	p1 =	slt.u32 s9, $0xF7A;
	s5 =	simm.s32 @!p2 $0x0  }
0x1d: {  	s5 =	simm.s32 @p1 $0x1;
	p0 =	seq.s32 s7, s2  }
0x1e: {  	s7 =	smul.u32 @!p0 $0xF7A, s2;
	p2 =	seq.s32 @!p0 s5, $0x0  }
0x1f: {  	s9 =	smul.u32 $0xF7A, s1;
	s8 =	simm.s32 @!p0 $0x1BF5;
	p2 =	por !p2, p0  }
0x20: {  	[sflag:s8] =	ssyncset.s32 @!p0 $0xFFFFF086;
	s6 =	sadd.s32 @!p0 s3, s7;
	s7 =	simm.s32 @!p0 $0x108  }
0x21: {  	s3 =	sadd.s32 s3, s9;
	s6 =	sadd.s32 @!p0 $0x88, s6;
	s7 =	simm.s32 @p2 $0x1082  }
0x22: {  	[simem:s7], [sflag:s8] =	dma.local @!p0 [hbm:s6], $0xF7A  }
0x23: {  	s9 =	sor.u32 $0xD0000000, s2;
	s6 =	simm.s32 $0x108;
	_ =	swait.ge @!p0 [sflag:s8], $0x0  }
0x24: {  	s3 =	sadd.s32 $0x88, s3;
	s6 =	simm.s32 @!p1 $0x1082;
	[sflag:s4] =	ssyncset.s32 $0xFFFFF086  }
0x25: {  	[simem:s6], [sflag:s4] =	dma.local [hbm:s3], $0xF7A  }
0x26: {  	[smem:$0x3F9F] =	sst s1;
	(tag) =	ssettag s2;
	_ =	strace s9  }
0x27: {  	s1 =	sld [smem:$0x3FAF]  }
0x28: {  	s2 =	sld [smem:$0x3FB0]  }
0x29: {  	s4 =	sld [smem:$0x3FB2]  }
0x2a: {  	p0 =	seq.s32 s5, $0x0;
	s5 =	sld [smem:$0x3FB3]  }
0x2b: {  	s6 =	sld [smem:$0x3FB4]  }
0x2c: {  	s7 =	sld [smem:$0x3FB5]  }
0x2d: {  	s3 =	simm.s32 $0x108;
	s8 =	sld [smem:$0x3FB6]  }
0x2e: {  	s3 =	simm.s32 @!p0 $0x1082;
	s9 =	sld [smem:$0x3FB7]  }
0x2f: {  	lr =	sadd.s32 s0, s3;
	s0 =	sld [smem:$0x3FAE]  }
0x30: {  	s3 =	sld [smem:$0x3FB1]  }
0x31: {  	[smem:$0x3FBA] =	sst s10  }
0x32: {  	s10 =	sld [smem:$0x3FB8];
	_ =	sdelay $0x3  }
0x33: {  	p0 =	seq.s32 s10, $0x1;
	s10 =	sld [smem:$0x3FBA];
	_ =	sdelay $0x3  }
0x34: {  	[smem:$0x3FBA] =	sst s10  }
0x35: {  	s10 =	sld [smem:$0x3FB9];
	_ =	sdelay $0x3  }
0x36: {  	p1 =	seq.s32 s10, $0x1;
	s10 =	sld [smem:$0x3FBA];
	_ =	sdelay $0x3  }
0x37: {  	[smem:$0x3FBA] =	sst s10  }
0x38: {  	s10 =	sld [smem:$0x3FBB]  }
0x39: {  	_ = 	snop;
	(pc) =	sbr.ind lr, $3  }
0x3a: {  	_ = 	snop  }
0x3b: {  	_ = 	snop  }
0x3c: {  	p2 =	seq.s32 s10, $0x1;
	s10 =	sld [smem:$0x3FBA]  }
0x3d: {  	_ =	shalt  }
0x3e: {  	_ =	shalt  }
0x3f: {  	_ =	shalt  }
0x40: {  	_ =	shalt  }
0x41: {  	_ =	shalt  }
0x42: {  	_ =	shalt  }
0x43: {  	_ =	shalt  }
0x44: {  	_ =	shalt  }
0x45: {  	_ =	shalt  }
0x46: {  	_ =	shalt  }
0x47: {  	_ =	shalt  }
0x48: {  	_ =	shalt  }
0x49: {  	_ =	shalt  }
0x4a: {  	_ =	shalt  }
0x4b: {  	_ =	shalt  }
0x4c: {  	_ =	shalt  }
0x4d: {  	_ =	shalt  }
0x4e: {  	_ =	shalt  }
0x4f: {  	_ =	shalt  }
0x50: {  	_ =	shalt  }
0x51: {  	_ =	shalt  }
0x52: {  	_ =	shalt  }
0x53: {  	_ =	shalt  }
0x54: {  	_ =	shalt  }
0x55: {  	_ =	shalt  }
0x56: {  	_ =	shalt  }
0x57: {  	_ =	shalt  }
0x58: {  	_ =	shalt  }
0x59: {  	_ =	shalt  }
0x5a: {  	_ =	shalt  }
0x5b: {  	_ =	shalt  }
0x5c: {  	_ =	shalt  }
0x5d: {  	_ =	shalt  }
0x5e: {  	_ =	shalt  }
0x5f: {  	_ =	shalt  }
0x60: {  	_ =	shalt  }
0x61: {  	_ =	shalt  }
0x62: {  	_ =	shalt  }
0x63: {  	_ =	shalt  }
0x64: {  	_ =	shalt  }
0x65: {  	_ =	shalt  }
0x66: {  	_ =	shalt  }
0x67: {  	_ =	shalt  }
0x68: {  	_ =	shalt  }
0x69: {  	_ =	shalt  }
0x6a: {  	_ =	shalt  }
0x6b: {  	_ =	shalt  }
0x6c: {  	_ =	shalt  }
0x6d: {  	_ =	shalt  }
0x6e: {  	_ =	shalt  }
0x6f: {  	_ =	shalt  }
0x70: {  	_ =	shalt  }
0x71: {  	_ =	shalt  }
0x72: {  	_ =	shalt  }
0x73: {  	_ =	shalt  }
0x74: {  	_ =	shalt  }
0x75: {  	_ =	shalt  }
0x76: {  	_ =	shalt  }
0x77: {  	_ =	shalt  }
0x78: {  	_ =	shalt  }
0x79: {  	_ =	shalt  }
0x7a: {  	_ =	shalt  }
0x7b: {  	_ =	shalt  }
0x7c: {  	_ =	shalt  }
0x7d: {  	_ =	shalt  }
0x7e: {  	_ =	shalt  }
0x7f: {  	_ =	shalt  }
0x80: {  	_ =	shalt  }
0x81: {  	_ =	shalt  }
0x82: {  	_ =	shalt  }
0x83: {  	_ =	shalt  }
0x84: {  	_ =	shalt  }
0x85: {  	_ =	shalt  }
0x86: {  	_ =	shalt  }
0x87: {  	_ =	shalt  }
.Lfunc_end0:
.L_simem_size_0:
called_computation_lowered:
.L_overlay_start_0:
0x88: {  	s2 =	sld [smem:$0x3FD9]  }
0x89: {  	s3 =	sld [smem:$0x3FFE];
	_ =	sdelay $0x1  }
0x8a: {  	s1 =	srdreg.scid  }
0x8b: {  	s0 =	sand.u32 $0x1, s1  }
0x8c: {  	s17 =	sshll.u32 s0, $0xA;
	s2 =	sadd.s32 s3, s2  }
0x8d: {  	s2 =	sadd.s32 s2, s17  }
0x8e: {  	[smem:$0x3FC6] =	sst s2  }
0x8f: {  	_ = 	snop  }
0x90: {  	s2 =	sld [smem:$0x3FD0];
	(tm) =	ssettm $0x1  }
0x91: {  	s18 =	sld [smem:$0x3FFB];
	_ =	sdelay $0x3  }
0x92: {  	_ =	strace s18  }
0x93: {  	s3 =	sld [smem:$0x3FFC];
	_ =	sdelay $0x3  }
0x94: {  	_ =	strace s3  }
0x95: {  	s3 =	sld [smem:$0x3FFD];
	_ =	sdelay $0x3  }
0x96: {  	_ =	strace s3  }
0x97: {  	_ =	strace $0x8FFFFFFF  }
0x98: {  	s19 =	sld [smem:$0x3FDB];
	_ =	sdelay $0x1  }
0x99: {  	s4 =	simm.s32 $_scs_section_size  }
0x9a: {  	s5 =	simm.s32 $_size__tile_overlayer_lowered;
	s6 =	simm.s32 $_tile_overlayer_lowered  }
0x9b: {  	s22 =	simm.s32 $0x1BFF;
	s21 =	sshll.u32 s6, $0x1;
	s3 =	sadd.s32 s4, s19  }
0x9c: {  	s7 =	simm.s32 $0x0;
	s20 =	sshll.u32 s5, $0x1;
	s5 =	sadd.s32 s21, s3  }
0x9d: {  	[timem:s7], [sflag:s22] =	dma.local [hbm:s5], s20  }
0x9e: {  	_ =	swait.ge [sflag:s22], s20  }
0x9f: {  	s4 =	ssub.s32 $0x0, s20;
	[sflag:s22] =	ssyncset.done $0x0  }
0xa0: {  	[sflag:s22] =	ssyncadd.s32 s4;
	_ =	sdelay $0x1  }
0xa1: {  	s23 =	simm.s32 $0x1B8B  }
0xa2: {  	_ =	swait.ge [sflag:s23], $0x1  }
0xa3: {  	[sflag:s23] =	ssyncset.done $0x0  }
0xa4: {  	s25 =	simm.s32 $0x1B8E;
	s24 =	sld [smem:$0x3FFE];
	[sflag:s23] =	ssyncadd.s32 $0xFFFFFFFF  }
0xa5: {  	s26 =	simm.s32 $execute0_lowered;
	[smem:$0x3FD2] =	sst s25  }
0xa6: {  	s5 =	sshll.u32 s26, $0x1;
	_ =	strace $0x80000046;
	[dreg:$0x1] =	wrdreg $0xFFFFFFFF  }
0xa7: {  	s28 =	simm.s32 $_size_execute0_lowered;
	s3 =	sadd.s32 s3, s5;
	[dreg:$0x0] =	wrdreg $0x0  }
0xa8: {  	s5 =	sshll.u32 s28, $0x1;
	[dreg:$0x2] =	wrdreg s3  }
0xa9: {  	[dreg:$0x3] =	wrdreg s5  }
0xaa: {  	[dreg:$0x4] =	wrdreg $0xC0  }
0xab: {  	_ =	task [dreg:s7], $0x5FFFF  }
0xac: {  	[dreg:$0x1] =	wrdreg $0xFFFFFFFF  }
0xad: {  	[dreg:$0x0] =	wrdreg $0x60  }
0xae: {  	[dreg:$0x2] =	wrdreg s24  }
0xaf: {  	[dreg:$0x3] =	wrdreg s2  }
0xb0: {  	[dreg:$0x4] =	wrdreg $0x9  }
0xb1: {  	_ =	task.clear_ibuf [dreg:s7], $0x5FFFF;
	_ =	strace $0x90000046  }
0xb2: {  	s29 =	simm.s32 $0x9;
	_ =	strace $0x80000048  }
0xb3: {  	_ =	swait.ge [sflag:s29], $0x1  }
0xb4: {  	[sflag:s29] =	ssyncadd.s32 $0xFFFFFFFF  }
0xb5: {  	_ =	strace $0x90000048  }
0xb6: {  	_ =	sfence  }
0xb7: {  	s30 =	sld [smem:$0x0];
	_ =	sdelay $0x2  }
0xb8: {  	s31 =	sshll.u32 s1, $0xD;
	s1 =	sshrl.u32 s1, $0x2  }
0xb9: {  	s3 =	sand.u32 $0x4000, s31;
	s1 =	sadd.s32 s1, s30  }
0xba: {  	s0 =	sor.u32 s3, s0;
	s1 =	sshll.u32 s1, $0x11  }
0xbb: {  	s0 =	sor.u32 s1, s0  }
0xbc: {  	s0 =	sadd.s32 $0x8F2B, s0  }
0xbd: {  	[sflag:s0] =	ssyncadd.remote.s32 $0x1  }
0xbe: {  	_ =	sfence.sel $0xFFFF  }
0xbf: {  	[dreg:$0x0] =	wrdreg $0xFFFFFFFF;
	(pc) =	sbr.abs _section_cstart, $3  }
0xc0: {  	[dreg:$0x1] =	wrdreg $0xFFFFFFFF  }
0xc1: {  	_ =	task.clear_ibuf [dreg:s7], $0x2FFFF;
	_ =	strace $0x9FFFFFFF  }
0xc2: {  	(tm) =	ssettm $0x7FFFFFFF  }
0xc3: {  	_ =	shalt  }
tec
execute0_lowered:
.L_overlay_start_1:
0x0: {  	(tag) =	ssettag $0x1  }
0x1: {  	s0 =	rddreg [dreg:$0x0]  }
0x2: {  	s4 =	rddreg [dreg:$0x1];
	s10 =	simm.s32 $0x0;
	v0 =	vlaneseq.u32  }
0x3: {  	[smem:$0x7FF] =	sst s10;
	s24 =	sadd.s32 $0x4000, s4;
	v0 =	vmul.u32 $0x20, v0  }
0x4: {  	s25 =	sadd.s32 $0x8000, s4;
	_ =	strace $0x80000047;
	[dreg:$0x6] =	wrdreg s24  }
0x5: {  	s1 =	srdreg.scid;
	s26 =	sadd.s32 $0xC000, s4;
	[dreg:$0x7] =	wrdreg s25;
	v1 =	vor.u32 $0x200, v0  }
0x6: {  	s2 =	stileid.u32;
	s28 =	sadd.s32 $0x10000, s4;
	[dreg:$0x8] =	wrdreg s26;
	v2 =	vor.u32 $0x400, v0;
	v3 =	vor.u32 $0x600, v0;
	v4 =	vor.u32 $0x800, v0  }
0x7: {  	s1 =	sand.u32 $0x1, s1;
	s29 =	sadd.s32 $0x14000, s4;
	[dreg:$0x9] =	wrdreg s28;
	v5 =	vor.u32 $0xA00, v0;
	v6 =	vor.u32 $0xC00, v0;
	v7 =	vor.u32 $0xE00, v0  }
0x8: {  	s2 =	sshll.u32 s2, $0x1;
	s30 =	sadd.s32 $0x18000, s4;
	[dreg:$0xa] =	wrdreg s29;
	v8 =	vor.u32 $0x1000, v0;
	v9 =	vor.u32 $0x1200, v0;
	v10 =	vor.u32 $0x1400, v0  }
0x9: {  	s31 =	sadd.s32 $0x1C000, s4;
	s2 =	sor.u32 s1, s2;
	[dreg:$0xb] =	wrdreg s30;
	v11 =	vor.u32 $0x1600, v0;
	v12 =	vor.u32 $0x1800, v0;
	v13 =	vor.u32 $0x1A00, v0  }
0xa: {  	s1 =	ssub.s32 $0x2, s1;
	[dreg:$0xc] =	wrdreg s31;
	s3 =	sshll.u32 s2, $0x6;
	v14 =	vor.u32 $0x1C00, v0;
	v15 =	vor.u32 $0x1E00, v0;
	v16 =	vor.u32 $0x2000, v0  }
.Ltmp0:
0xb: {  	s5 =	sshrl.u32 s1, $0x1;
	s23 =	sshll.u32 s2, $0x9;
	v17 =	vor.u32 $0x2200, v0;
	v18 =	vor.u32 $0x2400, v0;
	v19 =	vor.u32 $0x2600, v0;
	(pc) =	sbr.rel .LBB2_1-.Ltmp0, $4  }
0xc: {  	v20 =	vor.u32 $0x2800, v0;
	v21 =	vor.u32 $0x2A00, v0;
	v22 =	vor.u32 $0x2C00, v0;
	s3 =	sadd.s32 s3, s0;
	s0 =	sadd.s32 $0xF42A00, s0;
	[dreg:$0x5] =	wrdreg s23  }
0xd: {  	v23 =	vor.u32 $0x2E00, v0;
	v24 =	vor.u32 $0x3000, v0;
	v25 =	vor.u32 $0x3200, v0;
	s21 =	ssub.s32 s1, s5;
	[dreg:$0x3] =	wrdreg s0;
	s22 =	sadd.s32 $0x600, s3  }
0xe: {  	s19 =	simm.s32 $0x6400;
	v26 =	vor.u32 $0x3400, v0;
	v27 =	vor.u32 $0x3600, v0;
	v28 =	vor.u32 $0x3800, v0;
	s0 =	smax.u32 s21, $0x1;
	[dreg:$0x4] =	wrdreg s22  }
0xf: {  	s25 =	simm.s32 $0xA400;
	v29 =	vor.u32 $0x3A00, v0;
	v30 =	vor.u32 $0x3C00, v0;
	v31 =	vor.u32 $0x3E00, v0;
	s2 =	simm.s32 $0x0;
	[dreg:$0xd] =	wrdreg s0  }
.LBB2_12:
0x10: {  	s0 =	simm.s32 $0x3  }
0x11: {  	_ =	swait.ge [sflag:s0], $0x1000  }
0x12: {  	[sflag:s0] =	ssyncset.done $0x0  }
0x13: {  	[sflag:s0] =	ssyncadd.s32 $0xFFFFF000  }
0x14: {  	_ =	swait.ge [sflag:s0], $0x1000  }
0x15: {  	[sflag:s0] =	ssyncset.done $0x0  }
0x16: {  	[sflag:s0] =	ssyncadd.s32 $0xFFFFF000  }
0x17: {  	_ =	swait.ge [sflag:s0], $0x1000  }
0x18: {  	[sflag:s0] =	ssyncset.done $0x0  }
0x19: {  	[sflag:s0] =	ssyncadd.s32 $0xFFFFF000  }
0x1a: {  	_ =	swait.ge [sflag:s0], $0x1000  }
0x1b: {  	[sflag:s0] =	ssyncset.done $0x0  }
0x1c: {  	s1 =	simm.s32 $0x4;
	[sflag:s0] =	ssyncadd.s32 $0xFFFFF000  }
0x1d: {  	_ =	swait.ge [sflag:s1], $0x1000  }
0x1e: {  	[sflag:s1] =	ssyncset.done $0x0  }
0x1f: {  	[sflag:s1] =	ssyncadd.s32 $0xFFFFF000  }
0x20: {  	_ =	swait.ge [sflag:s1], $0x1000  }
0x21: {  	[sflag:s1] =	ssyncset.done $0x0  }
0x22: {  	[sflag:s1] =	ssyncadd.s32 $0xFFFFF000  }
0x23: {  	_ =	swait.ge [sflag:s1], $0x1000  }
0x24: {  	[sflag:s1] =	ssyncset.done $0x0  }
0x25: {  	[sflag:s1] =	ssyncadd.s32 $0xFFFFF000  }
0x26: {  	_ =	swait.ge [sflag:s1], $0x1000  }
0x27: {  	s2 =	rddreg [dreg:$0xe]  }
0x28: {  	s31 =	rddreg [dreg:$0xd];
	s2 =	sadd.s32 $0x1, s2  }
0x29: {  	p0 =	sne.s32 s2, s31  }
.Ltmp1:
0x2a: {  	_ = 	snop;
	(pc) =	sbr.rel @!p0 .LBB2_13-.Ltmp1, $3  }
0x2b: {  	_ =	sdelay $0x1  }
0x2c: {  	[sflag:s1] =	ssyncset.done $0x0  }
0x2d: {  	[sflag:s1] =	ssyncadd.s32 $0xFFFFF000  }
.LBB2_1:
0x2e: {  	[dreg:$0xe] =	wrdreg s2  }
0x2f: {  	s0 =	rddreg [dreg:$0x4]  }
0x30: {  	s1 =	simm.s32 $0x200;
	s16 =	simm.s32 $0x4000;
	s17 =	simm.s32 $0x5  }
0x31: {  	[tilespmem:s10], [sflag:$0x5] =	stream.strided.gather [hbm4b:s0+s1], $0x6400, s16, s1, $0x38;
	[tilespmem:$0x16400] =	vst v63  }
0x32: {  	_ =	swait.ge [sflag:s17], $0x6400  }
0x33: {  	[sflag:s17] =	ssyncset.done $0x0  }
0x34: {  	s20 =	simm.s32 $0x80;
	s18 =	rddreg [dreg:$0x3];
	[sflag:s17] =	ssyncadd.s32 $0xFFFF9C00  }
0x35: {  	[tilespmem:s19], [sflag:$0x1] =	stream.indirect.gather [hbm4b:s18+s20], $0x20, s10, s20, $0xb8;
	[tilespmem:$0x16400] =	vst v63  }
0x36: {  	s3 =	simm.s32 $0x7400  }
0x37: {  	[tilespmem:s3], [sflag:$0x1] =	stream.indirect.gather [hbm4b:s18+s20], $0x20, s20, s20, $0xb8;
	[tilespmem:$0x16400] =	vst v63  }
0x38: {  	s21 =	simm.s32 $0x100;
	s4 =	simm.s32 $0x8400  }
0x39: {  	[tilespmem:s4], [sflag:$0x1] =	stream.indirect.gather [hbm4b:s18+s20], $0x20, s21, s20, $0xb8;
	[tilespmem:$0x16400] =	vst v63  }
0x3a: {  	s22 =	simm.s32 $0x180;
	s23 =	simm.s32 $0x9400  }
0x3b: {  	[tilespmem:s23], [sflag:$0x1] =	stream.indirect.gather [hbm4b:s18+s20], $0x20, s22, s20, $0xb8;
	[tilespmem:$0x16400] =	vst v63  }
0x3c: {  	_ = 	snop  }
0x3d: {  	[tilespmem:s25], [sflag:$0x2] =	stream.indirect.gather [hbm4b:s18+s20], $0x20, s1, s20, $0xb8;
	[tilespmem:$0x16400] =	vst v63  }
0x3e: {  	s24 =	simm.s32 $0x280;
	s26 =	simm.s32 $0xB400  }
0x3f: {  	[tilespmem:s26], [sflag:$0x2] =	stream.indirect.gather [hbm4b:s18+s20], $0x20, s24, s20, $0xb8;
	[tilespmem:$0x16400] =	vst v63  }
0x40: {  	s28 =	simm.s32 $0x300;
	s29 =	simm.s32 $0xC400  }
0x41: {  	[tilespmem:s29], [sflag:$0x2] =	stream.indirect.gather [hbm4b:s18+s20], $0x20, s28, s20, $0xb8;
	[tilespmem:$0x16400] =	vst v63  }
0x42: {  	s30 =	simm.s32 $0x380;
	s31 =	simm.s32 $0xD400  }
0x43: {  	[tilespmem:s31], [sflag:$0x2] =	stream.indirect.gather [hbm4b:s18+s20], $0x20, s30, s20, $0xb8;
	[tilespmem:$0x16400] =	vst v63  }
0x44: {  	s20 =	simm.s32 $0x0  }
.LBB2_2:
0x45: {  	s0 =	simm.s32 $0x1  }
0x46: {  	_ =	swait.ge [sflag:s0], $0x4000  }
0x47: {  	p0 =	seq.s32 s20, $0x0;
	[sflag:s0] =	ssyncset.done $0x0  }
0x48: {  	[sflag:s0] =	ssyncadd.s32 $0xFFFFC000;
	s0 =	simm.s32 @!p0 $0x3  }
0x49: {  	_ =	swait.ge @!p0 [sflag:s0], $0x1000  }
0x4a: {  	[sflag:s0] =	ssyncset.done @!p0 $0x0  }
0x4b: {  	s1 =	simm.s32 $0x3;
	[sflag:s0] =	ssyncadd.s32 @!p0 $0xFFFFF000  }
0x4c: {  	s2 =	simm.s32 $0x1;
	v32 =	vmov s1;
	_ =	swait.ge @!p0 [sflag:s0], $0x1000  }
0x4d: {  	v33 =	vmov s2;
	v32 =	vand.u32 $0x1F, v32;
	[sflag:s0] =	ssyncset.done @!p0 $0x0  }
0x4e: {  	s5 =	simm.s32 $0x0;
	v33 =	vand.u32 $0x1D, v33;
	v41 =	vbroadcast v32, $0x0;
	[sflag:s0] =	ssyncadd.s32 @!p0 $0xFFFFF000  }
0x4f: {  	v48 =	vmov s5;
	v39 =	vbroadcast v33, $0x0;
	_ =	swait.ge @!p0 [sflag:s0], $0x1000  }
0x50: {  	s4 =	simm.s32 $0x2;
	v49 =	vand.u32 $0x1C, v48;
	v34 =	vor.u32 v0, v41;
	[sflag:s0] =	ssyncset.done @!p0 $0x0  }
0x51: {  	v47 =	vmov s4;
	v37 =	vbroadcast v49, $0x0;
	v50 =	vor.u32 v0, v39;
	[sflag:s0] =	ssyncadd.s32 @!p0 $0xFFFFF000  }
0x52: {  	v32 =	vand.u32 $0x1E, v47;
	_ =	swait.ge @!p0 [sflag:s0], $0x1000  }
0x53: {  	v38 =	vbroadcast v32, $0x0;
	v35 =	vor.u32 v0, v37;
	[sflag:s0] =	ssyncset.done @!p0 $0x0  }
0x54: {  	[sflag:s0] =	ssyncadd.s32 @!p0 $0xFFFFF000  }
0x55: {  	v51 =	vor.u32 v0, v38;
	v34 =	vld.idx.msk [tilespmem:v34+s19+$0x0], $0xffff  }
0x56: {  	v36 =	vor.u32 v1, v41;
	v33 =	vld.idx.msk [tilespmem:v50+s19+$0x0], $0xffff  }
0x57: {  	s6 =	simm.s32 $0x180;
	s7 =	sand.u32 $0x3000, s5;
	v40 =	vor.u32 v1, v39  }
0x58: {  	s8 =	simm.s32 $0x80;
	s2 =	sadd.s32 $0xE400, s7;
	s0 =	sand.u32 $0x380, s6;
	v35 =	vld.idx.msk [tilespmem:v35+s19+$0x0], $0xffff  }
0x59: {  	s1 =	sand.u32 $0x280, s8;
	v43 =	vor.u32 v1, v37;
	s5 =	sor.u32 s0, s2  }
0x5a: {  	s3 =	simm.s32 $0x0;
	s21 =	sor.u32 s1, s2;
	v32 =	vld.idx.msk [tilespmem:v51+s19+$0x0], $0xffff;
	[tilespmem:s5+$0x0] =	vst v34  }
0x5b: {  	s3 =	sand.u32 $0x200, s3;
	v42 =	vor.u32 v1, v38;
	[tilespmem:s21+$0x0] =	vst v33;
	v34 =	vld.idx.msk [tilespmem:v36+s19+$0x0], $0xffff  }
0x5c: {  	s9 =	simm.s32 $0x100;
	s16 =	sor.u32 s3, s2;
	v52 =	vor.u32 v2, v41;
	v53 =	vld.idx.msk [tilespmem:v40+s19+$0x0], $0xffff  }
0x5d: {  	v54 =	vor.u32 v2, v39;
	s0 =	sand.u32 $0x300, s9;
	[tilespmem:s16+$0x0] =	vst v35  }
0x5e: {  	s1 =	sor.u32 s0, s2;
	v55 =	vld.idx.msk [tilespmem:v43+s19+$0x0], $0xffff  }
0x5f: {  	v57 =	vor.u32 v2, v37;
	[tilespmem:s1+$0x0] =	vst v32  }
0x60: {  	v32 =	vld.idx.msk [tilespmem:v42+s19+$0x0], $0xffff;
	[tilespmem:s5+$0x10] =	vst v34  }
0x61: {  	v56 =	vor.u32 v2, v38;
	[tilespmem:s21+$0x10] =	vst v53;
	v33 =	vld.idx.msk [tilespmem:v52+s19+$0x0], $0xffff  }
0x62: {  	v58 =	vor.u32 v3, v41;
	v35 =	vld.idx.msk [tilespmem:v54+s19+$0x0], $0xffff  }
0x63: {  	v59 =	vor.u32 v3, v39;
	[tilespmem:s16+$0x10] =	vst v55  }
0x64: {  	v40 =	vld.idx.msk [tilespmem:v57+s19+$0x0], $0xffff  }
0x65: {  	v61 =	vor.u32 v3, v37;
	[tilespmem:s1+$0x10] =	vst v32  }
0x66: {  	v32 =	vld.idx.msk [tilespmem:v56+s19+$0x0], $0xffff;
	[tilespmem:s5+$0x20] =	vst v33  }
0x67: {  	v60 =	vor.u32 v3, v38;
	[tilespmem:s21+$0x20] =	vst v35;
	v33 =	vld.idx.msk [tilespmem:v58+s19+$0x0], $0xffff  }
0x68: {  	v62 =	vor.u32 v4, v41;
	v35 =	vld.idx.msk [tilespmem:v59+s19+$0x0], $0xffff  }
0x69: {  	v63 =	vor.u32 v4, v39;
	[tilespmem:s16+$0x20] =	vst v40  }
0x6a: {  	v40 =	vld.idx.msk [tilespmem:v61+s19+$0x0], $0xffff  }
0x6b: {  	v46 =	vor.u32 v4, v37;
	[tilespmem:s1+$0x20] =	vst v32  }
0x6c: {  	v32 =	vld.idx.msk [tilespmem:v60+s19+$0x0], $0xffff;
	[tilespmem:s5+$0x30] =	vst v33  }
0x6d: {  	v45 =	vor.u32 v4, v38;
	[tilespmem:s21+$0x30] =	vst v35;
	v33 =	vld.idx.msk [tilespmem:v62+s19+$0x0], $0xffff  }
0x6e: {  	v47 =	vor.u32 v5, v41;
	v35 =	vld.idx.msk [tilespmem:v63+s19+$0x0], $0xffff  }
0x6f: {  	v48 =	vor.u32 v5, v39;
	[tilespmem:s16+$0x30] =	vst v40  }
0x70: {  	v40 =	vld.idx.msk [tilespmem:v46+s19+$0x0], $0xffff  }
0x71: {  	v50 =	vor.u32 v5, v37;
	[tilespmem:s1+$0x30] =	vst v32  }
0x72: {  	v32 =	vld.idx.msk [tilespmem:v45+s19+$0x0], $0xffff;
	[tilespmem:s5+$0x40] =	vst v33  }
0x73: {  	v49 =	vor.u32 v5, v38;
	[tilespmem:s21+$0x40] =	vst v35;
	v33 =	vld.idx.msk [tilespmem:v47+s19+$0x0], $0xffff  }
0x74: {  	v51 =	vor.u32 v6, v41;
	v35 =	vld.idx.msk [tilespmem:v48+s19+$0x0], $0xffff  }
0x75: {  	v52 =	vor.u32 v6, v39;
	[tilespmem:s16+$0x40] =	vst v40  }
0x76: {  	v40 =	vld.idx.msk [tilespmem:v50+s19+$0x0], $0xffff  }
0x77: {  	v54 =	vor.u32 v6, v37;
	[tilespmem:s1+$0x40] =	vst v32  }
0x78: {  	v32 =	vld.idx.msk [tilespmem:v49+s19+$0x0], $0xffff;
	[tilespmem:s5+$0x50] =	vst v33  }
0x79: {  	v53 =	vor.u32 v6, v38;
	[tilespmem:s21+$0x50] =	vst v35;
	v33 =	vld.idx.msk [tilespmem:v51+s19+$0x0], $0xffff  }
0x7a: {  	v55 =	vor.u32 v7, v41;
	v35 =	vld.idx.msk [tilespmem:v52+s19+$0x0], $0xffff  }
0x7b: {  	v56 =	vor.u32 v7, v39;
	[tilespmem:s16+$0x50] =	vst v40  }
0x7c: {  	v40 =	vld.idx.msk [tilespmem:v54+s19+$0x0], $0xffff  }
0x7d: {  	v58 =	vor.u32 v7, v37;
	[tilespmem:s1+$0x50] =	vst v32  }
0x7e: {  	v32 =	vld.idx.msk [tilespmem:v53+s19+$0x0], $0xffff;
	[tilespmem:s5+$0x60] =	vst v33  }
0x7f: {  	v57 =	vor.u32 v7, v38;
	[tilespmem:s21+$0x60] =	vst v35;
	v33 =	vld.idx.msk [tilespmem:v55+s19+$0x0], $0xffff  }
0x80: {  	v59 =	vor.u32 v8, v41;
	v35 =	vld.idx.msk [tilespmem:v56+s19+$0x0], $0xffff  }
0x81: {  	v60 =	vor.u32 v8, v39;
	[tilespmem:s16+$0x60] =	vst v40  }
0x82: {  	v40 =	vld.idx.msk [tilespmem:v58+s19+$0x0], $0xffff  }
0x83: {  	v62 =	vor.u32 v8, v37;
	[tilespmem:s1+$0x60] =	vst v32  }
0x84: {  	v32 =	vld.idx.msk [tilespmem:v57+s19+$0x0], $0xffff;
	[tilespmem:s5+$0x70] =	vst v33  }
0x85: {  	v61 =	vor.u32 v8, v38;
	[tilespmem:s21+$0x70] =	vst v35;
	v33 =	vld.idx.msk [tilespmem:v59+s19+$0x0], $0xffff  }
0x86: {  	v63 =	vor.u32 v9, v41;
	v35 =	vld.idx.msk [tilespmem:v60+s19+$0x0], $0xffff  }
0x87: {  	v45 =	vor.u32 v9, v39;
	[tilespmem:s16+$0x70] =	vst v40  }
0x88: {  	v40 =	vld.idx.msk [tilespmem:v62+s19+$0x0], $0xffff  }
0x89: {  	v47 =	vor.u32 v9, v37;
	[tilespmem:s1+$0x70] =	vst v32  }
0x8a: {  	v32 =	vld.idx.msk [tilespmem:v61+s19+$0x0], $0xffff;
	[tilespmem:s5+$0x400] =	vst v33  }
0x8b: {  	v46 =	vor.u32 v9, v38;
	[tilespmem:s21+$0x400] =	vst v35;
	v33 =	vld.idx.msk [tilespmem:v63+s19+$0x0], $0xffff  }
0x8c: {  	v48 =	vor.u32 v10, v41;
	v35 =	vld.idx.msk [tilespmem:v45+s19+$0x0], $0xffff  }
0x8d: {  	v49 =	vor.u32 v10, v39;
	[tilespmem:s16+$0x400] =	vst v40  }
0x8e: {  	v40 =	vld.idx.msk [tilespmem:v47+s19+$0x0], $0xffff  }
0x8f: {  	v51 =	vor.u32 v10, v37;
	[tilespmem:s1+$0x400] =	vst v32  }
0x90: {  	v32 =	vld.idx.msk [tilespmem:v46+s19+$0x0], $0xffff;
	[tilespmem:s5+$0x410] =	vst v33  }
0x91: {  	v50 =	vor.u32 v10, v38;
	[tilespmem:s21+$0x410] =	vst v35;
	v33 =	vld.idx.msk [tilespmem:v48+s19+$0x0], $0xffff  }
0x92: {  	v52 =	vor.u32 v11, v41;
	v35 =	vld.idx.msk [tilespmem:v49+s19+$0x0], $0xffff  }
0x93: {  	v53 =	vor.u32 v11, v39;
	[tilespmem:s16+$0x410] =	vst v40  }
0x94: {  	v40 =	vld.idx.msk [tilespmem:v51+s19+$0x0], $0xffff  }
0x95: {  	v55 =	vor.u32 v11, v37;
	[tilespmem:s1+$0x410] =	vst v32  }
0x96: {  	v32 =	vld.idx.msk [tilespmem:v50+s19+$0x0], $0xffff;
	[tilespmem:s5+$0x420] =	vst v33  }
0x97: {  	v54 =	vor.u32 v11, v38;
	[tilespmem:s21+$0x420] =	vst v35;
	v33 =	vld.idx.msk [tilespmem:v52+s19+$0x0], $0xffff  }
0x98: {  	v56 =	vor.u32 v12, v41;
	v35 =	vld.idx.msk [tilespmem:v53+s19+$0x0], $0xffff  }
0x99: {  	v57 =	vor.u32 v12, v39;
	[tilespmem:s16+$0x420] =	vst v40  }
0x9a: {  	v40 =	vld.idx.msk [tilespmem:v55+s19+$0x0], $0xffff  }
0x9b: {  	v59 =	vor.u32 v12, v37;
	[tilespmem:s1+$0x420] =	vst v32  }
0x9c: {  	v32 =	vld.idx.msk [tilespmem:v54+s19+$0x0], $0xffff;
	[tilespmem:s5+$0x430] =	vst v33  }
0x9d: {  	v58 =	vor.u32 v12, v38;
	[tilespmem:s21+$0x430] =	vst v35;
	v33 =	vld.idx.msk [tilespmem:v56+s19+$0x0], $0xffff  }
0x9e: {  	v60 =	vor.u32 v13, v41;
	v35 =	vld.idx.msk [tilespmem:v57+s19+$0x0], $0xffff  }
0x9f: {  	v61 =	vor.u32 v13, v39;
	[tilespmem:s16+$0x430] =	vst v40  }
0xa0: {  	v40 =	vld.idx.msk [tilespmem:v59+s19+$0x0], $0xffff  }
0xa1: {  	v63 =	vor.u32 v13, v37;
	[tilespmem:s1+$0x430] =	vst v32  }
0xa2: {  	v32 =	vld.idx.msk [tilespmem:v58+s19+$0x0], $0xffff;
	[tilespmem:s5+$0x440] =	vst v33  }
0xa3: {  	v62 =	vor.u32 v13, v38;
	[tilespmem:s21+$0x440] =	vst v35;
	v33 =	vld.idx.msk [tilespmem:v60+s19+$0x0], $0xffff  }
0xa4: {  	v45 =	vor.u32 v14, v41;
	v35 =	vld.idx.msk [tilespmem:v61+s19+$0x0], $0xffff  }
0xa5: {  	v46 =	vor.u32 v14, v39;
	[tilespmem:s16+$0x440] =	vst v40  }
0xa6: {  	v40 =	vld.idx.msk [tilespmem:v63+s19+$0x0], $0xffff  }
0xa7: {  	v48 =	vor.u32 v14, v37;
	[tilespmem:s1+$0x440] =	vst v32  }
0xa8: {  	v32 =	vld.idx.msk [tilespmem:v62+s19+$0x0], $0xffff;
	[tilespmem:s5+$0x450] =	vst v33  }
0xa9: {  	v47 =	vor.u32 v14, v38;
	[tilespmem:s21+$0x450] =	vst v35;
	v33 =	vld.idx.msk [tilespmem:v45+s19+$0x0], $0xffff  }
0xaa: {  	v49 =	vor.u32 v15, v41;
	v35 =	vld.idx.msk [tilespmem:v46+s19+$0x0], $0xffff  }
0xab: {  	v50 =	vor.u32 v15, v39;
	[tilespmem:s16+$0x450] =	vst v40  }
0xac: {  	v40 =	vld.idx.msk [tilespmem:v48+s19+$0x0], $0xffff  }
0xad: {  	v52 =	vor.u32 v15, v37;
	[tilespmem:s1+$0x450] =	vst v32  }
0xae: {  	v32 =	vld.idx.msk [tilespmem:v47+s19+$0x0], $0xffff;
	[tilespmem:s5+$0x460] =	vst v33  }
0xaf: {  	v51 =	vor.u32 v15, v38;
	[tilespmem:s21+$0x460] =	vst v35;
	v33 =	vld.idx.msk [tilespmem:v49+s19+$0x0], $0xffff  }
0xb0: {  	v53 =	vor.u32 v16, v41;
	v35 =	vld.idx.msk [tilespmem:v50+s19+$0x0], $0xffff  }
0xb1: {  	s13 =	simm.s32 $0x7;
	v54 =	vor.u32 v16, v39;
	[tilespmem:s16+$0x460] =	vst v40  }
0xb2: {  	v63 =	vmov s13;
	v56 =	vld.idx.msk [tilespmem:v52+s19+$0x0], $0xffff  }
0xb3: {  	s11 =	simm.s32 $0x5;
	v44 =	vor.u32 v16, v37;
	v36 =	vand.u32 $0x1F, v63;
	[tilespmem:s1+$0x460] =	vst v32  }
0xb4: {  	v55 =	vmov s11;
	v36 =	vbroadcast v36, $0x0;
	v32 =	vld.idx.msk [tilespmem:v51+s19+$0x0], $0xffff;
	[tilespmem:s5+$0x470] =	vst v33  }
0xb5: {  	v57 =	vor.u32 v16, v38;
	v40 =	vand.u32 $0x1D, v55;
	[tilespmem:s21+$0x470] =	vst v35;
	v34 =	vld.idx.msk [tilespmem:v53+s19+$0x0], $0xffff  }
0xb6: {  	v33 =	vbroadcast v40, $0x0;
	v46 =	vld.idx.msk [tilespmem:v54+s19+$0x0], $0xffff;
	v54 =	vor.u32 v0, v36  }
0xb7: {  	s12 =	simm.s32 $0x6;
	v58 =	vor.u32 v17, v41;
	[tilespmem:s16+$0x470] =	vst v56  }
0xb8: {  	v45 =	vmov s12;
	v44 =	vld.idx.msk [tilespmem:v44+s19+$0x0], $0xffff;
	v40 =	vor.u32 v0, v33  }
0xb9: {  	v47 =	vor.u32 v17, v37;
	v59 =	vand.u32 $0x1E, v45;
	[tilespmem:s1+$0x470] =	vst v32  }
0xba: {  	v61 =	vor.u32 v17, v39;
	v32 =	vbroadcast v59, $0x0;
	v60 =	vld.idx.msk [tilespmem:v57+s19+$0x0], $0xffff  }
0xbb: {  	v62 =	vor.u32 v17, v38;
	[tilespmem:s5+$0x800] =	vst v34;
	v42 =	vld.idx.msk [tilespmem:v54+s19+$0x0], $0xffff  }
0xbc: {  	v48 =	vor.u32 v0, v32;
	v35 =	vld.idx.msk [tilespmem:v58+s19+$0x0], $0xffff  }
0xbd: {  	s23 =	simm.s32 $0x800;
	v63 =	vor.u32 v1, v36;
	[tilespmem:s16+$0x800] =	vst v44;
	v49 =	vld.idx.msk [tilespmem:v40+s19+$0x0], $0xffff  }
0xbe: {  	s14 =	simm.s32 $0x4;
	s26 =	simm.s32 $0x380;
	s17 =	sand.u32 $0x3000, s23;
	v52 =	vor.u32 v18, v41;
	[tilespmem:s21+$0x800] =	vst v46;
	v57 =	vld.idx.msk [tilespmem:v47+s19+$0x0], $0xffff  }
0xbf: {  	s18 =	sand.u32 $0x380, s26;
	s0 =	sadd.s32 $0xE400, s17;
	v53 =	vmov s14;
	[tilespmem:s1+$0x800] =	vst v60;
	v60 =	vor.u32 v18, v37;
	v43 =	vld.idx.msk [tilespmem:v61+s19+$0x0], $0xffff  }
0xc0: {  	s30 =	sor.u32 s18, s0;
	v56 =	vor.u32 v18, v39;
	v34 =	vand.u32 $0x1C, v53;
	v55 =	vld.idx.msk [tilespmem:v62+s19+$0x0], $0xffff  }
0xc1: {  	s15 =	simm.s32 $0x9;
	v50 =	vor.u32 v18, v38;
	v34 =	vbroadcast v34, $0x0;
	v48 =	vld.idx.msk [tilespmem:v48+s19+$0x0], $0xffff;
	[tilespmem:s30+$0x0] =	vst v42  }
0xc2: {  	v53 =	vor.u32 v1, v33;
	v58 =	vmov s15;
	[tilespmem:s5+$0x810] =	vst v35;
	v42 =	vld.idx.msk [tilespmem:v63+s19+$0x0], $0xffff  }
0xc3: {  	s22 =	simm.s32 $0x280;
	v59 =	vand.u32 $0x1D, v58;
	v51 =	vor.u32 v0, v34;
	[tilespmem:s16+$0x810] =	vst v57;
	v40 =	vld.idx.msk [tilespmem:v52+s19+$0x0], $0xffff  }
0xc4: {  	s24 =	simm.s32 $0x300;
	s3 =	sand.u32 $0x280, s22;
	v35 =	vbroadcast v59, $0x0;
	[tilespmem:s21+$0x810] =	vst v43;
	v47 =	vld.idx.msk [tilespmem:v60+s19+$0x0], $0xffff;
	v60 =	vor.u32 v2, v36  }
0xc5: {  	s2 =	sand.u32 $0x300, s24;
	s28 =	sor.u32 s3, s0;
	v61 =	vor.u32 v19, v41;
	[tilespmem:s1+$0x810] =	vst v55;
	v45 =	vld.idx.msk [tilespmem:v56+s19+$0x0], $0xffff  }
0xc6: {  	s24 =	sor.u32 s2, s0;
	[tilespmem:s28+$0x0] =	vst v49;
	v50 =	vld.idx.msk [tilespmem:v50+s19+$0x0], $0xffff;
	v62 =	vor.u32 v0, v35  }
0xc7: {  	v54 =	vor.u32 v1, v32;
	[tilespmem:s24+$0x0] =	vst v48;
	v59 =	vld.idx.msk [tilespmem:v53+s19+$0x0], $0xffff  }
0xc8: {  	v52 =	vor.u32 v19, v39;
	v51 =	vld.idx.msk [tilespmem:v51+s19+$0x0], $0xffff;
	[tilespmem:s30+$0x10] =	vst v42  }
0xc9: {  	v56 =	vor.u32 v1, v34;
	[tilespmem:s5+$0x820] =	vst v40;
	v48 =	vld.idx.msk [tilespmem:v60+s19+$0x0], $0xffff  }
0xca: {  	s6 =	simm.s32 $0x200;
	v63 =	vor.u32 v2, v33;
	v43 =	vld.idx.msk [tilespmem:v61+s19+$0x0], $0xffff  }
0xcb: {  	s29 =	sand.u32 $0x200, s6;
	v58 =	vor.u32 v19, v38;
	[tilespmem:s21+$0x820] =	vst v45;
	v40 =	vld.idx.msk [tilespmem:v62+s19+$0x0], $0xffff  }
0xcc: {  	s2 =	sor.u32 s29, s0;
	[tilespmem:s1+$0x820] =	vst v50;
	v61 =	vld.idx.msk [tilespmem:v54+s19+$0x0], $0xffff;
	v62 =	vor.u32 v19, v37  }
0xcd: {  	v57 =	vor.u32 v20, v41;
	v46 =	vld.idx.msk [tilespmem:v52+s19+$0x0], $0xffff;
	[tilespmem:s2+$0x0] =	vst v51  }
0xce: {  	[tilespmem:s28+$0x10] =	vst v59;
	v44 =	vld.idx.msk [tilespmem:v56+s19+$0x0], $0xffff;
	v56 =	vor.u32 v2, v32  }
0xcf: {  	[tilespmem:s16+$0x820] =	vst v47;
	v59 =	vor.u32 v20, v39;
	v60 =	vld.idx.msk [tilespmem:v63+s19+$0x0], $0xffff  }
0xd0: {  	v42 =	vld.idx.msk [tilespmem:v58+s19+$0x0], $0xffff;
	v63 =	vor.u32 v3, v33;
	[tilespmem:s5+$0x830] =	vst v43  }
0xd1: {  	v49 =	vld.idx.msk [tilespmem:v62+s19+$0x0], $0xffff;
	[tilespmem:s24+$0x10] =	vst v61;
	v61 =	vor.u32 v3, v36  }
0xd2: {  	[tilespmem:s30+$0x20] =	vst v48;
	v62 =	vor.u32 v20, v38;
	v45 =	vld.idx.msk [tilespmem:v57+s19+$0x0], $0xffff  }
0xd3: {  	[tilespmem:s21+$0x830] =	vst v46;
	v57 =	vor.u32 v2, v34;
	v43 =	vld.idx.msk [tilespmem:v56+s19+$0x0], $0xffff  }
0xd4: {  	v58 =	vor.u32 v21, v41;
	[tilespmem:s28+$0x20] =	vst v60;
	v48 =	vld.idx.msk [tilespmem:v59+s19+$0x0], $0xffff  }
0xd5: {  	[tilespmem:s1+$0x830] =	vst v42;
	v56 =	vor.u32 v3, v32;
	v53 =	vld.idx.msk [tilespmem:v63+s19+$0x0], $0xffff  }
0xd6: {  	[tilespmem:s2+$0x10] =	vst v44;
	v63 =	vor.u32 v4, v33;
	v51 =	vld.idx.msk [tilespmem:v61+s19+$0x0], $0xffff  }
0xd7: {  	v60 =	vor.u32 v20, v37;
	v44 =	vld.idx.msk [tilespmem:v62+s19+$0x0], $0xffff;
	[tilespmem:s16+$0x830] =	vst v49  }
0xd8: {  	v61 =	vor.u32 v4, v36;
	v50 =	vld.idx.msk [tilespmem:v57+s19+$0x0], $0xffff;
	[tilespmem:s5+$0x840] =	vst v45  }
0xd9: {  	v62 =	vor.u32 v21, v39;
	[tilespmem:s24+$0x20] =	vst v43;
	v57 =	vld.idx.msk [tilespmem:v58+s19+$0x0], $0xffff  }
0xda: {  	[tilespmem:s28+$0x30] =	vst v53;
	v58 =	vor.u32 v3, v34;
	v45 =	vld.idx.msk [tilespmem:v56+s19+$0x0], $0xffff  }
0xdb: {  	v59 =	vor.u32 v22, v41;
	[tilespmem:s21+$0x840] =	vst v48;
	v53 =	vld.idx.msk [tilespmem:v63+s19+$0x0], $0xffff  }
0xdc: {  	v63 =	vor.u32 v5, v33;
	[tilespmem:s30+$0x30] =	vst v51;
	v51 =	vld.idx.msk [tilespmem:v60+s19+$0x0], $0xffff  }
0xdd: {  	v60 =	vor.u32 v21, v38;
	[tilespmem:s2+$0x20] =	vst v50;
	v43 =	vld.idx.msk [tilespmem:v61+s19+$0x0], $0xffff  }
0xde: {  	v50 =	vld.idx.msk [tilespmem:v62+s19+$0x0], $0xffff;
	[tilespmem:s5+$0x850] =	vst v57;
	v57 =	vor.u32 v4, v32  }
0xdf: {  	[tilespmem:s1+$0x840] =	vst v44;
	v61 =	vor.u32 v5, v36;
	v47 =	vld.idx.msk [tilespmem:v58+s19+$0x0], $0xffff  }
0xe0: {  	v62 =	vor.u32 v21, v37;
	[tilespmem:s28+$0x40] =	vst v53;
	v42 =	vld.idx.msk [tilespmem:v59+s19+$0x0], $0xffff  }
0xe1: {  	v58 =	vor.u32 v4, v34;
	[tilespmem:s24+$0x30] =	vst v45;
	v53 =	vld.idx.msk [tilespmem:v63+s19+$0x0], $0xffff  }
0xe2: {  	v59 =	vor.u32 v23, v41;
	[tilespmem:s30+$0x40] =	vst v43;
	v43 =	vld.idx.msk [tilespmem:v60+s19+$0x0], $0xffff  }
0xe3: {  	v63 =	vor.u32 v6, v33;
	[tilespmem:s16+$0x840] =	vst v51;
	v46 =	vld.idx.msk [tilespmem:v57+s19+$0x0], $0xffff  }
0xe4: {  	v60 =	vor.u32 v22, v39;
	[tilespmem:s21+$0x850] =	vst v50;
	v45 =	vld.idx.msk [tilespmem:v61+s19+$0x0], $0xffff  }
0xe5: {  	v56 =	vor.u32 v5, v32;
	[tilespmem:s2+$0x30] =	vst v47;
	v47 =	vld.idx.msk [tilespmem:v62+s19+$0x0], $0xffff  }
0xe6: {  	v61 =	vor.u32 v6, v36;
	v49 =	vld.idx.msk [tilespmem:v58+s19+$0x0], $0xffff;
	[tilespmem:s5+$0x860] =	vst v42  }
0xe7: {  	v58 =	vor.u32 v5, v34;
	[tilespmem:s28+$0x50] =	vst v53;
	v57 =	vld.idx.msk [tilespmem:v59+s19+$0x0], $0xffff  }
0xe8: {  	v59 =	vor.u32 v24, v41;
	v53 =	vld.idx.msk [tilespmem:v63+s19+$0x0], $0xffff;
	[tilespmem:s24+$0x40] =	vst v46  }
0xe9: {  	v62 =	vor.u32 v22, v38;
	[tilespmem:s30+$0x50] =	vst v45;
	v45 =	vld.idx.msk [tilespmem:v60+s19+$0x0], $0xffff  }
0xea: {  	v63 =	vor.u32 v7, v33;
	[tilespmem:s1+$0x850] =	vst v43;
	v42 =	vld.idx.msk [tilespmem:v56+s19+$0x0], $0xffff  }
0xeb: {  	v60 =	vor.u32 v22, v37;
	[tilespmem:s2+$0x40] =	vst v49;
	v46 =	vld.idx.msk [tilespmem:v61+s19+$0x0], $0xffff  }
0xec: {  	v56 =	vor.u32 v6, v32;
	v48 =	vld.idx.msk [tilespmem:v58+s19+$0x0], $0xffff;
	[tilespmem:s5+$0x870] =	vst v57  }
0xed: {  	[tilespmem:s16+$0x850] =	vst v47;
	v61 =	vor.u32 v7, v36;
	v57 =	vld.idx.msk [tilespmem:v59+s19+$0x0], $0xffff  }
0xee: {  	v49 =	vld.idx.msk [tilespmem:v62+s19+$0x0], $0xffff;
	v58 =	vor.u32 v6, v34;
	[tilespmem:s28+$0x60] =	vst v53  }
0xef: {  	v62 =	vor.u32 v23, v39;
	v53 =	vld.idx.msk [tilespmem:v63+s19+$0x0], $0xffff;
	[tilespmem:s24+$0x50] =	vst v42  }
0xf0: {  	v59 =	vor.u32 v25, v41;
	[tilespmem:s30+$0x60] =	vst v46;
	v46 =	vld.idx.msk [tilespmem:v60+s19+$0x0], $0xffff  }
0xf1: {  	v63 =	vor.u32 v8, v33;
	[tilespmem:s2+$0x50] =	vst v48;
	v44 =	vld.idx.msk [tilespmem:v56+s19+$0x0], $0xffff  }
0xf2: {  	v42 =	vld.idx.msk [tilespmem:v61+s19+$0x0], $0xffff;
	[tilespmem:s5+$0xC00] =	vst v57;
	v57 =	vor.u32 v7, v32  }
0xf3: {  	[tilespmem:s21+$0x860] =	vst v45;
	v61 =	vor.u32 v8, v36;
	v51 =	vld.idx.msk [tilespmem:v58+s19+$0x0], $0xffff  }
0xf4: {  	v48 =	vld.idx.msk [tilespmem:v62+s19+$0x0], $0xffff;
	v58 =	vor.u32 v7, v34  }
0xf5: {  	v60 =	vor.u32 v23, v38;
	[tilespmem:s28+$0x70] =	vst v53;
	v43 =	vld.idx.msk [tilespmem:v59+s19+$0x0], $0xffff  }
0xf6: {  	v53 =	vld.idx.msk [tilespmem:v63+s19+$0x0], $0xffff;
	[tilespmem:s24+$0x60] =	vst v44  }
0xf7: {  	v62 =	vor.u32 v23, v37;
	[tilespmem:s30+$0x70] =	vst v42;
	v50 =	vld.idx.msk [tilespmem:v57+s19+$0x0], $0xffff  }
0xf8: {  	v59 =	vor.u32 v26, v41;
	[tilespmem:s2+$0x60] =	vst v51;
	v44 =	vld.idx.msk [tilespmem:v61+s19+$0x0], $0xffff  }
0xf9: {  	[tilespmem:s1+$0x860] =	vst v49;
	v56 =	vor.u32 v8, v32;
	v47 =	vld.idx.msk [tilespmem:v58+s19+$0x0], $0xffff  }
0xfa: {  	[tilespmem:s16+$0x860] =	vst v46;
	v58 =	vld.idx.msk [tilespmem:v60+s19+$0x0], $0xffff;
	v60 =	vor.u32 v24, v39  }
0xfb: {  	[tilespmem:s21+$0x870] =	vst v48;
	v61 =	vor.u32 v9, v36  }
0xfc: {  	v57 =	vor.u32 v8, v34;
	v51 =	vld.idx.msk [tilespmem:v62+s19+$0x0], $0xffff;
	[tilespmem:s5+$0xC10] =	vst v43  }
0xfd: {  	v63 =	vor.u32 v9, v33;
	v45 =	vld.idx.msk [tilespmem:v59+s19+$0x0], $0xffff;
	[tilespmem:s24+$0x70] =	vst v50  }
0xfe: {  	[tilespmem:s28+$0x400] =	vst v53;
	v59 =	vor.u32 v27, v41;
	v43 =	vld.idx.msk [tilespmem:v56+s19+$0x0], $0xffff  }
0xff: {  	v62 =	vor.u32 v24, v38;
	[tilespmem:s30+$0x400] =	vst v44;
	v44 =	vld.idx.msk [tilespmem:v60+s19+$0x0], $0xffff  }
0x100: {  	[tilespmem:s2+$0x70] =	vst v47;
	v56 =	vor.u32 v9, v32;
	v50 =	vld.idx.msk [tilespmem:v61+s19+$0x0], $0xffff  }
0x101: {  	[tilespmem:s16+$0x870] =	vst v51;
	v60 =	vor.u32 v10, v36;
	v49 =	vld.idx.msk [tilespmem:v57+s19+$0x0], $0xffff  }
0x102: {  	v53 =	vld.idx.msk [tilespmem:v63+s19+$0x0], $0xffff;
	[tilespmem:s5+$0xC20] =	vst v45;
	v57 =	vor.u32 v9, v34  }
0x103: {  	[tilespmem:s1+$0x870] =	vst v58;
	v46 =	vld.idx.msk [tilespmem:v59+s19+$0x0], $0xffff;
	v59 =	vor.u32 v24, v37  }
0x104: {  	v47 =	vld.idx.msk [tilespmem:v62+s19+$0x0], $0xffff;
	v62 =	vor.u32 v10, v33;
	[tilespmem:s24+$0x400] =	vst v43  }
0x105: {  	v58 =	vor.u32 v28, v41;
	[tilespmem:s30+$0x410] =	vst v50;
	v45 =	vld.idx.msk [tilespmem:v56+s19+$0x0], $0xffff  }
0x106: {  	v61 =	vor.u32 v25, v39;
	[tilespmem:s2+$0x400] =	vst v49;
	v43 =	vld.idx.msk [tilespmem:v60+s19+$0x0], $0xffff  }
0x107: {  	v63 =	vor.u32 v10, v32;
	[tilespmem:s28+$0x410] =	vst v53;
	v48 =	vld.idx.msk [tilespmem:v57+s19+$0x0], $0xffff  }
0x108: {  	[tilespmem:s21+$0xC00] =	vst v44;
	v57 =	vld.idx.msk [tilespmem:v59+s19+$0x0], $0xffff;
	v59 =	vor.u32 v25, v38  }
0x109: {  	v56 =	vor.u32 v10, v34;
	v53 =	vld.idx.msk [tilespmem:v62+s19+$0x0], $0xffff;
	[tilespmem:s5+$0xC30] =	vst v46  }
0x10a: {  	v60 =	vor.u32 v11, v36;
	[tilespmem:s1+$0xC00] =	vst v47;
	v42 =	vld.idx.msk [tilespmem:v58+s19+$0x0], $0xffff  }
0x10b: {  	v49 =	vld.idx.msk [tilespmem:v61+s19+$0x0], $0xffff;
	v58 =	vor.u32 v29, v41;
	[tilespmem:s24+$0x410] =	vst v45  }
0x10c: {  	v62 =	vor.u32 v11, v33;
	[tilespmem:s30+$0x420] =	vst v43;
	v46 =	vld.idx.msk [tilespmem:v63+s19+$0x0], $0xffff  }
0x10d: {  	v61 =	vor.u32 v25, v37;
	[tilespmem:s2+$0x410] =	vst v48;
	v43 =	vld.idx.msk [tilespmem:v59+s19+$0x0], $0xffff  }
0x10e: {  	[tilespmem:s28+$0x420] =	vst v53;
	v63 =	vor.u32 v11, v32;
	v51 =	vld.idx.msk [tilespmem:v56+s19+$0x0], $0xffff  }
0x10f: {  	v45 =	vld.idx.msk [tilespmem:v60+s19+$0x0], $0xffff;
	[tilespmem:s5+$0xC40] =	vst v42;
	v56 =	vor.u32 v11, v34  }
0x110: {  	[tilespmem:s21+$0xC10] =	vst v49;
	v44 =	vld.idx.msk [tilespmem:v58+s19+$0x0], $0xffff;
	v58 =	vor.u32 v26, v39  }
0x111: {  	[tilespmem:s16+$0xC00] =	vst v57;
	v57 =	vor.u32 v30, v41;
	v53 =	vld.idx.msk [tilespmem:v62+s19+$0x0], $0xffff  }
0x112: {  	v48 =	vld.idx.msk [tilespmem:v61+s19+$0x0], $0xffff;
	v61 =	vor.u32 v12, v33;
	[tilespmem:s24+$0x420] =	vst v46  }
0x113: {  	v59 =	vor.u32 v12, v36;
	[tilespmem:s2+$0x420] =	vst v51;
	v42 =	vld.idx.msk [tilespmem:v63+s19+$0x0], $0xffff  }
0x114: {  	v60 =	vor.u32 v26, v38;
	[tilespmem:s30+$0x430] =	vst v45;
	v47 =	vld.idx.msk [tilespmem:v56+s19+$0x0], $0xffff  }
0x115: {  	v62 =	vor.u32 v12, v32;
	[tilespmem:s5+$0xC50] =	vst v44;
	v45 =	vld.idx.msk [tilespmem:v58+s19+$0x0], $0xffff  }
0x116: {  	[tilespmem:s28+$0x430] =	vst v53;
	v63 =	vld.idx.msk [tilespmem:v57+s19+$0x0], $0xffff;
	v57 =	vor.u32 v12, v34  }
0x117: {  	v53 =	vld.idx.msk [tilespmem:v61+s19+$0x0], $0xffff;
	v61 =	vor.u32 v27, v39  }
0x118: {  	[tilespmem:s1+$0xC10] =	vst v43;
	v46 =	vld.idx.msk [tilespmem:v59+s19+$0x0], $0xffff;
	v58 =	vor.u32 v31, v41  }
0x119: {  	s31 =	simm.s32 $0xA;
	v59 =	vor.u32 v26, v37;
	v51 =	vld.idx.msk [tilespmem:v60+s19+$0x0], $0xffff;
	[tilespmem:s24+$0x430] =	vst v42  }
0x11a: {  	v60 =	vmov s31;
	v42 =	vor.u32 v13, v36;
	[tilespmem:s2+$0x430] =	vst v47;
	v44 =	vld.idx.msk [tilespmem:v62+s19+$0x0], $0xffff  }
0x11b: {  	v41 =	vand.u32 $0x1E, v60;
	v62 =	vor.u32 v13, v33;
	[tilespmem:s21+$0xC20] =	vst v45;
	v50 =	vld.idx.msk [tilespmem:v57+s19+$0x0], $0xffff  }
0x11c: {  	v41 =	vbroadcast v41, $0x0;
	[tilespmem:s5+$0xC60] =	vst v63;
	v63 =	vor.u32 v13, v32;
	v45 =	vld.idx.msk [tilespmem:v61+s19+$0x0], $0xffff  }
0x11d: {  	[tilespmem:s16+$0xC10] =	vst v48;
	v57 =	vor.u32 v13, v34;
	v43 =	vld.idx.msk [tilespmem:v58+s19+$0x0], $0xffff  }
0x11e: {  	[tilespmem:s30+$0x440] =	vst v46;
	v58 =	vld.idx.msk [tilespmem:v59+s19+$0x0], $0xffff;
	v59 =	vor.u32 v0, v41  }
0x11f: {  	v60 =	vor.u32 v27, v38;
	[tilespmem:s28+$0x440] =	vst v53;
	v42 =	vld.idx.msk [tilespmem:v42+s19+$0x0], $0xffff  }
0x120: {  	v61 =	vor.u32 v14, v36;
	v53 =	vld.idx.msk [tilespmem:v62+s19+$0x0], $0xffff;
	[tilespmem:s24+$0x440] =	vst v44  }
0x121: {  	v62 =	vor.u32 v27, v37;
	[tilespmem:s2+$0x440] =	vst v50;
	v49 =	vld.idx.msk [tilespmem:v63+s19+$0x0], $0xffff  }
0x122: {  	v55 =	vor.u32 v14, v33;
	[tilespmem:s1+$0xC20] =	vst v51;
	v48 =	vld.idx.msk [tilespmem:v57+s19+$0x0], $0xffff  }
0x123: {  	v63 =	vor.u32 v14, v32;
	v44 =	vld.idx.msk [tilespmem:v59+s19+$0x0], $0xffff;
	[tilespmem:s16+$0xC20] =	vst v58  }
0x124: {  	v58 =	vor.u32 v28, v39;
	[tilespmem:s30+$0x450] =	vst v42;
	v42 =	vld.idx.msk [tilespmem:v60+s19+$0x0], $0xffff  }
0x125: {  	v56 =	vor.u32 v14, v34;
	[tilespmem:s21+$0xC30] =	vst v45;
	v57 =	vld.idx.msk [tilespmem:v61+s19+$0x0], $0xffff  }
0x126: {  	v59 =	vor.u32 v28, v38;
	[tilespmem:s28+$0x450] =	vst v53;
	v50 =	vld.idx.msk [tilespmem:v62+s19+$0x0], $0xffff  }
0x127: {  	v60 =	vor.u32 v15, v36;
	v53 =	vld.idx.msk [tilespmem:v55+s19+$0x0], $0xffff;
	[tilespmem:s24+$0x450] =	vst v49  }
0x128: {  	[tilespmem:s5+$0xC70] =	vst v43;
	v61 =	vor.u32 v28, v37;
	v43 =	vld.idx.msk [tilespmem:v63+s19+$0x0], $0xffff  }
0x129: {  	v62 =	vor.u32 v15, v33;
	[tilespmem:s2+$0x450] =	vst v48;
	v46 =	vld.idx.msk [tilespmem:v58+s19+$0x0], $0xffff  }
0x12a: {  	v63 =	vor.u32 v15, v32;
	v51 =	vld.idx.msk [tilespmem:v56+s19+$0x0], $0xffff;
	[tilespmem:s1+$0xC30] =	vst v42  }
0x12b: {  	v58 =	vor.u32 v29, v39;
	[tilespmem:s30+$0x460] =	vst v57;
	v57 =	vld.idx.msk [tilespmem:v59+s19+$0x0], $0xffff  }
0x12c: {  	v56 =	vor.u32 v15, v34;
	[tilespmem:s16+$0xC30] =	vst v50;
	v49 =	vld.idx.msk [tilespmem:v60+s19+$0x0], $0xffff  }
0x12d: {  	v59 =	vor.u32 v29, v38;
	[tilespmem:s28+$0x460] =	vst v53;
	v48 =	vld.idx.msk [tilespmem:v61+s19+$0x0], $0xffff  }
0x12e: {  	v53 =	vld.idx.msk [tilespmem:v62+s19+$0x0], $0xffff;
	[tilespmem:s24+$0x460] =	vst v43;
	v43 =	vor.u32 v16, v36  }
0x12f: {  	[tilespmem:s21+$0xC40] =	vst v46;
	v45 =	vld.idx.msk [tilespmem:v63+s19+$0x0], $0xffff;
	v63 =	vor.u32 v29, v37  }
0x130: {  	v60 =	vor.u32 v16, v33;
	[tilespmem:s2+$0x460] =	vst v51;
	v50 =	vld.idx.msk [tilespmem:v58+s19+$0x0], $0xffff  }
0x131: {  	v61 =	vor.u32 v16, v32;
	v42 =	vld.idx.msk [tilespmem:v56+s19+$0x0], $0xffff;
	[tilespmem:s1+$0xC40] =	vst v57  }
0x132: {  	v62 =	vor.u32 v16, v34;
	[tilespmem:s30+$0x470] =	vst v49;
	v56 =	vld.idx.msk [tilespmem:v59+s19+$0x0], $0xffff  }
0x133: {  	v57 =	vor.u32 v30, v39;
	[tilespmem:s16+$0xC40] =	vst v48;
	v43 =	vld.idx.msk [tilespmem:v43+s19+$0x0], $0xffff  }
0x134: {  	[tilespmem:s28+$0x470] =	vst v53;
	v52 =	vld.idx.msk [tilespmem:v63+s19+$0x0], $0xffff;
	v63 =	vor.u32 v30, v38  }
0x135: {  	v55 =	vor.u32 v17, v36;
	v51 =	vld.idx.msk [tilespmem:v60+s19+$0x0], $0xffff;
	[tilespmem:s24+$0x470] =	vst v45  }
0x136: {  	v54 =	vor.u32 v30, v37;
	[tilespmem:s2+$0x470] =	vst v42;
	v48 =	vld.idx.msk [tilespmem:v61+s19+$0x0], $0xffff  }
0x137: {  	v47 =	vor.u32 v17, v33;
	[tilespmem:s21+$0xC50] =	vst v50;
	v49 =	vld.idx.msk [tilespmem:v62+s19+$0x0], $0xffff  }
0x138: {  	s22 =	sshll.u32 s20, $0xA;
	v46 =	vor.u32 v17, v32;
	v50 =	vld.idx.msk [tilespmem:v57+s19+$0x0], $0xffff;
	[tilespmem:s1+$0xC50] =	vst v56  }
0x139: {  	s6 =	simm.s32 $0xC;
	s0 =	simm.s32 $0xB;
	s5 =	simm.s32 $0x8;
	v45 =	vor.u32 v17, v34;
	[tilespmem:s30+$0x800] =	vst v43;
	v53 =	vld.idx.msk [tilespmem:v63+s19+$0x0], $0xffff  }
.LBB2_3:
0x13a: {  	p1 =	slt.u32 s6, $0x1C;
	v42 =	vmov s0;
	v43 =	vld.idx.msk [tilespmem:v55+s19+$0x0], $0xffff;
	[tilespmem:s16+$0xC50] =	vst v52;
	v52 =	vor.u32 v31, v39;
	v39 =	vmovc v33;
	v33 =	vmov v35  }
0x13b: {  	v35 =	vand.u32 $0x1F, v42;
	[tilespmem:s28+$0x800] =	vst v51;
	v42 =	vld.idx.msk [tilespmem:v54+s19+$0x0], $0xffff;
	v51 =	vor.u32 v31, v38;
	v38 =	vmovc v32;
	v32 =	vmov v41  }
0x13c: {  	v41 =	vbroadcast v35, $0x0;
	v47 =	vld.idx.msk [tilespmem:v47+s19+$0x0], $0xffff;
	[tilespmem:s24+$0x800] =	vst v48;
	v35 =	vor.u32 v18, v36  }
0x13d: {  	v48 =	vor.u32 v31, v37;
	v37 =	vmov v34;
	[tilespmem:s2+$0x800] =	vst v49;
	v46 =	vld.idx.msk [tilespmem:v46+s19+$0x0], $0xffff  }
0x13e: {  	v34 =	vmov s5;
	s5 =	smov.u32 s6;
	v49 =	vor.u32 v0, v41;
	v45 =	vld.idx.msk [tilespmem:v45+s19+$0x0], $0xffff;
	[tilespmem:s21+$0xC60] =	vst v50  }
0x13f: {  	s0 =	sadd.s32 $0x1, s6;
	v34 =	vand.u32 $0x1C, v34;
	v50 =	vor.u32 v18, v39;
	v52 =	vld.idx.msk [tilespmem:v52+s19+$0x0], $0xffff;
	[tilespmem:s1+$0xC60] =	vst v53  }
0x140: {  	v54 =	vor.u32 v18, v38;
	v34 =	vbroadcast v34, $0x0;
	v53 =	vmov s0;
	[tilespmem:s30+$0x810] =	vst v43;
	v43 =	vld.idx.msk [tilespmem:v51+s19+$0x0], $0xffff  }
0x141: {  	v51 =	vand.u32 $0x1D, v53;
	v53 =	vor.u32 v18, v37;
	v55 =	vld.idx.msk [tilespmem:v35+s19+$0x0], $0xffff;
	[tilespmem:s16+$0xC60] =	vst v42  }
0x142: {  	v35 =	vbroadcast v51, $0x0;
	v42 =	vor.u32 v0, v34;
	[tilespmem:s28+$0x810] =	vst v47;
	v47 =	vld.idx.msk [tilespmem:v48+s19+$0x0], $0xffff  }
0x143: {  	v48 =	vld.idx.msk [tilespmem:v49+s19+$0x0], $0xffff;
	[tilespmem:s24+$0x810] =	vst v46;
	v46 =	vor.u32 v19, v36  }
0x144: {  	v49 =	vor.u32 v0, v35;
	[tilespmem:s2+$0x810] =	vst v45;
	v45 =	vld.idx.msk [tilespmem:v50+s19+$0x0], $0xffff  }
0x145: {  	s23 =	sadd.s32 $0x800, s23;
	v50 =	vor.u32 v1, v41;
	v51 =	vld.idx.msk [tilespmem:v54+s19+$0x0], $0xffff;
	[tilespmem:s21+$0xC70] =	vst v52;
	s21 =	smov.u32 s28  }
0x146: {  	s26 =	sadd.s32 $0x200, s26;
	s0 =	sand.u32 $0x3000, s23;
	v52 =	vld.idx.msk [tilespmem:v53+s19+$0x0], $0xffff;
	v53 =	vor.u32 v19, v39;
	[tilespmem:s1+$0xC70] =	vst v43;
	s1 =	smov.u32 s24  }
0x147: {  	s3 =	sadd.s32 $0xFFFFFE80, s26;
	s7 =	sadd.s32 $0xE400, s0;
	s0 =	sand.u32 $0x380, s26;
	v43 =	vor.u32 v1, v33;
	v42 =	vld.idx.msk [tilespmem:v42+s19+$0x0], $0xffff;
	[tilespmem:s30+$0x820] =	vst v55  }
0x148: {  	s8 =	sadd.s32 $0xFFFFFF00, s26;
	s9 =	sadd.s32 $0xFFFFFF80, s26;
	s0 =	sor.u32 s0, s7;
	v54 =	vor.u32 v1, v32;
	v46 =	vld.idx.msk [tilespmem:v46+s19+$0x0], $0xffff;
	[tilespmem:s16+$0xC70] =	vst v47  }
0x149: {  	s3 =	sand.u32 $0x200, s3;
	s8 =	sand.u32 $0x280, s8;
	s9 =	sand.u32 $0x300, s9;
	v47 =	vld.idx.msk [tilespmem:v49+s19+$0x0], $0xffff;
	v49 =	vor.u32 v1, v34;
	[tilespmem:s0+$0x0] =	vst v48  }
0x14a: {  	s3 =	sor.u32 s3, s7;
	s28 =	sor.u32 s8, s7;
	s24 =	sor.u32 s9, s7;
	v48 =	vld.idx.msk [tilespmem:v50+s19+$0x0], $0xffff;
	[tilespmem:s21+$0x820] =	vst v45;
	v45 =	vor.u32 v20, v36  }
0x14b: {  	s16 =	smov.u32 s2;
	s2 =	smov.u32 s3;
	[tilespmem:s28+$0x0] =	vst v40;
	v50 =	vld.idx.msk [tilespmem:v53+s19+$0x0], $0xffff;
	v53 =	vor.u32 v19, v38  }
0x14c: {  	v43 =	vld.idx.msk [tilespmem:v43+s19+$0x0], $0xffff;
	[tilespmem:s24+$0x0] =	vst v44;
	v44 =	vor.u32 v2, v41  }
0x14d: {  	[tilespmem:s2+$0x0] =	vst v42;
	v42 =	vld.idx.msk [tilespmem:v54+s19+$0x0], $0xffff;
	v54 =	vor.u32 v19, v37  }
0x14e: {  	v55 =	vor.u32 v2, v33;
	v49 =	vld.idx.msk [tilespmem:v49+s19+$0x0], $0xffff;
	[tilespmem:s30+$0x830] =	vst v46  }
0x14f: {  	v46 =	vor.u32 v2, v32;
	v40 =	vmov v47;
	[tilespmem:s1+$0x820] =	vst v51;
	v45 =	vld.idx.msk [tilespmem:v45+s19+$0x0], $0xffff  }
0x150: {  	v47 =	vor.u32 v2, v34;
	[tilespmem:s0+$0x10] =	vst v48;
	v48 =	vld.idx.msk [tilespmem:v53+s19+$0x0], $0xffff  }
0x151: {  	v51 =	vor.u32 v21, v36;
	v44 =	vld.idx.msk [tilespmem:v44+s19+$0x0], $0xffff;
	[tilespmem:s16+$0x820] =	vst v52  }
0x152: {  	v52 =	vor.u32 v20, v39;
	[tilespmem:s28+$0x10] =	vst v43;
	v43 =	vld.idx.msk [tilespmem:v54+s19+$0x0], $0xffff  }
0x153: {  	v53 =	vld.idx.msk [tilespmem:v55+s19+$0x0], $0xffff;
	[tilespmem:s24+$0x10] =	vst v42;
	v42 =	vor.u32 v3, v41  }
0x154: {  	[tilespmem:s2+$0x10] =	vst v49;
	v46 =	vld.idx.msk [tilespmem:v46+s19+$0x0], $0xffff;
	v49 =	vor.u32 v20, v38  }
0x155: {  	v54 =	vor.u32 v3, v33;
	v47 =	vld.idx.msk [tilespmem:v47+s19+$0x0], $0xffff;
	[tilespmem:s30+$0x840] =	vst v45  }
0x156: {  	v45 =	vor.u32 v3, v32;
	[tilespmem:s21+$0x830] =	vst v50;
	v50 =	vld.idx.msk [tilespmem:v51+s19+$0x0], $0xffff  }
0x157: {  	v51 =	vor.u32 v3, v34;
	[tilespmem:s0+$0x20] =	vst v44;
	v44 =	vld.idx.msk [tilespmem:v52+s19+$0x0], $0xffff  }
0x158: {  	v42 =	vld.idx.msk [tilespmem:v42+s19+$0x0], $0xffff;
	[tilespmem:s1+$0x830] =	vst v48;
	v48 =	vor.u32 v22, v36  }
0x159: {  	v52 =	vor.u32 v20, v37;
	[tilespmem:s28+$0x20] =	vst v53;
	v49 =	vld.idx.msk [tilespmem:v49+s19+$0x0], $0xffff  }
0x15a: {  	v53 =	vld.idx.msk [tilespmem:v54+s19+$0x0], $0xffff;
	[tilespmem:s24+$0x20] =	vst v46;
	v46 =	vor.u32 v4, v41  }
0x15b: {  	[tilespmem:s2+$0x20] =	vst v47;
	v45 =	vld.idx.msk [tilespmem:v45+s19+$0x0], $0xffff;
	v47 =	vor.u32 v21, v39  }
0x15c: {  	v54 =	vor.u32 v4, v33;
	v51 =	vld.idx.msk [tilespmem:v51+s19+$0x0], $0xffff;
	[tilespmem:s30+$0x850] =	vst v50  }
0x15d: {  	v50 =	vor.u32 v4, v32;
	[tilespmem:s16+$0x830] =	vst v43;
	v43 =	vld.idx.msk [tilespmem:v48+s19+$0x0], $0xffff  }
0x15e: {  	v48 =	vor.u32 v4, v34;
	[tilespmem:s0+$0x30] =	vst v42;
	v42 =	vld.idx.msk [tilespmem:v52+s19+$0x0], $0xffff  }
0x15f: {  	v46 =	vld.idx.msk [tilespmem:v46+s19+$0x0], $0xffff;
	[tilespmem:s21+$0x840] =	vst v44;
	v44 =	vor.u32 v23, v36  }
0x160: {  	v52 =	vor.u32 v21, v38;
	[tilespmem:s28+$0x30] =	vst v53;
	v47 =	vld.idx.msk [tilespmem:v47+s19+$0x0], $0xffff  }
0x161: {  	v53 =	vld.idx.msk [tilespmem:v54+s19+$0x0], $0xffff;
	[tilespmem:s24+$0x30] =	vst v45;
	v45 =	vor.u32 v5, v41  }
0x162: {  	[tilespmem:s2+$0x30] =	vst v51;
	v50 =	vld.idx.msk [tilespmem:v50+s19+$0x0], $0xffff;
	v51 =	vor.u32 v21, v37  }
0x163: {  	v54 =	vor.u32 v5, v33;
	v48 =	vld.idx.msk [tilespmem:v48+s19+$0x0], $0xffff;
	[tilespmem:s30+$0x860] =	vst v43  }
0x164: {  	v43 =	vor.u32 v5, v32;
	[tilespmem:s1+$0x840] =	vst v49;
	v44 =	vld.idx.msk [tilespmem:v44+s19+$0x0], $0xffff  }
0x165: {  	v49 =	vor.u32 v5, v34;
	[tilespmem:s0+$0x40] =	vst v46;
	v46 =	vld.idx.msk [tilespmem:v52+s19+$0x0], $0xffff  }
0x166: {  	v45 =	vld.idx.msk [tilespmem:v45+s19+$0x0], $0xffff;
	[tilespmem:s16+$0x840] =	vst v42;
	v42 =	vor.u32 v24, v36  }
0x167: {  	v52 =	vor.u32 v22, v39;
	[tilespmem:s28+$0x40] =	vst v53;
	v51 =	vld.idx.msk [tilespmem:v51+s19+$0x0], $0xffff  }
0x168: {  	v53 =	vld.idx.msk [tilespmem:v54+s19+$0x0], $0xffff;
	[tilespmem:s24+$0x40] =	vst v50;
	v50 =	vor.u32 v6, v41  }
0x169: {  	[tilespmem:s2+$0x40] =	vst v48;
	v43 =	vld.idx.msk [tilespmem:v43+s19+$0x0], $0xffff;
	v48 =	vor.u32 v22, v38  }
0x16a: {  	v54 =	vor.u32 v6, v33;
	v49 =	vld.idx.msk [tilespmem:v49+s19+$0x0], $0xffff;
	[tilespmem:s30+$0x870] =	vst v44  }
0x16b: {  	v44 =	vor.u32 v6, v32;
	[tilespmem:s21+$0x850] =	vst v47;
	v42 =	vld.idx.msk [tilespmem:v42+s19+$0x0], $0xffff  }
0x16c: {  	v47 =	vor.u32 v6, v34;
	[tilespmem:s0+$0x50] =	vst v45;
	v45 =	vld.idx.msk [tilespmem:v52+s19+$0x0], $0xffff  }
0x16d: {  	v50 =	vld.idx.msk [tilespmem:v50+s19+$0x0], $0xffff;
	[tilespmem:s1+$0x850] =	vst v46;
	v46 =	vor.u32 v25, v36  }
0x16e: {  	v52 =	vor.u32 v22, v37;
	[tilespmem:s28+$0x50] =	vst v53;
	v48 =	vld.idx.msk [tilespmem:v48+s19+$0x0], $0xffff  }
0x16f: {  	v53 =	vld.idx.msk [tilespmem:v54+s19+$0x0], $0xffff;
	[tilespmem:s24+$0x50] =	vst v43;
	v43 =	vor.u32 v7, v41  }
0x170: {  	[tilespmem:s2+$0x50] =	vst v49;
	v44 =	vld.idx.msk [tilespmem:v44+s19+$0x0], $0xffff;
	v49 =	vor.u32 v23, v39  }
0x171: {  	v54 =	vor.u32 v7, v33;
	v47 =	vld.idx.msk [tilespmem:v47+s19+$0x0], $0xffff;
	[tilespmem:s30+$0xC00] =	vst v42  }
0x172: {  	v42 =	vor.u32 v7, v32;
	[tilespmem:s16+$0x850] =	vst v51;
	v46 =	vld.idx.msk [tilespmem:v46+s19+$0x0], $0xffff  }
0x173: {  	v51 =	vor.u32 v7, v34;
	[tilespmem:s0+$0x60] =	vst v50;
	v50 =	vld.idx.msk [tilespmem:v52+s19+$0x0], $0xffff  }
0x174: {  	v43 =	vld.idx.msk [tilespmem:v43+s19+$0x0], $0xffff;
	[tilespmem:s21+$0x860] =	vst v45;
	v45 =	vor.u32 v26, v36  }
0x175: {  	v52 =	vor.u32 v23, v38;
	[tilespmem:s28+$0x60] =	vst v53;
	v49 =	vld.idx.msk [tilespmem:v49+s19+$0x0], $0xffff  }
0x176: {  	v53 =	vld.idx.msk [tilespmem:v54+s19+$0x0], $0xffff;
	[tilespmem:s24+$0x60] =	vst v44;
	v44 =	vor.u32 v8, v41  }
0x177: {  	[tilespmem:s2+$0x60] =	vst v47;
	v42 =	vld.idx.msk [tilespmem:v42+s19+$0x0], $0xffff;
	v47 =	vor.u32 v23, v37  }
0x178: {  	v54 =	vor.u32 v8, v33;
	v51 =	vld.idx.msk [tilespmem:v51+s19+$0x0], $0xffff;
	[tilespmem:s30+$0xC10] =	vst v46  }
0x179: {  	v46 =	vor.u32 v8, v32;
	[tilespmem:s1+$0x860] =	vst v48;
	v45 =	vld.idx.msk [tilespmem:v45+s19+$0x0], $0xffff  }
0x17a: {  	v48 =	vor.u32 v8, v34;
	[tilespmem:s0+$0x70] =	vst v43;
	v43 =	vld.idx.msk [tilespmem:v52+s19+$0x0], $0xffff  }
0x17b: {  	v44 =	vld.idx.msk [tilespmem:v44+s19+$0x0], $0xffff;
	[tilespmem:s16+$0x860] =	vst v50;
	v50 =	vor.u32 v27, v36  }
0x17c: {  	v52 =	vor.u32 v24, v39;
	[tilespmem:s28+$0x70] =	vst v53;
	v47 =	vld.idx.msk [tilespmem:v47+s19+$0x0], $0xffff  }
0x17d: {  	v53 =	vld.idx.msk [tilespmem:v54+s19+$0x0], $0xffff;
	[tilespmem:s24+$0x70] =	vst v42;
	v42 =	vor.u32 v9, v41  }
0x17e: {  	[tilespmem:s2+$0x70] =	vst v51;
	v46 =	vld.idx.msk [tilespmem:v46+s19+$0x0], $0xffff;
	v51 =	vor.u32 v24, v38  }
0x17f: {  	v54 =	vor.u32 v9, v33;
	v48 =	vld.idx.msk [tilespmem:v48+s19+$0x0], $0xffff;
	[tilespmem:s30+$0xC20] =	vst v45  }
0x180: {  	v45 =	vor.u32 v9, v32;
	[tilespmem:s21+$0x870] =	vst v49;
	v49 =	vld.idx.msk [tilespmem:v50+s19+$0x0], $0xffff  }
0x181: {  	v50 =	vor.u32 v9, v34;
	[tilespmem:s0+$0x400] =	vst v44;
	v44 =	vld.idx.msk [tilespmem:v52+s19+$0x0], $0xffff  }
0x182: {  	v42 =	vld.idx.msk [tilespmem:v42+s19+$0x0], $0xffff;
	[tilespmem:s1+$0x870] =	vst v43;
	v43 =	vor.u32 v28, v36  }
0x183: {  	v52 =	vor.u32 v24, v37;
	[tilespmem:s28+$0x400] =	vst v53;
	v51 =	vld.idx.msk [tilespmem:v51+s19+$0x0], $0xffff  }
0x184: {  	v53 =	vld.idx.msk [tilespmem:v54+s19+$0x0], $0xffff;
	[tilespmem:s24+$0x400] =	vst v46;
	v46 =	vor.u32 v10, v41  }
0x185: {  	[tilespmem:s2+$0x400] =	vst v48;
	v45 =	vld.idx.msk [tilespmem:v45+s19+$0x0], $0xffff;
	v48 =	vor.u32 v25, v39  }
0x186: {  	v54 =	vor.u32 v10, v33;
	v50 =	vld.idx.msk [tilespmem:v50+s19+$0x0], $0xffff;
	[tilespmem:s30+$0xC30] =	vst v49  }
0x187: {  	v49 =	vor.u32 v10, v32;
	[tilespmem:s16+$0x870] =	vst v47;
	v43 =	vld.idx.msk [tilespmem:v43+s19+$0x0], $0xffff  }
0x188: {  	v47 =	vor.u32 v10, v34;
	[tilespmem:s0+$0x410] =	vst v42;
	v42 =	vld.idx.msk [tilespmem:v52+s19+$0x0], $0xffff  }
0x189: {  	v46 =	vld.idx.msk [tilespmem:v46+s19+$0x0], $0xffff;
	[tilespmem:s21+$0xC00] =	vst v44;
	v44 =	vor.u32 v29, v36  }
0x18a: {  	v52 =	vor.u32 v25, v38;
	[tilespmem:s28+$0x410] =	vst v53;
	v48 =	vld.idx.msk [tilespmem:v48+s19+$0x0], $0xffff  }
0x18b: {  	v53 =	vld.idx.msk [tilespmem:v54+s19+$0x0], $0xffff;
	[tilespmem:s24+$0x410] =	vst v45;
	v45 =	vor.u32 v11, v41  }
0x18c: {  	[tilespmem:s2+$0x410] =	vst v50;
	v49 =	vld.idx.msk [tilespmem:v49+s19+$0x0], $0xffff;
	v50 =	vor.u32 v25, v37  }
0x18d: {  	v54 =	vor.u32 v11, v33;
	v47 =	vld.idx.msk [tilespmem:v47+s19+$0x0], $0xffff;
	[tilespmem:s30+$0xC40] =	vst v43  }
0x18e: {  	v43 =	vor.u32 v11, v32;
	[tilespmem:s1+$0xC00] =	vst v51;
	v44 =	vld.idx.msk [tilespmem:v44+s19+$0x0], $0xffff  }
0x18f: {  	v51 =	vor.u32 v11, v34;
	[tilespmem:s0+$0x420] =	vst v46;
	v46 =	vld.idx.msk [tilespmem:v52+s19+$0x0], $0xffff  }
0x190: {  	v45 =	vld.idx.msk [tilespmem:v45+s19+$0x0], $0xffff;
	[tilespmem:s16+$0xC00] =	vst v42;
	v42 =	vor.u32 v30, v36  }
0x191: {  	v52 =	vor.u32 v26, v39;
	[tilespmem:s28+$0x420] =	vst v53;
	v50 =	vld.idx.msk [tilespmem:v50+s19+$0x0], $0xffff  }
0x192: {  	v53 =	vld.idx.msk [tilespmem:v54+s19+$0x0], $0xffff;
	[tilespmem:s24+$0x420] =	vst v49;
	v49 =	vor.u32 v12, v41  }
0x193: {  	[tilespmem:s2+$0x420] =	vst v47;
	v43 =	vld.idx.msk [tilespmem:v43+s19+$0x0], $0xffff;
	v47 =	vor.u32 v26, v38  }
0x194: {  	v54 =	vor.u32 v12, v33;
	v51 =	vld.idx.msk [tilespmem:v51+s19+$0x0], $0xffff;
	[tilespmem:s30+$0xC50] =	vst v44  }
0x195: {  	v44 =	vor.u32 v12, v32;
	[tilespmem:s21+$0xC10] =	vst v48;
	v42 =	vld.idx.msk [tilespmem:v42+s19+$0x0], $0xffff  }
0x196: {  	v48 =	vor.u32 v12, v34;
	[tilespmem:s0+$0x430] =	vst v45;
	v45 =	vld.idx.msk [tilespmem:v52+s19+$0x0], $0xffff  }
0x197: {  	v49 =	vld.idx.msk [tilespmem:v49+s19+$0x0], $0xffff;
	[tilespmem:s1+$0xC10] =	vst v46;
	v46 =	vor.u32 v31, v36;
	v36 =	vmov v41  }
0x198: {  	v52 =	vor.u32 v26, v37;
	[tilespmem:s28+$0x430] =	vst v53;
	v47 =	vld.idx.msk [tilespmem:v47+s19+$0x0], $0xffff  }
0x199: {  	s3 =	sadd.s32 $0x2, s6;
	v53 =	vld.idx.msk [tilespmem:v54+s19+$0x0], $0xffff;
	[tilespmem:s24+$0x430] =	vst v43;
	v43 =	vor.u32 v13, v36  }
0x19a: {  	v41 =	vmov s3;
	[tilespmem:s2+$0x430] =	vst v51;
	v44 =	vld.idx.msk [tilespmem:v44+s19+$0x0], $0xffff;
	v51 =	vor.u32 v27, v39  }
0x19b: {  	v41 =	vand.u32 $0x1E, v41;
	v54 =	vor.u32 v13, v33;
	v48 =	vld.idx.msk [tilespmem:v48+s19+$0x0], $0xffff;
	[tilespmem:s30+$0xC60] =	vst v42  }
0x19c: {  	v41 =	vbroadcast v41, $0x0;
	v42 =	vor.u32 v13, v32;
	[tilespmem:s16+$0xC10] =	vst v50;
	v46 =	vld.idx.msk [tilespmem:v46+s19+$0x0], $0xffff  }
0x19d: {  	v50 =	vor.u32 v13, v34;
	[tilespmem:s0+$0x440] =	vst v49;
	v49 =	vld.idx.msk [tilespmem:v52+s19+$0x0], $0xffff  }
0x19e: {  	v52 =	vor.u32 v0, v41;
	v43 =	vld.idx.msk [tilespmem:v43+s19+$0x0], $0xffff;
	[tilespmem:s21+$0xC20] =	vst v45  }
0x19f: {  	[tilespmem:s28+$0x440] =	vst v53;
	v45 =	vld.idx.msk [tilespmem:v51+s19+$0x0], $0xffff;
	v51 =	vor.u32 v27, v38  }
0x1a0: {  	v53 =	vld.idx.msk [tilespmem:v54+s19+$0x0], $0xffff;
	[tilespmem:s24+$0x440] =	vst v44;
	v54 =	vor.u32 v14, v36  }
0x1a1: {  	[tilespmem:s2+$0x440] =	vst v48;
	v42 =	vld.idx.msk [tilespmem:v42+s19+$0x0], $0xffff;
	v48 =	vor.u32 v27, v37  }
0x1a2: {  	v55 =	vor.u32 v14, v33;
	v50 =	vld.idx.msk [tilespmem:v50+s19+$0x0], $0xffff;
	[tilespmem:s30+$0xC70] =	vst v46;
	s30 =	smov.u32 s0  }
0x1a3: {  	v46 =	vor.u32 v14, v32;
	v44 =	vld.idx.msk [tilespmem:v52+s19+$0x0], $0xffff;
	[tilespmem:s1+$0xC20] =	vst v47  }
0x1a4: {  	v47 =	vor.u32 v14, v34;
	[tilespmem:s30+$0x450] =	vst v43;
	v43 =	vld.idx.msk [tilespmem:v51+s19+$0x0], $0xffff  }
0x1a5: {  	v51 =	vld.idx.msk [tilespmem:v54+s19+$0x0], $0xffff;
	[tilespmem:s16+$0xC20] =	vst v49;
	v49 =	vor.u32 v28, v39  }
0x1a6: {  	v52 =	vor.u32 v28, v38;
	[tilespmem:s28+$0x450] =	vst v53;
	v48 =	vld.idx.msk [tilespmem:v48+s19+$0x0], $0xffff  }
0x1a7: {  	v53 =	vld.idx.msk [tilespmem:v55+s19+$0x0], $0xffff;
	[tilespmem:s24+$0x450] =	vst v42;
	v42 =	vor.u32 v15, v36  }
0x1a8: {  	[tilespmem:s2+$0x450] =	vst v50;
	v46 =	vld.idx.msk [tilespmem:v46+s19+$0x0], $0xffff;
	v50 =	vor.u32 v28, v37  }
0x1a9: {  	v54 =	vor.u32 v15, v33;
	v47 =	vld.idx.msk [tilespmem:v47+s19+$0x0], $0xffff;
	[tilespmem:s21+$0xC30] =	vst v45  }
0x1aa: {  	v45 =	vor.u32 v15, v32;
	v49 =	vld.idx.msk [tilespmem:v49+s19+$0x0], $0xffff;
	[tilespmem:s1+$0xC30] =	vst v43  }
0x1ab: {  	v43 =	vor.u32 v15, v34;
	[tilespmem:s30+$0x460] =	vst v51;
	v51 =	vld.idx.msk [tilespmem:v52+s19+$0x0], $0xffff  }
0x1ac: {  	v42 =	vld.idx.msk [tilespmem:v42+s19+$0x0], $0xffff;
	[tilespmem:s16+$0xC30] =	vst v48;
	v48 =	vor.u32 v29, v39  }
0x1ad: {  	v52 =	vor.u32 v29, v38;
	[tilespmem:s28+$0x460] =	vst v53;
	v50 =	vld.idx.msk [tilespmem:v50+s19+$0x0], $0xffff  }
0x1ae: {  	v53 =	vld.idx.msk [tilespmem:v54+s19+$0x0], $0xffff;
	[tilespmem:s24+$0x460] =	vst v46;
	v46 =	vor.u32 v16, v36  }
0x1af: {  	[tilespmem:s2+$0x460] =	vst v47;
	v45 =	vld.idx.msk [tilespmem:v45+s19+$0x0], $0xffff;
	v47 =	vor.u32 v29, v37  }
0x1b0: {  	v54 =	vor.u32 v16, v33;
	v43 =	vld.idx.msk [tilespmem:v43+s19+$0x0], $0xffff;
	[tilespmem:s21+$0xC40] =	vst v49  }
0x1b1: {  	v49 =	vor.u32 v16, v32;
	v56 =	vld.idx.msk [tilespmem:v48+s19+$0x0], $0xffff;
	[tilespmem:s1+$0xC40] =	vst v51  }
0x1b2: {  	v57 =	vor.u32 v16, v34;
	[tilespmem:s30+$0x470] =	vst v42;
	v42 =	vld.idx.msk [tilespmem:v52+s19+$0x0], $0xffff  }
0x1b3: {  	v58 =	vld.idx.msk [tilespmem:v46+s19+$0x0], $0xffff;
	[tilespmem:s16+$0xC40] =	vst v50;
	v50 =	vor.u32 v30, v39  }
0x1b4: {  	[tilespmem:s28+$0x470] =	vst v53;
	v52 =	vld.idx.msk [tilespmem:v47+s19+$0x0], $0xffff;
	v53 =	vor.u32 v30, v38  }
.Ltmp2:
0x1b5: {  	v55 =	vor.u32 v17, v36;
	v51 =	vld.idx.msk [tilespmem:v54+s19+$0x0], $0xffff;
	[tilespmem:s24+$0x470] =	vst v45;
	(pc) =	sbr.rel @p1 .LBB2_3-.Ltmp2, $4  }
0x1b6: {  	v54 =	vor.u32 v30, v37;
	[tilespmem:s2+$0x470] =	vst v43;
	v48 =	vld.idx.msk [tilespmem:v49+s19+$0x0], $0xffff  }
0x1b7: {  	v47 =	vor.u32 v17, v33;
	v49 =	vld.idx.msk [tilespmem:v57+s19+$0x0], $0xffff;
	[tilespmem:s21+$0xC50] =	vst v56  }
0x1b8: {  	v46 =	vor.u32 v17, v32;
	v50 =	vld.idx.msk [tilespmem:v50+s19+$0x0], $0xffff;
	[tilespmem:s1+$0xC50] =	vst v42  }
0x1b9: {  	s6 =	sadd.s32 $0x4, s6;
	s0 =	sadd.s32 $0x3, s5;
	v45 =	vor.u32 v17, v34;
	[tilespmem:s30+$0x800] =	vst v58;
	v53 =	vld.idx.msk [tilespmem:v53+s19+$0x0], $0xffff  }
0x1ba: {  	v42 =	vmov s0  }
0x1bb: {  	v42 =	vand.u32 $0x1F, v42  }
0x1bc: {  	v61 =	vmov s5;
	v43 =	vbroadcast v42, $0x0  }
0x1bd: {  	v42 =	vand.u32 $0x1C, v61  }
0x1be: {  	[tilespmem:s16+$0xC50] =	vst v52;
	v42 =	vbroadcast v42, $0x0;
	v56 =	vor.u32 v0, v43  }
0x1bf: {  	[tilespmem:s28+$0x800] =	vst v51  }
0x1c0: {  	v62 =	vld.idx.msk [tilespmem:v55+s19+$0x0], $0xffff;
	s14 =	sadd.s32 $0x800, s23;
	s3 =	sadd.s32 $0x200, s26;
	[tilespmem:s24+$0x800] =	vst v48;
	v63 =	vor.u32 v0, v42  }
0x1c1: {  	v57 =	vld.idx.msk [tilespmem:v54+s19+$0x0], $0xffff;
	s0 =	sand.u32 $0x3000, s14;
	s6 =	sadd.s32 $0xFFFFFF00, s3;
	[tilespmem:s2+$0x800] =	vst v49  }
0x1c2: {  	v60 =	vor.u32 v1, v35;
	v47 =	vld.idx.msk [tilespmem:v47+s19+$0x0], $0xffff;
	s7 =	sadd.s32 $0xFFFFFF80, s3;
	s0 =	sadd.s32 $0xE400, s0;
	s6 =	sand.u32 $0x280, s6;
	[tilespmem:s21+$0xC60] =	vst v50  }
0x1c3: {  	v61 =	vor.u32 v1, v41;
	s7 =	sand.u32 $0x300, s7;
	s6 =	sor.u32 s6, s0;
	[tilespmem:s1+$0xC60] =	vst v53;
	v58 =	vld.idx.msk [tilespmem:v56+s19+$0x0], $0xffff  }
0x1c4: {  	v46 =	vld.idx.msk [tilespmem:v46+s19+$0x0], $0xffff;
	s7 =	sor.u32 s7, s0;
	v59 =	vor.u32 v1, v43;
	[tilespmem:s6+$0x0] =	vst v40  }
0x1c5: {  	v39 =	vor.u32 v31, v39;
	[tilespmem:s7+$0x0] =	vst v44;
	v51 =	vld.idx.msk [tilespmem:v63+s19+$0x0], $0xffff  }
0x1c6: {  	s15 =	sand.u32 $0x380, s3;
	v45 =	vld.idx.msk [tilespmem:v45+s19+$0x0], $0xffff;
	[tilespmem:s30+$0x810] =	vst v62;
	v62 =	vor.u32 v1, v42  }
0x1c7: {  	v38 =	vor.u32 v31, v38;
	s3 =	sadd.s32 $0xFFFFFE80, s3;
	s5 =	sor.u32 s15, s0;
	v40 =	vld.idx.msk [tilespmem:v60+s19+$0x0], $0xffff;
	[tilespmem:s16+$0xC60] =	vst v57  }
0x1c8: {  	v55 =	vor.u32 v2, v35;
	s3 =	sand.u32 $0x200, s3;
	v54 =	vld.idx.msk [tilespmem:v61+s19+$0x0], $0xffff;
	[tilespmem:s5+$0x0] =	vst v58  }
0x1c9: {  	s8 =	sor.u32 s3, s0;
	[tilespmem:s28+$0x810] =	vst v47;
	v57 =	vor.u32 v2, v41;
	v49 =	vld.idx.msk [tilespmem:v59+s19+$0x0], $0xffff  }
0x1ca: {  	v39 =	vld.idx.msk [tilespmem:v39+s19+$0x0], $0xffff;
	v63 =	vor.u32 v2, v43;
	[tilespmem:s8+$0x0] =	vst v51  }
0x1cb: {  	v37 =	vor.u32 v31, v37;
	[tilespmem:s24+$0x810] =	vst v46;
	v56 =	vld.idx.msk [tilespmem:v62+s19+$0x0], $0xffff  }
0x1cc: {  	v38 =	vld.idx.msk [tilespmem:v38+s19+$0x0], $0xffff;
	[tilespmem:s6+$0x10] =	vst v40;
	v58 =	vor.u32 v2, v42  }
0x1cd: {  	v40 =	vld.idx.msk [tilespmem:v55+s19+$0x0], $0xffff;
	[tilespmem:s7+$0x10] =	vst v54;
	v59 =	vor.u32 v18, v36  }
0x1ce: {  	v61 =	vld.idx.msk [tilespmem:v57+s19+$0x0], $0xffff;
	v62 =	vor.u32 v3, v35;
	[tilespmem:s5+$0x10] =	vst v49  }
0x1cf: {  	v52 =	vor.u32 v3, v41;
	[tilespmem:s2+$0x810] =	vst v45;
	v44 =	vld.idx.msk [tilespmem:v63+s19+$0x0], $0xffff  }
0x1d0: {  	v60 =	vor.u32 v3, v43;
	v37 =	vld.idx.msk [tilespmem:v37+s19+$0x0], $0xffff;
	[tilespmem:s8+$0x10] =	vst v56  }
0x1d1: {  	[tilespmem:s21+$0xC70] =	vst v39;
	v63 =	vld.idx.msk [tilespmem:v58+s19+$0x0], $0xffff  }
0x1d2: {  	v53 =	vor.u32 v3, v42;
	[tilespmem:s6+$0x20] =	vst v40;
	v49 =	vld.idx.msk [tilespmem:v59+s19+$0x0], $0xffff  }
0x1d3: {  	v54 =	vor.u32 v18, v33;
	[tilespmem:s7+$0x20] =	vst v61;
	v40 =	vld.idx.msk [tilespmem:v62+s19+$0x0], $0xffff  }
0x1d4: {  	v57 =	vor.u32 v4, v35;
	v56 =	vld.idx.msk [tilespmem:v52+s19+$0x0], $0xffff;
	[tilespmem:s5+$0x20] =	vst v44  }
0x1d5: {  	[tilespmem:s1+$0xC70] =	vst v38;
	v59 =	vor.u32 v4, v41;
	v50 =	vld.idx.msk [tilespmem:v60+s19+$0x0], $0xffff  }
0x1d6: {  	v55 =	vor.u32 v4, v43;
	[tilespmem:s8+$0x20] =	vst v63  }
0x1d7: {  	[tilespmem:s16+$0xC70] =	vst v37;
	v61 =	vor.u32 v19, v36;
	v58 =	vld.idx.msk [tilespmem:v53+s19+$0x0], $0xffff  }
0x1d8: {  	v44 =	vld.idx.msk [tilespmem:v54+s19+$0x0], $0xffff;
	[tilespmem:s6+$0x30] =	vst v40;
	v60 =	vor.u32 v4, v42  }
0x1d9: {  	v62 =	vor.u32 v18, v32;
	[tilespmem:s7+$0x30] =	vst v56;
	v40 =	vld.idx.msk [tilespmem:v57+s19+$0x0], $0xffff  }
0x1da: {  	v52 =	vld.idx.msk [tilespmem:v59+s19+$0x0], $0xffff;
	v53 =	vor.u32 v5, v35;
	[tilespmem:s5+$0x30] =	vst v50  }
0x1db: {  	[tilespmem:s30+$0x820] =	vst v49;
	v47 =	vld.idx.msk [tilespmem:v55+s19+$0x0], $0xffff;
	v55 =	vor.u32 v5, v41  }
0x1dc: {  	v56 =	vld.idx.msk [tilespmem:v61+s19+$0x0], $0xffff;
	v63 =	vor.u32 v5, v43;
	[tilespmem:s8+$0x30] =	vst v58  }
0x1dd: {  	[tilespmem:s28+$0x820] =	vst v44;
	v58 =	vor.u32 v18, v34;
	v54 =	vld.idx.msk [tilespmem:v60+s19+$0x0], $0xffff  }
0x1de: {  	v57 =	vor.u32 v5, v42;
	v50 =	vld.idx.msk [tilespmem:v62+s19+$0x0], $0xffff;
	[tilespmem:s6+$0x40] =	vst v40  }
0x1df: {  	v59 =	vor.u32 v20, v36;
	[tilespmem:s7+$0x40] =	vst v52;
	v39 =	vld.idx.msk [tilespmem:v53+s19+$0x0], $0xffff  }
0x1e0: {  	v62 =	vor.u32 v6, v35;
	[tilespmem:s5+$0x40] =	vst v47;
	v61 =	vld.idx.msk [tilespmem:v55+s19+$0x0], $0xffff  }
0x1e1: {  	[tilespmem:s30+$0x830] =	vst v56;
	v45 =	vld.idx.msk [tilespmem:v63+s19+$0x0], $0xffff;
	v63 =	vor.u32 v6, v41  }
0x1e2: {  	v60 =	vor.u32 v6, v43;
	v52 =	vld.idx.msk [tilespmem:v58+s19+$0x0], $0xffff;
	[tilespmem:s8+$0x40] =	vst v54  }
0x1e3: {  	[tilespmem:s24+$0x820] =	vst v50;
	v54 =	vor.u32 v19, v33;
	v44 =	vld.idx.msk [tilespmem:v57+s19+$0x0], $0xffff  }
0x1e4: {  	v53 =	vor.u32 v6, v42;
	v47 =	vld.idx.msk [tilespmem:v59+s19+$0x0], $0xffff;
	[tilespmem:s6+$0x50] =	vst v39  }
0x1e5: {  	v55 =	vor.u32 v19, v32;
	v39 =	vld.idx.msk [tilespmem:v62+s19+$0x0], $0xffff;
	[tilespmem:s7+$0x50] =	vst v61  }
0x1e6: {  	v58 =	vor.u32 v7, v35;
	[tilespmem:s5+$0x50] =	vst v45;
	v57 =	vld.idx.msk [tilespmem:v63+s19+$0x0], $0xffff  }
0x1e7: {  	[tilespmem:s2+$0x820] =	vst v52;
	v38 =	vld.idx.msk [tilespmem:v60+s19+$0x0], $0xffff;
	v60 =	vor.u32 v7, v41  }
0x1e8: {  	v56 =	vor.u32 v7, v43;
	v61 =	vld.idx.msk [tilespmem:v54+s19+$0x0], $0xffff;
	[tilespmem:s8+$0x50] =	vst v44  }
0x1e9: {  	[tilespmem:s30+$0x840] =	vst v47;
	v63 =	vor.u32 v21, v36;
	v59 =	vld.idx.msk [tilespmem:v53+s19+$0x0], $0xffff  }
0x1ea: {  	v62 =	vor.u32 v7, v42;
	v45 =	vld.idx.msk [tilespmem:v55+s19+$0x0], $0xffff;
	[tilespmem:s6+$0x60] =	vst v39  }
0x1eb: {  	v52 =	vor.u32 v19, v34;
	v39 =	vld.idx.msk [tilespmem:v58+s19+$0x0], $0xffff;
	[tilespmem:s7+$0x60] =	vst v57  }
0x1ec: {  	v55 =	vor.u32 v8, v35;
	[tilespmem:s5+$0x60] =	vst v38;
	v54 =	vld.idx.msk [tilespmem:v60+s19+$0x0], $0xffff  }
0x1ed: {  	[tilespmem:s28+$0x830] =	vst v61;
	v37 =	vld.idx.msk [tilespmem:v56+s19+$0x0], $0xffff;
	v56 =	vor.u32 v8, v41  }
0x1ee: {  	v53 =	vor.u32 v8, v43;
	v57 =	vld.idx.msk [tilespmem:v63+s19+$0x0], $0xffff;
	[tilespmem:s8+$0x60] =	vst v59  }
0x1ef: {  	[tilespmem:s24+$0x830] =	vst v45;
	v60 =	vor.u32 v22, v36;
	v47 =	vld.idx.msk [tilespmem:v62+s19+$0x0], $0xffff  }
0x1f0: {  	v58 =	vor.u32 v8, v42;
	v38 =	vld.idx.msk [tilespmem:v52+s19+$0x0], $0xffff;
	[tilespmem:s6+$0x70] =	vst v39  }
0x1f1: {  	v59 =	vor.u32 v20, v33;
	v39 =	vld.idx.msk [tilespmem:v55+s19+$0x0], $0xffff;
	[tilespmem:s7+$0x70] =	vst v54  }
0x1f2: {  	v63 =	vor.u32 v9, v35;
	[tilespmem:s5+$0x70] =	vst v37;
	v62 =	vld.idx.msk [tilespmem:v56+s19+$0x0], $0xffff  }
0x1f3: {  	v52 =	vor.u32 v9, v41;
	[tilespmem:s30+$0x850] =	vst v57;
	v40 =	vld.idx.msk [tilespmem:v53+s19+$0x0], $0xffff  }
0x1f4: {  	v61 =	vor.u32 v9, v43;
	v37 =	vld.idx.msk [tilespmem:v60+s19+$0x0], $0xffff;
	[tilespmem:s8+$0x70] =	vst v47  }
0x1f5: {  	[tilespmem:s2+$0x830] =	vst v38;
	v56 =	vor.u32 v20, v34;
	v45 =	vld.idx.msk [tilespmem:v58+s19+$0x0], $0xffff  }
0x1f6: {  	v54 =	vor.u32 v9, v42;
	[tilespmem:s6+$0x400] =	vst v39;
	v53 =	vld.idx.msk [tilespmem:v59+s19+$0x0], $0xffff  }
0x1f7: {  	v55 =	vor.u32 v20, v32;
	v39 =	vld.idx.msk [tilespmem:v63+s19+$0x0], $0xffff;
	[tilespmem:s7+$0x400] =	vst v62  }
0x1f8: {  	v59 =	vor.u32 v10, v35;
	[tilespmem:s5+$0x400] =	vst v40;
	v58 =	vld.idx.msk [tilespmem:v52+s19+$0x0], $0xffff  }
0x1f9: {  	v60 =	vor.u32 v10, v41;
	[tilespmem:s30+$0x860] =	vst v37;
	v44 =	vld.idx.msk [tilespmem:v61+s19+$0x0], $0xffff  }
0x1fa: {  	v57 =	vor.u32 v10, v43;
	v40 =	vld.idx.msk [tilespmem:v56+s19+$0x0], $0xffff;
	[tilespmem:s8+$0x400] =	vst v45  }
0x1fb: {  	[tilespmem:s28+$0x840] =	vst v53;
	v52 =	vor.u32 v21, v33;
	v38 =	vld.idx.msk [tilespmem:v54+s19+$0x0], $0xffff  }
0x1fc: {  	v62 =	vor.u32 v10, v42;
	[tilespmem:s6+$0x410] =	vst v39;
	v61 =	vld.idx.msk [tilespmem:v55+s19+$0x0], $0xffff  }
0x1fd: {  	v63 =	vor.u32 v23, v36;
	v39 =	vld.idx.msk [tilespmem:v59+s19+$0x0], $0xffff;
	[tilespmem:s7+$0x410] =	vst v58  }
0x1fe: {  	v55 =	vor.u32 v11, v35;
	[tilespmem:s5+$0x410] =	vst v44;
	v54 =	vld.idx.msk [tilespmem:v60+s19+$0x0], $0xffff  }
0x1ff: {  	v56 =	vor.u32 v11, v41;
	[tilespmem:s2+$0x840] =	vst v40;
	v46 =	vld.idx.msk [tilespmem:v57+s19+$0x0], $0xffff  }
0x200: {  	v53 =	vor.u32 v11, v43;
	v44 =	vld.idx.msk [tilespmem:v52+s19+$0x0], $0xffff;
	[tilespmem:s8+$0x410] =	vst v38  }
0x201: {  	v59 =	vor.u32 v21, v32;
	[tilespmem:s24+$0x840] =	vst v61;
	v37 =	vld.idx.msk [tilespmem:v62+s19+$0x0], $0xffff  }
0x202: {  	v58 =	vor.u32 v11, v42;
	[tilespmem:s6+$0x420] =	vst v39;
	v57 =	vld.idx.msk [tilespmem:v63+s19+$0x0], $0xffff  }
0x203: {  	v60 =	vor.u32 v24, v36;
	v39 =	vld.idx.msk [tilespmem:v55+s19+$0x0], $0xffff;
	[tilespmem:s7+$0x420] =	vst v54  }
0x204: {  	v63 =	vor.u32 v12, v35;
	[tilespmem:s5+$0x420] =	vst v46;
	v62 =	vld.idx.msk [tilespmem:v56+s19+$0x0], $0xffff  }
0x205: {  	v52 =	vor.u32 v12, v41;
	[tilespmem:s28+$0x850] =	vst v44;
	v45 =	vld.idx.msk [tilespmem:v53+s19+$0x0], $0xffff  }
0x206: {  	v61 =	vor.u32 v12, v43;
	[tilespmem:s8+$0x420] =	vst v37;
	v53 =	vld.idx.msk [tilespmem:v59+s19+$0x0], $0xffff  }
0x207: {  	[tilespmem:s30+$0x870] =	vst v57;
	v56 =	vor.u32 v22, v33;
	v40 =	vld.idx.msk [tilespmem:v58+s19+$0x0], $0xffff  }
0x208: {  	v54 =	vor.u32 v12, v42;
	[tilespmem:s6+$0x430] =	vst v39;
	v46 =	vld.idx.msk [tilespmem:v60+s19+$0x0], $0xffff  }
0x209: {  	v55 =	vor.u32 v21, v34;
	v39 =	vld.idx.msk [tilespmem:v63+s19+$0x0], $0xffff;
	[tilespmem:s7+$0x430] =	vst v62  }
0x20a: {  	v59 =	vor.u32 v13, v35;
	[tilespmem:s5+$0x430] =	vst v45;
	v58 =	vld.idx.msk [tilespmem:v52+s19+$0x0], $0xffff  }
0x20b: {  	v60 =	vor.u32 v13, v41;
	[tilespmem:s24+$0x850] =	vst v53;
	v38 =	vld.idx.msk [tilespmem:v61+s19+$0x0], $0xffff  }
0x20c: {  	v57 =	vor.u32 v13, v43;
	v45 =	vld.idx.msk [tilespmem:v56+s19+$0x0], $0xffff;
	[tilespmem:s8+$0x430] =	vst v40  }
0x20d: {  	[tilespmem:s30+$0xC00] =	vst v46;
	v52 =	vor.u32 v22, v32;
	v44 =	vld.idx.msk [tilespmem:v54+s19+$0x0], $0xffff  }
0x20e: {  	v62 =	vor.u32 v13, v42;
	[tilespmem:s6+$0x440] =	vst v39;
	v61 =	vld.idx.msk [tilespmem:v55+s19+$0x0], $0xffff  }
0x20f: {  	v63 =	vor.u32 v25, v36;
	v39 =	vld.idx.msk [tilespmem:v59+s19+$0x0], $0xffff;
	[tilespmem:s7+$0x440] =	vst v58  }
0x210: {  	v55 =	vor.u32 v14, v35;
	[tilespmem:s5+$0x440] =	vst v38;
	v54 =	vld.idx.msk [tilespmem:v60+s19+$0x0], $0xffff  }
0x211: {  	v56 =	vor.u32 v14, v41;
	[tilespmem:s28+$0x860] =	vst v45;
	v37 =	vld.idx.msk [tilespmem:v57+s19+$0x0], $0xffff  }
0x212: {  	v53 =	vor.u32 v14, v43;
	v38 =	vld.idx.msk [tilespmem:v52+s19+$0x0], $0xffff;
	[tilespmem:s8+$0x440] =	vst v44  }
0x213: {  	v59 =	vor.u32 v22, v34;
	[tilespmem:s2+$0x850] =	vst v61;
	v46 =	vld.idx.msk [tilespmem:v62+s19+$0x0], $0xffff  }
0x214: {  	v58 =	vor.u32 v14, v42;
	[tilespmem:s6+$0x450] =	vst v39;
	v57 =	vld.idx.msk [tilespmem:v63+s19+$0x0], $0xffff  }
0x215: {  	v60 =	vor.u32 v26, v36;
	v39 =	vld.idx.msk [tilespmem:v55+s19+$0x0], $0xffff;
	[tilespmem:s7+$0x450] =	vst v54  }
0x216: {  	v63 =	vor.u32 v15, v35;
	[tilespmem:s5+$0x450] =	vst v37;
	v62 =	vld.idx.msk [tilespmem:v56+s19+$0x0], $0xffff  }
0x217: {  	v52 =	vor.u32 v15, v41;
	[tilespmem:s24+$0x860] =	vst v38;
	v40 =	vld.idx.msk [tilespmem:v53+s19+$0x0], $0xffff  }
0x218: {  	v61 =	vor.u32 v15, v43;
	[tilespmem:s8+$0x450] =	vst v46;
	v53 =	vld.idx.msk [tilespmem:v59+s19+$0x0], $0xffff  }
0x219: {  	[tilespmem:s30+$0xC10] =	vst v57;
	v56 =	vor.u32 v23, v32;
	v45 =	vld.idx.msk [tilespmem:v58+s19+$0x0], $0xffff  }
0x21a: {  	v54 =	vor.u32 v15, v42;
	[tilespmem:s6+$0x460] =	vst v39;
	v37 =	vld.idx.msk [tilespmem:v60+s19+$0x0], $0xffff  }
0x21b: {  	v55 =	vor.u32 v23, v33;
	v39 =	vld.idx.msk [tilespmem:v63+s19+$0x0], $0xffff;
	[tilespmem:s7+$0x460] =	vst v62  }
0x21c: {  	v59 =	vor.u32 v16, v35;
	[tilespmem:s5+$0x460] =	vst v40;
	v58 =	vld.idx.msk [tilespmem:v52+s19+$0x0], $0xffff  }
0x21d: {  	v60 =	vor.u32 v16, v41;
	[tilespmem:s2+$0x860] =	vst v53;
	v44 =	vld.idx.msk [tilespmem:v61+s19+$0x0], $0xffff  }
0x21e: {  	v57 =	vor.u32 v16, v43;
	v40 =	vld.idx.msk [tilespmem:v56+s19+$0x0], $0xffff;
	[tilespmem:s8+$0x460] =	vst v45  }
0x21f: {  	[tilespmem:s30+$0xC20] =	vst v37;
	v52 =	vor.u32 v23, v34;
	v38 =	vld.idx.msk [tilespmem:v54+s19+$0x0], $0xffff  }
0x220: {  	v62 =	vor.u32 v16, v42;
	[tilespmem:s6+$0x470] =	vst v39;
	v61 =	vld.idx.msk [tilespmem:v55+s19+$0x0], $0xffff  }
0x221: {  	v63 =	vor.u32 v27, v36;
	v39 =	vld.idx.msk [tilespmem:v59+s19+$0x0], $0xffff;
	[tilespmem:s7+$0x470] =	vst v58  }
0x222: {  	v55 =	vor.u32 v17, v35;
	[tilespmem:s5+$0x470] =	vst v44;
	v54 =	vld.idx.msk [tilespmem:v60+s19+$0x0], $0xffff  }
0x223: {  	v56 =	vor.u32 v17, v41;
	[tilespmem:s24+$0x870] =	vst v40;
	v46 =	vld.idx.msk [tilespmem:v57+s19+$0x0], $0xffff  }
0x224: {  	v53 =	vor.u32 v17, v43;
	v44 =	vld.idx.msk [tilespmem:v52+s19+$0x0], $0xffff;
	[tilespmem:s8+$0x470] =	vst v38  }
0x225: {  	v59 =	vor.u32 v24, v33;
	[tilespmem:s28+$0x870] =	vst v61;
	v37 =	vld.idx.msk [tilespmem:v62+s19+$0x0], $0xffff  }
0x226: {  	v58 =	vor.u32 v17, v42;
	[tilespmem:s6+$0x800] =	vst v39;
	v57 =	vld.idx.msk [tilespmem:v63+s19+$0x0], $0xffff  }
0x227: {  	v60 =	vor.u32 v28, v36;
	v39 =	vld.idx.msk [tilespmem:v55+s19+$0x0], $0xffff;
	[tilespmem:s7+$0x800] =	vst v54  }
0x228: {  	v63 =	vor.u32 v18, v35;
	[tilespmem:s5+$0x800] =	vst v46;
	v62 =	vld.idx.msk [tilespmem:v56+s19+$0x0], $0xffff  }
0x229: {  	v52 =	vor.u32 v18, v41;
	[tilespmem:s2+$0x870] =	vst v44;
	v45 =	vld.idx.msk [tilespmem:v53+s19+$0x0], $0xffff  }
0x22a: {  	v61 =	vor.u32 v18, v43;
	[tilespmem:s8+$0x800] =	vst v37;
	v53 =	vld.idx.msk [tilespmem:v59+s19+$0x0], $0xffff  }
0x22b: {  	[tilespmem:s30+$0xC30] =	vst v57;
	v56 =	vor.u32 v24, v34;
	v40 =	vld.idx.msk [tilespmem:v58+s19+$0x0], $0xffff  }
0x22c: {  	v54 =	vor.u32 v18, v42;
	[tilespmem:s6+$0x810] =	vst v39;
	v46 =	vld.idx.msk [tilespmem:v60+s19+$0x0], $0xffff  }
0x22d: {  	v55 =	vor.u32 v24, v32;
	v39 =	vld.idx.msk [tilespmem:v63+s19+$0x0], $0xffff;
	[tilespmem:s7+$0x810] =	vst v62  }
0x22e: {  	v59 =	vor.u32 v19, v35;
	[tilespmem:s5+$0x810] =	vst v45;
	v58 =	vld.idx.msk [tilespmem:v52+s19+$0x0], $0xffff  }
0x22f: {  	v60 =	vor.u32 v19, v41;
	[tilespmem:s28+$0xC00] =	vst v53;
	v38 =	vld.idx.msk [tilespmem:v61+s19+$0x0], $0xffff  }
0x230: {  	v57 =	vor.u32 v19, v43;
	v45 =	vld.idx.msk [tilespmem:v56+s19+$0x0], $0xffff;
	[tilespmem:s8+$0x810] =	vst v40  }
0x231: {  	v63 =	vor.u32 v29, v36;
	[tilespmem:s30+$0xC40] =	vst v46;
	v44 =	vld.idx.msk [tilespmem:v54+s19+$0x0], $0xffff  }
0x232: {  	v62 =	vor.u32 v19, v42;
	[tilespmem:s6+$0x820] =	vst v39;
	v61 =	vld.idx.msk [tilespmem:v55+s19+$0x0], $0xffff  }
0x233: {  	v52 =	vor.u32 v25, v33;
	v47 =	vld.idx.msk [tilespmem:v59+s19+$0x0], $0xffff;
	[tilespmem:s7+$0x820] =	vst v58  }
0x234: {  	v54 =	vor.u32 v20, v35;
	[tilespmem:s5+$0x820] =	vst v38;
	v40 =	vld.idx.msk [tilespmem:v60+s19+$0x0], $0xffff  }
0x235: {  	v55 =	vor.u32 v20, v41;
	[tilespmem:s2+$0xC00] =	vst v45;
	v37 =	vld.idx.msk [tilespmem:v57+s19+$0x0], $0xffff  }
0x236: {  	v53 =	vor.u32 v20, v43;
	v56 =	vld.idx.msk [tilespmem:v63+s19+$0x0], $0xffff;
	[tilespmem:s8+$0x820] =	vst v44  }
0x237: {  	v58 =	vor.u32 v25, v32;
	[tilespmem:s24+$0xC00] =	vst v61;
	v46 =	vld.idx.msk [tilespmem:v62+s19+$0x0], $0xffff  }
0x238: {  	v38 =	vld.idx.msk [tilespmem:v52+s19+$0x0], $0xffff;
	[tilespmem:s6+$0x830] =	vst v47;
	v57 =	vor.u32 v20, v42  }
0x239: {  	v59 =	vor.u32 v30, v36;
	v44 =	vld.idx.msk [tilespmem:v54+s19+$0x0], $0xffff;
	[tilespmem:s7+$0x830] =	vst v40  }
0x23a: {  	v61 =	vor.u32 v21, v35;
	[tilespmem:s5+$0x830] =	vst v37;
	v40 =	vld.idx.msk [tilespmem:v55+s19+$0x0], $0xffff  }
0x23b: {  	[tilespmem:s30+$0xC50] =	vst v56;
	v62 =	vor.u32 v21, v41;
	v39 =	vld.idx.msk [tilespmem:v53+s19+$0x0], $0xffff  }
0x23c: {  	v60 =	vor.u32 v21, v43;
	v63 =	vld.idx.msk [tilespmem:v58+s19+$0x0], $0xffff;
	[tilespmem:s8+$0x830] =	vst v46  }
0x23d: {  	[tilespmem:s28+$0xC10] =	vst v38;
	v53 =	vor.u32 v25, v34;
	v45 =	vld.idx.msk [tilespmem:v57+s19+$0x0], $0xffff  }
0x23e: {  	v52 =	vor.u32 v21, v42;
	v37 =	vld.idx.msk [tilespmem:v59+s19+$0x0], $0xffff;
	[tilespmem:s6+$0x840] =	vst v44  }
0x23f: {  	v54 =	vor.u32 v26, v33;
	v48 =	vld.idx.msk [tilespmem:v61+s19+$0x0], $0xffff;
	[tilespmem:s7+$0x840] =	vst v40  }
0x240: {  	v56 =	vor.u32 v22, v35;
	[tilespmem:s5+$0x840] =	vst v39;
	v40 =	vld.idx.msk [tilespmem:v62+s19+$0x0], $0xffff  }
0x241: {  	v57 =	vor.u32 v22, v41;
	[tilespmem:s24+$0xC10] =	vst v63;
	v47 =	vld.idx.msk [tilespmem:v60+s19+$0x0], $0xffff  }
0x242: {  	v55 =	vor.u32 v22, v43;
	v58 =	vld.idx.msk [tilespmem:v53+s19+$0x0], $0xffff;
	[tilespmem:s8+$0x840] =	vst v45  }
0x243: {  	[tilespmem:s30+$0xC60] =	vst v37;
	v60 =	vor.u32 v31, v36;
	v38 =	vld.idx.msk [tilespmem:v52+s19+$0x0], $0xffff  }
0x244: {  	v59 =	vor.u32 v22, v42;
	v39 =	vld.idx.msk [tilespmem:v54+s19+$0x0], $0xffff;
	[tilespmem:s6+$0x850] =	vst v48  }
0x245: {  	v61 =	vor.u32 v26, v32;
	v45 =	vld.idx.msk [tilespmem:v56+s19+$0x0], $0xffff;
	[tilespmem:s7+$0x850] =	vst v40  }
0x246: {  	v63 =	vor.u32 v23, v35;
	[tilespmem:s5+$0x850] =	vst v47;
	v40 =	vld.idx.msk [tilespmem:v57+s19+$0x0], $0xffff  }
0x247: {  	v52 =	vor.u32 v23, v41;
	[tilespmem:s2+$0xC10] =	vst v58;
	v44 =	vld.idx.msk [tilespmem:v55+s19+$0x0], $0xffff  }
0x248: {  	v62 =	vor.u32 v23, v43;
	v36 =	vld.idx.msk [tilespmem:v60+s19+$0x0], $0xffff;
	[tilespmem:s8+$0x850] =	vst v38  }
0x249: {  	v54 =	vor.u32 v26, v34;
	[tilespmem:s28+$0xC20] =	vst v39;
	v37 =	vld.idx.msk [tilespmem:v59+s19+$0x0], $0xffff  }
0x24a: {  	v53 =	vor.u32 v23, v42;
	v47 =	vld.idx.msk [tilespmem:v61+s19+$0x0], $0xffff;
	[tilespmem:s6+$0x860] =	vst v45  }
0x24b: {  	v55 =	vor.u32 v27, v33;
	v46 =	vld.idx.msk [tilespmem:v63+s19+$0x0], $0xffff;
	[tilespmem:s7+$0x860] =	vst v40  }
0x24c: {  	v57 =	vor.u32 v24, v35;
	[tilespmem:s5+$0x860] =	vst v44;
	v38 =	vld.idx.msk [tilespmem:v52+s19+$0x0], $0xffff  }
0x24d: {  	v59 =	vor.u32 v24, v41;
	[tilespmem:s30+$0xC70] =	vst v36;
	v48 =	vld.idx.msk [tilespmem:v62+s19+$0x0], $0xffff  }
0x24e: {  	v56 =	vor.u32 v24, v43;
	v60 =	vld.idx.msk [tilespmem:v54+s19+$0x0], $0xffff;
	[tilespmem:s8+$0x860] =	vst v37  }
0x24f: {  	[tilespmem:s24+$0xC20] =	vst v47;
	v62 =	vor.u32 v27, v32;
	v58 =	vld.idx.msk [tilespmem:v53+s19+$0x0], $0xffff  }
0x250: {  	v61 =	vor.u32 v24, v42;
	v44 =	vld.idx.msk [tilespmem:v55+s19+$0x0], $0xffff;
	[tilespmem:s6+$0x870] =	vst v46  }
0x251: {  	v63 =	vor.u32 v27, v34;
	v37 =	vld.idx.msk [tilespmem:v57+s19+$0x0], $0xffff;
	[tilespmem:s7+$0x870] =	vst v38  }
0x252: {  	v53 =	vor.u32 v25, v35;
	[tilespmem:s5+$0x870] =	vst v48;
	v38 =	vld.idx.msk [tilespmem:v59+s19+$0x0], $0xffff  }
0x253: {  	v54 =	vor.u32 v25, v41;
	[tilespmem:s2+$0xC20] =	vst v60;
	v45 =	vld.idx.msk [tilespmem:v56+s19+$0x0], $0xffff  }
0x254: {  	v52 =	vor.u32 v25, v43;
	v55 =	vld.idx.msk [tilespmem:v62+s19+$0x0], $0xffff;
	[tilespmem:s8+$0x870] =	vst v58  }
0x255: {  	v57 =	vor.u32 v28, v33;
	[tilespmem:s28+$0xC30] =	vst v44;
	v36 =	vld.idx.msk [tilespmem:v61+s19+$0x0], $0xffff  }
0x256: {  	v48 =	vld.idx.msk [tilespmem:v63+s19+$0x0], $0xffff;
	[tilespmem:s6+$0xC00] =	vst v37;
	v56 =	vor.u32 v25, v42  }
0x257: {  	v58 =	vor.u32 v28, v32;
	v39 =	vld.idx.msk [tilespmem:v53+s19+$0x0], $0xffff;
	[tilespmem:s7+$0xC00] =	vst v38  }
0x258: {  	v60 =	vor.u32 v26, v35;
	[tilespmem:s5+$0xC00] =	vst v45;
	v38 =	vld.idx.msk [tilespmem:v54+s19+$0x0], $0xffff  }
0x259: {  	v62 =	vor.u32 v26, v41;
	[tilespmem:s24+$0xC30] =	vst v55;
	v46 =	vld.idx.msk [tilespmem:v52+s19+$0x0], $0xffff  }
0x25a: {  	v59 =	vor.u32 v26, v43;
	v63 =	vld.idx.msk [tilespmem:v57+s19+$0x0], $0xffff;
	[tilespmem:s8+$0xC00] =	vst v36  }
0x25b: {  	v53 =	vor.u32 v28, v34;
	[tilespmem:s2+$0xC30] =	vst v48;
	v61 =	vld.idx.msk [tilespmem:v56+s19+$0x0], $0xffff  }
0x25c: {  	v45 =	vld.idx.msk [tilespmem:v58+s19+$0x0], $0xffff;
	[tilespmem:s6+$0xC10] =	vst v39;
	v52 =	vor.u32 v26, v42  }
0x25d: {  	v54 =	vor.u32 v29, v33;
	v36 =	vld.idx.msk [tilespmem:v60+s19+$0x0], $0xffff;
	[tilespmem:s7+$0xC10] =	vst v38  }
0x25e: {  	v56 =	vor.u32 v27, v35;
	[tilespmem:s5+$0xC10] =	vst v46;
	v38 =	vld.idx.msk [tilespmem:v62+s19+$0x0], $0xffff  }
0x25f: {  	v57 =	vor.u32 v27, v41;
	[tilespmem:s28+$0xC40] =	vst v63;
	v37 =	vld.idx.msk [tilespmem:v59+s19+$0x0], $0xffff  }
0x260: {  	v55 =	vor.u32 v27, v43;
	v58 =	vld.idx.msk [tilespmem:v53+s19+$0x0], $0xffff;
	[tilespmem:s8+$0xC10] =	vst v61  }
0x261: {  	v60 =	vor.u32 v29, v32;
	[tilespmem:s24+$0xC40] =	vst v45;
	v40 =	vld.idx.msk [tilespmem:v52+s19+$0x0], $0xffff  }
0x262: {  	v46 =	vld.idx.msk [tilespmem:v54+s19+$0x0], $0xffff;
	[tilespmem:s6+$0xC20] =	vst v36;
	v59 =	vor.u32 v27, v42  }
0x263: {  	v61 =	vor.u32 v29, v34;
	v44 =	vld.idx.msk [tilespmem:v56+s19+$0x0], $0xffff;
	[tilespmem:s7+$0xC20] =	vst v38  }
0x264: {  	v63 =	vor.u32 v28, v35;
	[tilespmem:s5+$0xC20] =	vst v37;
	v38 =	vld.idx.msk [tilespmem:v57+s19+$0x0], $0xffff  }
0x265: {  	[tilespmem:s2+$0xC40] =	vst v58;
	v52 =	vor.u32 v28, v41;
	v39 =	vld.idx.msk [tilespmem:v55+s19+$0x0], $0xffff  }
0x266: {  	v62 =	vor.u32 v28, v43;
	v53 =	vld.idx.msk [tilespmem:v60+s19+$0x0], $0xffff;
	[tilespmem:s8+$0xC20] =	vst v40  }
0x267: {  	[tilespmem:s28+$0xC50] =	vst v46;
	v55 =	vor.u32 v30, v33;
	v45 =	vld.idx.msk [tilespmem:v59+s19+$0x0], $0xffff  }
0x268: {  	v54 =	vor.u32 v28, v42;
	v37 =	vld.idx.msk [tilespmem:v61+s19+$0x0], $0xffff;
	[tilespmem:s6+$0xC30] =	vst v44  }
0x269: {  	v56 =	vor.u32 v30, v32;
	v40 =	vld.idx.msk [tilespmem:v63+s19+$0x0], $0xffff;
	[tilespmem:s7+$0xC30] =	vst v38  }
0x26a: {  	v58 =	vor.u32 v29, v35;
	[tilespmem:s5+$0xC30] =	vst v39;
	v38 =	vld.idx.msk [tilespmem:v52+s19+$0x0], $0xffff  }
0x26b: {  	[tilespmem:s24+$0xC50] =	vst v53;
	v59 =	vor.u32 v29, v41;
	v36 =	vld.idx.msk [tilespmem:v62+s19+$0x0], $0xffff  }
0x26c: {  	v57 =	vor.u32 v29, v43;
	v60 =	vld.idx.msk [tilespmem:v55+s19+$0x0], $0xffff;
	[tilespmem:s8+$0xC30] =	vst v45  }
0x26d: {  	[tilespmem:s2+$0xC50] =	vst v37;
	v62 =	vor.u32 v30, v34;
	v46 =	vld.idx.msk [tilespmem:v54+s19+$0x0], $0xffff  }
0x26e: {  	v61 =	vor.u32 v29, v42;
	v39 =	vld.idx.msk [tilespmem:v56+s19+$0x0], $0xffff;
	[tilespmem:s6+$0xC40] =	vst v40  }
0x26f: {  	v63 =	vor.u32 v31, v33;
	v51 =	vld.idx.msk [tilespmem:v58+s19+$0x0], $0xffff;
	[tilespmem:s7+$0xC40] =	vst v38  }
0x270: {  	v52 =	vor.u32 v30, v35;
	[tilespmem:s5+$0xC40] =	vst v36;
	v38 =	vld.idx.msk [tilespmem:v59+s19+$0x0], $0xffff  }
0x271: {  	v53 =	vor.u32 v30, v41;
	[tilespmem:s28+$0xC60] =	vst v60;
	v36 =	vld.idx.msk [tilespmem:v57+s19+$0x0], $0xffff  }
0x272: {  	v50 =	vor.u32 v30, v43;
	v54 =	vld.idx.msk [tilespmem:v62+s19+$0x0], $0xffff;
	[tilespmem:s8+$0xC40] =	vst v46  }
0x273: {  	v56 =	vor.u32 v31, v32;
	[tilespmem:s24+$0xC60] =	vst v39;
	v37 =	vld.idx.msk [tilespmem:v61+s19+$0x0], $0xffff  }
0x274: {  	v55 =	vor.u32 v30, v42;
	v33 =	vld.idx.msk [tilespmem:v63+s19+$0x0], $0xffff;
	[tilespmem:s6+$0xC50] =	vst v51  }
0x275: {  	v57 =	vor.u32 v31, v34;
	v59 =	vld.idx.msk [tilespmem:v52+s19+$0x0], $0xffff;
	[tilespmem:s7+$0xC50] =	vst v38  }
0x276: {  	v60 =	vor.u32 v31, v35;
	[tilespmem:s5+$0xC50] =	vst v36;
	v38 =	vld.idx.msk [tilespmem:v53+s19+$0x0], $0xffff  }
0x277: {  	v61 =	vor.u32 v31, v41;
	[tilespmem:s2+$0xC60] =	vst v54;
	v36 =	vld.idx.msk [tilespmem:v50+s19+$0x0], $0xffff  }
0x278: {  	v58 =	vor.u32 v31, v43;
	v32 =	vld.idx.msk [tilespmem:v56+s19+$0x0], $0xffff;
	[tilespmem:s8+$0xC50] =	vst v37  }
0x279: {  	[tilespmem:s28+$0xC70] =	vst v33;
	v37 =	vld.idx.msk [tilespmem:v55+s19+$0x0], $0xffff  }
0x27a: {  	v62 =	vor.u32 v31, v42;
	v34 =	vld.idx.msk [tilespmem:v57+s19+$0x0], $0xffff;
	[tilespmem:s6+$0xC60] =	vst v59  }
0x27b: {  	v35 =	vld.idx.msk [tilespmem:v60+s19+$0x0], $0xffff;
	[tilespmem:s7+$0xC60] =	vst v38  }
0x27c: {  	[tilespmem:s5+$0xC60] =	vst v36;
	v38 =	vld.idx.msk [tilespmem:v61+s19+$0x0], $0xffff  }
0x27d: {  	[tilespmem:s24+$0xC70] =	vst v32;
	v36 =	vld.idx.msk [tilespmem:v58+s19+$0x0], $0xffff  }
0x27e: {  	[tilespmem:s8+$0xC60] =	vst v37  }
0x27f: {  	[tilespmem:s2+$0xC70] =	vst v34;
	v63 =	vld.idx.msk [tilespmem:v62+s19+$0x0], $0xffff  }
0x280: {  	[tilespmem:s6+$0xC70] =	vst v35  }
0x281: {  	[tilespmem:s7+$0xC70] =	vst v38  }
0x282: {  	[tilespmem:s5+$0xC70] =	vst v36  }
0x283: {  	s17 =	sshll.u32 s20, $0x11;
	s1 =	rddreg [dreg:$0x5]  }
0x284: {  	s18 =	rddreg [dreg:$0x1];
	[tilespmem:s8+$0xC70] =	vst v63;
	s24 =	sor.u32 s1, s17  }
0x285: {  	s21 =	simm.s32 $0xE400;
	s23 =	rddreg [dreg:$0x6];
	s0 =	sadd.s32 s18, s24  }
0x286: {  	[hbm4b:s0+s10] =	stream.linear.scatter [tilespmem:s21], [sflag:$0x3], $0x1000, $0x38;
	[tilespmem:$0x16400] =	vst v63  }
0x287: {  	s26 =	simm.s32 $0xF400;
	p1 =	sne.s32 s20, $0x18;
	s0 =	sadd.s32 s24, s23  }
0x288: {  	[hbm4b:s0+s10] =	stream.linear.scatter [tilespmem:s26], [sflag:$0x3], $0x1000, $0x38;
	[tilespmem:$0x16400] =	vst v63  }
.Ltmp3:
0x289: {  	s28 =	rddreg [dreg:$0x7];
	(pc) =	sbr.rel @p1 .LBB2_6-.Ltmp3, $4  }
0x28a: {  	s29 =	simm.s32 $0x10400;
	s30 =	rddreg [dreg:$0x8];
	s0 =	sadd.s32 s24, s28  }
0x28b: {  	[hbm4b:s0+s10] =	stream.linear.scatter [tilespmem:s29], [sflag:$0x3], $0x1000, $0x38;
	[tilespmem:$0x16400] =	vst v63  }
0x28c: {  	s31 =	simm.s32 $0x11400;
	s0 =	sadd.s32 s24, s30  }
0x28d: {  	[hbm4b:s0+s10] =	stream.linear.scatter [tilespmem:s31], [sflag:$0x3], $0x1000, $0x38;
	[tilespmem:$0x16400] =	vst v63  }
.Ltmp4:
0x28e: {  	(pc) =	sbr.rel .LBB2_7-.Ltmp4, $4  }
0x28f: {  	s0 =	simm.s32 $0x2  }
0x290: {  	_ =	swait.ge [sflag:s0], $0x4000  }
0x291: {  	[sflag:s0] =	ssyncset.done $0x0  }
0x292: {  	[sflag:s0] =	ssyncadd.s32 $0xFFFFC000  }
.LBB2_6:
0x293: {  	s0 =	sadd.s32 $0x400, s22;
	s1 =	rddreg [dreg:$0x3];
	s2 =	simm.s32 $0x80  }
0x294: {  	[tilespmem:s19], [sflag:$0x1] =	stream.indirect.gather [hbm4b:s1+s2], $0x20, s0, s2, $0xb8;
	[tilespmem:$0x16400] =	vst v63  }
0x295: {  	s23 =	sadd.s32 $0x480, s22;
	s3 =	simm.s32 $0x7400  }
0x296: {  	[tilespmem:s3], [sflag:$0x1] =	stream.indirect.gather [hbm4b:s1+s2], $0x20, s23, s2, $0xb8;
	[tilespmem:$0x16400] =	vst v63  }
0x297: {  	s26 =	sadd.s32 $0x500, s22;
	s28 =	simm.s32 $0x8400;
	s29 =	sadd.s32 $0x580, s22  }
0x298: {  	[tilespmem:s28], [sflag:$0x1] =	stream.indirect.gather [hbm4b:s1+s2], $0x20, s26, s2, $0xb8;
	[tilespmem:$0x16400] =	vst v63  }
.Ltmp5:
0x299: {  	s30 =	simm.s32 $0x9400;
	s31 =	simm.s32 $0x2;
	(pc) =	sbr.rel @p0 .LBB2_8-.Ltmp5, $4  }
0x29a: {  	[tilespmem:s30], [sflag:$0x1] =	stream.indirect.gather [hbm4b:s1+s2], $0x20, s29, s2, $0xb8;
	[tilespmem:$0x16400] =	vst v63  }
0x29b: {  	_ =	swait.ge [sflag:s31], $0x4000  }
0x29c: {  	[sflag:s31] =	ssyncset.done $0x0  }
0x29d: {  	[sflag:s31] =	ssyncadd.s32 $0xFFFFC000  }
.LBB2_7:
0x29e: {  	s0 =	simm.s32 $0x4  }
0x29f: {  	_ =	swait.ge [sflag:s0], $0x1000  }
0x2a0: {  	[sflag:s0] =	ssyncset.done $0x0  }
0x2a1: {  	[sflag:s0] =	ssyncadd.s32 $0xFFFFF000  }
0x2a2: {  	_ =	swait.ge [sflag:s0], $0x1000  }
0x2a3: {  	[sflag:s0] =	ssyncset.done $0x0  }
0x2a4: {  	[sflag:s0] =	ssyncadd.s32 $0xFFFFF000  }
0x2a5: {  	_ =	swait.ge [sflag:s0], $0x1000  }
0x2a6: {  	[sflag:s0] =	ssyncset.done $0x0  }
0x2a7: {  	[sflag:s0] =	ssyncadd.s32 $0xFFFFF000  }
0x2a8: {  	_ =	swait.ge [sflag:s0], $0x1000  }
0x2a9: {  	[sflag:s0] =	ssyncset.done $0x0  }
0x2aa: {  	[sflag:s0] =	ssyncadd.s32 $0xFFFFF000  }
.LBB2_8:
0x2ab: {  	s0 =	simm.s32 $0x3  }
0x2ac: {  	s1 =	simm.s32 $0x1;
	v32 =	vmov s0  }
0x2ad: {  	v33 =	vmov s1;
	v32 =	vand.u32 $0x1F, v32  }
0x2ae: {  	s2 =	simm.s32 $0x2;
	v33 =	vand.u32 $0x1D, v33;
	v41 =	vbroadcast v32, $0x0  }
0x2af: {  	s1 =	simm.s32 $0x0;
	v48 =	vmov s2;
	v37 =	vbroadcast v33, $0x0  }
0x2b0: {  	v49 =	vmov s1;
	v32 =	vand.u32 $0x1E, v48;
	v34 =	vor.u32 v0, v41  }
0x2b1: {  	v50 =	vand.u32 $0x1C, v49;
	v38 =	vbroadcast v32, $0x0;
	v51 =	vor.u32 v0, v37  }
0x2b2: {  	v39 =	vbroadcast v50, $0x0  }
0x2b3: {  	v52 =	vor.u32 v0, v38  }
0x2b4: {  	v35 =	vor.u32 v0, v39  }
0x2b5: {  	v34 =	vld.idx.msk [tilespmem:v34+s25+$0x0], $0xffff  }
0x2b6: {  	v36 =	vor.u32 v1, v41;
	v33 =	vld.idx.msk [tilespmem:v51+s25+$0x0], $0xffff  }
0x2b7: {  	s0 =	simm.s32 $0x180;
	s3 =	sand.u32 $0x3000, s1;
	v40 =	vor.u32 v1, v37  }
0x2b8: {  	s6 =	simm.s32 $0x80;
	s5 =	sand.u32 $0x380, s0;
	s3 =	sadd.s32 $0xE400, s3;
	v32 =	vld.idx.msk [tilespmem:v52+s25+$0x0], $0xffff  }
0x2b9: {  	s8 =	sand.u32 $0x280, s6;
	s9 =	sor.u32 s5, s3;
	v42 =	vor.u32 v1, v38;
	v35 =	vld.idx.msk [tilespmem:v35+s25+$0x0], $0xffff  }
0x2ba: {  	s7 =	simm.s32 $0x100;
	s10 =	sor.u32 s8, s3;
	v43 =	vor.u32 v1, v39;
	[tilespmem:s9+$0x4000] =	vst v34  }
0x2bb: {  	s11 =	sand.u32 $0x300, s7;
	s5 =	simm.s32 $0x0;
	[tilespmem:s10+$0x4000] =	vst v33;
	v34 =	vld.idx.msk [tilespmem:v36+s25+$0x0], $0xffff  }
0x2bc: {  	s18 =	sor.u32 s11, s3;
	s12 =	sand.u32 $0x200, s5;
	v53 =	vor.u32 v2, v41;
	v54 =	vld.idx.msk [tilespmem:v40+s25+$0x0], $0xffff  }
0x2bd: {  	v55 =	vor.u32 v2, v37;
	s3 =	sor.u32 s12, s3;
	[tilespmem:s18+$0x4000] =	vst v32  }
0x2be: {  	[tilespmem:s3+$0x4000] =	vst v35;
	v32 =	vld.idx.msk [tilespmem:v42+s25+$0x0], $0xffff  }
0x2bf: {  	v57 =	vor.u32 v2, v38;
	v56 =	vld.idx.msk [tilespmem:v43+s25+$0x0], $0xffff  }
0x2c0: {  	v58 =	vor.u32 v2, v39;
	[tilespmem:s9+$0x4010] =	vst v34  }
0x2c1: {  	[tilespmem:s10+$0x4010] =	vst v54;
	v33 =	vld.idx.msk [tilespmem:v53+s25+$0x0], $0xffff  }
0x2c2: {  	v59 =	vor.u32 v3, v41;
	v35 =	vld.idx.msk [tilespmem:v55+s25+$0x0], $0xffff  }
0x2c3: {  	v60 =	vor.u32 v3, v37;
	[tilespmem:s18+$0x4010] =	vst v32  }
0x2c4: {  	[tilespmem:s3+$0x4010] =	vst v56;
	v32 =	vld.idx.msk [tilespmem:v57+s25+$0x0], $0xffff  }
0x2c5: {  	v61 =	vor.u32 v3, v38;
	v40 =	vld.idx.msk [tilespmem:v58+s25+$0x0], $0xffff  }
0x2c6: {  	v62 =	vor.u32 v3, v39;
	[tilespmem:s9+$0x4020] =	vst v33  }
0x2c7: {  	[tilespmem:s10+$0x4020] =	vst v35;
	v33 =	vld.idx.msk [tilespmem:v59+s25+$0x0], $0xffff  }
0x2c8: {  	v63 =	vor.u32 v4, v41;
	v35 =	vld.idx.msk [tilespmem:v60+s25+$0x0], $0xffff  }
0x2c9: {  	v45 =	vor.u32 v4, v37;
	[tilespmem:s18+$0x4020] =	vst v32  }
0x2ca: {  	[tilespmem:s3+$0x4020] =	vst v40;
	v32 =	vld.idx.msk [tilespmem:v61+s25+$0x0], $0xffff  }
0x2cb: {  	v46 =	vor.u32 v4, v38;
	v40 =	vld.idx.msk [tilespmem:v62+s25+$0x0], $0xffff  }
0x2cc: {  	v47 =	vor.u32 v4, v39;
	[tilespmem:s9+$0x4030] =	vst v33  }
0x2cd: {  	[tilespmem:s10+$0x4030] =	vst v35;
	v33 =	vld.idx.msk [tilespmem:v63+s25+$0x0], $0xffff  }
0x2ce: {  	v48 =	vor.u32 v5, v41;
	v35 =	vld.idx.msk [tilespmem:v45+s25+$0x0], $0xffff  }
0x2cf: {  	v49 =	vor.u32 v5, v37;
	[tilespmem:s18+$0x4030] =	vst v32  }
0x2d0: {  	[tilespmem:s3+$0x4030] =	vst v40;
	v32 =	vld.idx.msk [tilespmem:v46+s25+$0x0], $0xffff  }
0x2d1: {  	v50 =	vor.u32 v5, v38;
	v40 =	vld.idx.msk [tilespmem:v47+s25+$0x0], $0xffff  }
0x2d2: {  	v51 =	vor.u32 v5, v39;
	[tilespmem:s9+$0x4040] =	vst v33  }
0x2d3: {  	[tilespmem:s10+$0x4040] =	vst v35;
	v33 =	vld.idx.msk [tilespmem:v48+s25+$0x0], $0xffff  }
0x2d4: {  	v52 =	vor.u32 v6, v41;
	v35 =	vld.idx.msk [tilespmem:v49+s25+$0x0], $0xffff  }
0x2d5: {  	v53 =	vor.u32 v6, v37;
	[tilespmem:s18+$0x4040] =	vst v32  }
0x2d6: {  	[tilespmem:s3+$0x4040] =	vst v40;
	v32 =	vld.idx.msk [tilespmem:v50+s25+$0x0], $0xffff  }
0x2d7: {  	v54 =	vor.u32 v6, v38;
	v40 =	vld.idx.msk [tilespmem:v51+s25+$0x0], $0xffff  }
0x2d8: {  	v55 =	vor.u32 v6, v39;
	[tilespmem:s9+$0x4050] =	vst v33  }
0x2d9: {  	[tilespmem:s10+$0x4050] =	vst v35;
	v33 =	vld.idx.msk [tilespmem:v52+s25+$0x0], $0xffff  }
0x2da: {  	v56 =	vor.u32 v7, v41;
	v35 =	vld.idx.msk [tilespmem:v53+s25+$0x0], $0xffff  }
0x2db: {  	v57 =	vor.u32 v7, v37;
	[tilespmem:s18+$0x4050] =	vst v32  }
0x2dc: {  	[tilespmem:s3+$0x4050] =	vst v40;
	v32 =	vld.idx.msk [tilespmem:v54+s25+$0x0], $0xffff  }
0x2dd: {  	v58 =	vor.u32 v7, v38;
	v40 =	vld.idx.msk [tilespmem:v55+s25+$0x0], $0xffff  }
0x2de: {  	v59 =	vor.u32 v7, v39;
	[tilespmem:s9+$0x4060] =	vst v33  }
0x2df: {  	[tilespmem:s10+$0x4060] =	vst v35;
	v33 =	vld.idx.msk [tilespmem:v56+s25+$0x0], $0xffff  }
0x2e0: {  	v60 =	vor.u32 v8, v41;
	v35 =	vld.idx.msk [tilespmem:v57+s25+$0x0], $0xffff  }
0x2e1: {  	v61 =	vor.u32 v8, v37;
	[tilespmem:s18+$0x4060] =	vst v32  }
0x2e2: {  	[tilespmem:s3+$0x4060] =	vst v40;
	v32 =	vld.idx.msk [tilespmem:v58+s25+$0x0], $0xffff  }
0x2e3: {  	v62 =	vor.u32 v8, v38;
	v40 =	vld.idx.msk [tilespmem:v59+s25+$0x0], $0xffff  }
0x2e4: {  	v63 =	vor.u32 v8, v39;
	[tilespmem:s9+$0x4070] =	vst v33  }
0x2e5: {  	[tilespmem:s10+$0x4070] =	vst v35;
	v33 =	vld.idx.msk [tilespmem:v60+s25+$0x0], $0xffff  }
0x2e6: {  	v45 =	vor.u32 v9, v41;
	v35 =	vld.idx.msk [tilespmem:v61+s25+$0x0], $0xffff  }
0x2e7: {  	v46 =	vor.u32 v9, v37;
	[tilespmem:s18+$0x4070] =	vst v32  }
0x2e8: {  	[tilespmem:s3+$0x4070] =	vst v40;
	v32 =	vld.idx.msk [tilespmem:v62+s25+$0x0], $0xffff  }
0x2e9: {  	v47 =	vor.u32 v9, v38;
	v40 =	vld.idx.msk [tilespmem:v63+s25+$0x0], $0xffff  }
0x2ea: {  	v48 =	vor.u32 v9, v39;
	[tilespmem:s9+$0x4400] =	vst v33  }
0x2eb: {  	[tilespmem:s10+$0x4400] =	vst v35;
	v33 =	vld.idx.msk [tilespmem:v45+s25+$0x0], $0xffff  }
0x2ec: {  	v49 =	vor.u32 v10, v41;
	v35 =	vld.idx.msk [tilespmem:v46+s25+$0x0], $0xffff  }
0x2ed: {  	v50 =	vor.u32 v10, v37;
	[tilespmem:s18+$0x4400] =	vst v32  }
0x2ee: {  	[tilespmem:s3+$0x4400] =	vst v40;
	v32 =	vld.idx.msk [tilespmem:v47+s25+$0x0], $0xffff  }
0x2ef: {  	v51 =	vor.u32 v10, v38;
	v40 =	vld.idx.msk [tilespmem:v48+s25+$0x0], $0xffff  }
0x2f0: {  	v52 =	vor.u32 v10, v39;
	[tilespmem:s9+$0x4410] =	vst v33  }
0x2f1: {  	[tilespmem:s10+$0x4410] =	vst v35;
	v33 =	vld.idx.msk [tilespmem:v49+s25+$0x0], $0xffff  }
0x2f2: {  	v53 =	vor.u32 v11, v41;
	v35 =	vld.idx.msk [tilespmem:v50+s25+$0x0], $0xffff  }
0x2f3: {  	v54 =	vor.u32 v11, v37;
	[tilespmem:s18+$0x4410] =	vst v32  }
0x2f4: {  	[tilespmem:s3+$0x4410] =	vst v40;
	v32 =	vld.idx.msk [tilespmem:v51+s25+$0x0], $0xffff  }
0x2f5: {  	v55 =	vor.u32 v11, v38;
	v40 =	vld.idx.msk [tilespmem:v52+s25+$0x0], $0xffff  }
0x2f6: {  	v56 =	vor.u32 v11, v39;
	[tilespmem:s9+$0x4420] =	vst v33  }
0x2f7: {  	[tilespmem:s10+$0x4420] =	vst v35;
	v33 =	vld.idx.msk [tilespmem:v53+s25+$0x0], $0xffff  }
0x2f8: {  	v57 =	vor.u32 v12, v41;
	v35 =	vld.idx.msk [tilespmem:v54+s25+$0x0], $0xffff  }
0x2f9: {  	v58 =	vor.u32 v12, v37;
	[tilespmem:s18+$0x4420] =	vst v32  }
0x2fa: {  	[tilespmem:s3+$0x4420] =	vst v40;
	v32 =	vld.idx.msk [tilespmem:v55+s25+$0x0], $0xffff  }
0x2fb: {  	v59 =	vor.u32 v12, v38;
	v40 =	vld.idx.msk [tilespmem:v56+s25+$0x0], $0xffff  }
0x2fc: {  	v60 =	vor.u32 v12, v39;
	[tilespmem:s9+$0x4430] =	vst v33  }
0x2fd: {  	[tilespmem:s10+$0x4430] =	vst v35;
	v33 =	vld.idx.msk [tilespmem:v57+s25+$0x0], $0xffff  }
0x2fe: {  	v61 =	vor.u32 v13, v41;
	v35 =	vld.idx.msk [tilespmem:v58+s25+$0x0], $0xffff  }
0x2ff: {  	v62 =	vor.u32 v13, v37;
	[tilespmem:s18+$0x4430] =	vst v32  }
0x300: {  	[tilespmem:s3+$0x4430] =	vst v40;
	v32 =	vld.idx.msk [tilespmem:v59+s25+$0x0], $0xffff  }
0x301: {  	v63 =	vor.u32 v13, v38;
	v40 =	vld.idx.msk [tilespmem:v60+s25+$0x0], $0xffff  }
0x302: {  	v45 =	vor.u32 v13, v39;
	[tilespmem:s9+$0x4440] =	vst v33  }
0x303: {  	[tilespmem:s10+$0x4440] =	vst v35;
	v33 =	vld.idx.msk [tilespmem:v61+s25+$0x0], $0xffff  }
0x304: {  	v46 =	vor.u32 v14, v41;
	v35 =	vld.idx.msk [tilespmem:v62+s25+$0x0], $0xffff  }
0x305: {  	v47 =	vor.u32 v14, v37;
	[tilespmem:s18+$0x4440] =	vst v32  }
0x306: {  	[tilespmem:s3+$0x4440] =	vst v40;
	v32 =	vld.idx.msk [tilespmem:v63+s25+$0x0], $0xffff  }
0x307: {  	v48 =	vor.u32 v14, v38;
	v40 =	vld.idx.msk [tilespmem:v45+s25+$0x0], $0xffff  }
0x308: {  	v49 =	vor.u32 v14, v39;
	[tilespmem:s9+$0x4450] =	vst v33  }
0x309: {  	[tilespmem:s10+$0x4450] =	vst v35;
	v33 =	vld.idx.msk [tilespmem:v46+s25+$0x0], $0xffff  }
0x30a: {  	v50 =	vor.u32 v15, v41;
	v35 =	vld.idx.msk [tilespmem:v47+s25+$0x0], $0xffff  }
0x30b: {  	v51 =	vor.u32 v15, v37;
	[tilespmem:s18+$0x4450] =	vst v32  }
0x30c: {  	[tilespmem:s3+$0x4450] =	vst v40;
	v32 =	vld.idx.msk [tilespmem:v48+s25+$0x0], $0xffff  }
0x30d: {  	v52 =	vor.u32 v15, v38;
	v40 =	vld.idx.msk [tilespmem:v49+s25+$0x0], $0xffff  }
0x30e: {  	v53 =	vor.u32 v15, v39;
	[tilespmem:s9+$0x4460] =	vst v33  }
0x30f: {  	[tilespmem:s10+$0x4460] =	vst v35;
	v33 =	vld.idx.msk [tilespmem:v50+s25+$0x0], $0xffff  }
0x310: {  	s21 =	simm.s32 $0x5;
	v54 =	vor.u32 v16, v41;
	v36 =	vld.idx.msk [tilespmem:v51+s25+$0x0], $0xffff  }
0x311: {  	v55 =	vor.u32 v16, v37;
	v56 =	vmov s21;
	[tilespmem:s18+$0x4460] =	vst v32  }
0x312: {  	v35 =	vand.u32 $0x1D, v56;
	[tilespmem:s3+$0x4460] =	vst v40;
	v32 =	vld.idx.msk [tilespmem:v52+s25+$0x0], $0xffff  }
0x313: {  	s12 =	simm.s32 $0x7;
	v58 =	vor.u32 v16, v38;
	v35 =	vbroadcast v35, $0x0;
	v57 =	vld.idx.msk [tilespmem:v53+s25+$0x0], $0xffff  }
0x314: {  	v44 =	vor.u32 v16, v39;
	v52 =	vmov s12;
	[tilespmem:s9+$0x4470] =	vst v33  }
0x315: {  	s23 =	sand.u32 $0x7, s1;
	v45 =	vor.u32 v0, v35;
	v53 =	vand.u32 $0x1F, v52;
	[tilespmem:s10+$0x4470] =	vst v36;
	v33 =	vld.idx.msk [tilespmem:v54+s25+$0x0], $0xffff  }
0x316: {  	s26 =	simm.s32 $0x6;
	v59 =	vor.u32 v17, v41;
	s9 =	sshll.u32 s23, $0x7;
	v36 =	vbroadcast v53, $0x0;
	v40 =	vld.idx.msk [tilespmem:v55+s25+$0x0], $0xffff  }
0x317: {  	p0 =	por $0x0, $0x0;
	v60 =	vmov s26;
	v63 =	vor.u32 v17, v37;
	[tilespmem:s18+$0x4470] =	vst v32;
	s31 =	sadd.s32 $0x0, s9  }
0x318: {  	s4 =	sand.u32 $0x3, s1;
	s11 =	simm.s32 $0x1;
	v61 =	vand.u32 $0x1E, v60;
	[tilespmem:s3+$0x4470] =	vst v57;
	v62 =	vld.idx.msk [tilespmem:v58+s25+$0x0], $0xffff;
	s10 =	sadd.s32 $0x180, s31;
	v56 =	vor.u32 v0, v36  }
0x319: {  	v46 =	vor.u32 v17, v38;
	s9 =	sshll.u32 s4, $0x8;
	v32 =	vbroadcast v61, $0x0;
	v44 =	vld.idx.msk [tilespmem:v44+s25+$0x0], $0xffff;
	s8 =	sadd.s32 $0x80, s31;
	s17 =	sor.u32 $0x4800, s10  }
0x31a: {  	s11 =	simm.s32 @!p0 $0x0;
	v47 =	vor.u32 v17, v39;
	s13 =	sadd.s32 $0x0, s9;
	v45 =	vld.idx.msk [tilespmem:v45+s25+$0x0], $0xffff;
	s16 =	sor.u32 $0x4800, s8;
	[tilespmem:s17+$0xE400] =	vst v33  }
0x31b: {  	s28 =	simm.s32 $0x4;
	s14 =	sshll.u32 s11, $0x9;
	s3 =	sadd.s32 $0x100, s13;
	v48 =	vor.u32 v0, v32;
	[tilespmem:s16+$0xE400] =	vst v40;
	v34 =	vld.idx.msk [tilespmem:v59+s25+$0x0], $0xffff  }
0x31c: {  	s30 =	simm.s32 $0x800;
	s15 =	sadd.s32 $0x0, s14;
	v53 =	vor.u32 v1, v35;
	s3 =	sor.u32 $0x4800, s3;
	v43 =	vld.idx.msk [tilespmem:v63+s25+$0x0], $0xffff  }
0x31d: {  	s21 =	sand.u32 $0x3000, s30;
	v54 =	vor.u32 v18, v41;
	s4 =	simm.s32 $0x280;
	s8 =	sor.u32 $0x4800, s15;
	[tilespmem:s3+$0xE400] =	vst v62;
	v42 =	vld.idx.msk [tilespmem:v56+s25+$0x0], $0xffff  }
0x31e: {  	s26 =	sadd.s32 $0xE400, s21;
	v55 =	vmov s28;
	s18 =	simm.s32 $0x9;
	v58 =	vor.u32 v18, v37;
	s13 =	sand.u32 $0x280, s4;
	[tilespmem:s8+$0xE400] =	vst v44;
	v57 =	vld.idx.msk [tilespmem:v46+s25+$0x0], $0xffff  }
0x31f: {  	v49 =	vmov s18;
	s13 =	sor.u32 s13, s26;
	v33 =	vand.u32 $0x1C, v55;
	v63 =	vor.u32 v1, v36;
	v47 =	vld.idx.msk [tilespmem:v47+s25+$0x0], $0xffff  }
0x320: {  	v50 =	vor.u32 v18, v38;
	s23 =	simm.s32 $0x380;
	v33 =	vbroadcast v33, $0x0;
	v59 =	vand.u32 $0x1D, v49;
	[tilespmem:s13+$0x4000] =	vst v45;
	v48 =	vld.idx.msk [tilespmem:v48+s25+$0x0], $0xffff  }
0x321: {  	v60 =	vor.u32 v18, v39;
	s31 =	sand.u32 $0x380, s23;
	[tilespmem:s17+$0xE410] =	vst v34;
	v34 =	vbroadcast v59, $0x0;
	v59 =	vld.idx.msk [tilespmem:v53+s25+$0x0], $0xffff  }
0x322: {  	s14 =	sor.u32 s31, s26;
	v51 =	vor.u32 v0, v33;
	[tilespmem:s16+$0xE410] =	vst v43;
	v40 =	vld.idx.msk [tilespmem:v54+s25+$0x0], $0xffff  }
0x323: {  	v61 =	vor.u32 v19, v41;
	[tilespmem:s14+$0x4000] =	vst v42;
	v46 =	vld.idx.msk [tilespmem:v58+s25+$0x0], $0xffff  }
0x324: {  	[tilespmem:s3+$0xE410] =	vst v57;
	v42 =	vld.idx.msk [tilespmem:v63+s25+$0x0], $0xffff;
	v62 =	vor.u32 v0, v34  }
0x325: {  	v52 =	vor.u32 v19, v37;
	s9 =	simm.s32 $0x300;
	[tilespmem:s8+$0xE410] =	vst v47;
	v50 =	vld.idx.msk [tilespmem:v50+s25+$0x0], $0xffff  }
0x326: {  	s18 =	sand.u32 $0x300, s9;
	v54 =	vor.u32 v1, v32;
	v49 =	vld.idx.msk [tilespmem:v60+s25+$0x0], $0xffff  }
0x327: {  	s12 =	sor.u32 s18, s26;
	v51 =	vld.idx.msk [tilespmem:v51+s25+$0x0], $0xffff;
	v60 =	vor.u32 v2, v36;
	[tilespmem:s17+$0xE420] =	vst v40  }
0x328: {  	v56 =	vor.u32 v1, v33;
	[tilespmem:s12+$0x4000] =	vst v48;
	v43 =	vld.idx.msk [tilespmem:v61+s25+$0x0], $0xffff  }
0x329: {  	s15 =	simm.s32 $0x200;
	v63 =	vor.u32 v2, v35;
	[tilespmem:s16+$0xE420] =	vst v46;
	v40 =	vld.idx.msk [tilespmem:v62+s25+$0x0], $0xffff  }
0x32a: {  	s21 =	sand.u32 $0x200, s15;
	v58 =	vor.u32 v19, v38;
	[tilespmem:s13+$0x4010] =	vst v59;
	v45 =	vld.idx.msk [tilespmem:v52+s25+$0x0], $0xffff  }
0x32b: {  	s11 =	sor.u32 s21, s26;
	[tilespmem:s14+$0x4010] =	vst v42;
	v61 =	vld.idx.msk [tilespmem:v54+s25+$0x0], $0xffff;
	v62 =	vor.u32 v19, v39  }
0x32c: {  	v57 =	vor.u32 v20, v41;
	[tilespmem:s11+$0x4000] =	vst v51;
	v47 =	vld.idx.msk [tilespmem:v60+s25+$0x0], $0xffff  }
0x32d: {  	[tilespmem:s3+$0xE420] =	vst v50;
	v44 =	vld.idx.msk [tilespmem:v56+s25+$0x0], $0xffff;
	v56 =	vor.u32 v2, v32  }
0x32e: {  	v59 =	vor.u32 v20, v37;
	[tilespmem:s8+$0xE420] =	vst v49;
	v60 =	vld.idx.msk [tilespmem:v63+s25+$0x0], $0xffff  }
0x32f: {  	v63 =	vor.u32 v3, v35;
	v42 =	vld.idx.msk [tilespmem:v58+s25+$0x0], $0xffff;
	[tilespmem:s17+$0xE430] =	vst v43  }
0x330: {  	v49 =	vld.idx.msk [tilespmem:v62+s25+$0x0], $0xffff;
	[tilespmem:s12+$0x4010] =	vst v61;
	v61 =	vor.u32 v3, v36  }
0x331: {  	v62 =	vor.u32 v20, v38;
	[tilespmem:s16+$0xE430] =	vst v45;
	v46 =	vld.idx.msk [tilespmem:v57+s25+$0x0], $0xffff  }
0x332: {  	[tilespmem:s14+$0x4020] =	vst v47;
	v57 =	vor.u32 v2, v33;
	v43 =	vld.idx.msk [tilespmem:v56+s25+$0x0], $0xffff  }
0x333: {  	v58 =	vor.u32 v21, v41;
	[tilespmem:s13+$0x4020] =	vst v60;
	v47 =	vld.idx.msk [tilespmem:v59+s25+$0x0], $0xffff  }
0x334: {  	[tilespmem:s11+$0x4010] =	vst v44;
	v56 =	vor.u32 v3, v32;
	v53 =	vld.idx.msk [tilespmem:v63+s25+$0x0], $0xffff  }
0x335: {  	[tilespmem:s3+$0xE430] =	vst v42;
	v63 =	vor.u32 v4, v35;
	v51 =	vld.idx.msk [tilespmem:v61+s25+$0x0], $0xffff  }
0x336: {  	v60 =	vor.u32 v20, v39;
	v44 =	vld.idx.msk [tilespmem:v62+s25+$0x0], $0xffff;
	[tilespmem:s8+$0xE430] =	vst v49  }
0x337: {  	v61 =	vor.u32 v4, v36;
	v50 =	vld.idx.msk [tilespmem:v57+s25+$0x0], $0xffff;
	[tilespmem:s17+$0xE440] =	vst v46  }
0x338: {  	v62 =	vor.u32 v21, v37;
	[tilespmem:s12+$0x4020] =	vst v43;
	v57 =	vld.idx.msk [tilespmem:v58+s25+$0x0], $0xffff  }
0x339: {  	[tilespmem:s13+$0x4030] =	vst v53;
	v58 =	vor.u32 v3, v33;
	v46 =	vld.idx.msk [tilespmem:v56+s25+$0x0], $0xffff  }
0x33a: {  	v59 =	vor.u32 v22, v41;
	[tilespmem:s16+$0xE440] =	vst v47;
	v53 =	vld.idx.msk [tilespmem:v63+s25+$0x0], $0xffff  }
0x33b: {  	v63 =	vor.u32 v5, v35;
	[tilespmem:s14+$0x4030] =	vst v51;
	v51 =	vld.idx.msk [tilespmem:v60+s25+$0x0], $0xffff  }
0x33c: {  	v60 =	vor.u32 v21, v38;
	[tilespmem:s11+$0x4020] =	vst v50;
	v43 =	vld.idx.msk [tilespmem:v61+s25+$0x0], $0xffff  }
0x33d: {  	v50 =	vld.idx.msk [tilespmem:v62+s25+$0x0], $0xffff;
	[tilespmem:s17+$0xE450] =	vst v57;
	v57 =	vor.u32 v4, v32  }
0x33e: {  	[tilespmem:s3+$0xE440] =	vst v44;
	v61 =	vor.u32 v5, v36;
	v48 =	vld.idx.msk [tilespmem:v58+s25+$0x0], $0xffff  }
0x33f: {  	v62 =	vor.u32 v21, v39;
	[tilespmem:s13+$0x4040] =	vst v53;
	v42 =	vld.idx.msk [tilespmem:v59+s25+$0x0], $0xffff  }
0x340: {  	v58 =	vor.u32 v4, v33;
	[tilespmem:s12+$0x4030] =	vst v46;
	v53 =	vld.idx.msk [tilespmem:v63+s25+$0x0], $0xffff  }
0x341: {  	v59 =	vor.u32 v23, v41;
	[tilespmem:s14+$0x4040] =	vst v43;
	v43 =	vld.idx.msk [tilespmem:v60+s25+$0x0], $0xffff  }
0x342: {  	v63 =	vor.u32 v6, v35;
	[tilespmem:s8+$0xE440] =	vst v51;
	v45 =	vld.idx.msk [tilespmem:v57+s25+$0x0], $0xffff  }
0x343: {  	v60 =	vor.u32 v22, v37;
	[tilespmem:s16+$0xE450] =	vst v50;
	v46 =	vld.idx.msk [tilespmem:v61+s25+$0x0], $0xffff  }
0x344: {  	v56 =	vor.u32 v5, v32;
	[tilespmem:s11+$0x4030] =	vst v48;
	v48 =	vld.idx.msk [tilespmem:v62+s25+$0x0], $0xffff  }
0x345: {  	v61 =	vor.u32 v6, v36;
	v49 =	vld.idx.msk [tilespmem:v58+s25+$0x0], $0xffff;
	[tilespmem:s17+$0xE460] =	vst v42  }
0x346: {  	v62 =	vor.u32 v22, v38;
	[tilespmem:s13+$0x4050] =	vst v53;
	v57 =	vld.idx.msk [tilespmem:v59+s25+$0x0], $0xffff  }
0x347: {  	v58 =	vor.u32 v5, v33;
	v53 =	vld.idx.msk [tilespmem:v63+s25+$0x0], $0xffff;
	[tilespmem:s12+$0x4040] =	vst v45  }
0x348: {  	v59 =	vor.u32 v24, v41;
	[tilespmem:s14+$0x4050] =	vst v46;
	v46 =	vld.idx.msk [tilespmem:v60+s25+$0x0], $0xffff  }
0x349: {  	v63 =	vor.u32 v7, v35;
	[tilespmem:s3+$0xE450] =	vst v43;
	v42 =	vld.idx.msk [tilespmem:v56+s25+$0x0], $0xffff  }
0x34a: {  	v60 =	vor.u32 v22, v39;
	[tilespmem:s8+$0xE450] =	vst v48;
	v45 =	vld.idx.msk [tilespmem:v61+s25+$0x0], $0xffff  }
0x34b: {  	[tilespmem:s11+$0x4040] =	vst v49;
	v56 =	vor.u32 v6, v32;
	v49 =	vld.idx.msk [tilespmem:v62+s25+$0x0], $0xffff  }
0x34c: {  	v61 =	vor.u32 v7, v36;
	v47 =	vld.idx.msk [tilespmem:v58+s25+$0x0], $0xffff;
	[tilespmem:s17+$0xE470] =	vst v57  }
0x34d: {  	v62 =	vor.u32 v23, v37;
	[tilespmem:s13+$0x4060] =	vst v53;
	v57 =	vld.idx.msk [tilespmem:v59+s25+$0x0], $0xffff  }
0x34e: {  	v58 =	vor.u32 v6, v33;
	v53 =	vld.idx.msk [tilespmem:v63+s25+$0x0], $0xffff;
	[tilespmem:s12+$0x4050] =	vst v42  }
0x34f: {  	v59 =	vor.u32 v25, v41;
	[tilespmem:s14+$0x4060] =	vst v45;
	v45 =	vld.idx.msk [tilespmem:v60+s25+$0x0], $0xffff  }
0x350: {  	s0 =	sor.u32 s0, s1;
	v63 =	vor.u32 v8, v35;
	[tilespmem:s16+$0xE460] =	vst v46;
	v44 =	vld.idx.msk [tilespmem:v56+s25+$0x0], $0xffff  }
0x351: {  	s0 =	sor.u32 $0x4C00, s0;
	v60 =	vor.u32 v23, v38;
	[tilespmem:s11+$0x4050] =	vst v47;
	v42 =	vld.idx.msk [tilespmem:v61+s25+$0x0], $0xffff  }
0x352: {  	v47 =	vld.idx.msk [tilespmem:v62+s25+$0x0], $0xffff;
	[tilespmem:s0+$0xE400] =	vst v57;
	v57 =	vor.u32 v7, v32  }
0x353: {  	[tilespmem:s3+$0xE460] =	vst v49;
	v61 =	vor.u32 v8, v36;
	v51 =	vld.idx.msk [tilespmem:v58+s25+$0x0], $0xffff  }
0x354: {  	v62 =	vor.u32 v23, v39;
	[tilespmem:s13+$0x4070] =	vst v53;
	v43 =	vld.idx.msk [tilespmem:v59+s25+$0x0], $0xffff  }
0x355: {  	v58 =	vor.u32 v7, v33;
	v53 =	vld.idx.msk [tilespmem:v63+s25+$0x0], $0xffff;
	[tilespmem:s12+$0x4060] =	vst v44  }
0x356: {  	v59 =	vor.u32 v26, v41;
	[tilespmem:s14+$0x4070] =	vst v42;
	v42 =	vld.idx.msk [tilespmem:v60+s25+$0x0], $0xffff  }
0x357: {  	v63 =	vor.u32 v9, v35;
	[tilespmem:s8+$0xE460] =	vst v45;
	v50 =	vld.idx.msk [tilespmem:v57+s25+$0x0], $0xffff  }
0x358: {  	v60 =	vor.u32 v24, v37;
	[tilespmem:s16+$0xE470] =	vst v47;
	v44 =	vld.idx.msk [tilespmem:v61+s25+$0x0], $0xffff  }
0x359: {  	[tilespmem:s11+$0x4060] =	vst v51;
	v57 =	vor.u32 v8, v32;
	v51 =	vld.idx.msk [tilespmem:v62+s25+$0x0], $0xffff  }
0x35a: {  	v61 =	vor.u32 v9, v36;
	v48 =	vld.idx.msk [tilespmem:v58+s25+$0x0], $0xffff;
	[tilespmem:s0+$0xE410] =	vst v43  }
0x35b: {  	v62 =	vor.u32 v24, v38;
	[tilespmem:s13+$0x4400] =	vst v53;
	v46 =	vld.idx.msk [tilespmem:v59+s25+$0x0], $0xffff  }
0x35c: {  	v58 =	vor.u32 v8, v33;
	v53 =	vld.idx.msk [tilespmem:v63+s25+$0x0], $0xffff;
	[tilespmem:s12+$0x4070] =	vst v50  }
0x35d: {  	v59 =	vor.u32 v27, v41;
	[tilespmem:s14+$0x4400] =	vst v44;
	v44 =	vld.idx.msk [tilespmem:v60+s25+$0x0], $0xffff  }
0x35e: {  	v63 =	vor.u32 v10, v35;
	[tilespmem:s3+$0xE470] =	vst v42;
	v43 =	vld.idx.msk [tilespmem:v57+s25+$0x0], $0xffff  }
0x35f: {  	v60 =	vor.u32 v24, v39;
	[tilespmem:s8+$0xE470] =	vst v51;
	v50 =	vld.idx.msk [tilespmem:v61+s25+$0x0], $0xffff  }
0x360: {  	[tilespmem:s11+$0x4070] =	vst v48;
	v57 =	vor.u32 v9, v32;
	v48 =	vld.idx.msk [tilespmem:v62+s25+$0x0], $0xffff  }
0x361: {  	v61 =	vor.u32 v10, v36;
	v49 =	vld.idx.msk [tilespmem:v58+s25+$0x0], $0xffff;
	[tilespmem:s0+$0xE420] =	vst v46  }
0x362: {  	v58 =	vor.u32 v9, v33;
	[tilespmem:s13+$0x4410] =	vst v53;
	v45 =	vld.idx.msk [tilespmem:v59+s25+$0x0], $0xffff  }
0x363: {  	v62 =	vor.u32 v25, v37;
	v53 =	vld.idx.msk [tilespmem:v63+s25+$0x0], $0xffff;
	[tilespmem:s12+$0x4400] =	vst v43  }
0x364: {  	v59 =	vor.u32 v28, v41;
	[tilespmem:s14+$0x4410] =	vst v50;
	v50 =	vld.idx.msk [tilespmem:v60+s25+$0x0], $0xffff  }
0x365: {  	s17 =	sor.u32 s6, s1;
	v63 =	vor.u32 v11, v35;
	v46 =	vld.idx.msk [tilespmem:v57+s25+$0x0], $0xffff  }
0x366: {  	s6 =	sor.u32 $0x4C00, s17;
	[tilespmem:s11+$0x4400] =	vst v49;
	v57 =	vor.u32 v10, v32;
	v43 =	vld.idx.msk [tilespmem:v61+s25+$0x0], $0xffff  }
0x367: {  	[tilespmem:s6+$0xE400] =	vst v44;
	v61 =	vor.u32 v11, v36;
	v47 =	vld.idx.msk [tilespmem:v58+s25+$0x0], $0xffff  }
0x368: {  	v49 =	vld.idx.msk [tilespmem:v62+s25+$0x0], $0xffff;
	[tilespmem:s0+$0xE430] =	vst v45;
	v58 =	vor.u32 v10, v33  }
0x369: {  	v60 =	vor.u32 v25, v38;
	[tilespmem:s13+$0x4420] =	vst v53;
	v42 =	vld.idx.msk [tilespmem:v59+s25+$0x0], $0xffff  }
0x36a: {  	v62 =	vor.u32 v25, v39;
	v53 =	vld.idx.msk [tilespmem:v63+s25+$0x0], $0xffff;
	[tilespmem:s12+$0x4410] =	vst v46  }
0x36b: {  	s18 =	sor.u32 s7, s1;
	v59 =	vor.u32 v29, v41;
	[tilespmem:s14+$0x4420] =	vst v43;
	v45 =	vld.idx.msk [tilespmem:v57+s25+$0x0], $0xffff  }
0x36c: {  	s7 =	sor.u32 $0x4C00, s18;
	s1 =	sor.u32 s5, s1;
	v63 =	vor.u32 v12, v35;
	[tilespmem:s11+$0x4410] =	vst v47;
	v46 =	vld.idx.msk [tilespmem:v61+s25+$0x0], $0xffff  }
0x36d: {  	s17 =	sor.u32 $0x4C00, s1;
	v56 =	vor.u32 v11, v32;
	[tilespmem:s7+$0xE400] =	vst v48;
	v51 =	vld.idx.msk [tilespmem:v58+s25+$0x0], $0xffff  }
0x36e: {  	[tilespmem:s17+$0xE400] =	vst v50;
	v58 =	vld.idx.msk [tilespmem:v60+s25+$0x0], $0xffff;
	v60 =	vor.u32 v26, v37  }
0x36f: {  	v47 =	vld.idx.msk [tilespmem:v62+s25+$0x0], $0xffff;
	v61 =	vor.u32 v12, v36;
	[tilespmem:s0+$0xE440] =	vst v42  }
0x370: {  	v57 =	vor.u32 v11, v33;
	[tilespmem:s13+$0x4430] =	vst v53;
	v44 =	vld.idx.msk [tilespmem:v59+s25+$0x0], $0xffff  }
0x371: {  	v62 =	vor.u32 v26, v38;
	v53 =	vld.idx.msk [tilespmem:v63+s25+$0x0], $0xffff;
	[tilespmem:s12+$0x4420] =	vst v45  }
0x372: {  	[tilespmem:s6+$0xE410] =	vst v49;
	v59 =	vor.u32 v30, v41;
	v42 =	vld.idx.msk [tilespmem:v56+s25+$0x0], $0xffff  }
0x373: {  	v63 =	vor.u32 v13, v35;
	[tilespmem:s14+$0x4430] =	vst v46;
	v46 =	vld.idx.msk [tilespmem:v60+s25+$0x0], $0xffff  }
0x374: {  	[tilespmem:s11+$0x4420] =	vst v51;
	v56 =	vor.u32 v12, v32;
	v45 =	vld.idx.msk [tilespmem:v61+s25+$0x0], $0xffff  }
0x375: {  	[tilespmem:s7+$0xE410] =	vst v58;
	v60 =	vor.u32 v13, v36;
	v48 =	vld.idx.msk [tilespmem:v57+s25+$0x0], $0xffff  }
0x376: {  	[tilespmem:s0+$0xE450] =	vst v44;
	v51 =	vld.idx.msk [tilespmem:v62+s25+$0x0], $0xffff;
	v62 =	vor.u32 v27, v37  }
0x377: {  	v57 =	vor.u32 v12, v33;
	[tilespmem:s13+$0x4440] =	vst v53;
	v49 =	vld.idx.msk [tilespmem:v59+s25+$0x0], $0xffff  }
0x378: {  	s21 =	simm.s32 $0xA;
	v59 =	vor.u32 v26, v39;
	v53 =	vld.idx.msk [tilespmem:v63+s25+$0x0], $0xffff;
	[tilespmem:s12+$0x4430] =	vst v42  }
0x379: {  	v58 =	vor.u32 v31, v41;
	v61 =	vmov s21;
	[tilespmem:s14+$0x4440] =	vst v45;
	v44 =	vld.idx.msk [tilespmem:v56+s25+$0x0], $0xffff  }
0x37a: {  	v41 =	vand.u32 $0x1E, v61;
	v63 =	vor.u32 v14, v35;
	[tilespmem:s6+$0xE420] =	vst v46;
	v55 =	vld.idx.msk [tilespmem:v60+s25+$0x0], $0xffff  }
0x37b: {  	v41 =	vbroadcast v41, $0x0;
	[tilespmem:s11+$0x4430] =	vst v48;
	v46 =	vld.idx.msk [tilespmem:v62+s25+$0x0], $0xffff;
	v60 =	vor.u32 v27, v38  }
0x37c: {  	[tilespmem:s17+$0xE410] =	vst v47;
	v50 =	vld.idx.msk [tilespmem:v57+s25+$0x0], $0xffff;
	v57 =	vor.u32 v13, v32  }
0x37d: {  	[tilespmem:s0+$0xE460] =	vst v49;
	v45 =	vld.idx.msk [tilespmem:v59+s25+$0x0], $0xffff;
	v59 =	vor.u32 v0, v41  }
0x37e: {  	v61 =	vor.u32 v14, v36;
	[tilespmem:s13+$0x4450] =	vst v53;
	v43 =	vld.idx.msk [tilespmem:v58+s25+$0x0], $0xffff  }
0x37f: {  	[tilespmem:s7+$0xE420] =	vst v51;
	v58 =	vor.u32 v13, v33;
	v53 =	vld.idx.msk [tilespmem:v63+s25+$0x0], $0xffff  }
0x380: {  	v62 =	vor.u32 v27, v39;
	[tilespmem:s12+$0x4440] =	vst v44;
	v48 =	vld.idx.msk [tilespmem:v60+s25+$0x0], $0xffff  }
0x381: {  	v63 =	vor.u32 v15, v35;
	[tilespmem:s14+$0x4450] =	vst v55;
	v49 =	vld.idx.msk [tilespmem:v57+s25+$0x0], $0xffff  }
0x382: {  	[tilespmem:s6+$0xE430] =	vst v46;
	v42 =	vld.idx.msk [tilespmem:v59+s25+$0x0], $0xffff;
	v59 =	vor.u32 v28, v37  }
0x383: {  	[tilespmem:s11+$0x4440] =	vst v50;
	v57 =	vor.u32 v14, v32;
	v44 =	vld.idx.msk [tilespmem:v61+s25+$0x0], $0xffff  }
0x384: {  	[tilespmem:s17+$0xE420] =	vst v45;
	v61 =	vor.u32 v15, v36;
	v47 =	vld.idx.msk [tilespmem:v58+s25+$0x0], $0xffff  }
0x385: {  	v58 =	vor.u32 v14, v33;
	v50 =	vld.idx.msk [tilespmem:v62+s25+$0x0], $0xffff;
	[tilespmem:s13+$0x4460] =	vst v53  }
0x386: {  	v60 =	vor.u32 v28, v38;
	[tilespmem:s0+$0xE470] =	vst v43;
	v53 =	vld.idx.msk [tilespmem:v63+s25+$0x0], $0xffff  }
0x387: {  	v62 =	vor.u32 v28, v39;
	[tilespmem:s12+$0x4450] =	vst v49;
	v45 =	vld.idx.msk [tilespmem:v59+s25+$0x0], $0xffff  }
0x388: {  	[tilespmem:s14+$0x4460] =	vst v44;
	v43 =	vld.idx.msk [tilespmem:v57+s25+$0x0], $0xffff  }
0x389: {  	[tilespmem:s11+$0x4450] =	vst v47;
	v49 =	vld.idx.msk [tilespmem:v61+s25+$0x0], $0xffff  }
0x38a: {  	[tilespmem:s7+$0xE430] =	vst v48;
	v59 =	vor.u32 v29, v37;
	v51 =	vld.idx.msk [tilespmem:v58+s25+$0x0], $0xffff  }
0x38b: {  	v56 =	vor.u32 v15, v32;
	[tilespmem:s17+$0xE430] =	vst v50;
	v58 =	vld.idx.msk [tilespmem:v60+s25+$0x0], $0xffff  }
0x38c: {  	v61 =	vor.u32 v16, v35;
	v47 =	vld.idx.msk [tilespmem:v62+s25+$0x0], $0xffff;
	[tilespmem:s13+$0x4470] =	vst v53  }
0x38d: {  	v57 =	vor.u32 v15, v33;
	[tilespmem:s6+$0xE440] =	vst v45  }
0x38e: {  	v52 =	vor.u32 v29, v38;
	[tilespmem:s12+$0x4460] =	vst v43  }
0x38f: {  	v43 =	vor.u32 v16, v36;
	v63 =	vld.idx.msk [tilespmem:v59+s25+$0x0], $0xffff;
	[tilespmem:s11+$0x4460] =	vst v51  }
0x390: {  	p0 =	por !p0, !p0;
	s4 =	sor.u32 s4, s30;
	v60 =	vor.u32 v29, v39;
	v46 =	vld.idx.msk [tilespmem:v56+s25+$0x0], $0xffff;
	[tilespmem:s7+$0xE440] =	vst v58  }
0x391: {  	s31 =	sor.u32 s15, s30;
	s26 =	sand.u32 $0x3, s2;
	s1 =	simm.s32 $0x1;
	[tilespmem:s17+$0xE440] =	vst v47;
	v58 =	vor.u32 v30, v37;
	v47 =	vld.idx.msk [tilespmem:v61+s25+$0x0], $0xffff  }
0x392: {  	s18 =	sor.u32 s9, s30;
	s9 =	simm.s32 $0xC;
	s1 =	simm.s32 @!p0 $0x0;
	v62 =	vor.u32 v16, v32;
	v48 =	vld.idx.msk [tilespmem:v57+s25+$0x0], $0xffff  }
0x393: {  	s5 =	simm.s32 $0x800;
	s1 =	sshll.u32 s1, $0x9;
	s0 =	sshll.u32 s26, $0x8;
	[tilespmem:s14+$0x4470] =	vst v49;
	v56 =	vor.u32 v16, v33;
	v52 =	vld.idx.msk [tilespmem:v52+s25+$0x0], $0xffff  }
0x394: {  	s1 =	sadd.s32 $0x800, s1;
	s0 =	sadd.s32 $0x800, s0;
	s14 =	sand.u32 $0x7, s28;
	v59 =	vor.u32 v30, v38;
	v57 =	vld.idx.msk [tilespmem:v43+s25+$0x0], $0xffff  }
0x395: {  	s8 =	simm.s32 $0x8;
	s0 =	sadd.s32 $0x100, s0;
	v49 =	vor.u32 v17, v36;
	s16 =	sshll.u32 s14, $0x7;
	v50 =	vld.idx.msk [tilespmem:v60+s25+$0x0], $0xffff;
	[tilespmem:s6+$0xE450] =	vst v63  }
0x396: {  	s26 =	sor.u32 $0x4800, s1;
	s15 =	sor.u32 $0x4800, s0;
	v53 =	vor.u32 v30, v39;
	s0 =	sadd.s32 $0x800, s16;
	[tilespmem:s12+$0x4470] =	vst v46;
	v51 =	vld.idx.msk [tilespmem:v58+s25+$0x0], $0xffff  }
0x397: {  	s1 =	sor.u32 $0x4C00, s31;
	s31 =	sadd.s32 $0x80, s0;
	s0 =	sadd.s32 $0x180, s0;
	[tilespmem:s11+$0x4470] =	vst v48;
	v44 =	vld.idx.msk [tilespmem:v62+s25+$0x0], $0xffff;
	v48 =	vor.u32 v17, v35  }
0x398: {  	s21 =	sor.u32 $0x4C00, s4;
	s14 =	simm.s32 $0x380;
	s29 =	sor.u32 $0x4800, s0;
	v46 =	vor.u32 v17, v32;
	[tilespmem:s7+$0xE450] =	vst v52;
	v43 =	vld.idx.msk [tilespmem:v56+s25+$0x0], $0xffff  }
0x399: {  	v45 =	vor.u32 v17, v33;
	s16 =	sor.u32 $0x4C00, s18;
	s10 =	sor.u32 $0x4800, s31;
	s0 =	simm.s32 $0xB;
	v52 =	vld.idx.msk [tilespmem:v59+s25+$0x0], $0xffff;
	[tilespmem:s29+$0xE400] =	vst v57  }
.LBB2_9:
0x39a: {  	p1 =	slt.u32 s9, $0x1C;
	v54 =	vmov s0;
	v49 =	vld.idx.msk [tilespmem:v49+s25+$0x0], $0xffff;
	[tilespmem:s17+$0xE450] =	vst v50;
	v50 =	vor.u32 v31, v37;
	v37 =	vmovc v35;
	v35 =	vmov v34  }
0x39b: {  	v34 =	vand.u32 $0x1F, v54;
	[tilespmem:s10+$0xE400] =	vst v47;
	v47 =	vld.idx.msk [tilespmem:v53+s25+$0x0], $0xffff;
	v53 =	vor.u32 v31, v38;
	v38 =	vmovc v32;
	v32 =	vmov v41  }
0x39c: {  	v41 =	vbroadcast v34, $0x0;
	v48 =	vld.idx.msk [tilespmem:v48+s25+$0x0], $0xffff;
	[tilespmem:s15+$0xE400] =	vst v44;
	v34 =	vor.u32 v18, v36  }
0x39d: {  	v44 =	vor.u32 v31, v39;
	v39 =	vmov v33;
	[tilespmem:s26+$0xE400] =	vst v43;
	v43 =	vld.idx.msk [tilespmem:v46+s25+$0x0], $0xffff  }
0x39e: {  	v33 =	vmov s8;
	s8 =	smov.u32 s9;
	v46 =	vor.u32 v0, v41;
	v45 =	vld.idx.msk [tilespmem:v45+s25+$0x0], $0xffff;
	[tilespmem:s6+$0xE460] =	vst v51  }
0x39f: {  	s0 =	sadd.s32 $0x1, s9;
	v33 =	vand.u32 $0x1C, v33;
	v51 =	vor.u32 v18, v37;
	v50 =	vld.idx.msk [tilespmem:v50+s25+$0x0], $0xffff;
	[tilespmem:s7+$0xE460] =	vst v52  }
0x3a0: {  	v54 =	vor.u32 v18, v38;
	v33 =	vbroadcast v33, $0x0;
	v52 =	vmov s0;
	[tilespmem:s29+$0xE410] =	vst v49;
	v49 =	vld.idx.msk [tilespmem:v53+s25+$0x0], $0xffff  }
0x3a1: {  	v52 =	vand.u32 $0x1D, v52;
	v53 =	vor.u32 v18, v39;
	v55 =	vld.idx.msk [tilespmem:v34+s25+$0x0], $0xffff;
	[tilespmem:s17+$0xE460] =	vst v47  }
0x3a2: {  	v34 =	vbroadcast v52, $0x0;
	v47 =	vor.u32 v0, v33;
	[tilespmem:s10+$0xE410] =	vst v48;
	v44 =	vld.idx.msk [tilespmem:v44+s25+$0x0], $0xffff  }
0x3a3: {  	s2 =	sadd.s32 $0x2, s2;
	p0 =	por !p0, !p0;
	s3 =	simm.s32 $0x1;
	v46 =	vld.idx.msk [tilespmem:v46+s25+$0x0], $0xffff;
	[tilespmem:s15+$0xE410] =	vst v43;
	v43 =	vor.u32 v19, v36  }
0x3a4: {  	s3 =	simm.s32 @!p0 $0x0;
	s0 =	sand.u32 $0x3, s2;
	v48 =	vor.u32 v0, v34;
	[tilespmem:s26+$0xE410] =	vst v45;
	v45 =	vld.idx.msk [tilespmem:v51+s25+$0x0], $0xffff  }
0x3a5: {  	s30 =	sadd.s32 $0x800, s30;
	s3 =	sshll.u32 s3, $0x9;
	s0 =	sshll.u32 s0, $0x8;
	v51 =	vor.u32 v1, v41;
	v52 =	vld.idx.msk [tilespmem:v54+s25+$0x0], $0xffff;
	[tilespmem:s6+$0xE470] =	vst v50  }
0x3a6: {  	s23 =	sadd.s32 $0x200, s23;
	s6 =	sadd.s32 s30, s0;
	s0 =	sand.u32 $0x3000, s30;
	v50 =	vld.idx.msk [tilespmem:v53+s25+$0x0], $0xffff;
	v53 =	vor.u32 v19, v37;
	[tilespmem:s7+$0xE470] =	vst v49  }
0x3a7: {  	s7 =	sadd.s32 $0xFFFFFE80, s23;
	s12 =	sadd.s32 $0xE400, s0;
	v49 =	vor.u32 v1, v35;
	s0 =	sand.u32 $0x380, s23;
	v47 =	vld.idx.msk [tilespmem:v47+s25+$0x0], $0xffff;
	[tilespmem:s29+$0xE420] =	vst v55  }
0x3a8: {  	s31 =	sadd.s32 $0xFFFFFF00, s23;
	s4 =	sadd.s32 $0xFFFFFF80, s23;
	v54 =	vor.u32 v1, v32;
	s13 =	sor.u32 s0, s12;
	v43 =	vld.idx.msk [tilespmem:v43+s25+$0x0], $0xffff;
	[tilespmem:s17+$0xE470] =	vst v44  }
0x3a9: {  	s18 =	sand.u32 $0x300, s4;
	s0 =	sand.u32 $0x200, s7;
	s17 =	sand.u32 $0x280, s31;
	v44 =	vld.idx.msk [tilespmem:v48+s25+$0x0], $0xffff;
	v48 =	vor.u32 v1, v33;
	[tilespmem:s13+$0x4000] =	vst v46  }
0x3aa: {  	s11 =	sor.u32 s0, s12;
	s0 =	sor.u32 s17, s12;
	s12 =	sor.u32 s18, s12;
	v46 =	vld.idx.msk [tilespmem:v51+s25+$0x0], $0xffff;
	[tilespmem:s10+$0xE420] =	vst v45;
	v45 =	vor.u32 v20, v36  }
0x3ab: {  	s3 =	sadd.s32 s3, s30;
	s6 =	sadd.s32 $0x100, s6;
	s7 =	sor.u32 s7, s30;
	[tilespmem:s0+$0x4000] =	vst v40;
	v51 =	vld.idx.msk [tilespmem:v53+s25+$0x0], $0xffff;
	v53 =	vor.u32 v19, v38  }
0x3ac: {  	s18 =	sor.u32 $0x4800, s3;
	s17 =	sor.u32 s31, s30;
	s3 =	sor.u32 $0x4800, s6;
	v49 =	vld.idx.msk [tilespmem:v49+s25+$0x0], $0xffff;
	[tilespmem:s12+$0x4000] =	vst v42;
	v42 =	vor.u32 v2, v41  }
0x3ad: {  	s4 =	sor.u32 s4, s30;
	s6 =	sor.u32 $0x4C00, s7;
	s7 =	sor.u32 $0x4C00, s17;
	[tilespmem:s11+$0x4000] =	vst v47;
	v47 =	vld.idx.msk [tilespmem:v54+s25+$0x0], $0xffff;
	v54 =	vor.u32 v19, v39  }
0x3ae: {  	s4 =	sor.u32 $0x4C00, s4;
	v55 =	vor.u32 v2, v35;
	s17 =	smov.u32 s1;
	s1 =	smov.u32 s6;
	v48 =	vld.idx.msk [tilespmem:v48+s25+$0x0], $0xffff;
	[tilespmem:s29+$0xE430] =	vst v43  }
0x3af: {  	s6 =	smov.u32 s21;
	s21 =	smov.u32 s7;
	s7 =	smov.u32 s16;
	v43 =	vor.u32 v2, v32;
	v40 =	vmov v44;
	[tilespmem:s15+$0xE420] =	vst v52;
	v45 =	vld.idx.msk [tilespmem:v45+s25+$0x0], $0xffff  }
0x3b0: {  	s16 =	smov.u32 s4;
	v44 =	vor.u32 v2, v33;
	[tilespmem:s13+$0x4010] =	vst v46;
	v46 =	vld.idx.msk [tilespmem:v53+s25+$0x0], $0xffff  }
0x3b1: {  	v42 =	vld.idx.msk [tilespmem:v42+s25+$0x0], $0xffff;
	[tilespmem:s26+$0xE420] =	vst v50;
	v50 =	vor.u32 v21, v36  }
0x3b2: {  	v52 =	vor.u32 v20, v37;
	[tilespmem:s0+$0x4010] =	vst v49;
	v49 =	vld.idx.msk [tilespmem:v54+s25+$0x0], $0xffff  }
0x3b3: {  	v53 =	vld.idx.msk [tilespmem:v55+s25+$0x0], $0xffff;
	[tilespmem:s12+$0x4010] =	vst v47;
	v47 =	vor.u32 v3, v41  }
0x3b4: {  	[tilespmem:s11+$0x4010] =	vst v48;
	v43 =	vld.idx.msk [tilespmem:v43+s25+$0x0], $0xffff;
	v48 =	vor.u32 v20, v38  }
0x3b5: {  	v54 =	vor.u32 v3, v35;
	v44 =	vld.idx.msk [tilespmem:v44+s25+$0x0], $0xffff;
	[tilespmem:s29+$0xE440] =	vst v45  }
0x3b6: {  	v45 =	vor.u32 v3, v32;
	[tilespmem:s10+$0xE430] =	vst v51;
	v50 =	vld.idx.msk [tilespmem:v50+s25+$0x0], $0xffff  }
0x3b7: {  	v51 =	vor.u32 v3, v33;
	[tilespmem:s13+$0x4020] =	vst v42;
	v42 =	vld.idx.msk [tilespmem:v52+s25+$0x0], $0xffff  }
0x3b8: {  	v47 =	vld.idx.msk [tilespmem:v47+s25+$0x0], $0xffff;
	[tilespmem:s15+$0xE430] =	vst v46;
	v46 =	vor.u32 v22, v36  }
0x3b9: {  	v52 =	vor.u32 v20, v39;
	[tilespmem:s0+$0x4020] =	vst v53;
	v48 =	vld.idx.msk [tilespmem:v48+s25+$0x0], $0xffff  }
0x3ba: {  	v53 =	vld.idx.msk [tilespmem:v54+s25+$0x0], $0xffff;
	[tilespmem:s12+$0x4020] =	vst v43;
	v43 =	vor.u32 v4, v41  }
0x3bb: {  	[tilespmem:s11+$0x4020] =	vst v44;
	v44 =	vld.idx.msk [tilespmem:v45+s25+$0x0], $0xffff;
	v45 =	vor.u32 v21, v37  }
0x3bc: {  	v54 =	vor.u32 v4, v35;
	v51 =	vld.idx.msk [tilespmem:v51+s25+$0x0], $0xffff;
	[tilespmem:s29+$0xE450] =	vst v50  }
0x3bd: {  	v50 =	vor.u32 v4, v32;
	[tilespmem:s26+$0xE430] =	vst v49;
	v46 =	vld.idx.msk [tilespmem:v46+s25+$0x0], $0xffff  }
0x3be: {  	v49 =	vor.u32 v4, v33;
	[tilespmem:s13+$0x4030] =	vst v47;
	v47 =	vld.idx.msk [tilespmem:v52+s25+$0x0], $0xffff  }
0x3bf: {  	v43 =	vld.idx.msk [tilespmem:v43+s25+$0x0], $0xffff;
	[tilespmem:s10+$0xE440] =	vst v42;
	v42 =	vor.u32 v23, v36  }
0x3c0: {  	v52 =	vor.u32 v21, v38;
	[tilespmem:s0+$0x4030] =	vst v53;
	v45 =	vld.idx.msk [tilespmem:v45+s25+$0x0], $0xffff  }
0x3c1: {  	v53 =	vld.idx.msk [tilespmem:v54+s25+$0x0], $0xffff;
	[tilespmem:s12+$0x4030] =	vst v44;
	v44 =	vor.u32 v5, v41  }
0x3c2: {  	[tilespmem:s11+$0x4030] =	vst v51;
	v50 =	vld.idx.msk [tilespmem:v50+s25+$0x0], $0xffff;
	v51 =	vor.u32 v21, v39  }
0x3c3: {  	v54 =	vor.u32 v5, v35;
	v49 =	vld.idx.msk [tilespmem:v49+s25+$0x0], $0xffff;
	[tilespmem:s29+$0xE460] =	vst v46  }
0x3c4: {  	v46 =	vor.u32 v5, v32;
	[tilespmem:s15+$0xE440] =	vst v48;
	v42 =	vld.idx.msk [tilespmem:v42+s25+$0x0], $0xffff  }
0x3c5: {  	v48 =	vor.u32 v5, v33;
	[tilespmem:s13+$0x4040] =	vst v43;
	v43 =	vld.idx.msk [tilespmem:v52+s25+$0x0], $0xffff  }
0x3c6: {  	v44 =	vld.idx.msk [tilespmem:v44+s25+$0x0], $0xffff;
	[tilespmem:s26+$0xE440] =	vst v47;
	v47 =	vor.u32 v24, v36  }
0x3c7: {  	v52 =	vor.u32 v22, v37;
	[tilespmem:s0+$0x4040] =	vst v53;
	v51 =	vld.idx.msk [tilespmem:v51+s25+$0x0], $0xffff  }
0x3c8: {  	v53 =	vld.idx.msk [tilespmem:v54+s25+$0x0], $0xffff;
	[tilespmem:s12+$0x4040] =	vst v50;
	v50 =	vor.u32 v6, v41  }
0x3c9: {  	[tilespmem:s11+$0x4040] =	vst v49;
	v46 =	vld.idx.msk [tilespmem:v46+s25+$0x0], $0xffff;
	v49 =	vor.u32 v22, v38  }
0x3ca: {  	v54 =	vor.u32 v6, v35;
	v48 =	vld.idx.msk [tilespmem:v48+s25+$0x0], $0xffff;
	[tilespmem:s29+$0xE470] =	vst v42  }
0x3cb: {  	v42 =	vor.u32 v6, v32;
	[tilespmem:s10+$0xE450] =	vst v45;
	v45 =	vld.idx.msk [tilespmem:v47+s25+$0x0], $0xffff  }
0x3cc: {  	v47 =	vor.u32 v6, v33;
	[tilespmem:s13+$0x4050] =	vst v44;
	v44 =	vld.idx.msk [tilespmem:v52+s25+$0x0], $0xffff  }
0x3cd: {  	v50 =	vld.idx.msk [tilespmem:v50+s25+$0x0], $0xffff;
	[tilespmem:s15+$0xE450] =	vst v43;
	v43 =	vor.u32 v25, v36  }
0x3ce: {  	v52 =	vor.u32 v22, v39;
	[tilespmem:s0+$0x4050] =	vst v53;
	v49 =	vld.idx.msk [tilespmem:v49+s25+$0x0], $0xffff  }
0x3cf: {  	s4 =	sor.u32 s14, s5;
	s5 =	smov.u32 s30;
	s14 =	smov.u32 s23;
	v53 =	vld.idx.msk [tilespmem:v54+s25+$0x0], $0xffff;
	[tilespmem:s12+$0x4050] =	vst v46;
	v46 =	vor.u32 v7, v41  }
0x3d0: {  	s29 =	sor.u32 $0x4C00, s4;
	[tilespmem:s11+$0x4050] =	vst v48;
	v42 =	vld.idx.msk [tilespmem:v42+s25+$0x0], $0xffff;
	v48 =	vor.u32 v23, v37  }
0x3d1: {  	v54 =	vor.u32 v7, v35;
	v47 =	vld.idx.msk [tilespmem:v47+s25+$0x0], $0xffff;
	[tilespmem:s29+$0xE400] =	vst v45  }
0x3d2: {  	v45 =	vor.u32 v7, v32;
	[tilespmem:s26+$0xE450] =	vst v51;
	v43 =	vld.idx.msk [tilespmem:v43+s25+$0x0], $0xffff  }
0x3d3: {  	v51 =	vor.u32 v7, v33;
	[tilespmem:s13+$0x4060] =	vst v50;
	v50 =	vld.idx.msk [tilespmem:v52+s25+$0x0], $0xffff  }
0x3d4: {  	v46 =	vld.idx.msk [tilespmem:v46+s25+$0x0], $0xffff;
	[tilespmem:s10+$0xE460] =	vst v44;
	v44 =	vor.u32 v26, v36  }
0x3d5: {  	v52 =	vor.u32 v23, v38;
	[tilespmem:s0+$0x4060] =	vst v53;
	v48 =	vld.idx.msk [tilespmem:v48+s25+$0x0], $0xffff  }
0x3d6: {  	v53 =	vld.idx.msk [tilespmem:v54+s25+$0x0], $0xffff;
	[tilespmem:s12+$0x4060] =	vst v42;
	v42 =	vor.u32 v8, v41  }
0x3d7: {  	[tilespmem:s11+$0x4060] =	vst v47;
	v45 =	vld.idx.msk [tilespmem:v45+s25+$0x0], $0xffff;
	v47 =	vor.u32 v23, v39  }
0x3d8: {  	v54 =	vor.u32 v8, v35;
	v51 =	vld.idx.msk [tilespmem:v51+s25+$0x0], $0xffff;
	[tilespmem:s29+$0xE410] =	vst v43  }
0x3d9: {  	v43 =	vor.u32 v8, v32;
	[tilespmem:s15+$0xE460] =	vst v49;
	v44 =	vld.idx.msk [tilespmem:v44+s25+$0x0], $0xffff  }
0x3da: {  	v49 =	vor.u32 v8, v33;
	[tilespmem:s13+$0x4070] =	vst v46;
	v46 =	vld.idx.msk [tilespmem:v52+s25+$0x0], $0xffff  }
0x3db: {  	v42 =	vld.idx.msk [tilespmem:v42+s25+$0x0], $0xffff;
	[tilespmem:s26+$0xE460] =	vst v50;
	v50 =	vor.u32 v27, v36  }
0x3dc: {  	v52 =	vor.u32 v24, v37;
	[tilespmem:s0+$0x4070] =	vst v53;
	v47 =	vld.idx.msk [tilespmem:v47+s25+$0x0], $0xffff  }
0x3dd: {  	v53 =	vld.idx.msk [tilespmem:v54+s25+$0x0], $0xffff;
	[tilespmem:s12+$0x4070] =	vst v45;
	v45 =	vor.u32 v9, v41  }
0x3de: {  	[tilespmem:s11+$0x4070] =	vst v51;
	v43 =	vld.idx.msk [tilespmem:v43+s25+$0x0], $0xffff;
	v51 =	vor.u32 v24, v38  }
0x3df: {  	v54 =	vor.u32 v9, v35;
	v49 =	vld.idx.msk [tilespmem:v49+s25+$0x0], $0xffff;
	[tilespmem:s29+$0xE420] =	vst v44  }
0x3e0: {  	v44 =	vor.u32 v9, v32;
	[tilespmem:s10+$0xE470] =	vst v48;
	v48 =	vld.idx.msk [tilespmem:v50+s25+$0x0], $0xffff  }
0x3e1: {  	v50 =	vor.u32 v9, v33;
	[tilespmem:s13+$0x4400] =	vst v42;
	v42 =	vld.idx.msk [tilespmem:v52+s25+$0x0], $0xffff  }
0x3e2: {  	v45 =	vld.idx.msk [tilespmem:v45+s25+$0x0], $0xffff;
	[tilespmem:s15+$0xE470] =	vst v46;
	v46 =	vor.u32 v28, v36;
	s15 =	smov.u32 s3  }
0x3e3: {  	v52 =	vor.u32 v24, v39;
	[tilespmem:s0+$0x4400] =	vst v53;
	v51 =	vld.idx.msk [tilespmem:v51+s25+$0x0], $0xffff  }
0x3e4: {  	v53 =	vld.idx.msk [tilespmem:v54+s25+$0x0], $0xffff;
	[tilespmem:s12+$0x4400] =	vst v43;
	v43 =	vor.u32 v10, v41  }
0x3e5: {  	[tilespmem:s11+$0x4400] =	vst v49;
	v44 =	vld.idx.msk [tilespmem:v44+s25+$0x0], $0xffff;
	v49 =	vor.u32 v25, v37  }
0x3e6: {  	v54 =	vor.u32 v10, v35;
	v50 =	vld.idx.msk [tilespmem:v50+s25+$0x0], $0xffff;
	[tilespmem:s29+$0xE430] =	vst v48  }
0x3e7: {  	v48 =	vor.u32 v10, v32;
	[tilespmem:s26+$0xE470] =	vst v47;
	v46 =	vld.idx.msk [tilespmem:v46+s25+$0x0], $0xffff;
	s26 =	smov.u32 s18  }
0x3e8: {  	v47 =	vor.u32 v10, v33;
	[tilespmem:s13+$0x4410] =	vst v45;
	v45 =	vld.idx.msk [tilespmem:v52+s25+$0x0], $0xffff  }
0x3e9: {  	v43 =	vld.idx.msk [tilespmem:v43+s25+$0x0], $0xffff;
	[tilespmem:s6+$0xE400] =	vst v42;
	v42 =	vor.u32 v29, v36  }
0x3ea: {  	v52 =	vor.u32 v25, v38;
	[tilespmem:s0+$0x4410] =	vst v53;
	v49 =	vld.idx.msk [tilespmem:v49+s25+$0x0], $0xffff  }
0x3eb: {  	v53 =	vld.idx.msk [tilespmem:v54+s25+$0x0], $0xffff;
	[tilespmem:s12+$0x4410] =	vst v44;
	v44 =	vor.u32 v11, v41  }
0x3ec: {  	[tilespmem:s11+$0x4410] =	vst v50;
	v48 =	vld.idx.msk [tilespmem:v48+s25+$0x0], $0xffff;
	v50 =	vor.u32 v25, v39  }
0x3ed: {  	v54 =	vor.u32 v11, v35;
	v47 =	vld.idx.msk [tilespmem:v47+s25+$0x0], $0xffff;
	[tilespmem:s29+$0xE440] =	vst v46  }
0x3ee: {  	v46 =	vor.u32 v11, v32;
	[tilespmem:s7+$0xE400] =	vst v51;
	v42 =	vld.idx.msk [tilespmem:v42+s25+$0x0], $0xffff  }
0x3ef: {  	v51 =	vor.u32 v11, v33;
	[tilespmem:s13+$0x4420] =	vst v43;
	v43 =	vld.idx.msk [tilespmem:v52+s25+$0x0], $0xffff  }
0x3f0: {  	v44 =	vld.idx.msk [tilespmem:v44+s25+$0x0], $0xffff;
	[tilespmem:s17+$0xE400] =	vst v45;
	v45 =	vor.u32 v30, v36  }
0x3f1: {  	v52 =	vor.u32 v26, v37;
	[tilespmem:s0+$0x4420] =	vst v53;
	v50 =	vld.idx.msk [tilespmem:v50+s25+$0x0], $0xffff  }
0x3f2: {  	v53 =	vld.idx.msk [tilespmem:v54+s25+$0x0], $0xffff;
	[tilespmem:s12+$0x4420] =	vst v48;
	v48 =	vor.u32 v12, v41  }
0x3f3: {  	[tilespmem:s11+$0x4420] =	vst v47;
	v46 =	vld.idx.msk [tilespmem:v46+s25+$0x0], $0xffff;
	v47 =	vor.u32 v26, v38  }
0x3f4: {  	v54 =	vor.u32 v12, v35;
	v51 =	vld.idx.msk [tilespmem:v51+s25+$0x0], $0xffff;
	[tilespmem:s29+$0xE450] =	vst v42  }
0x3f5: {  	v42 =	vor.u32 v12, v32;
	[tilespmem:s6+$0xE410] =	vst v49;
	v45 =	vld.idx.msk [tilespmem:v45+s25+$0x0], $0xffff  }
0x3f6: {  	v49 =	vor.u32 v12, v33;
	[tilespmem:s13+$0x4430] =	vst v44;
	v44 =	vld.idx.msk [tilespmem:v52+s25+$0x0], $0xffff  }
0x3f7: {  	v48 =	vld.idx.msk [tilespmem:v48+s25+$0x0], $0xffff;
	[tilespmem:s7+$0xE410] =	vst v43;
	v43 =	vor.u32 v31, v36;
	v36 =	vmov v41  }
0x3f8: {  	v52 =	vor.u32 v26, v39;
	[tilespmem:s0+$0x4430] =	vst v53;
	v47 =	vld.idx.msk [tilespmem:v47+s25+$0x0], $0xffff  }
0x3f9: {  	s3 =	sadd.s32 $0x2, s9;
	v53 =	vld.idx.msk [tilespmem:v54+s25+$0x0], $0xffff;
	[tilespmem:s12+$0x4430] =	vst v46;
	v46 =	vor.u32 v13, v36  }
0x3fa: {  	v41 =	vmov s3;
	[tilespmem:s11+$0x4430] =	vst v51;
	v42 =	vld.idx.msk [tilespmem:v42+s25+$0x0], $0xffff;
	v51 =	vor.u32 v27, v37  }
0x3fb: {  	v41 =	vand.u32 $0x1E, v41;
	v54 =	vor.u32 v13, v35;
	v49 =	vld.idx.msk [tilespmem:v49+s25+$0x0], $0xffff;
	[tilespmem:s29+$0xE460] =	vst v45  }
0x3fc: {  	v41 =	vbroadcast v41, $0x0;
	v45 =	vor.u32 v13, v32;
	[tilespmem:s17+$0xE410] =	vst v50;
	v43 =	vld.idx.msk [tilespmem:v43+s25+$0x0], $0xffff  }
0x3fd: {  	v50 =	vor.u32 v13, v33;
	[tilespmem:s13+$0x4440] =	vst v48;
	v48 =	vld.idx.msk [tilespmem:v52+s25+$0x0], $0xffff  }
0x3fe: {  	v52 =	vor.u32 v0, v41;
	v46 =	vld.idx.msk [tilespmem:v46+s25+$0x0], $0xffff;
	[tilespmem:s6+$0xE420] =	vst v44  }
0x3ff: {  	[tilespmem:s0+$0x4440] =	vst v53;
	v44 =	vld.idx.msk [tilespmem:v51+s25+$0x0], $0xffff;
	v51 =	vor.u32 v27, v38  }
0x400: {  	v53 =	vld.idx.msk [tilespmem:v54+s25+$0x0], $0xffff;
	[tilespmem:s12+$0x4440] =	vst v42;
	v54 =	vor.u32 v14, v36  }
0x401: {  	[tilespmem:s11+$0x4440] =	vst v49;
	v45 =	vld.idx.msk [tilespmem:v45+s25+$0x0], $0xffff;
	v49 =	vor.u32 v27, v39  }
0x402: {  	v55 =	vor.u32 v14, v35;
	v50 =	vld.idx.msk [tilespmem:v50+s25+$0x0], $0xffff;
	[tilespmem:s29+$0xE470] =	vst v43  }
0x403: {  	v43 =	vor.u32 v14, v32;
	v42 =	vld.idx.msk [tilespmem:v52+s25+$0x0], $0xffff;
	[tilespmem:s7+$0xE420] =	vst v47  }
0x404: {  	v47 =	vor.u32 v14, v33;
	[tilespmem:s13+$0x4450] =	vst v46;
	v46 =	vld.idx.msk [tilespmem:v51+s25+$0x0], $0xffff  }
0x405: {  	v51 =	vld.idx.msk [tilespmem:v54+s25+$0x0], $0xffff;
	[tilespmem:s17+$0xE420] =	vst v48;
	v48 =	vor.u32 v28, v37  }
0x406: {  	v52 =	vor.u32 v28, v38;
	[tilespmem:s0+$0x4450] =	vst v53;
	v49 =	vld.idx.msk [tilespmem:v49+s25+$0x0], $0xffff  }
0x407: {  	v53 =	vld.idx.msk [tilespmem:v55+s25+$0x0], $0xffff;
	[tilespmem:s12+$0x4450] =	vst v45;
	v45 =	vor.u32 v15, v36  }
0x408: {  	[tilespmem:s11+$0x4450] =	vst v50;
	v43 =	vld.idx.msk [tilespmem:v43+s25+$0x0], $0xffff;
	v50 =	vor.u32 v28, v39  }
0x409: {  	v54 =	vor.u32 v15, v35;
	v47 =	vld.idx.msk [tilespmem:v47+s25+$0x0], $0xffff;
	[tilespmem:s6+$0xE430] =	vst v44  }
0x40a: {  	v44 =	vor.u32 v15, v32;
	v48 =	vld.idx.msk [tilespmem:v48+s25+$0x0], $0xffff;
	[tilespmem:s7+$0xE430] =	vst v46  }
0x40b: {  	v46 =	vor.u32 v15, v33;
	[tilespmem:s13+$0x4460] =	vst v51;
	v51 =	vld.idx.msk [tilespmem:v52+s25+$0x0], $0xffff  }
0x40c: {  	v45 =	vld.idx.msk [tilespmem:v45+s25+$0x0], $0xffff;
	[tilespmem:s17+$0xE430] =	vst v49;
	v49 =	vor.u32 v29, v37  }
0x40d: {  	v52 =	vor.u32 v29, v38;
	[tilespmem:s0+$0x4460] =	vst v53;
	v50 =	vld.idx.msk [tilespmem:v50+s25+$0x0], $0xffff  }
0x40e: {  	v53 =	vld.idx.msk [tilespmem:v54+s25+$0x0], $0xffff;
	[tilespmem:s12+$0x4460] =	vst v43;
	v43 =	vor.u32 v16, v36  }
0x40f: {  	[tilespmem:s11+$0x4460] =	vst v47;
	v44 =	vld.idx.msk [tilespmem:v44+s25+$0x0], $0xffff;
	v47 =	vor.u32 v29, v39  }
0x410: {  	v54 =	vor.u32 v16, v35;
	v46 =	vld.idx.msk [tilespmem:v46+s25+$0x0], $0xffff;
	[tilespmem:s6+$0xE440] =	vst v48  }
0x411: {  	v48 =	vor.u32 v16, v32;
	v55 =	vld.idx.msk [tilespmem:v49+s25+$0x0], $0xffff;
	[tilespmem:s7+$0xE440] =	vst v51  }
0x412: {  	v51 =	vor.u32 v16, v33;
	[tilespmem:s13+$0x4470] =	vst v45;
	v45 =	vld.idx.msk [tilespmem:v52+s25+$0x0], $0xffff  }
0x413: {  	s28 =	sadd.s32 $0x4, s28;
	v56 =	vor.u32 v30, v37;
	v52 =	vld.idx.msk [tilespmem:v43+s25+$0x0], $0xffff;
	[tilespmem:s17+$0xE440] =	vst v50  }
0x414: {  	v57 =	vor.u32 v30, v38;
	s3 =	sand.u32 $0x7, s28;
	[tilespmem:s0+$0x4470] =	vst v53;
	v50 =	vld.idx.msk [tilespmem:v47+s25+$0x0], $0xffff  }
.Ltmp6:
0x415: {  	v49 =	vor.u32 v17, v36;
	s0 =	sshll.u32 s3, $0x7;
	v47 =	vld.idx.msk [tilespmem:v54+s25+$0x0], $0xffff;
	[tilespmem:s12+$0x4470] =	vst v44;
	(pc) =	sbr.rel @p1 .LBB2_9-.Ltmp6, $4  }
0x416: {  	v53 =	vor.u32 v30, v39;
	s0 =	sadd.s32 s30, s0;
	[tilespmem:s11+$0x4470] =	vst v46;
	v44 =	vld.idx.msk [tilespmem:v48+s25+$0x0], $0xffff  }
0x417: {  	s3 =	sadd.s32 $0x80, s0;
	v48 =	vor.u32 v17, v35;
	s0 =	sadd.s32 $0x180, s0;
	v43 =	vld.idx.msk [tilespmem:v51+s25+$0x0], $0xffff;
	[tilespmem:s6+$0xE450] =	vst v55  }
0x418: {  	v46 =	vor.u32 v17, v32;
	s10 =	sor.u32 $0x4800, s3;
	s29 =	sor.u32 $0x4800, s0;
	v51 =	vld.idx.msk [tilespmem:v56+s25+$0x0], $0xffff;
	[tilespmem:s7+$0xE450] =	vst v45  }
0x419: {  	s9 =	sadd.s32 $0x4, s9;
	s0 =	sadd.s32 $0x3, s8;
	v45 =	vor.u32 v17, v33;
	[tilespmem:s29+$0xE400] =	vst v52;
	v52 =	vld.idx.msk [tilespmem:v57+s25+$0x0], $0xffff  }
0x41a: {  	v54 =	vmov s0  }
0x41b: {  	v61 =	vor.u32 v31, v37;
	v62 =	vand.u32 $0x1F, v54  }
0x41c: {  	v63 =	vor.u32 v31, v38;
	v38 =	vbroadcast v62, $0x0  }
0x41d: {  	v57 =	vmov s8  }
0x41e: {  	v37 =	vand.u32 $0x1C, v57;
	v55 =	vor.u32 v0, v38  }
0x41f: {  	v49 =	vld.idx.msk [tilespmem:v49+s25+$0x0], $0xffff;
	v37 =	vbroadcast v37, $0x0;
	[tilespmem:s6+$0xE460] =	vst v51  }
0x420: {  	[tilespmem:s17+$0xE450] =	vst v50;
	v50 =	vld.idx.msk [tilespmem:v61+s25+$0x0], $0xffff  }
0x421: {  	v53 =	vld.idx.msk [tilespmem:v53+s25+$0x0], $0xffff;
	[tilespmem:s7+$0xE460] =	vst v52;
	v59 =	vor.u32 v0, v37  }
0x422: {  	v39 =	vor.u32 v31, v39;
	v58 =	vld.idx.msk [tilespmem:v63+s25+$0x0], $0xffff  }
0x423: {  	v60 =	vld.idx.msk [tilespmem:v55+s25+$0x0], $0xffff  }
0x424: {  	s8 =	sadd.s32 $0x800, s30;
	v61 =	vor.u32 v1, v38;
	[tilespmem:s29+$0xE410] =	vst v49  }
0x425: {  	s18 =	sand.u32 $0x3000, s8;
	v62 =	vor.u32 v1, v34;
	[tilespmem:s6+$0xE470] =	vst v50;
	s6 =	sadd.s32 $0x200, s23  }
0x426: {  	v57 =	vor.u32 v1, v41;
	s0 =	sadd.s32 $0xE400, s18;
	[tilespmem:s17+$0xE460] =	vst v53;
	v63 =	vld.idx.msk [tilespmem:v59+s25+$0x0], $0xffff;
	s3 =	sand.u32 $0x380, s6;
	s11 =	sadd.s32 $0xFFFFFF00, s6  }
0x427: {  	v39 =	vld.idx.msk [tilespmem:v39+s25+$0x0], $0xffff;
	[tilespmem:s7+$0xE470] =	vst v58;
	v58 =	vor.u32 v1, v37;
	s7 =	sadd.s32 $0xFFFFFF80, s6;
	s12 =	sor.u32 s3, s0;
	s23 =	sand.u32 $0x280, s11  }
0x428: {  	v59 =	vor.u32 v18, v36;
	s9 =	sadd.s32 $0xFFFFFE80, s6;
	s4 =	sand.u32 $0x300, s7;
	s30 =	sor.u32 s23, s0;
	[tilespmem:s12+$0x4000] =	vst v60  }
0x429: {  	s31 =	sand.u32 $0x200, s9;
	s13 =	sor.u32 s4, s0;
	[tilespmem:s30+$0x4000] =	vst v40;
	v54 =	vld.idx.msk [tilespmem:v61+s25+$0x0], $0xffff  }
0x42a: {  	s0 =	sor.u32 s31, s0;
	[tilespmem:s13+$0x4000] =	vst v42;
	v42 =	vor.u32 v2, v38;
	v40 =	vld.idx.msk [tilespmem:v62+s25+$0x0], $0xffff  }
0x42b: {  	[tilespmem:s0+$0x4000] =	vst v63;
	v60 =	vld.idx.msk [tilespmem:v57+s25+$0x0], $0xffff;
	v61 =	vor.u32 v2, v34  }
0x42c: {  	[tilespmem:s17+$0xE470] =	vst v39;
	v39 =	vld.idx.msk [tilespmem:v58+s25+$0x0], $0xffff;
	v62 =	vor.u32 v2, v41  }
0x42d: {  	[tilespmem:s10+$0xE400] =	vst v47;
	v63 =	vld.idx.msk [tilespmem:v59+s25+$0x0], $0xffff;
	v57 =	vor.u32 v2, v37  }
0x42e: {  	v48 =	vld.idx.msk [tilespmem:v48+s25+$0x0], $0xffff;
	v58 =	vor.u32 v19, v36;
	[tilespmem:s12+$0x4010] =	vst v54  }
0x42f: {  	v59 =	vor.u32 v18, v35;
	[tilespmem:s30+$0x4010] =	vst v40;
	v42 =	vld.idx.msk [tilespmem:v42+s25+$0x0], $0xffff  }
0x430: {  	v50 =	vor.u32 v3, v38;
	[tilespmem:s13+$0x4010] =	vst v60;
	v40 =	vld.idx.msk [tilespmem:v61+s25+$0x0], $0xffff  }
0x431: {  	v49 =	vor.u32 v3, v34;
	[tilespmem:s0+$0x4010] =	vst v39;
	v39 =	vld.idx.msk [tilespmem:v62+s25+$0x0], $0xffff  }
0x432: {  	[tilespmem:s29+$0xE420] =	vst v63;
	v60 =	vld.idx.msk [tilespmem:v57+s25+$0x0], $0xffff;
	v61 =	vor.u32 v3, v41  }
0x433: {  	[tilespmem:s10+$0xE410] =	vst v48;
	v63 =	vor.u32 v3, v37;
	v62 =	vld.idx.msk [tilespmem:v58+s25+$0x0], $0xffff  }
0x434: {  	v57 =	vld.idx.msk [tilespmem:v59+s25+$0x0], $0xffff;
	[tilespmem:s12+$0x4020] =	vst v42  }
0x435: {  	v58 =	vor.u32 v20, v36;
	[tilespmem:s30+$0x4020] =	vst v40;
	v50 =	vld.idx.msk [tilespmem:v50+s25+$0x0], $0xffff  }
0x436: {  	[tilespmem:s13+$0x4020] =	vst v39;
	v39 =	vor.u32 v4, v38;
	v40 =	vld.idx.msk [tilespmem:v49+s25+$0x0], $0xffff  }
0x437: {  	[tilespmem:s0+$0x4020] =	vst v60;
	v60 =	vor.u32 v4, v34;
	v47 =	vld.idx.msk [tilespmem:v61+s25+$0x0], $0xffff  }
0x438: {  	[tilespmem:s29+$0xE430] =	vst v62;
	v62 =	vor.u32 v4, v41;
	v61 =	vld.idx.msk [tilespmem:v63+s25+$0x0], $0xffff  }
0x439: {  	[tilespmem:s10+$0xE420] =	vst v57;
	v57 =	vor.u32 v4, v37  }
0x43a: {  	v59 =	vor.u32 v19, v35;
	v63 =	vld.idx.msk [tilespmem:v58+s25+$0x0], $0xffff;
	[tilespmem:s12+$0x4030] =	vst v50  }
0x43b: {  	v58 =	vor.u32 v21, v36;
	[tilespmem:s30+$0x4030] =	vst v40;
	v39 =	vld.idx.msk [tilespmem:v39+s25+$0x0], $0xffff  }
0x43c: {  	[tilespmem:s13+$0x4030] =	vst v47;
	v47 =	vor.u32 v5, v38;
	v40 =	vld.idx.msk [tilespmem:v60+s25+$0x0], $0xffff  }
0x43d: {  	[tilespmem:s0+$0x4030] =	vst v61;
	v48 =	vld.idx.msk [tilespmem:v62+s25+$0x0], $0xffff;
	v60 =	vor.u32 v5, v34  }
0x43e: {  	v61 =	vld.idx.msk [tilespmem:v57+s25+$0x0], $0xffff;
	v62 =	vor.u32 v5, v41  }
0x43f: {  	v42 =	vld.idx.msk [tilespmem:v59+s25+$0x0], $0xffff;
	[tilespmem:s29+$0xE440] =	vst v63;
	v57 =	vor.u32 v5, v37  }
0x440: {  	v59 =	vor.u32 v20, v35;
	v63 =	vld.idx.msk [tilespmem:v58+s25+$0x0], $0xffff;
	[tilespmem:s12+$0x4040] =	vst v39  }
0x441: {  	v58 =	vor.u32 v22, v36;
	[tilespmem:s30+$0x4040] =	vst v40;
	v47 =	vld.idx.msk [tilespmem:v47+s25+$0x0], $0xffff  }
0x442: {  	[tilespmem:s13+$0x4040] =	vst v48;
	v48 =	vor.u32 v6, v38;
	v40 =	vld.idx.msk [tilespmem:v60+s25+$0x0], $0xffff  }
0x443: {  	[tilespmem:s0+$0x4040] =	vst v61;
	v49 =	vld.idx.msk [tilespmem:v62+s25+$0x0], $0xffff;
	v60 =	vor.u32 v6, v34  }
0x444: {  	[tilespmem:s10+$0xE430] =	vst v42;
	v61 =	vld.idx.msk [tilespmem:v57+s25+$0x0], $0xffff;
	v62 =	vor.u32 v6, v41  }
0x445: {  	v50 =	vld.idx.msk [tilespmem:v59+s25+$0x0], $0xffff;
	[tilespmem:s29+$0xE450] =	vst v63;
	v57 =	vor.u32 v6, v37  }
0x446: {  	v59 =	vor.u32 v21, v35;
	v63 =	vld.idx.msk [tilespmem:v58+s25+$0x0], $0xffff;
	[tilespmem:s12+$0x4050] =	vst v47  }
0x447: {  	[tilespmem:s30+$0x4050] =	vst v40;
	v48 =	vld.idx.msk [tilespmem:v48+s25+$0x0], $0xffff  }
0x448: {  	v58 =	vor.u32 v23, v36;
	[tilespmem:s13+$0x4050] =	vst v49;
	v40 =	vld.idx.msk [tilespmem:v60+s25+$0x0], $0xffff  }
0x449: {  	[tilespmem:s0+$0x4050] =	vst v61;
	v60 =	vor.u32 v7, v38;
	v61 =	vld.idx.msk [tilespmem:v62+s25+$0x0], $0xffff  }
0x44a: {  	[tilespmem:s10+$0xE440] =	vst v50;
	v62 =	vor.u32 v7, v34;
	v50 =	vld.idx.msk [tilespmem:v57+s25+$0x0], $0xffff  }
0x44b: {  	v56 =	vor.u32 v7, v37;
	v39 =	vld.idx.msk [tilespmem:v59+s25+$0x0], $0xffff  }
0x44c: {  	v59 =	vor.u32 v22, v35;
	[tilespmem:s29+$0xE460] =	vst v63  }
0x44d: {  	v63 =	vor.u32 v7, v41;
	v53 =	vld.idx.msk [tilespmem:v58+s25+$0x0], $0xffff;
	[tilespmem:s12+$0x4060] =	vst v48  }
0x44e: {  	[tilespmem:s30+$0x4060] =	vst v40;
	v49 =	vld.idx.msk [tilespmem:v60+s25+$0x0], $0xffff  }
0x44f: {  	v58 =	vor.u32 v8, v38;
	[tilespmem:s0+$0x4060] =	vst v50;
	v40 =	vld.idx.msk [tilespmem:v62+s25+$0x0], $0xffff  }
0x450: {  	[tilespmem:s10+$0xE450] =	vst v39;
	v60 =	vor.u32 v8, v34;
	v39 =	vld.idx.msk [tilespmem:v56+s25+$0x0], $0xffff  }
0x451: {  	v47 =	vld.idx.msk [tilespmem:v59+s25+$0x0], $0xffff;
	[tilespmem:s13+$0x4060] =	vst v61;
	v62 =	vor.u32 v8, v37  }
0x452: {  	[tilespmem:s15+$0xE400] =	vst v44;
	v59 =	vld.idx.msk [tilespmem:v63+s25+$0x0], $0xffff  }
0x453: {  	v61 =	vor.u32 v8, v41;
	[tilespmem:s12+$0x4070] =	vst v49  }
0x454: {  	v57 =	vor.u32 v23, v35;
	[tilespmem:s30+$0x4070] =	vst v40;
	v42 =	vld.idx.msk [tilespmem:v58+s25+$0x0], $0xffff  }
0x455: {  	v63 =	vor.u32 v9, v38;
	[tilespmem:s0+$0x4070] =	vst v39;
	v40 =	vld.idx.msk [tilespmem:v60+s25+$0x0], $0xffff  }
0x456: {  	[tilespmem:s26+$0xE400] =	vst v43;
	v55 =	vor.u32 v9, v34;
	v56 =	vld.idx.msk [tilespmem:v62+s25+$0x0], $0xffff  }
0x457: {  	v46 =	vld.idx.msk [tilespmem:v46+s25+$0x0], $0xffff;
	[tilespmem:s13+$0x4070] =	vst v59;
	v58 =	vor.u32 v9, v37  }
0x458: {  	[tilespmem:s10+$0xE460] =	vst v47;
	v54 =	vld.idx.msk [tilespmem:v61+s25+$0x0], $0xffff  }
0x459: {  	v48 =	vld.idx.msk [tilespmem:v57+s25+$0x0], $0xffff;
	v57 =	vor.u32 v9, v41;
	[tilespmem:s12+$0x4400] =	vst v42  }
0x45a: {  	v59 =	vor.u32 v18, v32;
	[tilespmem:s30+$0x4400] =	vst v40;
	v42 =	vld.idx.msk [tilespmem:v63+s25+$0x0], $0xffff  }
0x45b: {  	v60 =	vor.u32 v10, v38;
	[tilespmem:s0+$0x4400] =	vst v56;
	v40 =	vld.idx.msk [tilespmem:v55+s25+$0x0], $0xffff  }
0x45c: {  	[tilespmem:s15+$0xE410] =	vst v46;
	v62 =	vor.u32 v10, v34;
	v63 =	vld.idx.msk [tilespmem:v58+s25+$0x0], $0xffff  }
0x45d: {  	v45 =	vld.idx.msk [tilespmem:v45+s25+$0x0], $0xffff;
	[tilespmem:s13+$0x4400] =	vst v54;
	v54 =	vor.u32 v10, v37  }
0x45e: {  	[tilespmem:s29+$0xE470] =	vst v53;
	v56 =	vor.u32 v18, v33;
	v61 =	vld.idx.msk [tilespmem:v57+s25+$0x0], $0xffff  }
0x45f: {  	v52 =	vor.u32 v10, v41;
	v53 =	vld.idx.msk [tilespmem:v59+s25+$0x0], $0xffff;
	[tilespmem:s12+$0x4410] =	vst v42  }
0x460: {  	v55 =	vor.u32 v19, v32;
	[tilespmem:s30+$0x4410] =	vst v40;
	v39 =	vld.idx.msk [tilespmem:v60+s25+$0x0], $0xffff  }
0x461: {  	v57 =	vor.u32 v11, v38;
	[tilespmem:s0+$0x4410] =	vst v63;
	v40 =	vld.idx.msk [tilespmem:v62+s25+$0x0], $0xffff  }
0x462: {  	[tilespmem:s26+$0xE410] =	vst v45;
	v59 =	vor.u32 v11, v34;
	v60 =	vld.idx.msk [tilespmem:v54+s25+$0x0], $0xffff  }
0x463: {  	[tilespmem:s13+$0x4410] =	vst v61;
	v63 =	vor.u32 v11, v37;
	v42 =	vld.idx.msk [tilespmem:v56+s25+$0x0], $0xffff  }
0x464: {  	[tilespmem:s15+$0xE420] =	vst v53;
	v53 =	vor.u32 v19, v33;
	v58 =	vld.idx.msk [tilespmem:v52+s25+$0x0], $0xffff  }
0x465: {  	v61 =	vor.u32 v11, v41;
	v62 =	vld.idx.msk [tilespmem:v55+s25+$0x0], $0xffff;
	[tilespmem:s12+$0x4420] =	vst v39  }
0x466: {  	v52 =	vor.u32 v20, v32;
	[tilespmem:s30+$0x4420] =	vst v40;
	v44 =	vld.idx.msk [tilespmem:v57+s25+$0x0], $0xffff  }
0x467: {  	v54 =	vor.u32 v12, v38;
	[tilespmem:s0+$0x4420] =	vst v60;
	v40 =	vld.idx.msk [tilespmem:v59+s25+$0x0], $0xffff  }
0x468: {  	v56 =	vor.u32 v12, v34;
	[tilespmem:s26+$0xE420] =	vst v42;
	v57 =	vld.idx.msk [tilespmem:v63+s25+$0x0], $0xffff  }
0x469: {  	[tilespmem:s13+$0x4420] =	vst v58;
	v60 =	vor.u32 v12, v37;
	v39 =	vld.idx.msk [tilespmem:v53+s25+$0x0], $0xffff  }
0x46a: {  	[tilespmem:s15+$0xE430] =	vst v62;
	v62 =	vor.u32 v20, v33;
	v55 =	vld.idx.msk [tilespmem:v61+s25+$0x0], $0xffff  }
0x46b: {  	v58 =	vor.u32 v12, v41;
	v59 =	vld.idx.msk [tilespmem:v52+s25+$0x0], $0xffff;
	[tilespmem:s12+$0x4430] =	vst v44  }
0x46c: {  	v61 =	vor.u32 v21, v32;
	[tilespmem:s30+$0x4430] =	vst v40;
	v46 =	vld.idx.msk [tilespmem:v54+s25+$0x0], $0xffff  }
0x46d: {  	v63 =	vor.u32 v13, v38;
	[tilespmem:s0+$0x4430] =	vst v57;
	v40 =	vld.idx.msk [tilespmem:v56+s25+$0x0], $0xffff  }
0x46e: {  	v53 =	vor.u32 v13, v34;
	[tilespmem:s26+$0xE430] =	vst v39;
	v54 =	vld.idx.msk [tilespmem:v60+s25+$0x0], $0xffff  }
0x46f: {  	[tilespmem:s13+$0x4430] =	vst v55;
	v57 =	vor.u32 v13, v37;
	v44 =	vld.idx.msk [tilespmem:v62+s25+$0x0], $0xffff  }
0x470: {  	[tilespmem:s15+$0xE440] =	vst v59;
	v59 =	vor.u32 v21, v33;
	v52 =	vld.idx.msk [tilespmem:v58+s25+$0x0], $0xffff  }
0x471: {  	v55 =	vor.u32 v13, v41;
	v56 =	vld.idx.msk [tilespmem:v61+s25+$0x0], $0xffff;
	[tilespmem:s12+$0x4440] =	vst v46  }
0x472: {  	v58 =	vor.u32 v22, v32;
	[tilespmem:s30+$0x4440] =	vst v40;
	v43 =	vld.idx.msk [tilespmem:v63+s25+$0x0], $0xffff  }
0x473: {  	v60 =	vor.u32 v14, v38;
	[tilespmem:s0+$0x4440] =	vst v54;
	v40 =	vld.idx.msk [tilespmem:v53+s25+$0x0], $0xffff  }
0x474: {  	v62 =	vor.u32 v14, v34;
	[tilespmem:s26+$0xE440] =	vst v44;
	v63 =	vld.idx.msk [tilespmem:v57+s25+$0x0], $0xffff  }
0x475: {  	[tilespmem:s13+$0x4440] =	vst v52;
	v54 =	vor.u32 v14, v37;
	v46 =	vld.idx.msk [tilespmem:v59+s25+$0x0], $0xffff  }
0x476: {  	[tilespmem:s15+$0xE450] =	vst v56;
	v56 =	vor.u32 v22, v33;
	v61 =	vld.idx.msk [tilespmem:v55+s25+$0x0], $0xffff  }
0x477: {  	v52 =	vor.u32 v14, v41;
	v53 =	vld.idx.msk [tilespmem:v58+s25+$0x0], $0xffff;
	[tilespmem:s12+$0x4450] =	vst v43  }
0x478: {  	[tilespmem:s30+$0x4450] =	vst v40;
	v45 =	vld.idx.msk [tilespmem:v60+s25+$0x0], $0xffff  }
0x479: {  	v55 =	vor.u32 v23, v32;
	[tilespmem:s0+$0x4450] =	vst v63;
	v40 =	vld.idx.msk [tilespmem:v62+s25+$0x0], $0xffff  }
0x47a: {  	[tilespmem:s26+$0xE450] =	vst v46;
	v60 =	vld.idx.msk [tilespmem:v54+s25+$0x0], $0xffff;
	v54 =	vor.u32 v24, v35  }
0x47b: {  	v57 =	vor.u32 v15, v38;
	[tilespmem:s13+$0x4450] =	vst v61;
	v43 =	vld.idx.msk [tilespmem:v56+s25+$0x0], $0xffff  }
0x47c: {  	[tilespmem:s10+$0xE470] =	vst v48;
	v59 =	vor.u32 v15, v34;
	v58 =	vld.idx.msk [tilespmem:v52+s25+$0x0], $0xffff  }
0x47d: {  	[tilespmem:s15+$0xE460] =	vst v53;
	v61 =	vor.u32 v15, v41  }
0x47e: {  	v63 =	vor.u32 v15, v37;
	v62 =	vld.idx.msk [tilespmem:v55+s25+$0x0], $0xffff;
	[tilespmem:s12+$0x4460] =	vst v45  }
0x47f: {  	v52 =	vor.u32 v24, v36;
	[tilespmem:s30+$0x4460] =	vst v40;
	v40 =	vld.idx.msk [tilespmem:v54+s25+$0x0], $0xffff  }
0x480: {  	v53 =	vor.u32 v23, v33;
	[tilespmem:s26+$0xE460] =	vst v43;
	v42 =	vld.idx.msk [tilespmem:v57+s25+$0x0], $0xffff  }
0x481: {  	v55 =	vor.u32 v16, v38;
	[tilespmem:s13+$0x4460] =	vst v58;
	v47 =	vld.idx.msk [tilespmem:v59+s25+$0x0], $0xffff  }
0x482: {  	[tilespmem:s0+$0x4460] =	vst v60;
	v58 =	vor.u32 v16, v34;
	v56 =	vld.idx.msk [tilespmem:v61+s25+$0x0], $0xffff  }
0x483: {  	[tilespmem:s15+$0xE470] =	vst v62;
	v60 =	vor.u32 v16, v41;
	v57 =	vld.idx.msk [tilespmem:v63+s25+$0x0], $0xffff  }
0x484: {  	v62 =	vor.u32 v16, v37;
	v59 =	vld.idx.msk [tilespmem:v52+s25+$0x0], $0xffff;
	[tilespmem:s21+$0xE400] =	vst v40  }
0x485: {  	s15 =	sadd.s32 $0x4, s28;
	v61 =	vld.idx.msk [tilespmem:v53+s25+$0x0], $0xffff;
	v52 =	vor.u32 v25, v35;
	[tilespmem:s12+$0x4470] =	vst v42  }
0x486: {  	p0 =	por !p0, !p0;
	s17 =	sor.u32 s14, s5;
	v63 =	vor.u32 v25, v36;
	s3 =	sand.u32 $0x7, s15;
	[tilespmem:s30+$0x4470] =	vst v47;
	v39 =	vld.idx.msk [tilespmem:v55+s25+$0x0], $0xffff  }
0x487: {  	s18 =	sadd.s32 $0x2, s2;
	s23 =	sor.u32 $0x4C00, s17;
	v53 =	vor.u32 v17, v38;
	s3 =	sshll.u32 s3, $0x7;
	[tilespmem:s13+$0x4470] =	vst v56;
	v48 =	vld.idx.msk [tilespmem:v58+s25+$0x0], $0xffff  }
0x488: {  	s4 =	simm.s32 $0x1;
	s28 =	sand.u32 $0x3, s18;
	v54 =	vor.u32 v17, v34;
	s3 =	sadd.s32 s8, s3;
	[tilespmem:s0+$0x4470] =	vst v57;
	v43 =	vld.idx.msk [tilespmem:v60+s25+$0x0], $0xffff  }
0x489: {  	s4 =	simm.s32 @!p0 $0x0;
	s29 =	sadd.s32 $0x180, s3;
	[tilespmem:s23+$0xE400] =	vst v59;
	s0 =	sshll.u32 s28, $0x8;
	v56 =	vor.u32 v17, v41;
	v55 =	vld.idx.msk [tilespmem:v62+s25+$0x0], $0xffff  }
0x48a: {  	s3 =	sadd.s32 $0x80, s3;
	s31 =	sor.u32 $0x4800, s29;
	[tilespmem:s26+$0xE470] =	vst v61;
	v57 =	vor.u32 v17, v37;
	v44 =	vld.idx.msk [tilespmem:v52+s25+$0x0], $0xffff;
	s30 =	sadd.s32 s8, s0  }
0x48b: {  	s4 =	sshll.u32 s4, $0x9;
	s3 =	sor.u32 $0x4800, s3;
	v59 =	vor.u32 v26, v35;
	v47 =	vld.idx.msk [tilespmem:v63+s25+$0x0], $0xffff;
	s10 =	sadd.s32 $0x100, s30;
	[tilespmem:s31+$0xE400] =	vst v39  }
0x48c: {  	s4 =	sadd.s32 s4, s8;
	v58 =	vor.u32 v26, v36;
	s10 =	sor.u32 $0x4800, s10;
	[tilespmem:s3+$0xE400] =	vst v48;
	v50 =	vld.idx.msk [tilespmem:v53+s25+$0x0], $0xffff  }
0x48d: {  	s12 =	sor.u32 $0x4800, s4;
	v60 =	vor.u32 v18, v38;
	[tilespmem:s10+$0xE400] =	vst v43;
	v46 =	vld.idx.msk [tilespmem:v54+s25+$0x0], $0xffff  }
0x48e: {  	v62 =	vor.u32 v18, v34;
	[tilespmem:s12+$0xE400] =	vst v55;
	v61 =	vld.idx.msk [tilespmem:v56+s25+$0x0], $0xffff  }
0x48f: {  	v63 =	vor.u32 v18, v41;
	[tilespmem:s21+$0xE410] =	vst v44;
	v40 =	vld.idx.msk [tilespmem:v57+s25+$0x0], $0xffff  }
0x490: {  	[tilespmem:s23+$0xE410] =	vst v47;
	v39 =	vld.idx.msk [tilespmem:v59+s25+$0x0], $0xffff;
	v53 =	vor.u32 v18, v37  }
0x491: {  	v55 =	vor.u32 v27, v35;
	v52 =	vld.idx.msk [tilespmem:v58+s25+$0x0], $0xffff;
	[tilespmem:s31+$0xE410] =	vst v50  }
0x492: {  	v54 =	vor.u32 v27, v36;
	[tilespmem:s3+$0xE410] =	vst v46;
	v43 =	vld.idx.msk [tilespmem:v60+s25+$0x0], $0xffff  }
0x493: {  	v56 =	vor.u32 v19, v38;
	[tilespmem:s10+$0xE410] =	vst v61;
	v45 =	vld.idx.msk [tilespmem:v62+s25+$0x0], $0xffff  }
0x494: {  	v58 =	vor.u32 v19, v34;
	[tilespmem:s12+$0xE410] =	vst v40;
	v57 =	vld.idx.msk [tilespmem:v63+s25+$0x0], $0xffff  }
0x495: {  	v59 =	vor.u32 v19, v41;
	[tilespmem:s21+$0xE420] =	vst v39;
	v44 =	vld.idx.msk [tilespmem:v53+s25+$0x0], $0xffff  }
0x496: {  	[tilespmem:s23+$0xE420] =	vst v52;
	v50 =	vld.idx.msk [tilespmem:v55+s25+$0x0], $0xffff;
	v60 =	vor.u32 v19, v37  }
0x497: {  	v48 =	vld.idx.msk [tilespmem:v54+s25+$0x0], $0xffff;
	v62 =	vor.u32 v28, v35;
	[tilespmem:s31+$0xE420] =	vst v43  }
0x498: {  	v61 =	vor.u32 v28, v36;
	[tilespmem:s3+$0xE420] =	vst v45;
	v42 =	vld.idx.msk [tilespmem:v56+s25+$0x0], $0xffff  }
0x499: {  	v63 =	vor.u32 v20, v38;
	[tilespmem:s10+$0xE420] =	vst v57;
	v46 =	vld.idx.msk [tilespmem:v58+s25+$0x0], $0xffff  }
0x49a: {  	v52 =	vor.u32 v20, v34;
	[tilespmem:s12+$0xE420] =	vst v44;
	v40 =	vld.idx.msk [tilespmem:v59+s25+$0x0], $0xffff  }
0x49b: {  	v53 =	vor.u32 v20, v41;
	[tilespmem:s21+$0xE430] =	vst v50;
	v39 =	vld.idx.msk [tilespmem:v60+s25+$0x0], $0xffff  }
0x49c: {  	v54 =	vor.u32 v20, v37;
	[tilespmem:s23+$0xE430] =	vst v48;
	v43 =	vld.idx.msk [tilespmem:v62+s25+$0x0], $0xffff  }
0x49d: {  	v48 =	vld.idx.msk [tilespmem:v61+s25+$0x0], $0xffff;
	v56 =	vor.u32 v29, v35;
	[tilespmem:s31+$0xE430] =	vst v42  }
0x49e: {  	v55 =	vor.u32 v29, v36;
	[tilespmem:s3+$0xE430] =	vst v46;
	v45 =	vld.idx.msk [tilespmem:v63+s25+$0x0], $0xffff  }
0x49f: {  	v57 =	vor.u32 v21, v38;
	[tilespmem:s10+$0xE430] =	vst v40;
	v44 =	vld.idx.msk [tilespmem:v52+s25+$0x0], $0xffff  }
0x4a0: {  	v58 =	vor.u32 v21, v34;
	[tilespmem:s12+$0xE430] =	vst v39;
	v40 =	vld.idx.msk [tilespmem:v53+s25+$0x0], $0xffff  }
0x4a1: {  	v59 =	vor.u32 v21, v41;
	[tilespmem:s21+$0xE440] =	vst v43;
	v39 =	vld.idx.msk [tilespmem:v54+s25+$0x0], $0xffff  }
0x4a2: {  	v61 =	vor.u32 v21, v37;
	[tilespmem:s23+$0xE440] =	vst v48;
	v42 =	vld.idx.msk [tilespmem:v56+s25+$0x0], $0xffff  }
0x4a3: {  	v60 =	vld.idx.msk [tilespmem:v55+s25+$0x0], $0xffff;
	v63 =	vor.u32 v30, v35;
	[tilespmem:s31+$0xE440] =	vst v45  }
0x4a4: {  	v62 =	vor.u32 v30, v36;
	[tilespmem:s3+$0xE440] =	vst v44;
	v46 =	vld.idx.msk [tilespmem:v57+s25+$0x0], $0xffff  }
0x4a5: {  	v52 =	vor.u32 v22, v38;
	[tilespmem:s10+$0xE440] =	vst v40;
	v47 =	vld.idx.msk [tilespmem:v58+s25+$0x0], $0xffff  }
0x4a6: {  	v53 =	vor.u32 v22, v34;
	[tilespmem:s12+$0xE440] =	vst v39;
	v40 =	vld.idx.msk [tilespmem:v59+s25+$0x0], $0xffff  }
0x4a7: {  	v54 =	vor.u32 v22, v41;
	[tilespmem:s21+$0xE450] =	vst v42;
	v43 =	vld.idx.msk [tilespmem:v61+s25+$0x0], $0xffff  }
0x4a8: {  	v55 =	vor.u32 v22, v37;
	[tilespmem:s23+$0xE450] =	vst v60;
	v45 =	vld.idx.msk [tilespmem:v63+s25+$0x0], $0xffff  }
0x4a9: {  	v49 =	vld.idx.msk [tilespmem:v62+s25+$0x0], $0xffff;
	v57 =	vor.u32 v31, v35;
	[tilespmem:s31+$0xE450] =	vst v46  }
0x4aa: {  	v56 =	vor.u32 v31, v36;
	[tilespmem:s3+$0xE450] =	vst v47;
	v44 =	vld.idx.msk [tilespmem:v52+s25+$0x0], $0xffff  }
0x4ab: {  	v58 =	vor.u32 v23, v38;
	[tilespmem:s10+$0xE450] =	vst v40;
	v39 =	vld.idx.msk [tilespmem:v53+s25+$0x0], $0xffff  }
0x4ac: {  	v59 =	vor.u32 v23, v34;
	[tilespmem:s12+$0xE450] =	vst v43;
	v40 =	vld.idx.msk [tilespmem:v54+s25+$0x0], $0xffff  }
0x4ad: {  	v60 =	vor.u32 v23, v41;
	[tilespmem:s21+$0xE460] =	vst v45;
	v42 =	vld.idx.msk [tilespmem:v55+s25+$0x0], $0xffff  }
0x4ae: {  	v61 =	vor.u32 v23, v37;
	[tilespmem:s23+$0xE460] =	vst v49;
	v35 =	vld.idx.msk [tilespmem:v57+s25+$0x0], $0xffff  }
0x4af: {  	v62 =	vor.u32 v24, v32;
	v36 =	vld.idx.msk [tilespmem:v56+s25+$0x0], $0xffff;
	[tilespmem:s31+$0xE460] =	vst v44  }
0x4b0: {  	v63 =	vor.u32 v24, v33;
	[tilespmem:s3+$0xE460] =	vst v39;
	v46 =	vld.idx.msk [tilespmem:v58+s25+$0x0], $0xffff  }
0x4b1: {  	v49 =	vor.u32 v24, v38;
	[tilespmem:s10+$0xE460] =	vst v40;
	v47 =	vld.idx.msk [tilespmem:v59+s25+$0x0], $0xffff  }
0x4b2: {  	v50 =	vor.u32 v24, v34;
	[tilespmem:s12+$0xE460] =	vst v42;
	v40 =	vld.idx.msk [tilespmem:v60+s25+$0x0], $0xffff  }
0x4b3: {  	v52 =	vor.u32 v24, v41;
	[tilespmem:s21+$0xE470] =	vst v35;
	v51 =	vld.idx.msk [tilespmem:v61+s25+$0x0], $0xffff  }
0x4b4: {  	v53 =	vld.idx.msk [tilespmem:v62+s25+$0x0], $0xffff;
	v54 =	vor.u32 v24, v37;
	[tilespmem:s23+$0xE470] =	vst v36  }
0x4b5: {  	v55 =	vor.u32 v25, v32;
	v44 =	vld.idx.msk [tilespmem:v63+s25+$0x0], $0xffff;
	[tilespmem:s31+$0xE470] =	vst v46  }
0x4b6: {  	v56 =	vor.u32 v25, v33;
	[tilespmem:s3+$0xE470] =	vst v47;
	v39 =	vld.idx.msk [tilespmem:v49+s25+$0x0], $0xffff  }
0x4b7: {  	v57 =	vor.u32 v25, v38;
	[tilespmem:s10+$0xE470] =	vst v40;
	v42 =	vld.idx.msk [tilespmem:v50+s25+$0x0], $0xffff  }
0x4b8: {  	v59 =	vor.u32 v25, v34;
	[tilespmem:s12+$0xE470] =	vst v51;
	v58 =	vld.idx.msk [tilespmem:v52+s25+$0x0], $0xffff  }
0x4b9: {  	s13 =	sor.u32 s6, s8;
	[tilespmem:s16+$0xE400] =	vst v53;
	v61 =	vor.u32 v25, v41;
	v60 =	vld.idx.msk [tilespmem:v54+s25+$0x0], $0xffff  }
0x4ba: {  	s14 =	sor.u32 s11, s8;
	s0 =	sor.u32 $0x4C00, s13;
	v62 =	vor.u32 v25, v37;
	[tilespmem:s1+$0xE400] =	vst v44;
	v46 =	vld.idx.msk [tilespmem:v55+s25+$0x0], $0xffff  }
0x4bb: {  	s2 =	sor.u32 $0x4C00, s14;
	s15 =	sor.u32 s7, s8;
	v63 =	vor.u32 v26, v32;
	v47 =	vld.idx.msk [tilespmem:v56+s25+$0x0], $0xffff;
	[tilespmem:s0+$0xE400] =	vst v39  }
0x4bc: {  	s17 =	sor.u32 s9, s8;
	s3 =	sor.u32 $0x4C00, s15;
	v51 =	vor.u32 v26, v33;
	[tilespmem:s2+$0xE400] =	vst v42;
	v40 =	vld.idx.msk [tilespmem:v57+s25+$0x0], $0xffff  }
0x4bd: {  	s18 =	sor.u32 $0x4C00, s17;
	v52 =	vor.u32 v26, v38;
	[tilespmem:s3+$0xE400] =	vst v58;
	v43 =	vld.idx.msk [tilespmem:v59+s25+$0x0], $0xffff  }
0x4be: {  	v53 =	vor.u32 v26, v34;
	[tilespmem:s18+$0xE400] =	vst v60;
	v36 =	vld.idx.msk [tilespmem:v61+s25+$0x0], $0xffff  }
0x4bf: {  	v54 =	vor.u32 v26, v41;
	[tilespmem:s16+$0xE410] =	vst v46;
	v44 =	vld.idx.msk [tilespmem:v62+s25+$0x0], $0xffff  }
0x4c0: {  	v55 =	vor.u32 v26, v37;
	[tilespmem:s1+$0xE410] =	vst v47;
	v46 =	vld.idx.msk [tilespmem:v63+s25+$0x0], $0xffff  }
0x4c1: {  	v56 =	vor.u32 v27, v32;
	v39 =	vld.idx.msk [tilespmem:v51+s25+$0x0], $0xffff;
	[tilespmem:s0+$0xE410] =	vst v40  }
0x4c2: {  	v57 =	vor.u32 v27, v33;
	[tilespmem:s2+$0xE410] =	vst v43;
	v42 =	vld.idx.msk [tilespmem:v52+s25+$0x0], $0xffff  }
0x4c3: {  	v58 =	vor.u32 v27, v38;
	[tilespmem:s3+$0xE410] =	vst v36;
	v35 =	vld.idx.msk [tilespmem:v53+s25+$0x0], $0xffff  }
0x4c4: {  	v59 =	vor.u32 v27, v34;
	[tilespmem:s18+$0xE410] =	vst v44;
	v36 =	vld.idx.msk [tilespmem:v54+s25+$0x0], $0xffff  }
0x4c5: {  	v60 =	vor.u32 v27, v41;
	[tilespmem:s16+$0xE420] =	vst v46;
	v44 =	vld.idx.msk [tilespmem:v55+s25+$0x0], $0xffff  }
0x4c6: {  	v62 =	vor.u32 v27, v37;
	[tilespmem:s1+$0xE420] =	vst v39;
	v61 =	vld.idx.msk [tilespmem:v56+s25+$0x0], $0xffff  }
0x4c7: {  	v63 =	vor.u32 v28, v32;
	v40 =	vld.idx.msk [tilespmem:v57+s25+$0x0], $0xffff;
	[tilespmem:s0+$0xE420] =	vst v42  }
0x4c8: {  	v52 =	vor.u32 v28, v33;
	[tilespmem:s2+$0xE420] =	vst v35;
	v43 =	vld.idx.msk [tilespmem:v58+s25+$0x0], $0xffff  }
0x4c9: {  	v53 =	vor.u32 v28, v38;
	[tilespmem:s3+$0xE420] =	vst v36;
	v45 =	vld.idx.msk [tilespmem:v59+s25+$0x0], $0xffff  }
0x4ca: {  	v54 =	vor.u32 v28, v34;
	[tilespmem:s18+$0xE420] =	vst v44;
	v36 =	vld.idx.msk [tilespmem:v60+s25+$0x0], $0xffff  }
0x4cb: {  	v55 =	vor.u32 v28, v41;
	[tilespmem:s16+$0xE430] =	vst v61;
	v39 =	vld.idx.msk [tilespmem:v62+s25+$0x0], $0xffff  }
0x4cc: {  	v56 =	vor.u32 v28, v37;
	[tilespmem:s1+$0xE430] =	vst v40;
	v47 =	vld.idx.msk [tilespmem:v63+s25+$0x0], $0xffff  }
0x4cd: {  	v57 =	vor.u32 v29, v32;
	v42 =	vld.idx.msk [tilespmem:v52+s25+$0x0], $0xffff;
	[tilespmem:s0+$0xE430] =	vst v43  }
0x4ce: {  	v58 =	vor.u32 v29, v33;
	[tilespmem:s2+$0xE430] =	vst v45;
	v35 =	vld.idx.msk [tilespmem:v53+s25+$0x0], $0xffff  }
0x4cf: {  	v59 =	vor.u32 v29, v38;
	[tilespmem:s3+$0xE430] =	vst v36;
	v44 =	vld.idx.msk [tilespmem:v54+s25+$0x0], $0xffff  }
0x4d0: {  	v60 =	vor.u32 v29, v34;
	[tilespmem:s18+$0xE430] =	vst v39;
	v36 =	vld.idx.msk [tilespmem:v55+s25+$0x0], $0xffff  }
0x4d1: {  	v61 =	vor.u32 v29, v41;
	[tilespmem:s16+$0xE440] =	vst v47;
	v40 =	vld.idx.msk [tilespmem:v56+s25+$0x0], $0xffff  }
0x4d2: {  	v62 =	vor.u32 v29, v37;
	[tilespmem:s1+$0xE440] =	vst v42;
	v47 =	vld.idx.msk [tilespmem:v57+s25+$0x0], $0xffff  }
0x4d3: {  	v63 =	vor.u32 v30, v32;
	v43 =	vld.idx.msk [tilespmem:v58+s25+$0x0], $0xffff;
	[tilespmem:s0+$0xE440] =	vst v35  }
0x4d4: {  	v51 =	vor.u32 v30, v33;
	[tilespmem:s2+$0xE440] =	vst v44;
	v45 =	vld.idx.msk [tilespmem:v59+s25+$0x0], $0xffff  }
0x4d5: {  	v52 =	vor.u32 v30, v38;
	[tilespmem:s3+$0xE440] =	vst v36;
	v39 =	vld.idx.msk [tilespmem:v60+s25+$0x0], $0xffff  }
0x4d6: {  	v53 =	vor.u32 v30, v34;
	[tilespmem:s18+$0xE440] =	vst v40;
	v36 =	vld.idx.msk [tilespmem:v61+s25+$0x0], $0xffff  }
0x4d7: {  	v54 =	vor.u32 v30, v41;
	[tilespmem:s16+$0xE450] =	vst v47;
	v42 =	vld.idx.msk [tilespmem:v62+s25+$0x0], $0xffff  }
0x4d8: {  	v55 =	vor.u32 v30, v37;
	[tilespmem:s1+$0xE450] =	vst v43;
	v47 =	vld.idx.msk [tilespmem:v63+s25+$0x0], $0xffff  }
0x4d9: {  	v56 =	vor.u32 v31, v32;
	v35 =	vld.idx.msk [tilespmem:v51+s25+$0x0], $0xffff;
	[tilespmem:s0+$0xE450] =	vst v45  }
0x4da: {  	v57 =	vor.u32 v31, v33;
	[tilespmem:s2+$0xE450] =	vst v39;
	v44 =	vld.idx.msk [tilespmem:v52+s25+$0x0], $0xffff  }
0x4db: {  	v38 =	vor.u32 v31, v38;
	[tilespmem:s3+$0xE450] =	vst v36;
	v39 =	vld.idx.msk [tilespmem:v53+s25+$0x0], $0xffff  }
0x4dc: {  	v58 =	vor.u32 v31, v34;
	[tilespmem:s18+$0xE450] =	vst v42;
	v36 =	vld.idx.msk [tilespmem:v54+s25+$0x0], $0xffff  }
0x4dd: {  	v60 =	vor.u32 v31, v41;
	[tilespmem:s16+$0xE460] =	vst v47;
	v59 =	vld.idx.msk [tilespmem:v55+s25+$0x0], $0xffff  }
0x4de: {  	v61 =	vor.u32 v31, v37;
	[tilespmem:s1+$0xE460] =	vst v35;
	v32 =	vld.idx.msk [tilespmem:v56+s25+$0x0], $0xffff  }
0x4df: {  	v33 =	vld.idx.msk [tilespmem:v57+s25+$0x0], $0xffff;
	[tilespmem:s0+$0xE460] =	vst v44  }
0x4e0: {  	[tilespmem:s2+$0xE460] =	vst v39;
	v62 =	vld.idx.msk [tilespmem:v38+s25+$0x0], $0xffff  }
0x4e1: {  	[tilespmem:s3+$0xE460] =	vst v36;
	v34 =	vld.idx.msk [tilespmem:v58+s25+$0x0], $0xffff  }
0x4e2: {  	[tilespmem:s18+$0xE460] =	vst v59;
	v36 =	vld.idx.msk [tilespmem:v60+s25+$0x0], $0xffff  }
0x4e3: {  	[tilespmem:s16+$0xE470] =	vst v32;
	v63 =	vld.idx.msk [tilespmem:v61+s25+$0x0], $0xffff  }
0x4e4: {  	[tilespmem:s1+$0xE470] =	vst v33  }
0x4e5: {  	[tilespmem:s0+$0xE470] =	vst v62  }
0x4e6: {  	[tilespmem:s2+$0xE470] =	vst v34  }
0x4e7: {  	[tilespmem:s3+$0xE470] =	vst v36  }
0x4e8: {  	[tilespmem:s18+$0xE470] =	vst v63  }
0x4e9: {  	s21 =	simm.s32 $0x12400;
	s0 =	rddreg [dreg:$0x9]  }
0x4ea: {  	s10 =	simm.s32 $0x0;
	s23 =	rddreg [dreg:$0xa];
	s0 =	sadd.s32 s24, s0  }
0x4eb: {  	[hbm4b:s0+s10] =	stream.linear.scatter [tilespmem:s21], [sflag:$0x4], $0x1000, $0x38;
	[tilespmem:$0x16400] =	vst v63  }
0x4ec: {  	p0 =	seq.s32 s20, $0x18;
	s26 =	simm.s32 $0x13400;
	s0 =	sadd.s32 s24, s23  }
0x4ed: {  	[hbm4b:s0+s10] =	stream.linear.scatter [tilespmem:s26], [sflag:$0x4], $0x1000, $0x38;
	[tilespmem:$0x16400] =	vst v63  }
.Ltmp7:
0x4ee: {  	s28 =	rddreg [dreg:$0xb];
	(pc) =	sbr.rel @p0 .LBB2_12-.Ltmp7, $4  }
0x4ef: {  	s29 =	simm.s32 $0x14400;
	s30 =	rddreg [dreg:$0xc];
	s0 =	sadd.s32 s24, s28  }
0x4f0: {  	[hbm4b:s0+s10] =	stream.linear.scatter [tilespmem:s29], [sflag:$0x4], $0x1000, $0x38;
	[tilespmem:$0x16400] =	vst v63  }
0x4f1: {  	s31 =	simm.s32 $0x15400;
	s0 =	sadd.s32 s24, s30  }
0x4f2: {  	[hbm4b:s0+s10] =	stream.linear.scatter [tilespmem:s31], [sflag:$0x4], $0x1000, $0x38;
	[tilespmem:$0x16400] =	vst v63  }
0x4f3: {  	s0 =	sadd.s32 $0x600, s22;
	s1 =	rddreg [dreg:$0x3];
	s2 =	simm.s32 $0x80  }
0x4f4: {  	[tilespmem:s25], [sflag:$0x2] =	stream.indirect.gather [hbm4b:s1+s2], $0x20, s0, s2, $0xb8;
	[tilespmem:$0x16400] =	vst v63  }
0x4f5: {  	s26 =	sadd.s32 $0x680, s22;
	s3 =	simm.s32 $0xB400  }
0x4f6: {  	[tilespmem:s3], [sflag:$0x2] =	stream.indirect.gather [hbm4b:s1+s2], $0x20, s26, s2, $0xb8;
	[tilespmem:$0x16400] =	vst v63  }
.Ltmp8:
0x4f7: {  	_ = 	snop;
	(pc) =	sbr.rel .LBB2_2-.Ltmp8, $4  }
0x4f8: {  	s28 =	sadd.s32 $0x700, s22;
	s29 =	simm.s32 $0xC400  }
0x4f9: {  	[tilespmem:s29], [sflag:$0x2] =	stream.indirect.gather [hbm4b:s1+s2], $0x20, s28, s2, $0xb8;
	[tilespmem:$0x16400] =	vst v63  }
0x4fa: {  	s30 =	sadd.s32 $0x780, s22;
	s31 =	simm.s32 $0xD400;
	s20 =	sadd.s32 $0x1, s20  }
0x4fb: {  	[tilespmem:s31], [sflag:$0x2] =	stream.indirect.gather [hbm4b:s1+s2], $0x20, s30, s2, $0xb8;
	[tilespmem:$0x16400] =	vst v63  }
.LBB2_13:
0x4fc: {  	_ =	sfence.sel $0x180000  }
0x4fd: {  	[bflag:$0x0] =	sbarrier.arrive $0xFFFF  }
0x4fe: {  	_ =	strace $0x90000047  }
0x4ff: {  	s0 =	stileid.u32;
	[bflag:$0x2] =	sbarrier.arrive $0xFFFF  }
0x500: {  	p0 =	sne.s32 s0, $0x0;
	s0 =	rddreg [dreg:$0x2]  }
0x501: {  	s0 =	sadd.s32 @!p0 $0x100000, s0  }
0x502: {  	[sflag:s0] =	ssyncadd.tile.s32 @!p0 $0x1;
	_ =	shalt  }
.Lfunc_end2:
_tile_overlayer_lowered:
.L_overlay_start_2:
0x503: {  	(tag) =	ssettag $0x2  }
0x504: {  	s0 =	rddreg [dreg:$0x0];
	s2 =	stileid.u32  }
0x505: {  	s1 =	rddreg [dreg:$0x1];
	p0 =	sne.s32 s2, $0x0  }
0x506: {  	s3 =	rddreg [dreg:$0x2];
	[bflag:$0x3] =	sbarrier.arrive $0xFFFF;
	s2 =	simm.s32 @!p0 $0x1C05  }
0x507: {  	[timem:s3], [sflag:s2] =	dma.local @!p0 [hbm:s0], s1  }
0x508: {  	s0 =	simm.s32 @!p0 $0x5  }
0x509: {  	_ =	swait.ge @!p0 [sflag:s0], s1  }
0x50a: {  	s1 =	ssub.s32 @!p0 $0x0, s1;
	[sflag:s0] =	ssyncset.done @!p0 $0x0  }
0x50b: {  	[sflag:s0] =	ssyncadd.s32 @!p0 s1  }
0x50c: {  	[bflag:$0x3] =	sbarrier.arrive $0xFFFF  }
0x50d: {  	_ =	shalt  }

</sc_bundles>
